<compile_context>
chip_gen: v7x
topology: tpu7x:2x2x1
jax: 0.10.2.dev20260603
libtpu: 0.0.44.dev20260713+nightly
codegen_flags: <defaults>
</compile_context>

<pallas_src>
import functools

import jax
import jax.numpy as jnp
from jax import lax
from jax.experimental import pallas as pl
from jax.experimental.pallas import tpu as pltpu
from jax.experimental.pallas import tpu_sc as plsc

N = 4194304
T_DIM = 4096
L = 16
NW = 32
PER_W = N // NW
CHUNK = 16384
N_CHUNKS = PER_W // CHUNK
U = 4
SEARCH = (256, 128, 64, 32, 16, 8, 4, 2, 1)
T_OFFS = (-2, -1, 0, 1, 2, 3)
C_OFFS = (-3, -2, -1, 0)
N_SPLAT = 7

_SIZES = [max(8, T_DIM // (2 * s)) for s in SEARCH] + [T_DIM] * 10 + [L] * N_SPLAT
_OFFS = [0]
for _n in _SIZES[:-1]:
    _OFFS.append(_OFFS[-1] + _n)
TBL_LEN = _OFFS[-1] + _SIZES[-1]


def _shift_row(v, d):
    if d == 0:
        return v
    if d > 0:
        return jnp.concatenate([v[d:], jnp.full((d,), v[-1], v.dtype)])
    return jnp.concatenate([jnp.full((-d,), v[0], v.dtype), v[:d]])


def _build_tables(t, c):
    segs = []
    for s in SEARCH:
        ct = t[s - 1 :: 2 * s]
        n = max(8, ct.shape[0])
        if n != ct.shape[0]:
            ct = jnp.concatenate(
                [ct, jnp.zeros((n - ct.shape[0],), ct.dtype)])
        segs.append(ct)
    segs += [_shift_row(t, d) for d in T_OFFS]
    segs += [_shift_row(c, d) for d in C_OFFS]
    for pidx in (2047, 1023, 3071, 511, 1535, 2559, 3583):
        segs.append(jnp.full((L,), t[pidx], t.dtype))
    return jnp.concatenate(segs)


def _deboor_block(i, x_v, o_v, cts, td, cd, splats):
    xs = [x_v[pl.ds((i * U + u) * L, L)] for u in range(U)]
    p0, p1a, p1b, q0, q1, q2, q3 = splats
    los = []
    for u in range(U):
        m1 = p0 <= xs[u]
        lo = jnp.where(m1, jnp.int32(2048), jnp.int32(0))
        m2 = jnp.where(m1, p1b, p1a) <= xs[u]
        lo = jnp.where(m2, lo + 1024, lo)
        qlow = jnp.where(m2, q1, q0)
        qhigh = jnp.where(m2, q3, q2)
        m3 = jnp.where(m1, qhigh, qlow) <= xs[u]
        los.append(jnp.where(m3, lo + 512, lo))
    for j, s in enumerate(SEARCH):
        shift = (2 * s).bit_length() - 1
        ms = [los[u] >> shift for u in range(U)]
        tms = [plsc.load_gather(cts[j], [ms[u]]) for u in range(U)]
        los = [
            jnp.where(tms[u] <= xs[u], los[u] + s, los[u])
            for u in range(U)
        ]
    ks = [
        jnp.minimum(jnp.maximum(los[u] - 1, 3), T_DIM - 5) for u in range(U)
    ]

    for u in range(U):
        k = ks[u]
        xv = xs[u]
        c0 = plsc.load_gather(cd[0], [k])
        c1 = plsc.load_gather(cd[1], [k])
        c2 = plsc.load_gather(cd[2], [k])
        c3 = plsc.load_gather(cd[3], [k])
        tm2 = plsc.load_gather(td[0], [k])
        tm1 = plsc.load_gather(td[1], [k])
        t0 = plsc.load_gather(td[2], [k])
        t1 = plsc.load_gather(td[3], [k])
        t2 = plsc.load_gather(td[4], [k])
        t3 = plsc.load_gather(td[5], [k])

        n0 = xv - t0
        n1 = xv - tm1
        n2 = xv - tm2
        a3 = n0 / (t3 - t0)
        a2 = n1 / (t2 - tm1)
        a1 = n2 / (t1 - tm2)
        d3 = c2 + a3 * (c3 - c2)
        d2 = c1 + a2 * (c2 - c1)
        d1 = c0 + a1 * (c1 - c0)
        b3 = n0 / (t2 - t0)
        b2 = n1 / (t1 - tm1)
        e3 = d2 + b3 * (d3 - d2)
        e2 = d1 + b2 * (d2 - d1)
        g3 = n0 / (t1 - t0)
        o_v[pl.ds((i * U + u) * L, L)] = e2 + g3 * (e3 - e2)


def kernel(x, t, c):
    tbl = _build_tables(t, c)
    mesh = plsc.VectorSubcoreMesh(core_axis_name="c", subcore_axis_name="s")
    n_seg = len(_SIZES)

    @functools.partial(
        pl.kernel,
        mesh=mesh,
        out_type=jax.ShapeDtypeStruct((N,), jnp.float32),
        compiler_params=pltpu.CompilerParams(needs_layout_passes=False),
        scratch_types=[
            pltpu.VMEM((n,), jnp.float32) for n in _SIZES
        ]
        + [pltpu.VMEM((CHUNK,), jnp.float32)] * 4
        + [pltpu.SemaphoreType.DMA] * 5,
    )
    def run(x_hbm, tbl_hbm, o_hbm, *refs):
        cts = refs[: len(SEARCH)]
        td = refs[len(SEARCH) : len(SEARCH) + 6]
        cd = refs[len(SEARCH) + 6 : len(SEARCH) + 10]
        splat_refs = refs[len(SEARCH) + 10 : n_seg]
        x0, x1, o0, o1 = refs[n_seg : n_seg + 4]
        st, sx0, sx1, so0, so1 = refs[n_seg + 4 :]
        wid = lax.axis_index("s") * 2 + lax.axis_index("c")
        base = wid * PER_W

        for j in range(n_seg):
            pltpu.make_async_copy(
                tbl_hbm.at[pl.ds(_OFFS[j], _SIZES[j])], refs[j], st
            ).start()
        for j in range(n_seg):
            pltpu.make_async_copy(
                tbl_hbm.at[pl.ds(_OFFS[j], _SIZES[j])], refs[j], st
            ).wait()
        splats = [r[pl.ds(0, L)] for r in splat_refs]

        def cp_in(ci, buf, sem):
            return pltpu.make_async_copy(
                x_hbm.at[pl.ds(base + ci * CHUNK, CHUNK)], buf, sem)

        def cp_out(ci, buf, sem):
            return pltpu.make_async_copy(
                buf, o_hbm.at[pl.ds(base + ci * CHUNK, CHUNK)], sem)

        def compute(x_v, o_v):
            @plsc.parallel_loop(0, CHUNK // (L * U))
            def _(i):
                _deboor_block(i, x_v, o_v, cts, td, cd, splats)

        cp_in(0, x0, sx0).start()

        def pair_body(pi, carry):
            ci0 = pi * 2
            ci1 = ci0 + 1
            cp_in(ci0, x0, sx0).wait()
            cp_in(ci1, x1, sx1).start()

            @pl.when(pi > 0)
            def _():
                cp_out(ci0 - 2, o0, so0).wait()

            compute(x0, o0)
            cp_out(ci0, o0, so0).start()

            cp_in(ci1, x1, sx1).wait()

            @pl.when(pi < N_CHUNKS // 2 - 1)
            def _():
                cp_in(ci1 + 1, x0, sx0).start()

            @pl.when(pi > 0)
            def _():
                cp_out(ci1 - 2, o1, so1).wait()

            compute(x1, o1)
            cp_out(ci1, o1, so1).start()
            return carry

        lax.fori_loop(0, N_CHUNKS // 2, pair_body, 0)
        cp_out(N_CHUNKS - 2, o0, so0).wait()
        cp_out(N_CHUNKS - 1, o1, so1).wait()

    return run(x, tbl)

# --- scband reference (transcript-rebuilt; emitter-appended) ---
"""Pipeline reference for scband-bspline-14156212207647 (READ-ONLY COPY).

The authoritative reference and input builder live on the scoring server;
editing this copy changes nothing except your own understanding.
"""

import jax, jax.numpy as jnp
import numpy as np

P = 3

def find_k_batch(x, t, p, c):
    # locate knot interval k such that t[k] <= x < t[k+1], clamped to valid De Boor range
    k = jnp.searchsorted(t, x, side='right') - 1
    k = jnp.clip(k, p, t.shape[0] - p - 2)
    return k

def deBoor_batch(k, x, t, c, p):
    # vectorized De Boor's algorithm over a batch of evaluation points
    d = [c[j + k - p] for j in range(p + 1)]
    for r in range(1, p + 1):
        for j in range(p, r - 1, -1):
            denom = t[j + 1 + k - r] - t[j + k - p]
            alpha = (x - t[j + k - p]) / denom
            d[j] = (1.0 - alpha) * d[j - 1] + alpha * d[j]
    return d[p]

def setup_inputs(seed: int = 0):
    key = jax.random.key(seed)
    k1, k2, k3 = jax.random.split(key, 3)
    t_dim, c_dim = 4096, 4096
    # knots must be sorted for interval search (module stores randn params; sort for well-posed eval)
    t = jnp.sort(jax.random.normal(k1, (t_dim,), dtype=jnp.float32))
    c = jax.random.normal(k2, (c_dim,), dtype=jnp.float32)
    lo = t[P]
    hi = t[t_dim - P - 1]
    u = jax.random.uniform(k3, (4194304,), dtype=jnp.float32)
    x = lo + (hi - lo) * u
    return {"x": x, "t": t, "c": c}

def reference(x, t, c):
    p = P
    k = find_k_batch(x, t, p, c)
    spline = deBoor_batch(k, x, t, c, p)
    return spline

if __name__ == "__main__":
    import jax
    _d = setup_inputs()
    print(jax.jit(kernel)(*tuple(_d.values())))

</pallas_src>

<mosaic_0001>
#map = affine_map<(d0, d1) -> (0)>
module attributes {stable_mosaic.version = 14 : i64} {
  func.func @run(%arg0: i32, %arg1: i32, %arg2: memref<4194304xf32, #tpu.memory_space<hbm>>, %arg3: memref<45160xf32, #tpu.memory_space<hbm>>, %arg4: memref<4194304xf32, #tpu.memory_space<hbm>>, %arg5: memref<8xf32, #tpu.memory_space<vmem>>, %arg6: memref<16xf32, #tpu.memory_space<vmem>>, %arg7: memref<32xf32, #tpu.memory_space<vmem>>, %arg8: memref<64xf32, #tpu.memory_space<vmem>>, %arg9: memref<128xf32, #tpu.memory_space<vmem>>, %arg10: memref<256xf32, #tpu.memory_space<vmem>>, %arg11: memref<512xf32, #tpu.memory_space<vmem>>, %arg12: memref<1024xf32, #tpu.memory_space<vmem>>, %arg13: memref<2048xf32, #tpu.memory_space<vmem>>, %arg14: memref<4096xf32, #tpu.memory_space<vmem>>, %arg15: memref<4096xf32, #tpu.memory_space<vmem>>, %arg16: memref<4096xf32, #tpu.memory_space<vmem>>, %arg17: memref<4096xf32, #tpu.memory_space<vmem>>, %arg18: memref<4096xf32, #tpu.memory_space<vmem>>, %arg19: memref<4096xf32, #tpu.memory_space<vmem>>, %arg20: memref<4096xf32, #tpu.memory_space<vmem>>, %arg21: memref<4096xf32, #tpu.memory_space<vmem>>, %arg22: memref<4096xf32, #tpu.memory_space<vmem>>, %arg23: memref<4096xf32, #tpu.memory_space<vmem>>, %arg24: memref<16xf32, #tpu.memory_space<vmem>>, %arg25: memref<16xf32, #tpu.memory_space<vmem>>, %arg26: memref<16xf32, #tpu.memory_space<vmem>>, %arg27: memref<16xf32, #tpu.memory_space<vmem>>, %arg28: memref<16xf32, #tpu.memory_space<vmem>>, %arg29: memref<16xf32, #tpu.memory_space<vmem>>, %arg30: memref<16xf32, #tpu.memory_space<vmem>>, %arg31: memref<16384xf32, #tpu.memory_space<vmem>>, %arg32: memref<16384xf32, #tpu.memory_space<vmem>>, %arg33: memref<16384xf32, #tpu.memory_space<vmem>>, %arg34: memref<16384xf32, #tpu.memory_space<vmem>>, %arg35: memref<!tpu.dma_semaphore, #tpu.memory_space<semaphore_mem>>, %arg36: memref<!tpu.dma_semaphore, #tpu.memory_space<semaphore_mem>>, %arg37: memref<!tpu.dma_semaphore, #tpu.memory_space<semaphore_mem>>, %arg38: memref<!tpu.dma_semaphore, #tpu.memory_space<semaphore_mem>>, %arg39: memref<!tpu.dma_semaphore, #tpu.memory_space<semaphore_mem>>) attributes {dimension_semantics = [#tpu.dimension_semantics<core_parallel>, #tpu.dimension_semantics<subcore_parallel>], iteration_bounds = array<i64: 2, 16>, scalar_prefetch = 0 : i64, scratch_operands = 35 : i64, tpu.core_type = #tpu.core_type<sc_vector_subcore>, window_params = [{transform_indices = #map}, {transform_indices = #map}, {transform_indices = #map}]} {
    %mul3A = arith.constant 2 : i32
    %mul3A_0 = arith.muli %arg1, %mul3A : i32
    %add3A = arith.addi %mul3A_0, %arg0 : i32
    %mul3A_1 = arith.constant 131072 : i32
    %mul3A_2 = arith.muli %add3A, %mul3A_1 : i32
    %dma_start3A = arith.constant 0 : i32
    %dma_start3A_3 = tpu.memref_slice %arg3[%dma_start3A] : memref<45160xf32, #tpu.memory_space<hbm>> -> memref<8xf32, #tpu.memory_space<hbm>>
    %dma_start3A_4 = arith.constant 0 : i32
    %dma_start3A_5 = tpu.memref_slice %arg3[%dma_start3A_4] : memref<45160xf32, #tpu.memory_space<hbm>> -> memref<8xf32, #tpu.memory_space<hbm>>
    tpu.enqueue_dma source(%dma_start3A_5 : memref<8xf32, #tpu.memory_space<hbm>>) target(%arg5 : memref<8xf32, #tpu.memory_space<vmem>>) target_semaphore(%arg35 : memref<!tpu.dma_semaphore, #tpu.memory_space<semaphore_mem>>)
    %dma_start3A_6 = arith.constant 8 : i32
    %dma_start3A_7 = tpu.memref_slice %arg3[%dma_start3A_6] : memref<45160xf32, #tpu.memory_space<hbm>> -> memref<16xf32, #tpu.memory_space<hbm>>
    %dma_start3A_8 = arith.constant 8 : i32
    %dma_start3A_9 = tpu.memref_slice %arg3[%dma_start3A_8] : memref<45160xf32, #tpu.memory_space<hbm>> -> memref<16xf32, #tpu.memory_space<hbm>>
    tpu.enqueue_dma source(%dma_start3A_9 : memref<16xf32, #tpu.memory_space<hbm>>) target(%arg6 : memref<16xf32, #tpu.memory_space<vmem>>) target_semaphore(%arg35 : memref<!tpu.dma_semaphore, #tpu.memory_space<semaphore_mem>>)
    %dma_start3A_10 = arith.constant 24 : i32
    %dma_start3A_11 = tpu.memref_slice %arg3[%dma_start3A_10] : memref<45160xf32, #tpu.memory_space<hbm>> -> memref<32xf32, #tpu.memory_space<hbm>>
    %dma_start3A_12 = arith.constant 24 : i32
    %dma_start3A_13 = tpu.memref_slice %arg3[%dma_start3A_12] : memref<45160xf32, #tpu.memory_space<hbm>> -> memref<32xf32, #tpu.memory_space<hbm>>
    tpu.enqueue_dma source(%dma_start3A_13 : memref<32xf32, #tpu.memory_space<hbm>>) target(%arg7 : memref<32xf32, #tpu.memory_space<vmem>>) target_semaphore(%arg35 : memref<!tpu.dma_semaphore, #tpu.memory_space<semaphore_mem>>)
    %dma_start3A_14 = arith.constant 56 : i32
    %dma_start3A_15 = tpu.memref_slice %arg3[%dma_start3A_14] : memref<45160xf32, #tpu.memory_space<hbm>> -> memref<64xf32, #tpu.memory_space<hbm>>
    %dma_start3A_16 = arith.constant 56 : i32
    %dma_start3A_17 = tpu.memref_slice %arg3[%dma_start3A_16] : memref<45160xf32, #tpu.memory_space<hbm>> -> memref<64xf32, #tpu.memory_space<hbm>>
    tpu.enqueue_dma source(%dma_start3A_17 : memref<64xf32, #tpu.memory_space<hbm>>) target(%arg8 : memref<64xf32, #tpu.memory_space<vmem>>) target_semaphore(%arg35 : memref<!tpu.dma_semaphore, #tpu.memory_space<semaphore_mem>>)
    %dma_start3A_18 = arith.constant 120 : i32
    %dma_start3A_19 = tpu.memref_slice %arg3[%dma_start3A_18] : memref<45160xf32, #tpu.memory_space<hbm>> -> memref<128xf32, #tpu.memory_space<hbm>>
    %dma_start3A_20 = arith.constant 120 : i32
    %dma_start3A_21 = tpu.memref_slice %arg3[%dma_start3A_20] : memref<45160xf32, #tpu.memory_space<hbm>> -> memref<128xf32, #tpu.memory_space<hbm>>
    tpu.enqueue_dma source(%dma_start3A_21 : memref<128xf32, #tpu.memory_space<hbm>>) target(%arg9 : memref<128xf32, #tpu.memory_space<vmem>>) target_semaphore(%arg35 : memref<!tpu.dma_semaphore, #tpu.memory_space<semaphore_mem>>)
    %dma_start3A_22 = arith.constant 248 : i32
    %dma_start3A_23 = tpu.memref_slice %arg3[%dma_start3A_22] : memref<45160xf32, #tpu.memory_space<hbm>> -> memref<256xf32, #tpu.memory_space<hbm>>
    %dma_start3A_24 = arith.constant 248 : i32
    %dma_start3A_25 = tpu.memref_slice %arg3[%dma_start3A_24] : memref<45160xf32, #tpu.memory_space<hbm>> -> memref<256xf32, #tpu.memory_space<hbm>>
    tpu.enqueue_dma source(%dma_start3A_25 : memref<256xf32, #tpu.memory_space<hbm>>) target(%arg10 : memref<256xf32, #tpu.memory_space<vmem>>) target_semaphore(%arg35 : memref<!tpu.dma_semaphore, #tpu.memory_space<semaphore_mem>>)
    %dma_start3A_26 = arith.constant 504 : i32
    %dma_start3A_27 = tpu.memref_slice %arg3[%dma_start3A_26] : memref<45160xf32, #tpu.memory_space<hbm>> -> memref<512xf32, #tpu.memory_space<hbm>>
    %dma_start3A_28 = arith.constant 504 : i32
    %dma_start3A_29 = tpu.memref_slice %arg3[%dma_start3A_28] : memref<45160xf32, #tpu.memory_space<hbm>> -> memref<512xf32, #tpu.memory_space<hbm>>
    tpu.enqueue_dma source(%dma_start3A_29 : memref<512xf32, #tpu.memory_space<hbm>>) target(%arg11 : memref<512xf32, #tpu.memory_space<vmem>>) target_semaphore(%arg35 : memref<!tpu.dma_semaphore, #tpu.memory_space<semaphore_mem>>)
    %dma_start3A_30 = arith.constant 1016 : i32
    %dma_start3A_31 = tpu.memref_slice %arg3[%dma_start3A_30] : memref<45160xf32, #tpu.memory_space<hbm>> -> memref<1024xf32, #tpu.memory_space<hbm>>
    %dma_start3A_32 = arith.constant 1016 : i32
    %dma_start3A_33 = tpu.memref_slice %arg3[%dma_start3A_32] : memref<45160xf32, #tpu.memory_space<hbm>> -> memref<1024xf32, #tpu.memory_space<hbm>>
    tpu.enqueue_dma source(%dma_start3A_33 : memref<1024xf32, #tpu.memory_space<hbm>>) target(%arg12 : memref<1024xf32, #tpu.memory_space<vmem>>) target_semaphore(%arg35 : memref<!tpu.dma_semaphore, #tpu.memory_space<semaphore_mem>>)
    %dma_start3A_34 = arith.constant 2040 : i32
    %dma_start3A_35 = tpu.memref_slice %arg3[%dma_start3A_34] : memref<45160xf32, #tpu.memory_space<hbm>> -> memref<2048xf32, #tpu.memory_space<hbm>>
    %dma_start3A_36 = arith.constant 2040 : i32
    %dma_start3A_37 = tpu.memref_slice %arg3[%dma_start3A_36] : memref<45160xf32, #tpu.memory_space<hbm>> -> memref<2048xf32, #tpu.memory_space<hbm>>
    tpu.enqueue_dma source(%dma_start3A_37 : memref<2048xf32, #tpu.memory_space<hbm>>) target(%arg13 : memref<2048xf32, #tpu.memory_space<vmem>>) target_semaphore(%arg35 : memref<!tpu.dma_semaphore, #tpu.memory_space<semaphore_mem>>)
    %dma_start3A_38 = arith.constant 4088 : i32
    %dma_start3A_39 = tpu.memref_slice %arg3[%dma_start3A_38] : memref<45160xf32, #tpu.memory_space<hbm>> -> memref<4096xf32, #tpu.memory_space<hbm>>
    %dma_start3A_40 = arith.constant 4088 : i32
    %dma_start3A_41 = tpu.memref_slice %arg3[%dma_start3A_40] : memref<45160xf32, #tpu.memory_space<hbm>> -> memref<4096xf32, #tpu.memory_space<hbm>>
    tpu.enqueue_dma source(%dma_start3A_41 : memref<4096xf32, #tpu.memory_space<hbm>>) target(%arg14 : memref<4096xf32, #tpu.memory_space<vmem>>) target_semaphore(%arg35 : memref<!tpu.dma_semaphore, #tpu.memory_space<semaphore_mem>>)
    %dma_start3A_42 = arith.constant 8184 : i32
    %dma_start3A_43 = tpu.memref_slice %arg3[%dma_start3A_42] : memref<45160xf32, #tpu.memory_space<hbm>> -> memref<4096xf32, #tpu.memory_space<hbm>>
    %dma_start3A_44 = arith.constant 8184 : i32
    %dma_start3A_45 = tpu.memref_slice %arg3[%dma_start3A_44] : memref<45160xf32, #tpu.memory_space<hbm>> -> memref<4096xf32, #tpu.memory_space<hbm>>
    tpu.enqueue_dma source(%dma_start3A_45 : memref<4096xf32, #tpu.memory_space<hbm>>) target(%arg15 : memref<4096xf32, #tpu.memory_space<vmem>>) target_semaphore(%arg35 : memref<!tpu.dma_semaphore, #tpu.memory_space<semaphore_mem>>)
    %dma_start3A_46 = arith.constant 12280 : i32
    %dma_start3A_47 = tpu.memref_slice %arg3[%dma_start3A_46] : memref<45160xf32, #tpu.memory_space<hbm>> -> memref<4096xf32, #tpu.memory_space<hbm>>
    %dma_start3A_48 = arith.constant 12280 : i32
    %dma_start3A_49 = tpu.memref_slice %arg3[%dma_start3A_48] : memref<45160xf32, #tpu.memory_space<hbm>> -> memref<4096xf32, #tpu.memory_space<hbm>>
    tpu.enqueue_dma source(%dma_start3A_49 : memref<4096xf32, #tpu.memory_space<hbm>>) target(%arg16 : memref<4096xf32, #tpu.memory_space<vmem>>) target_semaphore(%arg35 : memref<!tpu.dma_semaphore, #tpu.memory_space<semaphore_mem>>)
    %dma_start3A_50 = arith.constant 16376 : i32
    %dma_start3A_51 = tpu.memref_slice %arg3[%dma_start3A_50] : memref<45160xf32, #tpu.memory_space<hbm>> -> memref<4096xf32, #tpu.memory_space<hbm>>
    %dma_start3A_52 = arith.constant 16376 : i32
    %dma_start3A_53 = tpu.memref_slice %arg3[%dma_start3A_52] : memref<45160xf32, #tpu.memory_space<hbm>> -> memref<4096xf32, #tpu.memory_space<hbm>>
    tpu.enqueue_dma source(%dma_start3A_53 : memref<4096xf32, #tpu.memory_space<hbm>>) target(%arg17 : memref<4096xf32, #tpu.memory_space<vmem>>) target_semaphore(%arg35 : memref<!tpu.dma_semaphore, #tpu.memory_space<semaphore_mem>>)
    %dma_start3A_54 = arith.constant 20472 : i32
    %dma_start3A_55 = tpu.memref_slice %arg3[%dma_start3A_54] : memref<45160xf32, #tpu.memory_space<hbm>> -> memref<4096xf32, #tpu.memory_space<hbm>>
    %dma_start3A_56 = arith.constant 20472 : i32
    %dma_start3A_57 = tpu.memref_slice %arg3[%dma_start3A_56] : memref<45160xf32, #tpu.memory_space<hbm>> -> memref<4096xf32, #tpu.memory_space<hbm>>
    tpu.enqueue_dma source(%dma_start3A_57 : memref<4096xf32, #tpu.memory_space<hbm>>) target(%arg18 : memref<4096xf32, #tpu.memory_space<vmem>>) target_semaphore(%arg35 : memref<!tpu.dma_semaphore, #tpu.memory_space<semaphore_mem>>)
    %dma_start3A_58 = arith.constant 24568 : i32
    %dma_start3A_59 = tpu.memref_slice %arg3[%dma_start3A_58] : memref<45160xf32, #tpu.memory_space<hbm>> -> memref<4096xf32, #tpu.memory_space<hbm>>
    %dma_start3A_60 = arith.constant 24568 : i32
    %dma_start3A_61 = tpu.memref_slice %arg3[%dma_start3A_60] : memref<45160xf32, #tpu.memory_space<hbm>> -> memref<4096xf32, #tpu.memory_space<hbm>>
    tpu.enqueue_dma source(%dma_start3A_61 : memref<4096xf32, #tpu.memory_space<hbm>>) target(%arg19 : memref<4096xf32, #tpu.memory_space<vmem>>) target_semaphore(%arg35 : memref<!tpu.dma_semaphore, #tpu.memory_space<semaphore_mem>>)
    %dma_start3A_62 = arith.constant 28664 : i32
    %dma_start3A_63 = tpu.memref_slice %arg3[%dma_start3A_62] : memref<45160xf32, #tpu.memory_space<hbm>> -> memref<4096xf32, #tpu.memory_space<hbm>>
    %dma_start3A_64 = arith.constant 28664 : i32
    %dma_start3A_65 = tpu.memref_slice %arg3[%dma_start3A_64] : memref<45160xf32, #tpu.memory_space<hbm>> -> memref<4096xf32, #tpu.memory_space<hbm>>
    tpu.enqueue_dma source(%dma_start3A_65 : memref<4096xf32, #tpu.memory_space<hbm>>) target(%arg20 : memref<4096xf32, #tpu.memory_space<vmem>>) target_semaphore(%arg35 : memref<!tpu.dma_semaphore, #tpu.memory_space<semaphore_mem>>)
    %dma_start3A_66 = arith.constant 32760 : i32
    %dma_start3A_67 = tpu.memref_slice %arg3[%dma_start3A_66] : memref<45160xf32, #tpu.memory_space<hbm>> -> memref<4096xf32, #tpu.memory_space<hbm>>
    %dma_start3A_68 = arith.constant 32760 : i32
    %dma_start3A_69 = tpu.memref_slice %arg3[%dma_start3A_68] : memref<45160xf32, #tpu.memory_space<hbm>> -> memref<4096xf32, #tpu.memory_space<hbm>>
    tpu.enqueue_dma source(%dma_start3A_69 : memref<4096xf32, #tpu.memory_space<hbm>>) target(%arg21 : memref<4096xf32, #tpu.memory_space<vmem>>) target_semaphore(%arg35 : memref<!tpu.dma_semaphore, #tpu.memory_space<semaphore_mem>>)
    %dma_start3A_70 = arith.constant 36856 : i32
    %dma_start3A_71 = tpu.memref_slice %arg3[%dma_start3A_70] : memref<45160xf32, #tpu.memory_space<hbm>> -> memref<4096xf32, #tpu.memory_space<hbm>>
    %dma_start3A_72 = arith.constant 36856 : i32
    %dma_start3A_73 = tpu.memref_slice %arg3[%dma_start3A_72] : memref<45160xf32, #tpu.memory_space<hbm>> -> memref<4096xf32, #tpu.memory_space<hbm>>
    tpu.enqueue_dma source(%dma_start3A_73 : memref<4096xf32, #tpu.memory_space<hbm>>) target(%arg22 : memref<4096xf32, #tpu.memory_space<vmem>>) target_semaphore(%arg35 : memref<!tpu.dma_semaphore, #tpu.memory_space<semaphore_mem>>)
    %dma_start3A_74 = arith.constant 40952 : i32
    %dma_start3A_75 = tpu.memref_slice %arg3[%dma_start3A_74] : memref<45160xf32, #tpu.memory_space<hbm>> -> memref<4096xf32, #tpu.memory_space<hbm>>
    %dma_start3A_76 = arith.constant 40952 : i32
    %dma_start3A_77 = tpu.memref_slice %arg3[%dma_start3A_76] : memref<45160xf32, #tpu.memory_space<hbm>> -> memref<4096xf32, #tpu.memory_space<hbm>>
    tpu.enqueue_dma source(%dma_start3A_77 : memref<4096xf32, #tpu.memory_space<hbm>>) target(%arg23 : memref<4096xf32, #tpu.memory_space<vmem>>) target_semaphore(%arg35 : memref<!tpu.dma_semaphore, #tpu.memory_space<semaphore_mem>>)
    %dma_start3A_78 = arith.constant 45048 : i32
    %dma_start3A_79 = tpu.memref_slice %arg3[%dma_start3A_78] : memref<45160xf32, #tpu.memory_space<hbm>> -> memref<16xf32, #tpu.memory_space<hbm>>
    %dma_start3A_80 = arith.constant 45048 : i32
    %dma_start3A_81 = tpu.memref_slice %arg3[%dma_start3A_80] : memref<45160xf32, #tpu.memory_space<hbm>> -> memref<16xf32, #tpu.memory_space<hbm>>
    tpu.enqueue_dma source(%dma_start3A_81 : memref<16xf32, #tpu.memory_space<hbm>>) target(%arg24 : memref<16xf32, #tpu.memory_space<vmem>>) target_semaphore(%arg35 : memref<!tpu.dma_semaphore, #tpu.memory_space<semaphore_mem>>)
    %dma_start3A_82 = arith.constant 45064 : i32
    %dma_start3A_83 = tpu.memref_slice %arg3[%dma_start3A_82] : memref<45160xf32, #tpu.memory_space<hbm>> -> memref<16xf32, #tpu.memory_space<hbm>>
    %dma_start3A_84 = arith.constant 45064 : i32
    %dma_start3A_85 = tpu.memref_slice %arg3[%dma_start3A_84] : memref<45160xf32, #tpu.memory_space<hbm>> -> memref<16xf32, #tpu.memory_space<hbm>>
    tpu.enqueue_dma source(%dma_start3A_85 : memref<16xf32, #tpu.memory_space<hbm>>) target(%arg25 : memref<16xf32, #tpu.memory_space<vmem>>) target_semaphore(%arg35 : memref<!tpu.dma_semaphore, #tpu.memory_space<semaphore_mem>>)
    %dma_start3A_86 = arith.constant 45080 : i32
    %dma_start3A_87 = tpu.memref_slice %arg3[%dma_start3A_86] : memref<45160xf32, #tpu.memory_space<hbm>> -> memref<16xf32, #tpu.memory_space<hbm>>
    %dma_start3A_88 = arith.constant 45080 : i32
    %dma_start3A_89 = tpu.memref_slice %arg3[%dma_start3A_88] : memref<45160xf32, #tpu.memory_space<hbm>> -> memref<16xf32, #tpu.memory_space<hbm>>
    tpu.enqueue_dma source(%dma_start3A_89 : memref<16xf32, #tpu.memory_space<hbm>>) target(%arg26 : memref<16xf32, #tpu.memory_space<vmem>>) target_semaphore(%arg35 : memref<!tpu.dma_semaphore, #tpu.memory_space<semaphore_mem>>)
    %dma_start3A_90 = arith.constant 45096 : i32
    %dma_start3A_91 = tpu.memref_slice %arg3[%dma_start3A_90] : memref<45160xf32, #tpu.memory_space<hbm>> -> memref<16xf32, #tpu.memory_space<hbm>>
    %dma_start3A_92 = arith.constant 45096 : i32
    %dma_start3A_93 = tpu.memref_slice %arg3[%dma_start3A_92] : memref<45160xf32, #tpu.memory_space<hbm>> -> memref<16xf32, #tpu.memory_space<hbm>>
    tpu.enqueue_dma source(%dma_start3A_93 : memref<16xf32, #tpu.memory_space<hbm>>) target(%arg27 : memref<16xf32, #tpu.memory_space<vmem>>) target_semaphore(%arg35 : memref<!tpu.dma_semaphore, #tpu.memory_space<semaphore_mem>>)
    %dma_start3A_94 = arith.constant 45112 : i32
    %dma_start3A_95 = tpu.memref_slice %arg3[%dma_start3A_94] : memref<45160xf32, #tpu.memory_space<hbm>> -> memref<16xf32, #tpu.memory_space<hbm>>
    %dma_start3A_96 = arith.constant 45112 : i32
    %dma_start3A_97 = tpu.memref_slice %arg3[%dma_start3A_96] : memref<45160xf32, #tpu.memory_space<hbm>> -> memref<16xf32, #tpu.memory_space<hbm>>
    tpu.enqueue_dma source(%dma_start3A_97 : memref<16xf32, #tpu.memory_space<hbm>>) target(%arg28 : memref<16xf32, #tpu.memory_space<vmem>>) target_semaphore(%arg35 : memref<!tpu.dma_semaphore, #tpu.memory_space<semaphore_mem>>)
    %dma_start3A_98 = arith.constant 45128 : i32
    %dma_start3A_99 = tpu.memref_slice %arg3[%dma_start3A_98] : memref<45160xf32, #tpu.memory_space<hbm>> -> memref<16xf32, #tpu.memory_space<hbm>>
    %dma_start3A_100 = arith.constant 45128 : i32
    %dma_start3A_101 = tpu.memref_slice %arg3[%dma_start3A_100] : memref<45160xf32, #tpu.memory_space<hbm>> -> memref<16xf32, #tpu.memory_space<hbm>>
    tpu.enqueue_dma source(%dma_start3A_101 : memref<16xf32, #tpu.memory_space<hbm>>) target(%arg29 : memref<16xf32, #tpu.memory_space<vmem>>) target_semaphore(%arg35 : memref<!tpu.dma_semaphore, #tpu.memory_space<semaphore_mem>>)
    %dma_start3A_102 = arith.constant 45144 : i32
    %dma_start3A_103 = tpu.memref_slice %arg3[%dma_start3A_102] : memref<45160xf32, #tpu.memory_space<hbm>> -> memref<16xf32, #tpu.memory_space<hbm>>
    %dma_start3A_104 = arith.constant 45144 : i32
    %dma_start3A_105 = tpu.memref_slice %arg3[%dma_start3A_104] : memref<45160xf32, #tpu.memory_space<hbm>> -> memref<16xf32, #tpu.memory_space<hbm>>
    tpu.enqueue_dma source(%dma_start3A_105 : memref<16xf32, #tpu.memory_space<hbm>>) target(%arg30 : memref<16xf32, #tpu.memory_space<vmem>>) target_semaphore(%arg35 : memref<!tpu.dma_semaphore, #tpu.memory_space<semaphore_mem>>)
    %dma_wait3A = arith.constant 0 : i32
    %dma_wait3A_106 = tpu.memref_slice %arg3[%dma_wait3A] : memref<45160xf32, #tpu.memory_space<hbm>> -> memref<8xf32, #tpu.memory_space<hbm>>
    %dma_wait3A_107 = arith.constant 0 : i32
    %dma_wait3A_108 = tpu.memref_slice %arg3[%dma_wait3A_107] : memref<45160xf32, #tpu.memory_space<hbm>> -> memref<8xf32, #tpu.memory_space<hbm>>
    tpu.wait_dma2 semaphore(%arg35 : memref<!tpu.dma_semaphore, #tpu.memory_space<semaphore_mem>>) src(%dma_wait3A_108 : memref<8xf32, #tpu.memory_space<hbm>>) dst(%arg5 : memref<8xf32, #tpu.memory_space<vmem>>)
    %dma_wait3A_109 = arith.constant 8 : i32
    %dma_wait3A_110 = tpu.memref_slice %arg3[%dma_wait3A_109] : memref<45160xf32, #tpu.memory_space<hbm>> -> memref<16xf32, #tpu.memory_space<hbm>>
    %dma_wait3A_111 = arith.constant 8 : i32
    %dma_wait3A_112 = tpu.memref_slice %arg3[%dma_wait3A_111] : memref<45160xf32, #tpu.memory_space<hbm>> -> memref<16xf32, #tpu.memory_space<hbm>>
    tpu.wait_dma2 semaphore(%arg35 : memref<!tpu.dma_semaphore, #tpu.memory_space<semaphore_mem>>) src(%dma_wait3A_112 : memref<16xf32, #tpu.memory_space<hbm>>) dst(%arg6 : memref<16xf32, #tpu.memory_space<vmem>>)
    %dma_wait3A_113 = arith.constant 24 : i32
    %dma_wait3A_114 = tpu.memref_slice %arg3[%dma_wait3A_113] : memref<45160xf32, #tpu.memory_space<hbm>> -> memref<32xf32, #tpu.memory_space<hbm>>
    %dma_wait3A_115 = arith.constant 24 : i32
    %dma_wait3A_116 = tpu.memref_slice %arg3[%dma_wait3A_115] : memref<45160xf32, #tpu.memory_space<hbm>> -> memref<32xf32, #tpu.memory_space<hbm>>
    tpu.wait_dma2 semaphore(%arg35 : memref<!tpu.dma_semaphore, #tpu.memory_space<semaphore_mem>>) src(%dma_wait3A_116 : memref<32xf32, #tpu.memory_space<hbm>>) dst(%arg7 : memref<32xf32, #tpu.memory_space<vmem>>)
    %dma_wait3A_117 = arith.constant 56 : i32
    %dma_wait3A_118 = tpu.memref_slice %arg3[%dma_wait3A_117] : memref<45160xf32, #tpu.memory_space<hbm>> -> memref<64xf32, #tpu.memory_space<hbm>>
    %dma_wait3A_119 = arith.constant 56 : i32
    %dma_wait3A_120 = tpu.memref_slice %arg3[%dma_wait3A_119] : memref<45160xf32, #tpu.memory_space<hbm>> -> memref<64xf32, #tpu.memory_space<hbm>>
    tpu.wait_dma2 semaphore(%arg35 : memref<!tpu.dma_semaphore, #tpu.memory_space<semaphore_mem>>) src(%dma_wait3A_120 : memref<64xf32, #tpu.memory_space<hbm>>) dst(%arg8 : memref<64xf32, #tpu.memory_space<vmem>>)
    %dma_wait3A_121 = arith.constant 120 : i32
    %dma_wait3A_122 = tpu.memref_slice %arg3[%dma_wait3A_121] : memref<45160xf32, #tpu.memory_space<hbm>> -> memref<128xf32, #tpu.memory_space<hbm>>
    %dma_wait3A_123 = arith.constant 120 : i32
    %dma_wait3A_124 = tpu.memref_slice %arg3[%dma_wait3A_123] : memref<45160xf32, #tpu.memory_space<hbm>> -> memref<128xf32, #tpu.memory_space<hbm>>
    tpu.wait_dma2 semaphore(%arg35 : memref<!tpu.dma_semaphore, #tpu.memory_space<semaphore_mem>>) src(%dma_wait3A_124 : memref<128xf32, #tpu.memory_space<hbm>>) dst(%arg9 : memref<128xf32, #tpu.memory_space<vmem>>)
    %dma_wait3A_125 = arith.constant 248 : i32
    %dma_wait3A_126 = tpu.memref_slice %arg3[%dma_wait3A_125] : memref<45160xf32, #tpu.memory_space<hbm>> -> memref<256xf32, #tpu.memory_space<hbm>>
    %dma_wait3A_127 = arith.constant 248 : i32
    %dma_wait3A_128 = tpu.memref_slice %arg3[%dma_wait3A_127] : memref<45160xf32, #tpu.memory_space<hbm>> -> memref<256xf32, #tpu.memory_space<hbm>>
    tpu.wait_dma2 semaphore(%arg35 : memref<!tpu.dma_semaphore, #tpu.memory_space<semaphore_mem>>) src(%dma_wait3A_128 : memref<256xf32, #tpu.memory_space<hbm>>) dst(%arg10 : memref<256xf32, #tpu.memory_space<vmem>>)
    %dma_wait3A_129 = arith.constant 504 : i32
    %dma_wait3A_130 = tpu.memref_slice %arg3[%dma_wait3A_129] : memref<45160xf32, #tpu.memory_space<hbm>> -> memref<512xf32, #tpu.memory_space<hbm>>
    %dma_wait3A_131 = arith.constant 504 : i32
    %dma_wait3A_132 = tpu.memref_slice %arg3[%dma_wait3A_131] : memref<45160xf32, #tpu.memory_space<hbm>> -> memref<512xf32, #tpu.memory_space<hbm>>
    tpu.wait_dma2 semaphore(%arg35 : memref<!tpu.dma_semaphore, #tpu.memory_space<semaphore_mem>>) src(%dma_wait3A_132 : memref<512xf32, #tpu.memory_space<hbm>>) dst(%arg11 : memref<512xf32, #tpu.memory_space<vmem>>)
    %dma_wait3A_133 = arith.constant 1016 : i32
    %dma_wait3A_134 = tpu.memref_slice %arg3[%dma_wait3A_133] : memref<45160xf32, #tpu.memory_space<hbm>> -> memref<1024xf32, #tpu.memory_space<hbm>>
    %dma_wait3A_135 = arith.constant 1016 : i32
    %dma_wait3A_136 = tpu.memref_slice %arg3[%dma_wait3A_135] : memref<45160xf32, #tpu.memory_space<hbm>> -> memref<1024xf32, #tpu.memory_space<hbm>>
    tpu.wait_dma2 semaphore(%arg35 : memref<!tpu.dma_semaphore, #tpu.memory_space<semaphore_mem>>) src(%dma_wait3A_136 : memref<1024xf32, #tpu.memory_space<hbm>>) dst(%arg12 : memref<1024xf32, #tpu.memory_space<vmem>>)
    %dma_wait3A_137 = arith.constant 2040 : i32
    %dma_wait3A_138 = tpu.memref_slice %arg3[%dma_wait3A_137] : memref<45160xf32, #tpu.memory_space<hbm>> -> memref<2048xf32, #tpu.memory_space<hbm>>
    %dma_wait3A_139 = arith.constant 2040 : i32
    %dma_wait3A_140 = tpu.memref_slice %arg3[%dma_wait3A_139] : memref<45160xf32, #tpu.memory_space<hbm>> -> memref<2048xf32, #tpu.memory_space<hbm>>
    tpu.wait_dma2 semaphore(%arg35 : memref<!tpu.dma_semaphore, #tpu.memory_space<semaphore_mem>>) src(%dma_wait3A_140 : memref<2048xf32, #tpu.memory_space<hbm>>) dst(%arg13 : memref<2048xf32, #tpu.memory_space<vmem>>)
    %dma_wait3A_141 = arith.constant 4088 : i32
    %dma_wait3A_142 = tpu.memref_slice %arg3[%dma_wait3A_141] : memref<45160xf32, #tpu.memory_space<hbm>> -> memref<4096xf32, #tpu.memory_space<hbm>>
    %dma_wait3A_143 = arith.constant 4088 : i32
    %dma_wait3A_144 = tpu.memref_slice %arg3[%dma_wait3A_143] : memref<45160xf32, #tpu.memory_space<hbm>> -> memref<4096xf32, #tpu.memory_space<hbm>>
    tpu.wait_dma2 semaphore(%arg35 : memref<!tpu.dma_semaphore, #tpu.memory_space<semaphore_mem>>) src(%dma_wait3A_144 : memref<4096xf32, #tpu.memory_space<hbm>>) dst(%arg14 : memref<4096xf32, #tpu.memory_space<vmem>>)
    %dma_wait3A_145 = arith.constant 8184 : i32
    %dma_wait3A_146 = tpu.memref_slice %arg3[%dma_wait3A_145] : memref<45160xf32, #tpu.memory_space<hbm>> -> memref<4096xf32, #tpu.memory_space<hbm>>
    %dma_wait3A_147 = arith.constant 8184 : i32
    %dma_wait3A_148 = tpu.memref_slice %arg3[%dma_wait3A_147] : memref<45160xf32, #tpu.memory_space<hbm>> -> memref<4096xf32, #tpu.memory_space<hbm>>
    tpu.wait_dma2 semaphore(%arg35 : memref<!tpu.dma_semaphore, #tpu.memory_space<semaphore_mem>>) src(%dma_wait3A_148 : memref<4096xf32, #tpu.memory_space<hbm>>) dst(%arg15 : memref<4096xf32, #tpu.memory_space<vmem>>)
    %dma_wait3A_149 = arith.constant 12280 : i32
    %dma_wait3A_150 = tpu.memref_slice %arg3[%dma_wait3A_149] : memref<45160xf32, #tpu.memory_space<hbm>> -> memref<4096xf32, #tpu.memory_space<hbm>>
    %dma_wait3A_151 = arith.constant 12280 : i32
    %dma_wait3A_152 = tpu.memref_slice %arg3[%dma_wait3A_151] : memref<45160xf32, #tpu.memory_space<hbm>> -> memref<4096xf32, #tpu.memory_space<hbm>>
    tpu.wait_dma2 semaphore(%arg35 : memref<!tpu.dma_semaphore, #tpu.memory_space<semaphore_mem>>) src(%dma_wait3A_152 : memref<4096xf32, #tpu.memory_space<hbm>>) dst(%arg16 : memref<4096xf32, #tpu.memory_space<vmem>>)
    %dma_wait3A_153 = arith.constant 16376 : i32
    %dma_wait3A_154 = tpu.memref_slice %arg3[%dma_wait3A_153] : memref<45160xf32, #tpu.memory_space<hbm>> -> memref<4096xf32, #tpu.memory_space<hbm>>
    %dma_wait3A_155 = arith.constant 16376 : i32
    %dma_wait3A_156 = tpu.memref_slice %arg3[%dma_wait3A_155] : memref<45160xf32, #tpu.memory_space<hbm>> -> memref<4096xf32, #tpu.memory_space<hbm>>
    tpu.wait_dma2 semaphore(%arg35 : memref<!tpu.dma_semaphore, #tpu.memory_space<semaphore_mem>>) src(%dma_wait3A_156 : memref<4096xf32, #tpu.memory_space<hbm>>) dst(%arg17 : memref<4096xf32, #tpu.memory_space<vmem>>)
    %dma_wait3A_157 = arith.constant 20472 : i32
    %dma_wait3A_158 = tpu.memref_slice %arg3[%dma_wait3A_157] : memref<45160xf32, #tpu.memory_space<hbm>> -> memref<4096xf32, #tpu.memory_space<hbm>>
    %dma_wait3A_159 = arith.constant 20472 : i32
    %dma_wait3A_160 = tpu.memref_slice %arg3[%dma_wait3A_159] : memref<45160xf32, #tpu.memory_space<hbm>> -> memref<4096xf32, #tpu.memory_space<hbm>>
    tpu.wait_dma2 semaphore(%arg35 : memref<!tpu.dma_semaphore, #tpu.memory_space<semaphore_mem>>) src(%dma_wait3A_160 : memref<4096xf32, #tpu.memory_space<hbm>>) dst(%arg18 : memref<4096xf32, #tpu.memory_space<vmem>>)
    %dma_wait3A_161 = arith.constant 24568 : i32
    %dma_wait3A_162 = tpu.memref_slice %arg3[%dma_wait3A_161] : memref<45160xf32, #tpu.memory_space<hbm>> -> memref<4096xf32, #tpu.memory_space<hbm>>
    %dma_wait3A_163 = arith.constant 24568 : i32
    %dma_wait3A_164 = tpu.memref_slice %arg3[%dma_wait3A_163] : memref<45160xf32, #tpu.memory_space<hbm>> -> memref<4096xf32, #tpu.memory_space<hbm>>
    tpu.wait_dma2 semaphore(%arg35 : memref<!tpu.dma_semaphore, #tpu.memory_space<semaphore_mem>>) src(%dma_wait3A_164 : memref<4096xf32, #tpu.memory_space<hbm>>) dst(%arg19 : memref<4096xf32, #tpu.memory_space<vmem>>)
    %dma_wait3A_165 = arith.constant 28664 : i32
    %dma_wait3A_166 = tpu.memref_slice %arg3[%dma_wait3A_165] : memref<45160xf32, #tpu.memory_space<hbm>> -> memref<4096xf32, #tpu.memory_space<hbm>>
    %dma_wait3A_167 = arith.constant 28664 : i32
    %dma_wait3A_168 = tpu.memref_slice %arg3[%dma_wait3A_167] : memref<45160xf32, #tpu.memory_space<hbm>> -> memref<4096xf32, #tpu.memory_space<hbm>>
    tpu.wait_dma2 semaphore(%arg35 : memref<!tpu.dma_semaphore, #tpu.memory_space<semaphore_mem>>) src(%dma_wait3A_168 : memref<4096xf32, #tpu.memory_space<hbm>>) dst(%arg20 : memref<4096xf32, #tpu.memory_space<vmem>>)
    %dma_wait3A_169 = arith.constant 32760 : i32
    %dma_wait3A_170 = tpu.memref_slice %arg3[%dma_wait3A_169] : memref<45160xf32, #tpu.memory_space<hbm>> -> memref<4096xf32, #tpu.memory_space<hbm>>
    %dma_wait3A_171 = arith.constant 32760 : i32
    %dma_wait3A_172 = tpu.memref_slice %arg3[%dma_wait3A_171] : memref<45160xf32, #tpu.memory_space<hbm>> -> memref<4096xf32, #tpu.memory_space<hbm>>
    tpu.wait_dma2 semaphore(%arg35 : memref<!tpu.dma_semaphore, #tpu.memory_space<semaphore_mem>>) src(%dma_wait3A_172 : memref<4096xf32, #tpu.memory_space<hbm>>) dst(%arg21 : memref<4096xf32, #tpu.memory_space<vmem>>)
    %dma_wait3A_173 = arith.constant 36856 : i32
    %dma_wait3A_174 = tpu.memref_slice %arg3[%dma_wait3A_173] : memref<45160xf32, #tpu.memory_space<hbm>> -> memref<4096xf32, #tpu.memory_space<hbm>>
    %dma_wait3A_175 = arith.constant 36856 : i32
    %dma_wait3A_176 = tpu.memref_slice %arg3[%dma_wait3A_175] : memref<45160xf32, #tpu.memory_space<hbm>> -> memref<4096xf32, #tpu.memory_space<hbm>>
    tpu.wait_dma2 semaphore(%arg35 : memref<!tpu.dma_semaphore, #tpu.memory_space<semaphore_mem>>) src(%dma_wait3A_176 : memref<4096xf32, #tpu.memory_space<hbm>>) dst(%arg22 : memref<4096xf32, #tpu.memory_space<vmem>>)
    %dma_wait3A_177 = arith.constant 40952 : i32
    %dma_wait3A_178 = tpu.memref_slice %arg3[%dma_wait3A_177] : memref<45160xf32, #tpu.memory_space<hbm>> -> memref<4096xf32, #tpu.memory_space<hbm>>
    %dma_wait3A_179 = arith.constant 40952 : i32
    %dma_wait3A_180 = tpu.memref_slice %arg3[%dma_wait3A_179] : memref<45160xf32, #tpu.memory_space<hbm>> -> memref<4096xf32, #tpu.memory_space<hbm>>
    tpu.wait_dma2 semaphore(%arg35 : memref<!tpu.dma_semaphore, #tpu.memory_space<semaphore_mem>>) src(%dma_wait3A_180 : memref<4096xf32, #tpu.memory_space<hbm>>) dst(%arg23 : memref<4096xf32, #tpu.memory_space<vmem>>)
    %dma_wait3A_181 = arith.constant 45048 : i32
    %dma_wait3A_182 = tpu.memref_slice %arg3[%dma_wait3A_181] : memref<45160xf32, #tpu.memory_space<hbm>> -> memref<16xf32, #tpu.memory_space<hbm>>
    %dma_wait3A_183 = arith.constant 45048 : i32
    %dma_wait3A_184 = tpu.memref_slice %arg3[%dma_wait3A_183] : memref<45160xf32, #tpu.memory_space<hbm>> -> memref<16xf32, #tpu.memory_space<hbm>>
    tpu.wait_dma2 semaphore(%arg35 : memref<!tpu.dma_semaphore, #tpu.memory_space<semaphore_mem>>) src(%dma_wait3A_184 : memref<16xf32, #tpu.memory_space<hbm>>) dst(%arg24 : memref<16xf32, #tpu.memory_space<vmem>>)
    %dma_wait3A_185 = arith.constant 45064 : i32
    %dma_wait3A_186 = tpu.memref_slice %arg3[%dma_wait3A_185] : memref<45160xf32, #tpu.memory_space<hbm>> -> memref<16xf32, #tpu.memory_space<hbm>>
    %dma_wait3A_187 = arith.constant 45064 : i32
    %dma_wait3A_188 = tpu.memref_slice %arg3[%dma_wait3A_187] : memref<45160xf32, #tpu.memory_space<hbm>> -> memref<16xf32, #tpu.memory_space<hbm>>
    tpu.wait_dma2 semaphore(%arg35 : memref<!tpu.dma_semaphore, #tpu.memory_space<semaphore_mem>>) src(%dma_wait3A_188 : memref<16xf32, #tpu.memory_space<hbm>>) dst(%arg25 : memref<16xf32, #tpu.memory_space<vmem>>)
    %dma_wait3A_189 = arith.constant 45080 : i32
    %dma_wait3A_190 = tpu.memref_slice %arg3[%dma_wait3A_189] : memref<45160xf32, #tpu.memory_space<hbm>> -> memref<16xf32, #tpu.memory_space<hbm>>
    %dma_wait3A_191 = arith.constant 45080 : i32
    %dma_wait3A_192 = tpu.memref_slice %arg3[%dma_wait3A_191] : memref<45160xf32, #tpu.memory_space<hbm>> -> memref<16xf32, #tpu.memory_space<hbm>>
    tpu.wait_dma2 semaphore(%arg35 : memref<!tpu.dma_semaphore, #tpu.memory_space<semaphore_mem>>) src(%dma_wait3A_192 : memref<16xf32, #tpu.memory_space<hbm>>) dst(%arg26 : memref<16xf32, #tpu.memory_space<vmem>>)
    %dma_wait3A_193 = arith.constant 45096 : i32
    %dma_wait3A_194 = tpu.memref_slice %arg3[%dma_wait3A_193] : memref<45160xf32, #tpu.memory_space<hbm>> -> memref<16xf32, #tpu.memory_space<hbm>>
    %dma_wait3A_195 = arith.constant 45096 : i32
    %dma_wait3A_196 = tpu.memref_slice %arg3[%dma_wait3A_195] : memref<45160xf32, #tpu.memory_space<hbm>> -> memref<16xf32, #tpu.memory_space<hbm>>
    tpu.wait_dma2 semaphore(%arg35 : memref<!tpu.dma_semaphore, #tpu.memory_space<semaphore_mem>>) src(%dma_wait3A_196 : memref<16xf32, #tpu.memory_space<hbm>>) dst(%arg27 : memref<16xf32, #tpu.memory_space<vmem>>)
    %dma_wait3A_197 = arith.constant 45112 : i32
    %dma_wait3A_198 = tpu.memref_slice %arg3[%dma_wait3A_197] : memref<45160xf32, #tpu.memory_space<hbm>> -> memref<16xf32, #tpu.memory_space<hbm>>
    %dma_wait3A_199 = arith.constant 45112 : i32
    %dma_wait3A_200 = tpu.memref_slice %arg3[%dma_wait3A_199] : memref<45160xf32, #tpu.memory_space<hbm>> -> memref<16xf32, #tpu.memory_space<hbm>>
    tpu.wait_dma2 semaphore(%arg35 : memref<!tpu.dma_semaphore, #tpu.memory_space<semaphore_mem>>) src(%dma_wait3A_200 : memref<16xf32, #tpu.memory_space<hbm>>) dst(%arg28 : memref<16xf32, #tpu.memory_space<vmem>>)
    %dma_wait3A_201 = arith.constant 45128 : i32
    %dma_wait3A_202 = tpu.memref_slice %arg3[%dma_wait3A_201] : memref<45160xf32, #tpu.memory_space<hbm>> -> memref<16xf32, #tpu.memory_space<hbm>>
    %dma_wait3A_203 = arith.constant 45128 : i32
    %dma_wait3A_204 = tpu.memref_slice %arg3[%dma_wait3A_203] : memref<45160xf32, #tpu.memory_space<hbm>> -> memref<16xf32, #tpu.memory_space<hbm>>
    tpu.wait_dma2 semaphore(%arg35 : memref<!tpu.dma_semaphore, #tpu.memory_space<semaphore_mem>>) src(%dma_wait3A_204 : memref<16xf32, #tpu.memory_space<hbm>>) dst(%arg29 : memref<16xf32, #tpu.memory_space<vmem>>)
    %dma_wait3A_205 = arith.constant 45144 : i32
    %dma_wait3A_206 = tpu.memref_slice %arg3[%dma_wait3A_205] : memref<45160xf32, #tpu.memory_space<hbm>> -> memref<16xf32, #tpu.memory_space<hbm>>
    %dma_wait3A_207 = arith.constant 45144 : i32
    %dma_wait3A_208 = tpu.memref_slice %arg3[%dma_wait3A_207] : memref<45160xf32, #tpu.memory_space<hbm>> -> memref<16xf32, #tpu.memory_space<hbm>>
    tpu.wait_dma2 semaphore(%arg35 : memref<!tpu.dma_semaphore, #tpu.memory_space<semaphore_mem>>) src(%dma_wait3A_208 : memref<16xf32, #tpu.memory_space<hbm>>) dst(%arg30 : memref<16xf32, #tpu.memory_space<vmem>>)
    %get3A = arith.constant 0 : index
    %get3A_209 = tpu.vector_load %arg24[%get3A] {strides = array<i32>} : memref<16xf32, #tpu.memory_space<vmem>>, vector<16xf32>,
    %get3A_210 = arith.constant 0 : index
    %get3A_211 = tpu.vector_load %arg25[%get3A_210] {strides = array<i32>} : memref<16xf32, #tpu.memory_space<vmem>>, vector<16xf32>,
    %get3A_212 = arith.constant 0 : index
    %get3A_213 = tpu.vector_load %arg26[%get3A_212] {strides = array<i32>} : memref<16xf32, #tpu.memory_space<vmem>>, vector<16xf32>,
    %get3A_214 = arith.constant 0 : index
    %get3A_215 = tpu.vector_load %arg27[%get3A_214] {strides = array<i32>} : memref<16xf32, #tpu.memory_space<vmem>>, vector<16xf32>,
    %get3A_216 = arith.constant 0 : index
    %get3A_217 = tpu.vector_load %arg28[%get3A_216] {strides = array<i32>} : memref<16xf32, #tpu.memory_space<vmem>>, vector<16xf32>,
    %get3A_218 = arith.constant 0 : index
    %get3A_219 = tpu.vector_load %arg29[%get3A_218] {strides = array<i32>} : memref<16xf32, #tpu.memory_space<vmem>>, vector<16xf32>,
    %get3A_220 = arith.constant 0 : index
    %get3A_221 = tpu.vector_load %arg30[%get3A_220] {strides = array<i32>} : memref<16xf32, #tpu.memory_space<vmem>>, vector<16xf32>,
    %add3A_222 = arith.constant 0 : i32
    %add3A_223 = arith.addi %mul3A_2, %add3A_222 : i32
    %dma_start3A_224 = tpu.memref_slice %arg2[%add3A_223] : memref<4194304xf32, #tpu.memory_space<hbm>> -> memref<16384xf32, #tpu.memory_space<hbm>>
    %dma_start3A_225 = tpu.memref_slice %arg2[%add3A_223] : memref<4194304xf32, #tpu.memory_space<hbm>> -> memref<16384xf32, #tpu.memory_space<hbm>>
    tpu.enqueue_dma source(%dma_start3A_225 : memref<16384xf32, #tpu.memory_space<hbm>>) target(%arg31 : memref<16384xf32, #tpu.memory_space<vmem>>) target_semaphore(%arg36 : memref<!tpu.dma_semaphore, #tpu.memory_space<semaphore_mem>>)
    %scan3A = arith.constant 0 : i32
    %scan3A_226 = arith.constant 0 : i32
    %scan3A_227 = arith.constant 4 : i32
    %scan3A_228 = arith.addi %scan3A_226, %scan3A_227 : i32
    %scan3A_229 = arith.constant 1 : i32
    scf.for %scan3A_239 = %scan3A_226 to %scan3A_228 step %scan3A_229  : i32 {
      %mul3A_240 = arith.constant 2 : i32
      %mul3A_241 = arith.muli %scan3A_239, %mul3A_240 : i32
      %add3A_242 = arith.constant 1 : i32
      %add3A_243 = arith.addi %mul3A_241, %add3A_242 : i32
      %mul3A_244 = arith.constant 16384 : i32
      %mul3A_245 = arith.muli %mul3A_241, %mul3A_244 : i32
      %add3A_246 = arith.addi %mul3A_2, %mul3A_245 : i32
      %dma_wait3A_247 = tpu.memref_slice %arg2[%add3A_246] : memref<4194304xf32, #tpu.memory_space<hbm>> -> memref<16384xf32, #tpu.memory_space<hbm>>
      %dma_wait3A_248 = tpu.memref_slice %arg2[%add3A_246] : memref<4194304xf32, #tpu.memory_space<hbm>> -> memref<16384xf32, #tpu.memory_space<hbm>>
      tpu.wait_dma2 semaphore(%arg36 : memref<!tpu.dma_semaphore, #tpu.memory_space<semaphore_mem>>) src(%dma_wait3A_248 : memref<16384xf32, #tpu.memory_space<hbm>>) dst(%arg31 : memref<16384xf32, #tpu.memory_space<vmem>>)
      %mul3A_249 = arith.constant 16384 : i32
      %mul3A_250 = arith.muli %add3A_243, %mul3A_249 : i32
      %add3A_251 = arith.addi %mul3A_2, %mul3A_250 : i32
      %dma_start3A_252 = tpu.memref_slice %arg2[%add3A_251] : memref<4194304xf32, #tpu.memory_space<hbm>> -> memref<16384xf32, #tpu.memory_space<hbm>>
      %dma_start3A_253 = tpu.memref_slice %arg2[%add3A_251] : memref<4194304xf32, #tpu.memory_space<hbm>> -> memref<16384xf32, #tpu.memory_space<hbm>>
      tpu.enqueue_dma source(%dma_start3A_253 : memref<16384xf32, #tpu.memory_space<hbm>>) target(%arg32 : memref<16384xf32, #tpu.memory_space<vmem>>) target_semaphore(%arg37 : memref<!tpu.dma_semaphore, #tpu.memory_space<semaphore_mem>>)
      %gt3A = arith.constant 0 : i32
      %gt3A_254 = arith.cmpi sgt, %scan3A_239, %gt3A : i32
      %convert_element_type3A = arith.extui %gt3A_254 : i1 to i32
      %cond3A = arith.constant 0 : i32
      %cond3A_255 = arith.cmpi ne, %convert_element_type3A, %cond3A : i32
      scf.if %cond3A_255 {
        %sub3A = arith.constant 2 : i32
        %sub3A_285 = arith.subi %mul3A_241, %sub3A : i32
        %mul3A_286 = arith.constant 16384 : i32
        %mul3A_287 = arith.muli %sub3A_285, %mul3A_286 : i32
        %add3A_288 = arith.addi %mul3A_2, %mul3A_287 : i32
        %dma_wait3A_289 = tpu.memref_slice %arg4[%add3A_288] : memref<4194304xf32, #tpu.memory_space<hbm>> -> memref<16384xf32, #tpu.memory_space<hbm>>
        %dma_wait3A_290 = tpu.memref_slice %arg4[%add3A_288] : memref<4194304xf32, #tpu.memory_space<hbm>> -> memref<16384xf32, #tpu.memory_space<hbm>>
        tpu.wait_dma2 semaphore(%arg38 : memref<!tpu.dma_semaphore, #tpu.memory_space<semaphore_mem>>) src(%arg33 : memref<16384xf32, #tpu.memory_space<vmem>>) dst(%dma_wait3A_290 : memref<16384xf32, #tpu.memory_space<hbm>>)
      } else {
      }
      %parallel_loop3A = arith.constant 0 : i32
      %parallel_loop3A_256 = arith.constant 256 : i32
      %parallel_loop3A_257 = arith.constant 1 : i32
      scf.for %parallel_loop3A_285 = %parallel_loop3A to %parallel_loop3A_256 step %parallel_loop3A_257  : i32 {
        %parallel_loop3A_286 = arith.constant 4 : i32
        %parallel_loop3A_287 = arith.muli %parallel_loop3A_285, %parallel_loop3A_286 : i32
        %parallel_loop3A_288 = arith.constant 0 : i32
        %parallel_loop3A_289 = arith.addi %parallel_loop3A_287, %parallel_loop3A_288 : i32
        %parallel_loop3A_290 = arith.constant 16 : i32
        %parallel_loop3A_291 = arith.muli %parallel_loop3A_289, %parallel_loop3A_290 : i32
        %parallel_loop3A_292 = arith.index_cast %parallel_loop3A_291 : i32 to index
        %parallel_loop3A_293 = tpu.vector_load %arg31[%parallel_loop3A_292] {strides = array<i32>} : memref<16384xf32, #tpu.memory_space<vmem>>, vector<16xf32>,
        %parallel_loop3A_294 = arith.constant 4 : i32
        %parallel_loop3A_295 = arith.muli %parallel_loop3A_285, %parallel_loop3A_294 : i32
        %parallel_loop3A_296 = arith.constant 1 : i32
        %parallel_loop3A_297 = arith.addi %parallel_loop3A_295, %parallel_loop3A_296 : i32
        %parallel_loop3A_298 = arith.constant 16 : i32
        %parallel_loop3A_299 = arith.muli %parallel_loop3A_297, %parallel_loop3A_298 : i32
        %parallel_loop3A_300 = arith.index_cast %parallel_loop3A_299 : i32 to index
        %parallel_loop3A_301 = tpu.vector_load %arg31[%parallel_loop3A_300] {strides = array<i32>} : memref<16384xf32, #tpu.memory_space<vmem>>, vector<16xf32>,
        %parallel_loop3A_302 = arith.constant 4 : i32
        %parallel_loop3A_303 = arith.muli %parallel_loop3A_285, %parallel_loop3A_302 : i32
        %parallel_loop3A_304 = arith.constant 2 : i32
        %parallel_loop3A_305 = arith.addi %parallel_loop3A_303, %parallel_loop3A_304 : i32
        %parallel_loop3A_306 = arith.constant 16 : i32
        %parallel_loop3A_307 = arith.muli %parallel_loop3A_305, %parallel_loop3A_306 : i32
        %parallel_loop3A_308 = arith.index_cast %parallel_loop3A_307 : i32 to index
        %parallel_loop3A_309 = tpu.vector_load %arg31[%parallel_loop3A_308] {strides = array<i32>} : memref<16384xf32, #tpu.memory_space<vmem>>, vector<16xf32>,
        %parallel_loop3A_310 = arith.constant 4 : i32
        %parallel_loop3A_311 = arith.muli %parallel_loop3A_285, %parallel_loop3A_310 : i32
        %parallel_loop3A_312 = arith.constant 3 : i32
        %parallel_loop3A_313 = arith.addi %parallel_loop3A_311, %parallel_loop3A_312 : i32
        %parallel_loop3A_314 = arith.constant 16 : i32
        %parallel_loop3A_315 = arith.muli %parallel_loop3A_313, %parallel_loop3A_314 : i32
        %parallel_loop3A_316 = arith.index_cast %parallel_loop3A_315 : i32 to index
        %parallel_loop3A_317 = tpu.vector_load %arg31[%parallel_loop3A_316] {strides = array<i32>} : memref<16384xf32, #tpu.memory_space<vmem>>, vector<16xf32>,
        %parallel_loop3A_318 = arith.cmpf ole, %get3A_209, %parallel_loop3A_293 : vector<16xf32>
        %parallel_loop3A_319 = arith.constant 2048 : i32
        %parallel_loop3A_320 = arith.constant 0 : i32
        %parallel_loop3A_321 = vector.broadcast %parallel_loop3A_319 : i32 to vector<16xi32>
        %parallel_loop3A_322 = vector.broadcast %parallel_loop3A_320 : i32 to vector<16xi32>
        %parallel_loop3A_323 = arith.select %parallel_loop3A_318, %parallel_loop3A_321, %parallel_loop3A_322 : vector<16xi1>, vector<16xi32>
        %parallel_loop3A_324 = arith.select %parallel_loop3A_318, %get3A_213, %get3A_211 : vector<16xi1>, vector<16xf32>
        %parallel_loop3A_325 = arith.cmpf ole, %parallel_loop3A_324, %parallel_loop3A_293 : vector<16xf32>
        %parallel_loop3A_326 = arith.constant 1024 : i32
        %parallel_loop3A_327 = vector.broadcast %parallel_loop3A_326 : i32 to vector<16xi32>
        %parallel_loop3A_328 = arith.addi %parallel_loop3A_323, %parallel_loop3A_327 : vector<16xi32>
        %parallel_loop3A_329 = arith.select %parallel_loop3A_325, %parallel_loop3A_328, %parallel_loop3A_323 : vector<16xi1>, vector<16xi32>
        %parallel_loop3A_330 = arith.select %parallel_loop3A_325, %get3A_217, %get3A_215 : vector<16xi1>, vector<16xf32>
        %parallel_loop3A_331 = arith.select %parallel_loop3A_325, %get3A_221, %get3A_219 : vector<16xi1>, vector<16xf32>
        %parallel_loop3A_332 = arith.select %parallel_loop3A_318, %parallel_loop3A_331, %parallel_loop3A_330 : vector<16xi1>, vector<16xf32>
        %parallel_loop3A_333 = arith.cmpf ole, %parallel_loop3A_332, %parallel_loop3A_293 : vector<16xf32>
        %parallel_loop3A_334 = arith.constant 512 : i32
        %parallel_loop3A_335 = vector.broadcast %parallel_loop3A_334 : i32 to vector<16xi32>
        %parallel_loop3A_336 = arith.addi %parallel_loop3A_329, %parallel_loop3A_335 : vector<16xi32>
        %parallel_loop3A_337 = arith.select %parallel_loop3A_333, %parallel_loop3A_336, %parallel_loop3A_329 : vector<16xi1>, vector<16xi32>
        %parallel_loop3A_338 = arith.cmpf ole, %get3A_209, %parallel_loop3A_301 : vector<16xf32>
        %parallel_loop3A_339 = arith.constant 2048 : i32
        %parallel_loop3A_340 = arith.constant 0 : i32
        %parallel_loop3A_341 = vector.broadcast %parallel_loop3A_339 : i32 to vector<16xi32>
        %parallel_loop3A_342 = vector.broadcast %parallel_loop3A_340 : i32 to vector<16xi32>
        %parallel_loop3A_343 = arith.select %parallel_loop3A_338, %parallel_loop3A_341, %parallel_loop3A_342 : vector<16xi1>, vector<16xi32>
        %parallel_loop3A_344 = arith.select %parallel_loop3A_338, %get3A_213, %get3A_211 : vector<16xi1>, vector<16xf32>
        %parallel_loop3A_345 = arith.cmpf ole, %parallel_loop3A_344, %parallel_loop3A_301 : vector<16xf32>
        %parallel_loop3A_346 = arith.constant 1024 : i32
        %parallel_loop3A_347 = vector.broadcast %parallel_loop3A_346 : i32 to vector<16xi32>
        %parallel_loop3A_348 = arith.addi %parallel_loop3A_343, %parallel_loop3A_347 : vector<16xi32>
        %parallel_loop3A_349 = arith.select %parallel_loop3A_345, %parallel_loop3A_348, %parallel_loop3A_343 : vector<16xi1>, vector<16xi32>
        %parallel_loop3A_350 = arith.select %parallel_loop3A_345, %get3A_217, %get3A_215 : vector<16xi1>, vector<16xf32>
        %parallel_loop3A_351 = arith.select %parallel_loop3A_345, %get3A_221, %get3A_219 : vector<16xi1>, vector<16xf32>
        %parallel_loop3A_352 = arith.select %parallel_loop3A_338, %parallel_loop3A_351, %parallel_loop3A_350 : vector<16xi1>, vector<16xf32>
        %parallel_loop3A_353 = arith.cmpf ole, %parallel_loop3A_352, %parallel_loop3A_301 : vector<16xf32>
        %parallel_loop3A_354 = arith.constant 512 : i32
        %parallel_loop3A_355 = vector.broadcast %parallel_loop3A_354 : i32 to vector<16xi32>
        %parallel_loop3A_356 = arith.addi %parallel_loop3A_349, %parallel_loop3A_355 : vector<16xi32>
        %parallel_loop3A_357 = arith.select %parallel_loop3A_353, %parallel_loop3A_356, %parallel_loop3A_349 : vector<16xi1>, vector<16xi32>
        %parallel_loop3A_358 = arith.cmpf ole, %get3A_209, %parallel_loop3A_309 : vector<16xf32>
        %parallel_loop3A_359 = arith.constant 2048 : i32
        %parallel_loop3A_360 = arith.constant 0 : i32
        %parallel_loop3A_361 = vector.broadcast %parallel_loop3A_359 : i32 to vector<16xi32>
        %parallel_loop3A_362 = vector.broadcast %parallel_loop3A_360 : i32 to vector<16xi32>
        %parallel_loop3A_363 = arith.select %parallel_loop3A_358, %parallel_loop3A_361, %parallel_loop3A_362 : vector<16xi1>, vector<16xi32>
        %parallel_loop3A_364 = arith.select %parallel_loop3A_358, %get3A_213, %get3A_211 : vector<16xi1>, vector<16xf32>
        %parallel_loop3A_365 = arith.cmpf ole, %parallel_loop3A_364, %parallel_loop3A_309 : vector<16xf32>
        %parallel_loop3A_366 = arith.constant 1024 : i32
        %parallel_loop3A_367 = vector.broadcast %parallel_loop3A_366 : i32 to vector<16xi32>
        %parallel_loop3A_368 = arith.addi %parallel_loop3A_363, %parallel_loop3A_367 : vector<16xi32>
        %parallel_loop3A_369 = arith.select %parallel_loop3A_365, %parallel_loop3A_368, %parallel_loop3A_363 : vector<16xi1>, vector<16xi32>
        %parallel_loop3A_370 = arith.select %parallel_loop3A_365, %get3A_217, %get3A_215 : vector<16xi1>, vector<16xf32>
        %parallel_loop3A_371 = arith.select %parallel_loop3A_365, %get3A_221, %get3A_219 : vector<16xi1>, vector<16xf32>
        %parallel_loop3A_372 = arith.select %parallel_loop3A_358, %parallel_loop3A_371, %parallel_loop3A_370 : vector<16xi1>, vector<16xf32>
        %parallel_loop3A_373 = arith.cmpf ole, %parallel_loop3A_372, %parallel_loop3A_309 : vector<16xf32>
        %parallel_loop3A_374 = arith.constant 512 : i32
        %parallel_loop3A_375 = vector.broadcast %parallel_loop3A_374 : i32 to vector<16xi32>
        %parallel_loop3A_376 = arith.addi %parallel_loop3A_369, %parallel_loop3A_375 : vector<16xi32>
        %parallel_loop3A_377 = arith.select %parallel_loop3A_373, %parallel_loop3A_376, %parallel_loop3A_369 : vector<16xi1>, vector<16xi32>
        %parallel_loop3A_378 = arith.cmpf ole, %get3A_209, %parallel_loop3A_317 : vector<16xf32>
        %parallel_loop3A_379 = arith.constant 2048 : i32
        %parallel_loop3A_380 = arith.constant 0 : i32
        %parallel_loop3A_381 = vector.broadcast %parallel_loop3A_379 : i32 to vector<16xi32>
        %parallel_loop3A_382 = vector.broadcast %parallel_loop3A_380 : i32 to vector<16xi32>
        %parallel_loop3A_383 = arith.select %parallel_loop3A_378, %parallel_loop3A_381, %parallel_loop3A_382 : vector<16xi1>, vector<16xi32>
        %parallel_loop3A_384 = arith.select %parallel_loop3A_378, %get3A_213, %get3A_211 : vector<16xi1>, vector<16xf32>
        %parallel_loop3A_385 = arith.cmpf ole, %parallel_loop3A_384, %parallel_loop3A_317 : vector<16xf32>
        %parallel_loop3A_386 = arith.constant 1024 : i32
        %parallel_loop3A_387 = vector.broadcast %parallel_loop3A_386 : i32 to vector<16xi32>
        %parallel_loop3A_388 = arith.addi %parallel_loop3A_383, %parallel_loop3A_387 : vector<16xi32>
        %parallel_loop3A_389 = arith.select %parallel_loop3A_385, %parallel_loop3A_388, %parallel_loop3A_383 : vector<16xi1>, vector<16xi32>
        %parallel_loop3A_390 = arith.select %parallel_loop3A_385, %get3A_217, %get3A_215 : vector<16xi1>, vector<16xf32>
        %parallel_loop3A_391 = arith.select %parallel_loop3A_385, %get3A_221, %get3A_219 : vector<16xi1>, vector<16xf32>
        %parallel_loop3A_392 = arith.select %parallel_loop3A_378, %parallel_loop3A_391, %parallel_loop3A_390 : vector<16xi1>, vector<16xf32>
        %parallel_loop3A_393 = arith.cmpf ole, %parallel_loop3A_392, %parallel_loop3A_317 : vector<16xf32>
        %parallel_loop3A_394 = arith.constant 512 : i32
        %parallel_loop3A_395 = vector.broadcast %parallel_loop3A_394 : i32 to vector<16xi32>
        %parallel_loop3A_396 = arith.addi %parallel_loop3A_389, %parallel_loop3A_395 : vector<16xi32>
        %parallel_loop3A_397 = arith.select %parallel_loop3A_393, %parallel_loop3A_396, %parallel_loop3A_389 : vector<16xi1>, vector<16xi32>
        %parallel_loop3A_398 = arith.constant 9 : i32
        %parallel_loop3A_399 = vector.broadcast %parallel_loop3A_398 : i32 to vector<16xi32>
        %parallel_loop3A_400 = arith.shrsi %parallel_loop3A_337, %parallel_loop3A_399 : vector<16xi32>
        %parallel_loop3A_401 = arith.constant 9 : i32
        %parallel_loop3A_402 = vector.broadcast %parallel_loop3A_401 : i32 to vector<16xi32>
        %parallel_loop3A_403 = arith.shrsi %parallel_loop3A_357, %parallel_loop3A_402 : vector<16xi32>
        %parallel_loop3A_404 = arith.constant 9 : i32
        %parallel_loop3A_405 = vector.broadcast %parallel_loop3A_404 : i32 to vector<16xi32>
        %parallel_loop3A_406 = arith.shrsi %parallel_loop3A_377, %parallel_loop3A_405 : vector<16xi32>
        %parallel_loop3A_407 = arith.constant 9 : i32
        %parallel_loop3A_408 = vector.broadcast %parallel_loop3A_407 : i32 to vector<16xi32>
        %parallel_loop3A_409 = arith.shrsi %parallel_loop3A_397, %parallel_loop3A_408 : vector<16xi32>
        %parallel_loop3A_410 = tpu.vector_load_idx %arg5[%parallel_loop3A_400] : memref<8xf32, #tpu.memory_space<vmem>>[vector<16xi32>], vector<16xf32>,
        %parallel_loop3A_411 = tpu.vector_load_idx %arg5[%parallel_loop3A_403] : memref<8xf32, #tpu.memory_space<vmem>>[vector<16xi32>], vector<16xf32>,
        %parallel_loop3A_412 = tpu.vector_load_idx %arg5[%parallel_loop3A_406] : memref<8xf32, #tpu.memory_space<vmem>>[vector<16xi32>], vector<16xf32>,
        %parallel_loop3A_413 = tpu.vector_load_idx %arg5[%parallel_loop3A_409] : memref<8xf32, #tpu.memory_space<vmem>>[vector<16xi32>], vector<16xf32>,
        %parallel_loop3A_414 = arith.cmpf ole, %parallel_loop3A_410, %parallel_loop3A_293 : vector<16xf32>
        %parallel_loop3A_415 = arith.constant 256 : i32
        %parallel_loop3A_416 = vector.broadcast %parallel_loop3A_415 : i32 to vector<16xi32>
        %parallel_loop3A_417 = arith.addi %parallel_loop3A_337, %parallel_loop3A_416 : vector<16xi32>
        %parallel_loop3A_418 = arith.select %parallel_loop3A_414, %parallel_loop3A_417, %parallel_loop3A_337 : vector<16xi1>, vector<16xi32>
        %parallel_loop3A_419 = arith.cmpf ole, %parallel_loop3A_411, %parallel_loop3A_301 : vector<16xf32>
        %parallel_loop3A_420 = arith.constant 256 : i32
        %parallel_loop3A_421 = vector.broadcast %parallel_loop3A_420 : i32 to vector<16xi32>
        %parallel_loop3A_422 = arith.addi %parallel_loop3A_357, %parallel_loop3A_421 : vector<16xi32>
        %parallel_loop3A_423 = arith.select %parallel_loop3A_419, %parallel_loop3A_422, %parallel_loop3A_357 : vector<16xi1>, vector<16xi32>
        %parallel_loop3A_424 = arith.cmpf ole, %parallel_loop3A_412, %parallel_loop3A_309 : vector<16xf32>
        %parallel_loop3A_425 = arith.constant 256 : i32
        %parallel_loop3A_426 = vector.broadcast %parallel_loop3A_425 : i32 to vector<16xi32>
        %parallel_loop3A_427 = arith.addi %parallel_loop3A_377, %parallel_loop3A_426 : vector<16xi32>
        %parallel_loop3A_428 = arith.select %parallel_loop3A_424, %parallel_loop3A_427, %parallel_loop3A_377 : vector<16xi1>, vector<16xi32>
        %parallel_loop3A_429 = arith.cmpf ole, %parallel_loop3A_413, %parallel_loop3A_317 : vector<16xf32>
        %parallel_loop3A_430 = arith.constant 256 : i32
        %parallel_loop3A_431 = vector.broadcast %parallel_loop3A_430 : i32 to vector<16xi32>
        %parallel_loop3A_432 = arith.addi %parallel_loop3A_397, %parallel_loop3A_431 : vector<16xi32>
        %parallel_loop3A_433 = arith.select %parallel_loop3A_429, %parallel_loop3A_432, %parallel_loop3A_397 : vector<16xi1>, vector<16xi32>
        %parallel_loop3A_434 = arith.constant 8 : i32
        %parallel_loop3A_435 = vector.broadcast %parallel_loop3A_434 : i32 to vector<16xi32>
        %parallel_loop3A_436 = arith.shrsi %parallel_loop3A_418, %parallel_loop3A_435 : vector<16xi32>
        %parallel_loop3A_437 = arith.constant 8 : i32
        %parallel_loop3A_438 = vector.broadcast %parallel_loop3A_437 : i32 to vector<16xi32>
        %parallel_loop3A_439 = arith.shrsi %parallel_loop3A_423, %parallel_loop3A_438 : vector<16xi32>
        %parallel_loop3A_440 = arith.constant 8 : i32
        %parallel_loop3A_441 = vector.broadcast %parallel_loop3A_440 : i32 to vector<16xi32>
        %parallel_loop3A_442 = arith.shrsi %parallel_loop3A_428, %parallel_loop3A_441 : vector<16xi32>
        %parallel_loop3A_443 = arith.constant 8 : i32
        %parallel_loop3A_444 = vector.broadcast %parallel_loop3A_443 : i32 to vector<16xi32>
        %parallel_loop3A_445 = arith.shrsi %parallel_loop3A_433, %parallel_loop3A_444 : vector<16xi32>
        %parallel_loop3A_446 = tpu.vector_load_idx %arg6[%parallel_loop3A_436] : memref<16xf32, #tpu.memory_space<vmem>>[vector<16xi32>], vector<16xf32>,
        %parallel_loop3A_447 = tpu.vector_load_idx %arg6[%parallel_loop3A_439] : memref<16xf32, #tpu.memory_space<vmem>>[vector<16xi32>], vector<16xf32>,
        %parallel_loop3A_448 = tpu.vector_load_idx %arg6[%parallel_loop3A_442] : memref<16xf32, #tpu.memory_space<vmem>>[vector<16xi32>], vector<16xf32>,
        %parallel_loop3A_449 = tpu.vector_load_idx %arg6[%parallel_loop3A_445] : memref<16xf32, #tpu.memory_space<vmem>>[vector<16xi32>], vector<16xf32>,
        %parallel_loop3A_450 = arith.cmpf ole, %parallel_loop3A_446, %parallel_loop3A_293 : vector<16xf32>
        %parallel_loop3A_451 = arith.constant 128 : i32
        %parallel_loop3A_452 = vector.broadcast %parallel_loop3A_451 : i32 to vector<16xi32>
        %parallel_loop3A_453 = arith.addi %parallel_loop3A_418, %parallel_loop3A_452 : vector<16xi32>
        %parallel_loop3A_454 = arith.select %parallel_loop3A_450, %parallel_loop3A_453, %parallel_loop3A_418 : vector<16xi1>, vector<16xi32>
        %parallel_loop3A_455 = arith.cmpf ole, %parallel_loop3A_447, %parallel_loop3A_301 : vector<16xf32>
        %parallel_loop3A_456 = arith.constant 128 : i32
        %parallel_loop3A_457 = vector.broadcast %parallel_loop3A_456 : i32 to vector<16xi32>
        %parallel_loop3A_458 = arith.addi %parallel_loop3A_423, %parallel_loop3A_457 : vector<16xi32>
        %parallel_loop3A_459 = arith.select %parallel_loop3A_455, %parallel_loop3A_458, %parallel_loop3A_423 : vector<16xi1>, vector<16xi32>
        %parallel_loop3A_460 = arith.cmpf ole, %parallel_loop3A_448, %parallel_loop3A_309 : vector<16xf32>
        %parallel_loop3A_461 = arith.constant 128 : i32
        %parallel_loop3A_462 = vector.broadcast %parallel_loop3A_461 : i32 to vector<16xi32>
        %parallel_loop3A_463 = arith.addi %parallel_loop3A_428, %parallel_loop3A_462 : vector<16xi32>
        %parallel_loop3A_464 = arith.select %parallel_loop3A_460, %parallel_loop3A_463, %parallel_loop3A_428 : vector<16xi1>, vector<16xi32>
        %parallel_loop3A_465 = arith.cmpf ole, %parallel_loop3A_449, %parallel_loop3A_317 : vector<16xf32>
        %parallel_loop3A_466 = arith.constant 128 : i32
        %parallel_loop3A_467 = vector.broadcast %parallel_loop3A_466 : i32 to vector<16xi32>
        %parallel_loop3A_468 = arith.addi %parallel_loop3A_433, %parallel_loop3A_467 : vector<16xi32>
        %parallel_loop3A_469 = arith.select %parallel_loop3A_465, %parallel_loop3A_468, %parallel_loop3A_433 : vector<16xi1>, vector<16xi32>
        %parallel_loop3A_470 = arith.constant 7 : i32
        %parallel_loop3A_471 = vector.broadcast %parallel_loop3A_470 : i32 to vector<16xi32>
        %parallel_loop3A_472 = arith.shrsi %parallel_loop3A_454, %parallel_loop3A_471 : vector<16xi32>
        %parallel_loop3A_473 = arith.constant 7 : i32
        %parallel_loop3A_474 = vector.broadcast %parallel_loop3A_473 : i32 to vector<16xi32>
        %parallel_loop3A_475 = arith.shrsi %parallel_loop3A_459, %parallel_loop3A_474 : vector<16xi32>
        %parallel_loop3A_476 = arith.constant 7 : i32
        %parallel_loop3A_477 = vector.broadcast %parallel_loop3A_476 : i32 to vector<16xi32>
        %parallel_loop3A_478 = arith.shrsi %parallel_loop3A_464, %parallel_loop3A_477 : vector<16xi32>
        %parallel_loop3A_479 = arith.constant 7 : i32
        %parallel_loop3A_480 = vector.broadcast %parallel_loop3A_479 : i32 to vector<16xi32>
        %parallel_loop3A_481 = arith.shrsi %parallel_loop3A_469, %parallel_loop3A_480 : vector<16xi32>
        %parallel_loop3A_482 = tpu.vector_load_idx %arg7[%parallel_loop3A_472] : memref<32xf32, #tpu.memory_space<vmem>>[vector<16xi32>], vector<16xf32>,
        %parallel_loop3A_483 = tpu.vector_load_idx %arg7[%parallel_loop3A_475] : memref<32xf32, #tpu.memory_space<vmem>>[vector<16xi32>], vector<16xf32>,
        %parallel_loop3A_484 = tpu.vector_load_idx %arg7[%parallel_loop3A_478] : memref<32xf32, #tpu.memory_space<vmem>>[vector<16xi32>], vector<16xf32>,
        %parallel_loop3A_485 = tpu.vector_load_idx %arg7[%parallel_loop3A_481] : memref<32xf32, #tpu.memory_space<vmem>>[vector<16xi32>], vector<16xf32>,
        %parallel_loop3A_486 = arith.cmpf ole, %parallel_loop3A_482, %parallel_loop3A_293 : vector<16xf32>
        %parallel_loop3A_487 = arith.constant 64 : i32
        %parallel_loop3A_488 = vector.broadcast %parallel_loop3A_487 : i32 to vector<16xi32>
        %parallel_loop3A_489 = arith.addi %parallel_loop3A_454, %parallel_loop3A_488 : vector<16xi32>
        %parallel_loop3A_490 = arith.select %parallel_loop3A_486, %parallel_loop3A_489, %parallel_loop3A_454 : vector<16xi1>, vector<16xi32>
        %parallel_loop3A_491 = arith.cmpf ole, %parallel_loop3A_483, %parallel_loop3A_301 : vector<16xf32>
        %parallel_loop3A_492 = arith.constant 64 : i32
        %parallel_loop3A_493 = vector.broadcast %parallel_loop3A_492 : i32 to vector<16xi32>
        %parallel_loop3A_494 = arith.addi %parallel_loop3A_459, %parallel_loop3A_493 : vector<16xi32>
        %parallel_loop3A_495 = arith.select %parallel_loop3A_491, %parallel_loop3A_494, %parallel_loop3A_459 : vector<16xi1>, vector<16xi32>
        %parallel_loop3A_496 = arith.cmpf ole, %parallel_loop3A_484, %parallel_loop3A_309 : vector<16xf32>
        %parallel_loop3A_497 = arith.constant 64 : i32
        %parallel_loop3A_498 = vector.broadcast %parallel_loop3A_497 : i32 to vector<16xi32>
        %parallel_loop3A_499 = arith.addi %parallel_loop3A_464, %parallel_loop3A_498 : vector<16xi32>
        %parallel_loop3A_500 = arith.select %parallel_loop3A_496, %parallel_loop3A_499, %parallel_loop3A_464 : vector<16xi1>, vector<16xi32>
        %parallel_loop3A_501 = arith.cmpf ole, %parallel_loop3A_485, %parallel_loop3A_317 : vector<16xf32>
        %parallel_loop3A_502 = arith.constant 64 : i32
        %parallel_loop3A_503 = vector.broadcast %parallel_loop3A_502 : i32 to vector<16xi32>
        %parallel_loop3A_504 = arith.addi %parallel_loop3A_469, %parallel_loop3A_503 : vector<16xi32>
        %parallel_loop3A_505 = arith.select %parallel_loop3A_501, %parallel_loop3A_504, %parallel_loop3A_469 : vector<16xi1>, vector<16xi32>
        %parallel_loop3A_506 = arith.constant 6 : i32
        %parallel_loop3A_507 = vector.broadcast %parallel_loop3A_506 : i32 to vector<16xi32>
        %parallel_loop3A_508 = arith.shrsi %parallel_loop3A_490, %parallel_loop3A_507 : vector<16xi32>
        %parallel_loop3A_509 = arith.constant 6 : i32
        %parallel_loop3A_510 = vector.broadcast %parallel_loop3A_509 : i32 to vector<16xi32>
        %parallel_loop3A_511 = arith.shrsi %parallel_loop3A_495, %parallel_loop3A_510 : vector<16xi32>
        %parallel_loop3A_512 = arith.constant 6 : i32
        %parallel_loop3A_513 = vector.broadcast %parallel_loop3A_512 : i32 to vector<16xi32>
        %parallel_loop3A_514 = arith.shrsi %parallel_loop3A_500, %parallel_loop3A_513 : vector<16xi32>
        %parallel_loop3A_515 = arith.constant 6 : i32
        %parallel_loop3A_516 = vector.broadcast %parallel_loop3A_515 : i32 to vector<16xi32>
        %parallel_loop3A_517 = arith.shrsi %parallel_loop3A_505, %parallel_loop3A_516 : vector<16xi32>
        %parallel_loop3A_518 = tpu.vector_load_idx %arg8[%parallel_loop3A_508] : memref<64xf32, #tpu.memory_space<vmem>>[vector<16xi32>], vector<16xf32>,
        %parallel_loop3A_519 = tpu.vector_load_idx %arg8[%parallel_loop3A_511] : memref<64xf32, #tpu.memory_space<vmem>>[vector<16xi32>], vector<16xf32>,
        %parallel_loop3A_520 = tpu.vector_load_idx %arg8[%parallel_loop3A_514] : memref<64xf32, #tpu.memory_space<vmem>>[vector<16xi32>], vector<16xf32>,
        %parallel_loop3A_521 = tpu.vector_load_idx %arg8[%parallel_loop3A_517] : memref<64xf32, #tpu.memory_space<vmem>>[vector<16xi32>], vector<16xf32>,
        %parallel_loop3A_522 = arith.cmpf ole, %parallel_loop3A_518, %parallel_loop3A_293 : vector<16xf32>
        %parallel_loop3A_523 = arith.constant 32 : i32
        %parallel_loop3A_524 = vector.broadcast %parallel_loop3A_523 : i32 to vector<16xi32>
        %parallel_loop3A_525 = arith.addi %parallel_loop3A_490, %parallel_loop3A_524 : vector<16xi32>
        %parallel_loop3A_526 = arith.select %parallel_loop3A_522, %parallel_loop3A_525, %parallel_loop3A_490 : vector<16xi1>, vector<16xi32>
        %parallel_loop3A_527 = arith.cmpf ole, %parallel_loop3A_519, %parallel_loop3A_301 : vector<16xf32>
        %parallel_loop3A_528 = arith.constant 32 : i32
        %parallel_loop3A_529 = vector.broadcast %parallel_loop3A_528 : i32 to vector<16xi32>
        %parallel_loop3A_530 = arith.addi %parallel_loop3A_495, %parallel_loop3A_529 : vector<16xi32>
        %parallel_loop3A_531 = arith.select %parallel_loop3A_527, %parallel_loop3A_530, %parallel_loop3A_495 : vector<16xi1>, vector<16xi32>
        %parallel_loop3A_532 = arith.cmpf ole, %parallel_loop3A_520, %parallel_loop3A_309 : vector<16xf32>
        %parallel_loop3A_533 = arith.constant 32 : i32
        %parallel_loop3A_534 = vector.broadcast %parallel_loop3A_533 : i32 to vector<16xi32>
        %parallel_loop3A_535 = arith.addi %parallel_loop3A_500, %parallel_loop3A_534 : vector<16xi32>
        %parallel_loop3A_536 = arith.select %parallel_loop3A_532, %parallel_loop3A_535, %parallel_loop3A_500 : vector<16xi1>, vector<16xi32>
        %parallel_loop3A_537 = arith.cmpf ole, %parallel_loop3A_521, %parallel_loop3A_317 : vector<16xf32>
        %parallel_loop3A_538 = arith.constant 32 : i32
        %parallel_loop3A_539 = vector.broadcast %parallel_loop3A_538 : i32 to vector<16xi32>
        %parallel_loop3A_540 = arith.addi %parallel_loop3A_505, %parallel_loop3A_539 : vector<16xi32>
        %parallel_loop3A_541 = arith.select %parallel_loop3A_537, %parallel_loop3A_540, %parallel_loop3A_505 : vector<16xi1>, vector<16xi32>
        %parallel_loop3A_542 = arith.constant 5 : i32
        %parallel_loop3A_543 = vector.broadcast %parallel_loop3A_542 : i32 to vector<16xi32>
        %parallel_loop3A_544 = arith.shrsi %parallel_loop3A_526, %parallel_loop3A_543 : vector<16xi32>
        %parallel_loop3A_545 = arith.constant 5 : i32
        %parallel_loop3A_546 = vector.broadcast %parallel_loop3A_545 : i32 to vector<16xi32>
        %parallel_loop3A_547 = arith.shrsi %parallel_loop3A_531, %parallel_loop3A_546 : vector<16xi32>
        %parallel_loop3A_548 = arith.constant 5 : i32
        %parallel_loop3A_549 = vector.broadcast %parallel_loop3A_548 : i32 to vector<16xi32>
        %parallel_loop3A_550 = arith.shrsi %parallel_loop3A_536, %parallel_loop3A_549 : vector<16xi32>
        %parallel_loop3A_551 = arith.constant 5 : i32
        %parallel_loop3A_552 = vector.broadcast %parallel_loop3A_551 : i32 to vector<16xi32>
        %parallel_loop3A_553 = arith.shrsi %parallel_loop3A_541, %parallel_loop3A_552 : vector<16xi32>
        %parallel_loop3A_554 = tpu.vector_load_idx %arg9[%parallel_loop3A_544] : memref<128xf32, #tpu.memory_space<vmem>>[vector<16xi32>], vector<16xf32>,
        %parallel_loop3A_555 = tpu.vector_load_idx %arg9[%parallel_loop3A_547] : memref<128xf32, #tpu.memory_space<vmem>>[vector<16xi32>], vector<16xf32>,
        %parallel_loop3A_556 = tpu.vector_load_idx %arg9[%parallel_loop3A_550] : memref<128xf32, #tpu.memory_space<vmem>>[vector<16xi32>], vector<16xf32>,
        %parallel_loop3A_557 = tpu.vector_load_idx %arg9[%parallel_loop3A_553] : memref<128xf32, #tpu.memory_space<vmem>>[vector<16xi32>], vector<16xf32>,
        %parallel_loop3A_558 = arith.cmpf ole, %parallel_loop3A_554, %parallel_loop3A_293 : vector<16xf32>
        %parallel_loop3A_559 = arith.constant 16 : i32
        %parallel_loop3A_560 = vector.broadcast %parallel_loop3A_559 : i32 to vector<16xi32>
        %parallel_loop3A_561 = arith.addi %parallel_loop3A_526, %parallel_loop3A_560 : vector<16xi32>
        %parallel_loop3A_562 = arith.select %parallel_loop3A_558, %parallel_loop3A_561, %parallel_loop3A_526 : vector<16xi1>, vector<16xi32>
        %parallel_loop3A_563 = arith.cmpf ole, %parallel_loop3A_555, %parallel_loop3A_301 : vector<16xf32>
        %parallel_loop3A_564 = arith.constant 16 : i32
        %parallel_loop3A_565 = vector.broadcast %parallel_loop3A_564 : i32 to vector<16xi32>
        %parallel_loop3A_566 = arith.addi %parallel_loop3A_531, %parallel_loop3A_565 : vector<16xi32>
        %parallel_loop3A_567 = arith.select %parallel_loop3A_563, %parallel_loop3A_566, %parallel_loop3A_531 : vector<16xi1>, vector<16xi32>
        %parallel_loop3A_568 = arith.cmpf ole, %parallel_loop3A_556, %parallel_loop3A_309 : vector<16xf32>
        %parallel_loop3A_569 = arith.constant 16 : i32
        %parallel_loop3A_570 = vector.broadcast %parallel_loop3A_569 : i32 to vector<16xi32>
        %parallel_loop3A_571 = arith.addi %parallel_loop3A_536, %parallel_loop3A_570 : vector<16xi32>
        %parallel_loop3A_572 = arith.select %parallel_loop3A_568, %parallel_loop3A_571, %parallel_loop3A_536 : vector<16xi1>, vector<16xi32>
        %parallel_loop3A_573 = arith.cmpf ole, %parallel_loop3A_557, %parallel_loop3A_317 : vector<16xf32>
        %parallel_loop3A_574 = arith.constant 16 : i32
        %parallel_loop3A_575 = vector.broadcast %parallel_loop3A_574 : i32 to vector<16xi32>
        %parallel_loop3A_576 = arith.addi %parallel_loop3A_541, %parallel_loop3A_575 : vector<16xi32>
        %parallel_loop3A_577 = arith.select %parallel_loop3A_573, %parallel_loop3A_576, %parallel_loop3A_541 : vector<16xi1>, vector<16xi32>
        %parallel_loop3A_578 = arith.constant 4 : i32
        %parallel_loop3A_579 = vector.broadcast %parallel_loop3A_578 : i32 to vector<16xi32>
        %parallel_loop3A_580 = arith.shrsi %parallel_loop3A_562, %parallel_loop3A_579 : vector<16xi32>
        %parallel_loop3A_581 = arith.constant 4 : i32
        %parallel_loop3A_582 = vector.broadcast %parallel_loop3A_581 : i32 to vector<16xi32>
        %parallel_loop3A_583 = arith.shrsi %parallel_loop3A_567, %parallel_loop3A_582 : vector<16xi32>
        %parallel_loop3A_584 = arith.constant 4 : i32
        %parallel_loop3A_585 = vector.broadcast %parallel_loop3A_584 : i32 to vector<16xi32>
        %parallel_loop3A_586 = arith.shrsi %parallel_loop3A_572, %parallel_loop3A_585 : vector<16xi32>
        %parallel_loop3A_587 = arith.constant 4 : i32
        %parallel_loop3A_588 = vector.broadcast %parallel_loop3A_587 : i32 to vector<16xi32>
        %parallel_loop3A_589 = arith.shrsi %parallel_loop3A_577, %parallel_loop3A_588 : vector<16xi32>
        %parallel_loop3A_590 = tpu.vector_load_idx %arg10[%parallel_loop3A_580] : memref<256xf32, #tpu.memory_space<vmem>>[vector<16xi32>], vector<16xf32>,
        %parallel_loop3A_591 = tpu.vector_load_idx %arg10[%parallel_loop3A_583] : memref<256xf32, #tpu.memory_space<vmem>>[vector<16xi32>], vector<16xf32>,
        %parallel_loop3A_592 = tpu.vector_load_idx %arg10[%parallel_loop3A_586] : memref<256xf32, #tpu.memory_space<vmem>>[vector<16xi32>], vector<16xf32>,
        %parallel_loop3A_593 = tpu.vector_load_idx %arg10[%parallel_loop3A_589] : memref<256xf32, #tpu.memory_space<vmem>>[vector<16xi32>], vector<16xf32>,
        %parallel_loop3A_594 = arith.cmpf ole, %parallel_loop3A_590, %parallel_loop3A_293 : vector<16xf32>
        %parallel_loop3A_595 = arith.constant 8 : i32
        %parallel_loop3A_596 = vector.broadcast %parallel_loop3A_595 : i32 to vector<16xi32>
        %parallel_loop3A_597 = arith.addi %parallel_loop3A_562, %parallel_loop3A_596 : vector<16xi32>
        %parallel_loop3A_598 = arith.select %parallel_loop3A_594, %parallel_loop3A_597, %parallel_loop3A_562 : vector<16xi1>, vector<16xi32>
        %parallel_loop3A_599 = arith.cmpf ole, %parallel_loop3A_591, %parallel_loop3A_301 : vector<16xf32>
        %parallel_loop3A_600 = arith.constant 8 : i32
        %parallel_loop3A_601 = vector.broadcast %parallel_loop3A_600 : i32 to vector<16xi32>
        %parallel_loop3A_602 = arith.addi %parallel_loop3A_567, %parallel_loop3A_601 : vector<16xi32>
        %parallel_loop3A_603 = arith.select %parallel_loop3A_599, %parallel_loop3A_602, %parallel_loop3A_567 : vector<16xi1>, vector<16xi32>
        %parallel_loop3A_604 = arith.cmpf ole, %parallel_loop3A_592, %parallel_loop3A_309 : vector<16xf32>
        %parallel_loop3A_605 = arith.constant 8 : i32
        %parallel_loop3A_606 = vector.broadcast %parallel_loop3A_605 : i32 to vector<16xi32>
        %parallel_loop3A_607 = arith.addi %parallel_loop3A_572, %parallel_loop3A_606 : vector<16xi32>
        %parallel_loop3A_608 = arith.select %parallel_loop3A_604, %parallel_loop3A_607, %parallel_loop3A_572 : vector<16xi1>, vector<16xi32>
        %parallel_loop3A_609 = arith.cmpf ole, %parallel_loop3A_593, %parallel_loop3A_317 : vector<16xf32>
        %parallel_loop3A_610 = arith.constant 8 : i32
        %parallel_loop3A_611 = vector.broadcast %parallel_loop3A_610 : i32 to vector<16xi32>
        %parallel_loop3A_612 = arith.addi %parallel_loop3A_577, %parallel_loop3A_611 : vector<16xi32>
        %parallel_loop3A_613 = arith.select %parallel_loop3A_609, %parallel_loop3A_612, %parallel_loop3A_577 : vector<16xi1>, vector<16xi32>
        %parallel_loop3A_614 = arith.constant 3 : i32
        %parallel_loop3A_615 = vector.broadcast %parallel_loop3A_614 : i32 to vector<16xi32>
        %parallel_loop3A_616 = arith.shrsi %parallel_loop3A_598, %parallel_loop3A_615 : vector<16xi32>
        %parallel_loop3A_617 = arith.constant 3 : i32
        %parallel_loop3A_618 = vector.broadcast %parallel_loop3A_617 : i32 to vector<16xi32>
        %parallel_loop3A_619 = arith.shrsi %parallel_loop3A_603, %parallel_loop3A_618 : vector<16xi32>
        %parallel_loop3A_620 = arith.constant 3 : i32
        %parallel_loop3A_621 = vector.broadcast %parallel_loop3A_620 : i32 to vector<16xi32>
        %parallel_loop3A_622 = arith.shrsi %parallel_loop3A_608, %parallel_loop3A_621 : vector<16xi32>
        %parallel_loop3A_623 = arith.constant 3 : i32
        %parallel_loop3A_624 = vector.broadcast %parallel_loop3A_623 : i32 to vector<16xi32>
        %parallel_loop3A_625 = arith.shrsi %parallel_loop3A_613, %parallel_loop3A_624 : vector<16xi32>
        %parallel_loop3A_626 = tpu.vector_load_idx %arg11[%parallel_loop3A_616] : memref<512xf32, #tpu.memory_space<vmem>>[vector<16xi32>], vector<16xf32>,
        %parallel_loop3A_627 = tpu.vector_load_idx %arg11[%parallel_loop3A_619] : memref<512xf32, #tpu.memory_space<vmem>>[vector<16xi32>], vector<16xf32>,
        %parallel_loop3A_628 = tpu.vector_load_idx %arg11[%parallel_loop3A_622] : memref<512xf32, #tpu.memory_space<vmem>>[vector<16xi32>], vector<16xf32>,
        %parallel_loop3A_629 = tpu.vector_load_idx %arg11[%parallel_loop3A_625] : memref<512xf32, #tpu.memory_space<vmem>>[vector<16xi32>], vector<16xf32>,
        %parallel_loop3A_630 = arith.cmpf ole, %parallel_loop3A_626, %parallel_loop3A_293 : vector<16xf32>
        %parallel_loop3A_631 = arith.constant 4 : i32
        %parallel_loop3A_632 = vector.broadcast %parallel_loop3A_631 : i32 to vector<16xi32>
        %parallel_loop3A_633 = arith.addi %parallel_loop3A_598, %parallel_loop3A_632 : vector<16xi32>
        %parallel_loop3A_634 = arith.select %parallel_loop3A_630, %parallel_loop3A_633, %parallel_loop3A_598 : vector<16xi1>, vector<16xi32>
        %parallel_loop3A_635 = arith.cmpf ole, %parallel_loop3A_627, %parallel_loop3A_301 : vector<16xf32>
        %parallel_loop3A_636 = arith.constant 4 : i32
        %parallel_loop3A_637 = vector.broadcast %parallel_loop3A_636 : i32 to vector<16xi32>
        %parallel_loop3A_638 = arith.addi %parallel_loop3A_603, %parallel_loop3A_637 : vector<16xi32>
        %parallel_loop3A_639 = arith.select %parallel_loop3A_635, %parallel_loop3A_638, %parallel_loop3A_603 : vector<16xi1>, vector<16xi32>
        %parallel_loop3A_640 = arith.cmpf ole, %parallel_loop3A_628, %parallel_loop3A_309 : vector<16xf32>
        %parallel_loop3A_641 = arith.constant 4 : i32
        %parallel_loop3A_642 = vector.broadcast %parallel_loop3A_641 : i32 to vector<16xi32>
        %parallel_loop3A_643 = arith.addi %parallel_loop3A_608, %parallel_loop3A_642 : vector<16xi32>
        %parallel_loop3A_644 = arith.select %parallel_loop3A_640, %parallel_loop3A_643, %parallel_loop3A_608 : vector<16xi1>, vector<16xi32>
        %parallel_loop3A_645 = arith.cmpf ole, %parallel_loop3A_629, %parallel_loop3A_317 : vector<16xf32>
        %parallel_loop3A_646 = arith.constant 4 : i32
        %parallel_loop3A_647 = vector.broadcast %parallel_loop3A_646 : i32 to vector<16xi32>
        %parallel_loop3A_648 = arith.addi %parallel_loop3A_613, %parallel_loop3A_647 : vector<16xi32>
        %parallel_loop3A_649 = arith.select %parallel_loop3A_645, %parallel_loop3A_648, %parallel_loop3A_613 : vector<16xi1>, vector<16xi32>
        %parallel_loop3A_650 = arith.constant 2 : i32
        %parallel_loop3A_651 = vector.broadcast %parallel_loop3A_650 : i32 to vector<16xi32>
        %parallel_loop3A_652 = arith.shrsi %parallel_loop3A_634, %parallel_loop3A_651 : vector<16xi32>
        %parallel_loop3A_653 = arith.constant 2 : i32
        %parallel_loop3A_654 = vector.broadcast %parallel_loop3A_653 : i32 to vector<16xi32>
        %parallel_loop3A_655 = arith.shrsi %parallel_loop3A_639, %parallel_loop3A_654 : vector<16xi32>
        %parallel_loop3A_656 = arith.constant 2 : i32
        %parallel_loop3A_657 = vector.broadcast %parallel_loop3A_656 : i32 to vector<16xi32>
        %parallel_loop3A_658 = arith.shrsi %parallel_loop3A_644, %parallel_loop3A_657 : vector<16xi32>
        %parallel_loop3A_659 = arith.constant 2 : i32
        %parallel_loop3A_660 = vector.broadcast %parallel_loop3A_659 : i32 to vector<16xi32>
        %parallel_loop3A_661 = arith.shrsi %parallel_loop3A_649, %parallel_loop3A_660 : vector<16xi32>
        %parallel_loop3A_662 = tpu.vector_load_idx %arg12[%parallel_loop3A_652] : memref<1024xf32, #tpu.memory_space<vmem>>[vector<16xi32>], vector<16xf32>,
        %parallel_loop3A_663 = tpu.vector_load_idx %arg12[%parallel_loop3A_655] : memref<1024xf32, #tpu.memory_space<vmem>>[vector<16xi32>], vector<16xf32>,
        %parallel_loop3A_664 = tpu.vector_load_idx %arg12[%parallel_loop3A_658] : memref<1024xf32, #tpu.memory_space<vmem>>[vector<16xi32>], vector<16xf32>,
        %parallel_loop3A_665 = tpu.vector_load_idx %arg12[%parallel_loop3A_661] : memref<1024xf32, #tpu.memory_space<vmem>>[vector<16xi32>], vector<16xf32>,
        %parallel_loop3A_666 = arith.cmpf ole, %parallel_loop3A_662, %parallel_loop3A_293 : vector<16xf32>
        %parallel_loop3A_667 = arith.constant 2 : i32
        %parallel_loop3A_668 = vector.broadcast %parallel_loop3A_667 : i32 to vector<16xi32>
        %parallel_loop3A_669 = arith.addi %parallel_loop3A_634, %parallel_loop3A_668 : vector<16xi32>
        %parallel_loop3A_670 = arith.select %parallel_loop3A_666, %parallel_loop3A_669, %parallel_loop3A_634 : vector<16xi1>, vector<16xi32>
        %parallel_loop3A_671 = arith.cmpf ole, %parallel_loop3A_663, %parallel_loop3A_301 : vector<16xf32>
        %parallel_loop3A_672 = arith.constant 2 : i32
        %parallel_loop3A_673 = vector.broadcast %parallel_loop3A_672 : i32 to vector<16xi32>
        %parallel_loop3A_674 = arith.addi %parallel_loop3A_639, %parallel_loop3A_673 : vector<16xi32>
        %parallel_loop3A_675 = arith.select %parallel_loop3A_671, %parallel_loop3A_674, %parallel_loop3A_639 : vector<16xi1>, vector<16xi32>
        %parallel_loop3A_676 = arith.cmpf ole, %parallel_loop3A_664, %parallel_loop3A_309 : vector<16xf32>
        %parallel_loop3A_677 = arith.constant 2 : i32
        %parallel_loop3A_678 = vector.broadcast %parallel_loop3A_677 : i32 to vector<16xi32>
        %parallel_loop3A_679 = arith.addi %parallel_loop3A_644, %parallel_loop3A_678 : vector<16xi32>
        %parallel_loop3A_680 = arith.select %parallel_loop3A_676, %parallel_loop3A_679, %parallel_loop3A_644 : vector<16xi1>, vector<16xi32>
        %parallel_loop3A_681 = arith.cmpf ole, %parallel_loop3A_665, %parallel_loop3A_317 : vector<16xf32>
        %parallel_loop3A_682 = arith.constant 2 : i32
        %parallel_loop3A_683 = vector.broadcast %parallel_loop3A_682 : i32 to vector<16xi32>
        %parallel_loop3A_684 = arith.addi %parallel_loop3A_649, %parallel_loop3A_683 : vector<16xi32>
        %parallel_loop3A_685 = arith.select %parallel_loop3A_681, %parallel_loop3A_684, %parallel_loop3A_649 : vector<16xi1>, vector<16xi32>
        %parallel_loop3A_686 = arith.constant 1 : i32
        %parallel_loop3A_687 = vector.broadcast %parallel_loop3A_686 : i32 to vector<16xi32>
        %parallel_loop3A_688 = arith.shrsi %parallel_loop3A_670, %parallel_loop3A_687 : vector<16xi32>
        %parallel_loop3A_689 = arith.constant 1 : i32
        %parallel_loop3A_690 = vector.broadcast %parallel_loop3A_689 : i32 to vector<16xi32>
        %parallel_loop3A_691 = arith.shrsi %parallel_loop3A_675, %parallel_loop3A_690 : vector<16xi32>
        %parallel_loop3A_692 = arith.constant 1 : i32
        %parallel_loop3A_693 = vector.broadcast %parallel_loop3A_692 : i32 to vector<16xi32>
        %parallel_loop3A_694 = arith.shrsi %parallel_loop3A_680, %parallel_loop3A_693 : vector<16xi32>
        %parallel_loop3A_695 = arith.constant 1 : i32
        %parallel_loop3A_696 = vector.broadcast %parallel_loop3A_695 : i32 to vector<16xi32>
        %parallel_loop3A_697 = arith.shrsi %parallel_loop3A_685, %parallel_loop3A_696 : vector<16xi32>
        %parallel_loop3A_698 = tpu.vector_load_idx %arg13[%parallel_loop3A_688] : memref<2048xf32, #tpu.memory_space<vmem>>[vector<16xi32>], vector<16xf32>,
        %parallel_loop3A_699 = tpu.vector_load_idx %arg13[%parallel_loop3A_691] : memref<2048xf32, #tpu.memory_space<vmem>>[vector<16xi32>], vector<16xf32>,
        %parallel_loop3A_700 = tpu.vector_load_idx %arg13[%parallel_loop3A_694] : memref<2048xf32, #tpu.memory_space<vmem>>[vector<16xi32>], vector<16xf32>,
        %parallel_loop3A_701 = tpu.vector_load_idx %arg13[%parallel_loop3A_697] : memref<2048xf32, #tpu.memory_space<vmem>>[vector<16xi32>], vector<16xf32>,
        %parallel_loop3A_702 = arith.cmpf ole, %parallel_loop3A_698, %parallel_loop3A_293 : vector<16xf32>
        %parallel_loop3A_703 = arith.constant 1 : i32
        %parallel_loop3A_704 = vector.broadcast %parallel_loop3A_703 : i32 to vector<16xi32>
        %parallel_loop3A_705 = arith.addi %parallel_loop3A_670, %parallel_loop3A_704 : vector<16xi32>
        %parallel_loop3A_706 = arith.select %parallel_loop3A_702, %parallel_loop3A_705, %parallel_loop3A_670 : vector<16xi1>, vector<16xi32>
        %parallel_loop3A_707 = arith.cmpf ole, %parallel_loop3A_699, %parallel_loop3A_301 : vector<16xf32>
        %parallel_loop3A_708 = arith.constant 1 : i32
        %parallel_loop3A_709 = vector.broadcast %parallel_loop3A_708 : i32 to vector<16xi32>
        %parallel_loop3A_710 = arith.addi %parallel_loop3A_675, %parallel_loop3A_709 : vector<16xi32>
        %parallel_loop3A_711 = arith.select %parallel_loop3A_707, %parallel_loop3A_710, %parallel_loop3A_675 : vector<16xi1>, vector<16xi32>
        %parallel_loop3A_712 = arith.cmpf ole, %parallel_loop3A_700, %parallel_loop3A_309 : vector<16xf32>
        %parallel_loop3A_713 = arith.constant 1 : i32
        %parallel_loop3A_714 = vector.broadcast %parallel_loop3A_713 : i32 to vector<16xi32>
        %parallel_loop3A_715 = arith.addi %parallel_loop3A_680, %parallel_loop3A_714 : vector<16xi32>
        %parallel_loop3A_716 = arith.select %parallel_loop3A_712, %parallel_loop3A_715, %parallel_loop3A_680 : vector<16xi1>, vector<16xi32>
        %parallel_loop3A_717 = arith.cmpf ole, %parallel_loop3A_701, %parallel_loop3A_317 : vector<16xf32>
        %parallel_loop3A_718 = arith.constant 1 : i32
        %parallel_loop3A_719 = vector.broadcast %parallel_loop3A_718 : i32 to vector<16xi32>
        %parallel_loop3A_720 = arith.addi %parallel_loop3A_685, %parallel_loop3A_719 : vector<16xi32>
        %parallel_loop3A_721 = arith.select %parallel_loop3A_717, %parallel_loop3A_720, %parallel_loop3A_685 : vector<16xi1>, vector<16xi32>
        %parallel_loop3A_722 = arith.constant 1 : i32
        %parallel_loop3A_723 = vector.broadcast %parallel_loop3A_722 : i32 to vector<16xi32>
        %parallel_loop3A_724 = arith.subi %parallel_loop3A_706, %parallel_loop3A_723 : vector<16xi32>
        %parallel_loop3A_725 = arith.constant 3 : i32
        %parallel_loop3A_726 = vector.broadcast %parallel_loop3A_725 : i32 to vector<16xi32>
        %parallel_loop3A_727 = arith.maxsi %parallel_loop3A_724, %parallel_loop3A_726 : vector<16xi32>
        %parallel_loop3A_728 = arith.constant 4091 : i32
        %parallel_loop3A_729 = vector.broadcast %parallel_loop3A_728 : i32 to vector<16xi32>
        %parallel_loop3A_730 = arith.minsi %parallel_loop3A_727, %parallel_loop3A_729 : vector<16xi32>
        %parallel_loop3A_731 = arith.constant 1 : i32
        %parallel_loop3A_732 = vector.broadcast %parallel_loop3A_731 : i32 to vector<16xi32>
        %parallel_loop3A_733 = arith.subi %parallel_loop3A_711, %parallel_loop3A_732 : vector<16xi32>
        %parallel_loop3A_734 = arith.constant 3 : i32
        %parallel_loop3A_735 = vector.broadcast %parallel_loop3A_734 : i32 to vector<16xi32>
        %parallel_loop3A_736 = arith.maxsi %parallel_loop3A_733, %parallel_loop3A_735 : vector<16xi32>
        %parallel_loop3A_737 = arith.constant 4091 : i32
        %parallel_loop3A_738 = vector.broadcast %parallel_loop3A_737 : i32 to vector<16xi32>
        %parallel_loop3A_739 = arith.minsi %parallel_loop3A_736, %parallel_loop3A_738 : vector<16xi32>
        %parallel_loop3A_740 = arith.constant 1 : i32
        %parallel_loop3A_741 = vector.broadcast %parallel_loop3A_740 : i32 to vector<16xi32>
        %parallel_loop3A_742 = arith.subi %parallel_loop3A_716, %parallel_loop3A_741 : vector<16xi32>
        %parallel_loop3A_743 = arith.constant 3 : i32
        %parallel_loop3A_744 = vector.broadcast %parallel_loop3A_743 : i32 to vector<16xi32>
        %parallel_loop3A_745 = arith.maxsi %parallel_loop3A_742, %parallel_loop3A_744 : vector<16xi32>
        %parallel_loop3A_746 = arith.constant 4091 : i32
        %parallel_loop3A_747 = vector.broadcast %parallel_loop3A_746 : i32 to vector<16xi32>
        %parallel_loop3A_748 = arith.minsi %parallel_loop3A_745, %parallel_loop3A_747 : vector<16xi32>
        %parallel_loop3A_749 = arith.constant 1 : i32
        %parallel_loop3A_750 = vector.broadcast %parallel_loop3A_749 : i32 to vector<16xi32>
        %parallel_loop3A_751 = arith.subi %parallel_loop3A_721, %parallel_loop3A_750 : vector<16xi32>
        %parallel_loop3A_752 = arith.constant 3 : i32
        %parallel_loop3A_753 = vector.broadcast %parallel_loop3A_752 : i32 to vector<16xi32>
        %parallel_loop3A_754 = arith.maxsi %parallel_loop3A_751, %parallel_loop3A_753 : vector<16xi32>
        %parallel_loop3A_755 = arith.constant 4091 : i32
        %parallel_loop3A_756 = vector.broadcast %parallel_loop3A_755 : i32 to vector<16xi32>
        %parallel_loop3A_757 = arith.minsi %parallel_loop3A_754, %parallel_loop3A_756 : vector<16xi32>
        %parallel_loop3A_758 = tpu.vector_load_idx %arg20[%parallel_loop3A_730] : memref<4096xf32, #tpu.memory_space<vmem>>[vector<16xi32>], vector<16xf32>,
        %parallel_loop3A_759 = tpu.vector_load_idx %arg21[%parallel_loop3A_730] : memref<4096xf32, #tpu.memory_space<vmem>>[vector<16xi32>], vector<16xf32>,
        %parallel_loop3A_760 = tpu.vector_load_idx %arg22[%parallel_loop3A_730] : memref<4096xf32, #tpu.memory_space<vmem>>[vector<16xi32>], vector<16xf32>,
        %parallel_loop3A_761 = tpu.vector_load_idx %arg23[%parallel_loop3A_730] : memref<4096xf32, #tpu.memory_space<vmem>>[vector<16xi32>], vector<16xf32>,
        %parallel_loop3A_762 = tpu.vector_load_idx %arg14[%parallel_loop3A_730] : memref<4096xf32, #tpu.memory_space<vmem>>[vector<16xi32>], vector<16xf32>,
        %parallel_loop3A_763 = tpu.vector_load_idx %arg15[%parallel_loop3A_730] : memref<4096xf32, #tpu.memory_space<vmem>>[vector<16xi32>], vector<16xf32>,
        %parallel_loop3A_764 = tpu.vector_load_idx %arg16[%parallel_loop3A_730] : memref<4096xf32, #tpu.memory_space<vmem>>[vector<16xi32>], vector<16xf32>,
        %parallel_loop3A_765 = tpu.vector_load_idx %arg17[%parallel_loop3A_730] : memref<4096xf32, #tpu.memory_space<vmem>>[vector<16xi32>], vector<16xf32>,
        %parallel_loop3A_766 = tpu.vector_load_idx %arg18[%parallel_loop3A_730] : memref<4096xf32, #tpu.memory_space<vmem>>[vector<16xi32>], vector<16xf32>,
        %parallel_loop3A_767 = tpu.vector_load_idx %arg19[%parallel_loop3A_730] : memref<4096xf32, #tpu.memory_space<vmem>>[vector<16xi32>], vector<16xf32>,
        %parallel_loop3A_768 = arith.subf %parallel_loop3A_293, %parallel_loop3A_764 : vector<16xf32>
        %parallel_loop3A_769 = arith.subf %parallel_loop3A_293, %parallel_loop3A_763 : vector<16xf32>
        %parallel_loop3A_770 = arith.subf %parallel_loop3A_293, %parallel_loop3A_762 : vector<16xf32>
        %parallel_loop3A_771 = arith.subf %parallel_loop3A_767, %parallel_loop3A_764 : vector<16xf32>
        %parallel_loop3A_772 = arith.divf %parallel_loop3A_768, %parallel_loop3A_771 : vector<16xf32>
        %parallel_loop3A_773 = arith.subf %parallel_loop3A_766, %parallel_loop3A_763 : vector<16xf32>
        %parallel_loop3A_774 = arith.divf %parallel_loop3A_769, %parallel_loop3A_773 : vector<16xf32>
        %parallel_loop3A_775 = arith.subf %parallel_loop3A_765, %parallel_loop3A_762 : vector<16xf32>
        %parallel_loop3A_776 = arith.divf %parallel_loop3A_770, %parallel_loop3A_775 : vector<16xf32>
        %parallel_loop3A_777 = arith.subf %parallel_loop3A_761, %parallel_loop3A_760 : vector<16xf32>
        %parallel_loop3A_778 = arith.mulf %parallel_loop3A_772, %parallel_loop3A_777 : vector<16xf32>
        %parallel_loop3A_779 = arith.addf %parallel_loop3A_760, %parallel_loop3A_778 : vector<16xf32>
        %parallel_loop3A_780 = arith.subf %parallel_loop3A_760, %parallel_loop3A_759 : vector<16xf32>
        %parallel_loop3A_781 = arith.mulf %parallel_loop3A_774, %parallel_loop3A_780 : vector<16xf32>
        %parallel_loop3A_782 = arith.addf %parallel_loop3A_759, %parallel_loop3A_781 : vector<16xf32>
        %parallel_loop3A_783 = arith.subf %parallel_loop3A_759, %parallel_loop3A_758 : vector<16xf32>
        %parallel_loop3A_784 = arith.mulf %parallel_loop3A_776, %parallel_loop3A_783 : vector<16xf32>
        %parallel_loop3A_785 = arith.addf %parallel_loop3A_758, %parallel_loop3A_784 : vector<16xf32>
        %parallel_loop3A_786 = arith.subf %parallel_loop3A_766, %parallel_loop3A_764 : vector<16xf32>
        %parallel_loop3A_787 = arith.divf %parallel_loop3A_768, %parallel_loop3A_786 : vector<16xf32>
        %parallel_loop3A_788 = arith.subf %parallel_loop3A_765, %parallel_loop3A_763 : vector<16xf32>
        %parallel_loop3A_789 = arith.divf %parallel_loop3A_769, %parallel_loop3A_788 : vector<16xf32>
        %parallel_loop3A_790 = arith.subf %parallel_loop3A_779, %parallel_loop3A_782 : vector<16xf32>
        %parallel_loop3A_791 = arith.mulf %parallel_loop3A_787, %parallel_loop3A_790 : vector<16xf32>
        %parallel_loop3A_792 = arith.addf %parallel_loop3A_782, %parallel_loop3A_791 : vector<16xf32>
        %parallel_loop3A_793 = arith.subf %parallel_loop3A_782, %parallel_loop3A_785 : vector<16xf32>
        %parallel_loop3A_794 = arith.mulf %parallel_loop3A_789, %parallel_loop3A_793 : vector<16xf32>
        %parallel_loop3A_795 = arith.addf %parallel_loop3A_785, %parallel_loop3A_794 : vector<16xf32>
        %parallel_loop3A_796 = arith.subf %parallel_loop3A_765, %parallel_loop3A_764 : vector<16xf32>
        %parallel_loop3A_797 = arith.divf %parallel_loop3A_768, %parallel_loop3A_796 : vector<16xf32>
        %parallel_loop3A_798 = arith.subf %parallel_loop3A_792, %parallel_loop3A_795 : vector<16xf32>
        %parallel_loop3A_799 = arith.mulf %parallel_loop3A_797, %parallel_loop3A_798 : vector<16xf32>
        %parallel_loop3A_800 = arith.addf %parallel_loop3A_795, %parallel_loop3A_799 : vector<16xf32>
        %parallel_loop3A_801 = arith.constant 4 : i32
        %parallel_loop3A_802 = arith.muli %parallel_loop3A_285, %parallel_loop3A_801 : i32
        %parallel_loop3A_803 = arith.constant 0 : i32
        %parallel_loop3A_804 = arith.addi %parallel_loop3A_802, %parallel_loop3A_803 : i32
        %parallel_loop3A_805 = arith.constant 16 : i32
        %parallel_loop3A_806 = arith.muli %parallel_loop3A_804, %parallel_loop3A_805 : i32
        %parallel_loop3A_807 = arith.index_cast %parallel_loop3A_806 : i32 to index
        %parallel_loop3A_808 = tpu.vector_load %arg33[%parallel_loop3A_807] {strides = array<i32>} : memref<16384xf32, #tpu.memory_space<vmem>>, vector<16xf32>,
        tpu.vector_store %arg33[%parallel_loop3A_807], %parallel_loop3A_800 {strides = array<i32>} : memref<16384xf32, #tpu.memory_space<vmem>>, vector<16xf32>,
        %parallel_loop3A_809 = tpu.vector_load_idx %arg20[%parallel_loop3A_739] : memref<4096xf32, #tpu.memory_space<vmem>>[vector<16xi32>], vector<16xf32>,
        %parallel_loop3A_810 = tpu.vector_load_idx %arg21[%parallel_loop3A_739] : memref<4096xf32, #tpu.memory_space<vmem>>[vector<16xi32>], vector<16xf32>,
        %parallel_loop3A_811 = tpu.vector_load_idx %arg22[%parallel_loop3A_739] : memref<4096xf32, #tpu.memory_space<vmem>>[vector<16xi32>], vector<16xf32>,
        %parallel_loop3A_812 = tpu.vector_load_idx %arg23[%parallel_loop3A_739] : memref<4096xf32, #tpu.memory_space<vmem>>[vector<16xi32>], vector<16xf32>,
        %parallel_loop3A_813 = tpu.vector_load_idx %arg14[%parallel_loop3A_739] : memref<4096xf32, #tpu.memory_space<vmem>>[vector<16xi32>], vector<16xf32>,
        %parallel_loop3A_814 = tpu.vector_load_idx %arg15[%parallel_loop3A_739] : memref<4096xf32, #tpu.memory_space<vmem>>[vector<16xi32>], vector<16xf32>,
        %parallel_loop3A_815 = tpu.vector_load_idx %arg16[%parallel_loop3A_739] : memref<4096xf32, #tpu.memory_space<vmem>>[vector<16xi32>], vector<16xf32>,
        %parallel_loop3A_816 = tpu.vector_load_idx %arg17[%parallel_loop3A_739] : memref<4096xf32, #tpu.memory_space<vmem>>[vector<16xi32>], vector<16xf32>,
        %parallel_loop3A_817 = tpu.vector_load_idx %arg18[%parallel_loop3A_739] : memref<4096xf32, #tpu.memory_space<vmem>>[vector<16xi32>], vector<16xf32>,
        %parallel_loop3A_818 = tpu.vector_load_idx %arg19[%parallel_loop3A_739] : memref<4096xf32, #tpu.memory_space<vmem>>[vector<16xi32>], vector<16xf32>,
        %parallel_loop3A_819 = arith.subf %parallel_loop3A_301, %parallel_loop3A_815 : vector<16xf32>
        %parallel_loop3A_820 = arith.subf %parallel_loop3A_301, %parallel_loop3A_814 : vector<16xf32>
        %parallel_loop3A_821 = arith.subf %parallel_loop3A_301, %parallel_loop3A_813 : vector<16xf32>
        %parallel_loop3A_822 = arith.subf %parallel_loop3A_818, %parallel_loop3A_815 : vector<16xf32>
        %parallel_loop3A_823 = arith.divf %parallel_loop3A_819, %parallel_loop3A_822 : vector<16xf32>
        %parallel_loop3A_824 = arith.subf %parallel_loop3A_817, %parallel_loop3A_814 : vector<16xf32>
        %parallel_loop3A_825 = arith.divf %parallel_loop3A_820, %parallel_loop3A_824 : vector<16xf32>
        %parallel_loop3A_826 = arith.subf %parallel_loop3A_816, %parallel_loop3A_813 : vector<16xf32>
        %parallel_loop3A_827 = arith.divf %parallel_loop3A_821, %parallel_loop3A_826 : vector<16xf32>
        %parallel_loop3A_828 = arith.subf %parallel_loop3A_812, %parallel_loop3A_811 : vector<16xf32>
        %parallel_loop3A_829 = arith.mulf %parallel_loop3A_823, %parallel_loop3A_828 : vector<16xf32>
        %parallel_loop3A_830 = arith.addf %parallel_loop3A_811, %parallel_loop3A_829 : vector<16xf32>
        %parallel_loop3A_831 = arith.subf %parallel_loop3A_811, %parallel_loop3A_810 : vector<16xf32>
        %parallel_loop3A_832 = arith.mulf %parallel_loop3A_825, %parallel_loop3A_831 : vector<16xf32>
        %parallel_loop3A_833 = arith.addf %parallel_loop3A_810, %parallel_loop3A_832 : vector<16xf32>
        %parallel_loop3A_834 = arith.subf %parallel_loop3A_810, %parallel_loop3A_809 : vector<16xf32>
        %parallel_loop3A_835 = arith.mulf %parallel_loop3A_827, %parallel_loop3A_834 : vector<16xf32>
        %parallel_loop3A_836 = arith.addf %parallel_loop3A_809, %parallel_loop3A_835 : vector<16xf32>
        %parallel_loop3A_837 = arith.subf %parallel_loop3A_817, %parallel_loop3A_815 : vector<16xf32>
        %parallel_loop3A_838 = arith.divf %parallel_loop3A_819, %parallel_loop3A_837 : vector<16xf32>
        %parallel_loop3A_839 = arith.subf %parallel_loop3A_816, %parallel_loop3A_814 : vector<16xf32>
        %parallel_loop3A_840 = arith.divf %parallel_loop3A_820, %parallel_loop3A_839 : vector<16xf32>
        %parallel_loop3A_841 = arith.subf %parallel_loop3A_830, %parallel_loop3A_833 : vector<16xf32>
        %parallel_loop3A_842 = arith.mulf %parallel_loop3A_838, %parallel_loop3A_841 : vector<16xf32>
        %parallel_loop3A_843 = arith.addf %parallel_loop3A_833, %parallel_loop3A_842 : vector<16xf32>
        %parallel_loop3A_844 = arith.subf %parallel_loop3A_833, %parallel_loop3A_836 : vector<16xf32>
        %parallel_loop3A_845 = arith.mulf %parallel_loop3A_840, %parallel_loop3A_844 : vector<16xf32>
        %parallel_loop3A_846 = arith.addf %parallel_loop3A_836, %parallel_loop3A_845 : vector<16xf32>
        %parallel_loop3A_847 = arith.subf %parallel_loop3A_816, %parallel_loop3A_815 : vector<16xf32>
        %parallel_loop3A_848 = arith.divf %parallel_loop3A_819, %parallel_loop3A_847 : vector<16xf32>
        %parallel_loop3A_849 = arith.subf %parallel_loop3A_843, %parallel_loop3A_846 : vector<16xf32>
        %parallel_loop3A_850 = arith.mulf %parallel_loop3A_848, %parallel_loop3A_849 : vector<16xf32>
        %parallel_loop3A_851 = arith.addf %parallel_loop3A_846, %parallel_loop3A_850 : vector<16xf32>
        %parallel_loop3A_852 = arith.constant 4 : i32
        %parallel_loop3A_853 = arith.muli %parallel_loop3A_285, %parallel_loop3A_852 : i32
        %parallel_loop3A_854 = arith.constant 1 : i32
        %parallel_loop3A_855 = arith.addi %parallel_loop3A_853, %parallel_loop3A_854 : i32
        %parallel_loop3A_856 = arith.constant 16 : i32
        %parallel_loop3A_857 = arith.muli %parallel_loop3A_855, %parallel_loop3A_856 : i32
        %parallel_loop3A_858 = arith.index_cast %parallel_loop3A_857 : i32 to index
        %parallel_loop3A_859 = tpu.vector_load %arg33[%parallel_loop3A_858] {strides = array<i32>} : memref<16384xf32, #tpu.memory_space<vmem>>, vector<16xf32>,
        tpu.vector_store %arg33[%parallel_loop3A_858], %parallel_loop3A_851 {strides = array<i32>} : memref<16384xf32, #tpu.memory_space<vmem>>, vector<16xf32>,
        %parallel_loop3A_860 = tpu.vector_load_idx %arg20[%parallel_loop3A_748] : memref<4096xf32, #tpu.memory_space<vmem>>[vector<16xi32>], vector<16xf32>,
        %parallel_loop3A_861 = tpu.vector_load_idx %arg21[%parallel_loop3A_748] : memref<4096xf32, #tpu.memory_space<vmem>>[vector<16xi32>], vector<16xf32>,
        %parallel_loop3A_862 = tpu.vector_load_idx %arg22[%parallel_loop3A_748] : memref<4096xf32, #tpu.memory_space<vmem>>[vector<16xi32>], vector<16xf32>,
        %parallel_loop3A_863 = tpu.vector_load_idx %arg23[%parallel_loop3A_748] : memref<4096xf32, #tpu.memory_space<vmem>>[vector<16xi32>], vector<16xf32>,
        %parallel_loop3A_864 = tpu.vector_load_idx %arg14[%parallel_loop3A_748] : memref<4096xf32, #tpu.memory_space<vmem>>[vector<16xi32>], vector<16xf32>,
        %parallel_loop3A_865 = tpu.vector_load_idx %arg15[%parallel_loop3A_748] : memref<4096xf32, #tpu.memory_space<vmem>>[vector<16xi32>], vector<16xf32>,
        %parallel_loop3A_866 = tpu.vector_load_idx %arg16[%parallel_loop3A_748] : memref<4096xf32, #tpu.memory_space<vmem>>[vector<16xi32>], vector<16xf32>,
        %parallel_loop3A_867 = tpu.vector_load_idx %arg17[%parallel_loop3A_748] : memref<4096xf32, #tpu.memory_space<vmem>>[vector<16xi32>], vector<16xf32>,
        %parallel_loop3A_868 = tpu.vector_load_idx %arg18[%parallel_loop3A_748] : memref<4096xf32, #tpu.memory_space<vmem>>[vector<16xi32>], vector<16xf32>,
        %parallel_loop3A_869 = tpu.vector_load_idx %arg19[%parallel_loop3A_748] : memref<4096xf32, #tpu.memory_space<vmem>>[vector<16xi32>], vector<16xf32>,
        %parallel_loop3A_870 = arith.subf %parallel_loop3A_309, %parallel_loop3A_866 : vector<16xf32>
        %parallel_loop3A_871 = arith.subf %parallel_loop3A_309, %parallel_loop3A_865 : vector<16xf32>
        %parallel_loop3A_872 = arith.subf %parallel_loop3A_309, %parallel_loop3A_864 : vector<16xf32>
        %parallel_loop3A_873 = arith.subf %parallel_loop3A_869, %parallel_loop3A_866 : vector<16xf32>
        %parallel_loop3A_874 = arith.divf %parallel_loop3A_870, %parallel_loop3A_873 : vector<16xf32>
        %parallel_loop3A_875 = arith.subf %parallel_loop3A_868, %parallel_loop3A_865 : vector<16xf32>
        %parallel_loop3A_876 = arith.divf %parallel_loop3A_871, %parallel_loop3A_875 : vector<16xf32>
        %parallel_loop3A_877 = arith.subf %parallel_loop3A_867, %parallel_loop3A_864 : vector<16xf32>
        %parallel_loop3A_878 = arith.divf %parallel_loop3A_872, %parallel_loop3A_877 : vector<16xf32>
        %parallel_loop3A_879 = arith.subf %parallel_loop3A_863, %parallel_loop3A_862 : vector<16xf32>
        %parallel_loop3A_880 = arith.mulf %parallel_loop3A_874, %parallel_loop3A_879 : vector<16xf32>
        %parallel_loop3A_881 = arith.addf %parallel_loop3A_862, %parallel_loop3A_880 : vector<16xf32>
        %parallel_loop3A_882 = arith.subf %parallel_loop3A_862, %parallel_loop3A_861 : vector<16xf32>
        %parallel_loop3A_883 = arith.mulf %parallel_loop3A_876, %parallel_loop3A_882 : vector<16xf32>
        %parallel_loop3A_884 = arith.addf %parallel_loop3A_861, %parallel_loop3A_883 : vector<16xf32>
        %parallel_loop3A_885 = arith.subf %parallel_loop3A_861, %parallel_loop3A_860 : vector<16xf32>
        %parallel_loop3A_886 = arith.mulf %parallel_loop3A_878, %parallel_loop3A_885 : vector<16xf32>
        %parallel_loop3A_887 = arith.addf %parallel_loop3A_860, %parallel_loop3A_886 : vector<16xf32>
        %parallel_loop3A_888 = arith.subf %parallel_loop3A_868, %parallel_loop3A_866 : vector<16xf32>
        %parallel_loop3A_889 = arith.divf %parallel_loop3A_870, %parallel_loop3A_888 : vector<16xf32>
        %parallel_loop3A_890 = arith.subf %parallel_loop3A_867, %parallel_loop3A_865 : vector<16xf32>
        %parallel_loop3A_891 = arith.divf %parallel_loop3A_871, %parallel_loop3A_890 : vector<16xf32>
        %parallel_loop3A_892 = arith.subf %parallel_loop3A_881, %parallel_loop3A_884 : vector<16xf32>
        %parallel_loop3A_893 = arith.mulf %parallel_loop3A_889, %parallel_loop3A_892 : vector<16xf32>
        %parallel_loop3A_894 = arith.addf %parallel_loop3A_884, %parallel_loop3A_893 : vector<16xf32>
        %parallel_loop3A_895 = arith.subf %parallel_loop3A_884, %parallel_loop3A_887 : vector<16xf32>
        %parallel_loop3A_896 = arith.mulf %parallel_loop3A_891, %parallel_loop3A_895 : vector<16xf32>
        %parallel_loop3A_897 = arith.addf %parallel_loop3A_887, %parallel_loop3A_896 : vector<16xf32>
        %parallel_loop3A_898 = arith.subf %parallel_loop3A_867, %parallel_loop3A_866 : vector<16xf32>
        %parallel_loop3A_899 = arith.divf %parallel_loop3A_870, %parallel_loop3A_898 : vector<16xf32>
        %parallel_loop3A_900 = arith.subf %parallel_loop3A_894, %parallel_loop3A_897 : vector<16xf32>
        %parallel_loop3A_901 = arith.mulf %parallel_loop3A_899, %parallel_loop3A_900 : vector<16xf32>
        %parallel_loop3A_902 = arith.addf %parallel_loop3A_897, %parallel_loop3A_901 : vector<16xf32>
        %parallel_loop3A_903 = arith.constant 4 : i32
        %parallel_loop3A_904 = arith.muli %parallel_loop3A_285, %parallel_loop3A_903 : i32
        %parallel_loop3A_905 = arith.constant 2 : i32
        %parallel_loop3A_906 = arith.addi %parallel_loop3A_904, %parallel_loop3A_905 : i32
        %parallel_loop3A_907 = arith.constant 16 : i32
        %parallel_loop3A_908 = arith.muli %parallel_loop3A_906, %parallel_loop3A_907 : i32
        %parallel_loop3A_909 = arith.index_cast %parallel_loop3A_908 : i32 to index
        %parallel_loop3A_910 = tpu.vector_load %arg33[%parallel_loop3A_909] {strides = array<i32>} : memref<16384xf32, #tpu.memory_space<vmem>>, vector<16xf32>,
        tpu.vector_store %arg33[%parallel_loop3A_909], %parallel_loop3A_902 {strides = array<i32>} : memref<16384xf32, #tpu.memory_space<vmem>>, vector<16xf32>,
        %parallel_loop3A_911 = tpu.vector_load_idx %arg20[%parallel_loop3A_757] : memref<4096xf32, #tpu.memory_space<vmem>>[vector<16xi32>], vector<16xf32>,
        %parallel_loop3A_912 = tpu.vector_load_idx %arg21[%parallel_loop3A_757] : memref<4096xf32, #tpu.memory_space<vmem>>[vector<16xi32>], vector<16xf32>,
        %parallel_loop3A_913 = tpu.vector_load_idx %arg22[%parallel_loop3A_757] : memref<4096xf32, #tpu.memory_space<vmem>>[vector<16xi32>], vector<16xf32>,
        %parallel_loop3A_914 = tpu.vector_load_idx %arg23[%parallel_loop3A_757] : memref<4096xf32, #tpu.memory_space<vmem>>[vector<16xi32>], vector<16xf32>,
        %parallel_loop3A_915 = tpu.vector_load_idx %arg14[%parallel_loop3A_757] : memref<4096xf32, #tpu.memory_space<vmem>>[vector<16xi32>], vector<16xf32>,
        %parallel_loop3A_916 = tpu.vector_load_idx %arg15[%parallel_loop3A_757] : memref<4096xf32, #tpu.memory_space<vmem>>[vector<16xi32>], vector<16xf32>,
        %parallel_loop3A_917 = tpu.vector_load_idx %arg16[%parallel_loop3A_757] : memref<4096xf32, #tpu.memory_space<vmem>>[vector<16xi32>], vector<16xf32>,
        %parallel_loop3A_918 = tpu.vector_load_idx %arg17[%parallel_loop3A_757] : memref<4096xf32, #tpu.memory_space<vmem>>[vector<16xi32>], vector<16xf32>,
        %parallel_loop3A_919 = tpu.vector_load_idx %arg18[%parallel_loop3A_757] : memref<4096xf32, #tpu.memory_space<vmem>>[vector<16xi32>], vector<16xf32>,
        %parallel_loop3A_920 = tpu.vector_load_idx %arg19[%parallel_loop3A_757] : memref<4096xf32, #tpu.memory_space<vmem>>[vector<16xi32>], vector<16xf32>,
        %parallel_loop3A_921 = arith.subf %parallel_loop3A_317, %parallel_loop3A_917 : vector<16xf32>
        %parallel_loop3A_922 = arith.subf %parallel_loop3A_317, %parallel_loop3A_916 : vector<16xf32>
        %parallel_loop3A_923 = arith.subf %parallel_loop3A_317, %parallel_loop3A_915 : vector<16xf32>
        %parallel_loop3A_924 = arith.subf %parallel_loop3A_920, %parallel_loop3A_917 : vector<16xf32>
        %parallel_loop3A_925 = arith.divf %parallel_loop3A_921, %parallel_loop3A_924 : vector<16xf32>
        %parallel_loop3A_926 = arith.subf %parallel_loop3A_919, %parallel_loop3A_916 : vector<16xf32>
        %parallel_loop3A_927 = arith.divf %parallel_loop3A_922, %parallel_loop3A_926 : vector<16xf32>
        %parallel_loop3A_928 = arith.subf %parallel_loop3A_918, %parallel_loop3A_915 : vector<16xf32>
        %parallel_loop3A_929 = arith.divf %parallel_loop3A_923, %parallel_loop3A_928 : vector<16xf32>
        %parallel_loop3A_930 = arith.subf %parallel_loop3A_914, %parallel_loop3A_913 : vector<16xf32>
        %parallel_loop3A_931 = arith.mulf %parallel_loop3A_925, %parallel_loop3A_930 : vector<16xf32>
        %parallel_loop3A_932 = arith.addf %parallel_loop3A_913, %parallel_loop3A_931 : vector<16xf32>
        %parallel_loop3A_933 = arith.subf %parallel_loop3A_913, %parallel_loop3A_912 : vector<16xf32>
        %parallel_loop3A_934 = arith.mulf %parallel_loop3A_927, %parallel_loop3A_933 : vector<16xf32>
        %parallel_loop3A_935 = arith.addf %parallel_loop3A_912, %parallel_loop3A_934 : vector<16xf32>
        %parallel_loop3A_936 = arith.subf %parallel_loop3A_912, %parallel_loop3A_911 : vector<16xf32>
        %parallel_loop3A_937 = arith.mulf %parallel_loop3A_929, %parallel_loop3A_936 : vector<16xf32>
        %parallel_loop3A_938 = arith.addf %parallel_loop3A_911, %parallel_loop3A_937 : vector<16xf32>
        %parallel_loop3A_939 = arith.subf %parallel_loop3A_919, %parallel_loop3A_917 : vector<16xf32>
        %parallel_loop3A_940 = arith.divf %parallel_loop3A_921, %parallel_loop3A_939 : vector<16xf32>
        %parallel_loop3A_941 = arith.subf %parallel_loop3A_918, %parallel_loop3A_916 : vector<16xf32>
        %parallel_loop3A_942 = arith.divf %parallel_loop3A_922, %parallel_loop3A_941 : vector<16xf32>
        %parallel_loop3A_943 = arith.subf %parallel_loop3A_932, %parallel_loop3A_935 : vector<16xf32>
        %parallel_loop3A_944 = arith.mulf %parallel_loop3A_940, %parallel_loop3A_943 : vector<16xf32>
        %parallel_loop3A_945 = arith.addf %parallel_loop3A_935, %parallel_loop3A_944 : vector<16xf32>
        %parallel_loop3A_946 = arith.subf %parallel_loop3A_935, %parallel_loop3A_938 : vector<16xf32>
        %parallel_loop3A_947 = arith.mulf %parallel_loop3A_942, %parallel_loop3A_946 : vector<16xf32>
        %parallel_loop3A_948 = arith.addf %parallel_loop3A_938, %parallel_loop3A_947 : vector<16xf32>
        %parallel_loop3A_949 = arith.subf %parallel_loop3A_918, %parallel_loop3A_917 : vector<16xf32>
        %parallel_loop3A_950 = arith.divf %parallel_loop3A_921, %parallel_loop3A_949 : vector<16xf32>
        %parallel_loop3A_951 = arith.subf %parallel_loop3A_945, %parallel_loop3A_948 : vector<16xf32>
        %parallel_loop3A_952 = arith.mulf %parallel_loop3A_950, %parallel_loop3A_951 : vector<16xf32>
        %parallel_loop3A_953 = arith.addf %parallel_loop3A_948, %parallel_loop3A_952 : vector<16xf32>
        %parallel_loop3A_954 = arith.constant 4 : i32
        %parallel_loop3A_955 = arith.muli %parallel_loop3A_285, %parallel_loop3A_954 : i32
        %parallel_loop3A_956 = arith.constant 3 : i32
        %parallel_loop3A_957 = arith.addi %parallel_loop3A_955, %parallel_loop3A_956 : i32
        %parallel_loop3A_958 = arith.constant 16 : i32
        %parallel_loop3A_959 = arith.muli %parallel_loop3A_957, %parallel_loop3A_958 : i32
        %parallel_loop3A_960 = arith.index_cast %parallel_loop3A_959 : i32 to index
        %parallel_loop3A_961 = tpu.vector_load %arg33[%parallel_loop3A_960] {strides = array<i32>} : memref<16384xf32, #tpu.memory_space<vmem>>, vector<16xf32>,
        tpu.vector_store %arg33[%parallel_loop3A_960], %parallel_loop3A_953 {strides = array<i32>} : memref<16384xf32, #tpu.memory_space<vmem>>, vector<16xf32>,
      } {sc.loop_unroll_factor = 1 : i64, sc.parallel_access}
      %mul3A_258 = arith.constant 16384 : i32
      %mul3A_259 = arith.muli %mul3A_241, %mul3A_258 : i32
      %add3A_260 = arith.addi %mul3A_2, %mul3A_259 : i32
      %dma_start3A_261 = tpu.memref_slice %arg4[%add3A_260] : memref<4194304xf32, #tpu.memory_space<hbm>> -> memref<16384xf32, #tpu.memory_space<hbm>>
      %dma_start3A_262 = tpu.memref_slice %arg4[%add3A_260] : memref<4194304xf32, #tpu.memory_space<hbm>> -> memref<16384xf32, #tpu.memory_space<hbm>>
      tpu.enqueue_dma source(%arg33 : memref<16384xf32, #tpu.memory_space<vmem>>) target(%dma_start3A_262 : memref<16384xf32, #tpu.memory_space<hbm>>) target_semaphore(%arg38 : memref<!tpu.dma_semaphore, #tpu.memory_space<semaphore_mem>>)
      %mul3A_263 = arith.constant 16384 : i32
      %mul3A_264 = arith.muli %add3A_243, %mul3A_263 : i32
      %add3A_265 = arith.addi %mul3A_2, %mul3A_264 : i32
      %dma_wait3A_266 = tpu.memref_slice %arg2[%add3A_265] : memref<4194304xf32, #tpu.memory_space<hbm>> -> memref<16384xf32, #tpu.memory_space<hbm>>
      %dma_wait3A_267 = tpu.memref_slice %arg2[%add3A_265] : memref<4194304xf32, #tpu.memory_space<hbm>> -> memref<16384xf32, #tpu.memory_space<hbm>>
      tpu.wait_dma2 semaphore(%arg37 : memref<!tpu.dma_semaphore, #tpu.memory_space<semaphore_mem>>) src(%dma_wait3A_267 : memref<16384xf32, #tpu.memory_space<hbm>>) dst(%arg32 : memref<16384xf32, #tpu.memory_space<vmem>>)
      %lt3A = arith.constant 3 : i32
      %lt3A_268 = arith.cmpi slt, %scan3A_239, %lt3A : i32
      %convert_element_type3A_269 = arith.extui %lt3A_268 : i1 to i32
      %cond3A_270 = arith.constant 0 : i32
      %cond3A_271 = arith.cmpi ne, %convert_element_type3A_269, %cond3A_270 : i32
      scf.if %cond3A_271 {
        %add3A_285 = arith.constant 1 : i32
        %add3A_286 = arith.addi %add3A_243, %add3A_285 : i32
        %mul3A_287 = arith.constant 16384 : i32
        %mul3A_288 = arith.muli %add3A_286, %mul3A_287 : i32
        %add3A_289 = arith.addi %mul3A_2, %mul3A_288 : i32
        %dma_start3A_290 = tpu.memref_slice %arg2[%add3A_289] : memref<4194304xf32, #tpu.memory_space<hbm>> -> memref<16384xf32, #tpu.memory_space<hbm>>
        %dma_start3A_291 = tpu.memref_slice %arg2[%add3A_289] : memref<4194304xf32, #tpu.memory_space<hbm>> -> memref<16384xf32, #tpu.memory_space<hbm>>
        tpu.enqueue_dma source(%dma_start3A_291 : memref<16384xf32, #tpu.memory_space<hbm>>) target(%arg31 : memref<16384xf32, #tpu.memory_space<vmem>>) target_semaphore(%arg36 : memref<!tpu.dma_semaphore, #tpu.memory_space<semaphore_mem>>)
      } else {
      }
      %gt3A_272 = arith.constant 0 : i32
      %gt3A_273 = arith.cmpi sgt, %scan3A_239, %gt3A_272 : i32
      %convert_element_type3A_274 = arith.extui %gt3A_273 : i1 to i32
      %cond3A_275 = arith.constant 0 : i32
      %cond3A_276 = arith.cmpi ne, %convert_element_type3A_274, %cond3A_275 : i32
      scf.if %cond3A_276 {
        %sub3A = arith.constant 2 : i32
        %sub3A_285 = arith.subi %add3A_243, %sub3A : i32
        %mul3A_286 = arith.constant 16384 : i32
        %mul3A_287 = arith.muli %sub3A_285, %mul3A_286 : i32
        %add3A_288 = arith.addi %mul3A_2, %mul3A_287 : i32
        %dma_wait3A_289 = tpu.memref_slice %arg4[%add3A_288] : memref<4194304xf32, #tpu.memory_space<hbm>> -> memref<16384xf32, #tpu.memory_space<hbm>>
        %dma_wait3A_290 = tpu.memref_slice %arg4[%add3A_288] : memref<4194304xf32, #tpu.memory_space<hbm>> -> memref<16384xf32, #tpu.memory_space<hbm>>
        tpu.wait_dma2 semaphore(%arg39 : memref<!tpu.dma_semaphore, #tpu.memory_space<semaphore_mem>>) src(%arg34 : memref<16384xf32, #tpu.memory_space<vmem>>) dst(%dma_wait3A_290 : memref<16384xf32, #tpu.memory_space<hbm>>)
      } else {
      }
      %parallel_loop3A_277 = arith.constant 0 : i32
      %parallel_loop3A_278 = arith.constant 256 : i32
      %parallel_loop3A_279 = arith.constant 1 : i32
      scf.for %parallel_loop3A_285 = %parallel_loop3A_277 to %parallel_loop3A_278 step %parallel_loop3A_279  : i32 {
        %parallel_loop3A_286 = arith.constant 4 : i32
        %parallel_loop3A_287 = arith.muli %parallel_loop3A_285, %parallel_loop3A_286 : i32
        %parallel_loop3A_288 = arith.constant 0 : i32
        %parallel_loop3A_289 = arith.addi %parallel_loop3A_287, %parallel_loop3A_288 : i32
        %parallel_loop3A_290 = arith.constant 16 : i32
        %parallel_loop3A_291 = arith.muli %parallel_loop3A_289, %parallel_loop3A_290 : i32
        %parallel_loop3A_292 = arith.index_cast %parallel_loop3A_291 : i32 to index
        %parallel_loop3A_293 = tpu.vector_load %arg32[%parallel_loop3A_292] {strides = array<i32>} : memref<16384xf32, #tpu.memory_space<vmem>>, vector<16xf32>,
        %parallel_loop3A_294 = arith.constant 4 : i32
        %parallel_loop3A_295 = arith.muli %parallel_loop3A_285, %parallel_loop3A_294 : i32
        %parallel_loop3A_296 = arith.constant 1 : i32
        %parallel_loop3A_297 = arith.addi %parallel_loop3A_295, %parallel_loop3A_296 : i32
        %parallel_loop3A_298 = arith.constant 16 : i32
        %parallel_loop3A_299 = arith.muli %parallel_loop3A_297, %parallel_loop3A_298 : i32
        %parallel_loop3A_300 = arith.index_cast %parallel_loop3A_299 : i32 to index
        %parallel_loop3A_301 = tpu.vector_load %arg32[%parallel_loop3A_300] {strides = array<i32>} : memref<16384xf32, #tpu.memory_space<vmem>>, vector<16xf32>,
        %parallel_loop3A_302 = arith.constant 4 : i32
        %parallel_loop3A_303 = arith.muli %parallel_loop3A_285, %parallel_loop3A_302 : i32
        %parallel_loop3A_304 = arith.constant 2 : i32
        %parallel_loop3A_305 = arith.addi %parallel_loop3A_303, %parallel_loop3A_304 : i32
        %parallel_loop3A_306 = arith.constant 16 : i32
        %parallel_loop3A_307 = arith.muli %parallel_loop3A_305, %parallel_loop3A_306 : i32
        %parallel_loop3A_308 = arith.index_cast %parallel_loop3A_307 : i32 to index
        %parallel_loop3A_309 = tpu.vector_load %arg32[%parallel_loop3A_308] {strides = array<i32>} : memref<16384xf32, #tpu.memory_space<vmem>>, vector<16xf32>,
        %parallel_loop3A_310 = arith.constant 4 : i32
        %parallel_loop3A_311 = arith.muli %parallel_loop3A_285, %parallel_loop3A_310 : i32
        %parallel_loop3A_312 = arith.constant 3 : i32
        %parallel_loop3A_313 = arith.addi %parallel_loop3A_311, %parallel_loop3A_312 : i32
        %parallel_loop3A_314 = arith.constant 16 : i32
        %parallel_loop3A_315 = arith.muli %parallel_loop3A_313, %parallel_loop3A_314 : i32
        %parallel_loop3A_316 = arith.index_cast %parallel_loop3A_315 : i32 to index
        %parallel_loop3A_317 = tpu.vector_load %arg32[%parallel_loop3A_316] {strides = array<i32>} : memref<16384xf32, #tpu.memory_space<vmem>>, vector<16xf32>,
        %parallel_loop3A_318 = arith.cmpf ole, %get3A_209, %parallel_loop3A_293 : vector<16xf32>
        %parallel_loop3A_319 = arith.constant 2048 : i32
        %parallel_loop3A_320 = arith.constant 0 : i32
        %parallel_loop3A_321 = vector.broadcast %parallel_loop3A_319 : i32 to vector<16xi32>
        %parallel_loop3A_322 = vector.broadcast %parallel_loop3A_320 : i32 to vector<16xi32>
        %parallel_loop3A_323 = arith.select %parallel_loop3A_318, %parallel_loop3A_321, %parallel_loop3A_322 : vector<16xi1>, vector<16xi32>
        %parallel_loop3A_324 = arith.select %parallel_loop3A_318, %get3A_213, %get3A_211 : vector<16xi1>, vector<16xf32>
        %parallel_loop3A_325 = arith.cmpf ole, %parallel_loop3A_324, %parallel_loop3A_293 : vector<16xf32>
        %parallel_loop3A_326 = arith.constant 1024 : i32
        %parallel_loop3A_327 = vector.broadcast %parallel_loop3A_326 : i32 to vector<16xi32>
        %parallel_loop3A_328 = arith.addi %parallel_loop3A_323, %parallel_loop3A_327 : vector<16xi32>
        %parallel_loop3A_329 = arith.select %parallel_loop3A_325, %parallel_loop3A_328, %parallel_loop3A_323 : vector<16xi1>, vector<16xi32>
        %parallel_loop3A_330 = arith.select %parallel_loop3A_325, %get3A_217, %get3A_215 : vector<16xi1>, vector<16xf32>
        %parallel_loop3A_331 = arith.select %parallel_loop3A_325, %get3A_221, %get3A_219 : vector<16xi1>, vector<16xf32>
        %parallel_loop3A_332 = arith.select %parallel_loop3A_318, %parallel_loop3A_331, %parallel_loop3A_330 : vector<16xi1>, vector<16xf32>
        %parallel_loop3A_333 = arith.cmpf ole, %parallel_loop3A_332, %parallel_loop3A_293 : vector<16xf32>
        %parallel_loop3A_334 = arith.constant 512 : i32
        %parallel_loop3A_335 = vector.broadcast %parallel_loop3A_334 : i32 to vector<16xi32>
        %parallel_loop3A_336 = arith.addi %parallel_loop3A_329, %parallel_loop3A_335 : vector<16xi32>
        %parallel_loop3A_337 = arith.select %parallel_loop3A_333, %parallel_loop3A_336, %parallel_loop3A_329 : vector<16xi1>, vector<16xi32>
        %parallel_loop3A_338 = arith.cmpf ole, %get3A_209, %parallel_loop3A_301 : vector<16xf32>
        %parallel_loop3A_339 = arith.constant 2048 : i32
        %parallel_loop3A_340 = arith.constant 0 : i32
        %parallel_loop3A_341 = vector.broadcast %parallel_loop3A_339 : i32 to vector<16xi32>
        %parallel_loop3A_342 = vector.broadcast %parallel_loop3A_340 : i32 to vector<16xi32>
        %parallel_loop3A_343 = arith.select %parallel_loop3A_338, %parallel_loop3A_341, %parallel_loop3A_342 : vector<16xi1>, vector<16xi32>
        %parallel_loop3A_344 = arith.select %parallel_loop3A_338, %get3A_213, %get3A_211 : vector<16xi1>, vector<16xf32>
        %parallel_loop3A_345 = arith.cmpf ole, %parallel_loop3A_344, %parallel_loop3A_301 : vector<16xf32>
        %parallel_loop3A_346 = arith.constant 1024 : i32
        %parallel_loop3A_347 = vector.broadcast %parallel_loop3A_346 : i32 to vector<16xi32>
        %parallel_loop3A_348 = arith.addi %parallel_loop3A_343, %parallel_loop3A_347 : vector<16xi32>
        %parallel_loop3A_349 = arith.select %parallel_loop3A_345, %parallel_loop3A_348, %parallel_loop3A_343 : vector<16xi1>, vector<16xi32>
        %parallel_loop3A_350 = arith.select %parallel_loop3A_345, %get3A_217, %get3A_215 : vector<16xi1>, vector<16xf32>
        %parallel_loop3A_351 = arith.select %parallel_loop3A_345, %get3A_221, %get3A_219 : vector<16xi1>, vector<16xf32>
        %parallel_loop3A_352 = arith.select %parallel_loop3A_338, %parallel_loop3A_351, %parallel_loop3A_350 : vector<16xi1>, vector<16xf32>
        %parallel_loop3A_353 = arith.cmpf ole, %parallel_loop3A_352, %parallel_loop3A_301 : vector<16xf32>
        %parallel_loop3A_354 = arith.constant 512 : i32
        %parallel_loop3A_355 = vector.broadcast %parallel_loop3A_354 : i32 to vector<16xi32>
        %parallel_loop3A_356 = arith.addi %parallel_loop3A_349, %parallel_loop3A_355 : vector<16xi32>
        %parallel_loop3A_357 = arith.select %parallel_loop3A_353, %parallel_loop3A_356, %parallel_loop3A_349 : vector<16xi1>, vector<16xi32>
        %parallel_loop3A_358 = arith.cmpf ole, %get3A_209, %parallel_loop3A_309 : vector<16xf32>
        %parallel_loop3A_359 = arith.constant 2048 : i32
        %parallel_loop3A_360 = arith.constant 0 : i32
        %parallel_loop3A_361 = vector.broadcast %parallel_loop3A_359 : i32 to vector<16xi32>
        %parallel_loop3A_362 = vector.broadcast %parallel_loop3A_360 : i32 to vector<16xi32>
        %parallel_loop3A_363 = arith.select %parallel_loop3A_358, %parallel_loop3A_361, %parallel_loop3A_362 : vector<16xi1>, vector<16xi32>
        %parallel_loop3A_364 = arith.select %parallel_loop3A_358, %get3A_213, %get3A_211 : vector<16xi1>, vector<16xf32>
        %parallel_loop3A_365 = arith.cmpf ole, %parallel_loop3A_364, %parallel_loop3A_309 : vector<16xf32>
        %parallel_loop3A_366 = arith.constant 1024 : i32
        %parallel_loop3A_367 = vector.broadcast %parallel_loop3A_366 : i32 to vector<16xi32>
        %parallel_loop3A_368 = arith.addi %parallel_loop3A_363, %parallel_loop3A_367 : vector<16xi32>
        %parallel_loop3A_369 = arith.select %parallel_loop3A_365, %parallel_loop3A_368, %parallel_loop3A_363 : vector<16xi1>, vector<16xi32>
        %parallel_loop3A_370 = arith.select %parallel_loop3A_365, %get3A_217, %get3A_215 : vector<16xi1>, vector<16xf32>
        %parallel_loop3A_371 = arith.select %parallel_loop3A_365, %get3A_221, %get3A_219 : vector<16xi1>, vector<16xf32>
        %parallel_loop3A_372 = arith.select %parallel_loop3A_358, %parallel_loop3A_371, %parallel_loop3A_370 : vector<16xi1>, vector<16xf32>
        %parallel_loop3A_373 = arith.cmpf ole, %parallel_loop3A_372, %parallel_loop3A_309 : vector<16xf32>
        %parallel_loop3A_374 = arith.constant 512 : i32
        %parallel_loop3A_375 = vector.broadcast %parallel_loop3A_374 : i32 to vector<16xi32>
        %parallel_loop3A_376 = arith.addi %parallel_loop3A_369, %parallel_loop3A_375 : vector<16xi32>
        %parallel_loop3A_377 = arith.select %parallel_loop3A_373, %parallel_loop3A_376, %parallel_loop3A_369 : vector<16xi1>, vector<16xi32>
        %parallel_loop3A_378 = arith.cmpf ole, %get3A_209, %parallel_loop3A_317 : vector<16xf32>
        %parallel_loop3A_379 = arith.constant 2048 : i32
        %parallel_loop3A_380 = arith.constant 0 : i32
        %parallel_loop3A_381 = vector.broadcast %parallel_loop3A_379 : i32 to vector<16xi32>
        %parallel_loop3A_382 = vector.broadcast %parallel_loop3A_380 : i32 to vector<16xi32>
        %parallel_loop3A_383 = arith.select %parallel_loop3A_378, %parallel_loop3A_381, %parallel_loop3A_382 : vector<16xi1>, vector<16xi32>
        %parallel_loop3A_384 = arith.select %parallel_loop3A_378, %get3A_213, %get3A_211 : vector<16xi1>, vector<16xf32>
        %parallel_loop3A_385 = arith.cmpf ole, %parallel_loop3A_384, %parallel_loop3A_317 : vector<16xf32>
        %parallel_loop3A_386 = arith.constant 1024 : i32
        %parallel_loop3A_387 = vector.broadcast %parallel_loop3A_386 : i32 to vector<16xi32>
        %parallel_loop3A_388 = arith.addi %parallel_loop3A_383, %parallel_loop3A_387 : vector<16xi32>
        %parallel_loop3A_389 = arith.select %parallel_loop3A_385, %parallel_loop3A_388, %parallel_loop3A_383 : vector<16xi1>, vector<16xi32>
        %parallel_loop3A_390 = arith.select %parallel_loop3A_385, %get3A_217, %get3A_215 : vector<16xi1>, vector<16xf32>
        %parallel_loop3A_391 = arith.select %parallel_loop3A_385, %get3A_221, %get3A_219 : vector<16xi1>, vector<16xf32>
        %parallel_loop3A_392 = arith.select %parallel_loop3A_378, %parallel_loop3A_391, %parallel_loop3A_390 : vector<16xi1>, vector<16xf32>
        %parallel_loop3A_393 = arith.cmpf ole, %parallel_loop3A_392, %parallel_loop3A_317 : vector<16xf32>
        %parallel_loop3A_394 = arith.constant 512 : i32
        %parallel_loop3A_395 = vector.broadcast %parallel_loop3A_394 : i32 to vector<16xi32>
        %parallel_loop3A_396 = arith.addi %parallel_loop3A_389, %parallel_loop3A_395 : vector<16xi32>
        %parallel_loop3A_397 = arith.select %parallel_loop3A_393, %parallel_loop3A_396, %parallel_loop3A_389 : vector<16xi1>, vector<16xi32>
        %parallel_loop3A_398 = arith.constant 9 : i32
        %parallel_loop3A_399 = vector.broadcast %parallel_loop3A_398 : i32 to vector<16xi32>
        %parallel_loop3A_400 = arith.shrsi %parallel_loop3A_337, %parallel_loop3A_399 : vector<16xi32>
        %parallel_loop3A_401 = arith.constant 9 : i32
        %parallel_loop3A_402 = vector.broadcast %parallel_loop3A_401 : i32 to vector<16xi32>
        %parallel_loop3A_403 = arith.shrsi %parallel_loop3A_357, %parallel_loop3A_402 : vector<16xi32>
        %parallel_loop3A_404 = arith.constant 9 : i32
        %parallel_loop3A_405 = vector.broadcast %parallel_loop3A_404 : i32 to vector<16xi32>
        %parallel_loop3A_406 = arith.shrsi %parallel_loop3A_377, %parallel_loop3A_405 : vector<16xi32>
        %parallel_loop3A_407 = arith.constant 9 : i32
        %parallel_loop3A_408 = vector.broadcast %parallel_loop3A_407 : i32 to vector<16xi32>
        %parallel_loop3A_409 = arith.shrsi %parallel_loop3A_397, %parallel_loop3A_408 : vector<16xi32>
        %parallel_loop3A_410 = tpu.vector_load_idx %arg5[%parallel_loop3A_400] : memref<8xf32, #tpu.memory_space<vmem>>[vector<16xi32>], vector<16xf32>,
        %parallel_loop3A_411 = tpu.vector_load_idx %arg5[%parallel_loop3A_403] : memref<8xf32, #tpu.memory_space<vmem>>[vector<16xi32>], vector<16xf32>,
        %parallel_loop3A_412 = tpu.vector_load_idx %arg5[%parallel_loop3A_406] : memref<8xf32, #tpu.memory_space<vmem>>[vector<16xi32>], vector<16xf32>,
        %parallel_loop3A_413 = tpu.vector_load_idx %arg5[%parallel_loop3A_409] : memref<8xf32, #tpu.memory_space<vmem>>[vector<16xi32>], vector<16xf32>,
        %parallel_loop3A_414 = arith.cmpf ole, %parallel_loop3A_410, %parallel_loop3A_293 : vector<16xf32>
        %parallel_loop3A_415 = arith.constant 256 : i32
        %parallel_loop3A_416 = vector.broadcast %parallel_loop3A_415 : i32 to vector<16xi32>
        %parallel_loop3A_417 = arith.addi %parallel_loop3A_337, %parallel_loop3A_416 : vector<16xi32>
        %parallel_loop3A_418 = arith.select %parallel_loop3A_414, %parallel_loop3A_417, %parallel_loop3A_337 : vector<16xi1>, vector<16xi32>
        %parallel_loop3A_419 = arith.cmpf ole, %parallel_loop3A_411, %parallel_loop3A_301 : vector<16xf32>
        %parallel_loop3A_420 = arith.constant 256 : i32
        %parallel_loop3A_421 = vector.broadcast %parallel_loop3A_420 : i32 to vector<16xi32>
        %parallel_loop3A_422 = arith.addi %parallel_loop3A_357, %parallel_loop3A_421 : vector<16xi32>
        %parallel_loop3A_423 = arith.select %parallel_loop3A_419, %parallel_loop3A_422, %parallel_loop3A_357 : vector<16xi1>, vector<16xi32>
        %parallel_loop3A_424 = arith.cmpf ole, %parallel_loop3A_412, %parallel_loop3A_309 : vector<16xf32>
        %parallel_loop3A_425 = arith.constant 256 : i32
        %parallel_loop3A_426 = vector.broadcast %parallel_loop3A_425 : i32 to vector<16xi32>
        %parallel_loop3A_427 = arith.addi %parallel_loop3A_377, %parallel_loop3A_426 : vector<16xi32>
        %parallel_loop3A_428 = arith.select %parallel_loop3A_424, %parallel_loop3A_427, %parallel_loop3A_377 : vector<16xi1>, vector<16xi32>
        %parallel_loop3A_429 = arith.cmpf ole, %parallel_loop3A_413, %parallel_loop3A_317 : vector<16xf32>
        %parallel_loop3A_430 = arith.constant 256 : i32
        %parallel_loop3A_431 = vector.broadcast %parallel_loop3A_430 : i32 to vector<16xi32>
        %parallel_loop3A_432 = arith.addi %parallel_loop3A_397, %parallel_loop3A_431 : vector<16xi32>
        %parallel_loop3A_433 = arith.select %parallel_loop3A_429, %parallel_loop3A_432, %parallel_loop3A_397 : vector<16xi1>, vector<16xi32>
        %parallel_loop3A_434 = arith.constant 8 : i32
        %parallel_loop3A_435 = vector.broadcast %parallel_loop3A_434 : i32 to vector<16xi32>
        %parallel_loop3A_436 = arith.shrsi %parallel_loop3A_418, %parallel_loop3A_435 : vector<16xi32>
        %parallel_loop3A_437 = arith.constant 8 : i32
        %parallel_loop3A_438 = vector.broadcast %parallel_loop3A_437 : i32 to vector<16xi32>
        %parallel_loop3A_439 = arith.shrsi %parallel_loop3A_423, %parallel_loop3A_438 : vector<16xi32>
        %parallel_loop3A_440 = arith.constant 8 : i32
        %parallel_loop3A_441 = vector.broadcast %parallel_loop3A_440 : i32 to vector<16xi32>
        %parallel_loop3A_442 = arith.shrsi %parallel_loop3A_428, %parallel_loop3A_441 : vector<16xi32>
        %parallel_loop3A_443 = arith.constant 8 : i32
        %parallel_loop3A_444 = vector.broadcast %parallel_loop3A_443 : i32 to vector<16xi32>
        %parallel_loop3A_445 = arith.shrsi %parallel_loop3A_433, %parallel_loop3A_444 : vector<16xi32>
        %parallel_loop3A_446 = tpu.vector_load_idx %arg6[%parallel_loop3A_436] : memref<16xf32, #tpu.memory_space<vmem>>[vector<16xi32>], vector<16xf32>,
        %parallel_loop3A_447 = tpu.vector_load_idx %arg6[%parallel_loop3A_439] : memref<16xf32, #tpu.memory_space<vmem>>[vector<16xi32>], vector<16xf32>,
        %parallel_loop3A_448 = tpu.vector_load_idx %arg6[%parallel_loop3A_442] : memref<16xf32, #tpu.memory_space<vmem>>[vector<16xi32>], vector<16xf32>,
        %parallel_loop3A_449 = tpu.vector_load_idx %arg6[%parallel_loop3A_445] : memref<16xf32, #tpu.memory_space<vmem>>[vector<16xi32>], vector<16xf32>,
        %parallel_loop3A_450 = arith.cmpf ole, %parallel_loop3A_446, %parallel_loop3A_293 : vector<16xf32>
        %parallel_loop3A_451 = arith.constant 128 : i32
        %parallel_loop3A_452 = vector.broadcast %parallel_loop3A_451 : i32 to vector<16xi32>
        %parallel_loop3A_453 = arith.addi %parallel_loop3A_418, %parallel_loop3A_452 : vector<16xi32>
        %parallel_loop3A_454 = arith.select %parallel_loop3A_450, %parallel_loop3A_453, %parallel_loop3A_418 : vector<16xi1>, vector<16xi32>
        %parallel_loop3A_455 = arith.cmpf ole, %parallel_loop3A_447, %parallel_loop3A_301 : vector<16xf32>
        %parallel_loop3A_456 = arith.constant 128 : i32
        %parallel_loop3A_457 = vector.broadcast %parallel_loop3A_456 : i32 to vector<16xi32>
        %parallel_loop3A_458 = arith.addi %parallel_loop3A_423, %parallel_loop3A_457 : vector<16xi32>
        %parallel_loop3A_459 = arith.select %parallel_loop3A_455, %parallel_loop3A_458, %parallel_loop3A_423 : vector<16xi1>, vector<16xi32>
        %parallel_loop3A_460 = arith.cmpf ole, %parallel_loop3A_448, %parallel_loop3A_309 : vector<16xf32>
        %parallel_loop3A_461 = arith.constant 128 : i32
        %parallel_loop3A_462 = vector.broadcast %parallel_loop3A_461 : i32 to vector<16xi32>
        %parallel_loop3A_463 = arith.addi %parallel_loop3A_428, %parallel_loop3A_462 : vector<16xi32>
        %parallel_loop3A_464 = arith.select %parallel_loop3A_460, %parallel_loop3A_463, %parallel_loop3A_428 : vector<16xi1>, vector<16xi32>
        %parallel_loop3A_465 = arith.cmpf ole, %parallel_loop3A_449, %parallel_loop3A_317 : vector<16xf32>
        %parallel_loop3A_466 = arith.constant 128 : i32
        %parallel_loop3A_467 = vector.broadcast %parallel_loop3A_466 : i32 to vector<16xi32>
        %parallel_loop3A_468 = arith.addi %parallel_loop3A_433, %parallel_loop3A_467 : vector<16xi32>
        %parallel_loop3A_469 = arith.select %parallel_loop3A_465, %parallel_loop3A_468, %parallel_loop3A_433 : vector<16xi1>, vector<16xi32>
        %parallel_loop3A_470 = arith.constant 7 : i32
        %parallel_loop3A_471 = vector.broadcast %parallel_loop3A_470 : i32 to vector<16xi32>
        %parallel_loop3A_472 = arith.shrsi %parallel_loop3A_454, %parallel_loop3A_471 : vector<16xi32>
        %parallel_loop3A_473 = arith.constant 7 : i32
        %parallel_loop3A_474 = vector.broadcast %parallel_loop3A_473 : i32 to vector<16xi32>
        %parallel_loop3A_475 = arith.shrsi %parallel_loop3A_459, %parallel_loop3A_474 : vector<16xi32>
        %parallel_loop3A_476 = arith.constant 7 : i32
        %parallel_loop3A_477 = vector.broadcast %parallel_loop3A_476 : i32 to vector<16xi32>
        %parallel_loop3A_478 = arith.shrsi %parallel_loop3A_464, %parallel_loop3A_477 : vector<16xi32>
        %parallel_loop3A_479 = arith.constant 7 : i32
        %parallel_loop3A_480 = vector.broadcast %parallel_loop3A_479 : i32 to vector<16xi32>
        %parallel_loop3A_481 = arith.shrsi %parallel_loop3A_469, %parallel_loop3A_480 : vector<16xi32>
        %parallel_loop3A_482 = tpu.vector_load_idx %arg7[%parallel_loop3A_472] : memref<32xf32, #tpu.memory_space<vmem>>[vector<16xi32>], vector<16xf32>,
        %parallel_loop3A_483 = tpu.vector_load_idx %arg7[%parallel_loop3A_475] : memref<32xf32, #tpu.memory_space<vmem>>[vector<16xi32>], vector<16xf32>,
        %parallel_loop3A_484 = tpu.vector_load_idx %arg7[%parallel_loop3A_478] : memref<32xf32, #tpu.memory_space<vmem>>[vector<16xi32>], vector<16xf32>,
        %parallel_loop3A_485 = tpu.vector_load_idx %arg7[%parallel_loop3A_481] : memref<32xf32, #tpu.memory_space<vmem>>[vector<16xi32>], vector<16xf32>,
        %parallel_loop3A_486 = arith.cmpf ole, %parallel_loop3A_482, %parallel_loop3A_293 : vector<16xf32>
        %parallel_loop3A_487 = arith.constant 64 : i32
        %parallel_loop3A_488 = vector.broadcast %parallel_loop3A_487 : i32 to vector<16xi32>
        %parallel_loop3A_489 = arith.addi %parallel_loop3A_454, %parallel_loop3A_488 : vector<16xi32>
        %parallel_loop3A_490 = arith.select %parallel_loop3A_486, %parallel_loop3A_489, %parallel_loop3A_454 : vector<16xi1>, vector<16xi32>
        %parallel_loop3A_491 = arith.cmpf ole, %parallel_loop3A_483, %parallel_loop3A_301 : vector<16xf32>
        %parallel_loop3A_492 = arith.constant 64 : i32
        %parallel_loop3A_493 = vector.broadcast %parallel_loop3A_492 : i32 to vector<16xi32>
        %parallel_loop3A_494 = arith.addi %parallel_loop3A_459, %parallel_loop3A_493 : vector<16xi32>
        %parallel_loop3A_495 = arith.select %parallel_loop3A_491, %parallel_loop3A_494, %parallel_loop3A_459 : vector<16xi1>, vector<16xi32>
        %parallel_loop3A_496 = arith.cmpf ole, %parallel_loop3A_484, %parallel_loop3A_309 : vector<16xf32>
        %parallel_loop3A_497 = arith.constant 64 : i32
        %parallel_loop3A_498 = vector.broadcast %parallel_loop3A_497 : i32 to vector<16xi32>
        %parallel_loop3A_499 = arith.addi %parallel_loop3A_464, %parallel_loop3A_498 : vector<16xi32>
        %parallel_loop3A_500 = arith.select %parallel_loop3A_496, %parallel_loop3A_499, %parallel_loop3A_464 : vector<16xi1>, vector<16xi32>
        %parallel_loop3A_501 = arith.cmpf ole, %parallel_loop3A_485, %parallel_loop3A_317 : vector<16xf32>
        %parallel_loop3A_502 = arith.constant 64 : i32
        %parallel_loop3A_503 = vector.broadcast %parallel_loop3A_502 : i32 to vector<16xi32>
        %parallel_loop3A_504 = arith.addi %parallel_loop3A_469, %parallel_loop3A_503 : vector<16xi32>
        %parallel_loop3A_505 = arith.select %parallel_loop3A_501, %parallel_loop3A_504, %parallel_loop3A_469 : vector<16xi1>, vector<16xi32>
        %parallel_loop3A_506 = arith.constant 6 : i32
        %parallel_loop3A_507 = vector.broadcast %parallel_loop3A_506 : i32 to vector<16xi32>
        %parallel_loop3A_508 = arith.shrsi %parallel_loop3A_490, %parallel_loop3A_507 : vector<16xi32>
        %parallel_loop3A_509 = arith.constant 6 : i32
        %parallel_loop3A_510 = vector.broadcast %parallel_loop3A_509 : i32 to vector<16xi32>
        %parallel_loop3A_511 = arith.shrsi %parallel_loop3A_495, %parallel_loop3A_510 : vector<16xi32>
        %parallel_loop3A_512 = arith.constant 6 : i32
        %parallel_loop3A_513 = vector.broadcast %parallel_loop3A_512 : i32 to vector<16xi32>
        %parallel_loop3A_514 = arith.shrsi %parallel_loop3A_500, %parallel_loop3A_513 : vector<16xi32>
        %parallel_loop3A_515 = arith.constant 6 : i32
        %parallel_loop3A_516 = vector.broadcast %parallel_loop3A_515 : i32 to vector<16xi32>
        %parallel_loop3A_517 = arith.shrsi %parallel_loop3A_505, %parallel_loop3A_516 : vector<16xi32>
        %parallel_loop3A_518 = tpu.vector_load_idx %arg8[%parallel_loop3A_508] : memref<64xf32, #tpu.memory_space<vmem>>[vector<16xi32>], vector<16xf32>,
        %parallel_loop3A_519 = tpu.vector_load_idx %arg8[%parallel_loop3A_511] : memref<64xf32, #tpu.memory_space<vmem>>[vector<16xi32>], vector<16xf32>,
        %parallel_loop3A_520 = tpu.vector_load_idx %arg8[%parallel_loop3A_514] : memref<64xf32, #tpu.memory_space<vmem>>[vector<16xi32>], vector<16xf32>,
        %parallel_loop3A_521 = tpu.vector_load_idx %arg8[%parallel_loop3A_517] : memref<64xf32, #tpu.memory_space<vmem>>[vector<16xi32>], vector<16xf32>,
        %parallel_loop3A_522 = arith.cmpf ole, %parallel_loop3A_518, %parallel_loop3A_293 : vector<16xf32>
        %parallel_loop3A_523 = arith.constant 32 : i32
        %parallel_loop3A_524 = vector.broadcast %parallel_loop3A_523 : i32 to vector<16xi32>
        %parallel_loop3A_525 = arith.addi %parallel_loop3A_490, %parallel_loop3A_524 : vector<16xi32>
        %parallel_loop3A_526 = arith.select %parallel_loop3A_522, %parallel_loop3A_525, %parallel_loop3A_490 : vector<16xi1>, vector<16xi32>
        %parallel_loop3A_527 = arith.cmpf ole, %parallel_loop3A_519, %parallel_loop3A_301 : vector<16xf32>
        %parallel_loop3A_528 = arith.constant 32 : i32
        %parallel_loop3A_529 = vector.broadcast %parallel_loop3A_528 : i32 to vector<16xi32>
        %parallel_loop3A_530 = arith.addi %parallel_loop3A_495, %parallel_loop3A_529 : vector<16xi32>
        %parallel_loop3A_531 = arith.select %parallel_loop3A_527, %parallel_loop3A_530, %parallel_loop3A_495 : vector<16xi1>, vector<16xi32>
        %parallel_loop3A_532 = arith.cmpf ole, %parallel_loop3A_520, %parallel_loop3A_309 : vector<16xf32>
        %parallel_loop3A_533 = arith.constant 32 : i32
        %parallel_loop3A_534 = vector.broadcast %parallel_loop3A_533 : i32 to vector<16xi32>
        %parallel_loop3A_535 = arith.addi %parallel_loop3A_500, %parallel_loop3A_534 : vector<16xi32>
        %parallel_loop3A_536 = arith.select %parallel_loop3A_532, %parallel_loop3A_535, %parallel_loop3A_500 : vector<16xi1>, vector<16xi32>
        %parallel_loop3A_537 = arith.cmpf ole, %parallel_loop3A_521, %parallel_loop3A_317 : vector<16xf32>
        %parallel_loop3A_538 = arith.constant 32 : i32
        %parallel_loop3A_539 = vector.broadcast %parallel_loop3A_538 : i32 to vector<16xi32>
        %parallel_loop3A_540 = arith.addi %parallel_loop3A_505, %parallel_loop3A_539 : vector<16xi32>
        %parallel_loop3A_541 = arith.select %parallel_loop3A_537, %parallel_loop3A_540, %parallel_loop3A_505 : vector<16xi1>, vector<16xi32>
        %parallel_loop3A_542 = arith.constant 5 : i32
        %parallel_loop3A_543 = vector.broadcast %parallel_loop3A_542 : i32 to vector<16xi32>
        %parallel_loop3A_544 = arith.shrsi %parallel_loop3A_526, %parallel_loop3A_543 : vector<16xi32>
        %parallel_loop3A_545 = arith.constant 5 : i32
        %parallel_loop3A_546 = vector.broadcast %parallel_loop3A_545 : i32 to vector<16xi32>
        %parallel_loop3A_547 = arith.shrsi %parallel_loop3A_531, %parallel_loop3A_546 : vector<16xi32>
        %parallel_loop3A_548 = arith.constant 5 : i32
        %parallel_loop3A_549 = vector.broadcast %parallel_loop3A_548 : i32 to vector<16xi32>
        %parallel_loop3A_550 = arith.shrsi %parallel_loop3A_536, %parallel_loop3A_549 : vector<16xi32>
        %parallel_loop3A_551 = arith.constant 5 : i32
        %parallel_loop3A_552 = vector.broadcast %parallel_loop3A_551 : i32 to vector<16xi32>
        %parallel_loop3A_553 = arith.shrsi %parallel_loop3A_541, %parallel_loop3A_552 : vector<16xi32>
        %parallel_loop3A_554 = tpu.vector_load_idx %arg9[%parallel_loop3A_544] : memref<128xf32, #tpu.memory_space<vmem>>[vector<16xi32>], vector<16xf32>,
        %parallel_loop3A_555 = tpu.vector_load_idx %arg9[%parallel_loop3A_547] : memref<128xf32, #tpu.memory_space<vmem>>[vector<16xi32>], vector<16xf32>,
        %parallel_loop3A_556 = tpu.vector_load_idx %arg9[%parallel_loop3A_550] : memref<128xf32, #tpu.memory_space<vmem>>[vector<16xi32>], vector<16xf32>,
        %parallel_loop3A_557 = tpu.vector_load_idx %arg9[%parallel_loop3A_553] : memref<128xf32, #tpu.memory_space<vmem>>[vector<16xi32>], vector<16xf32>,
        %parallel_loop3A_558 = arith.cmpf ole, %parallel_loop3A_554, %parallel_loop3A_293 : vector<16xf32>
        %parallel_loop3A_559 = arith.constant 16 : i32
        %parallel_loop3A_560 = vector.broadcast %parallel_loop3A_559 : i32 to vector<16xi32>
        %parallel_loop3A_561 = arith.addi %parallel_loop3A_526, %parallel_loop3A_560 : vector<16xi32>
        %parallel_loop3A_562 = arith.select %parallel_loop3A_558, %parallel_loop3A_561, %parallel_loop3A_526 : vector<16xi1>, vector<16xi32>
        %parallel_loop3A_563 = arith.cmpf ole, %parallel_loop3A_555, %parallel_loop3A_301 : vector<16xf32>
        %parallel_loop3A_564 = arith.constant 16 : i32
        %parallel_loop3A_565 = vector.broadcast %parallel_loop3A_564 : i32 to vector<16xi32>
        %parallel_loop3A_566 = arith.addi %parallel_loop3A_531, %parallel_loop3A_565 : vector<16xi32>
        %parallel_loop3A_567 = arith.select %parallel_loop3A_563, %parallel_loop3A_566, %parallel_loop3A_531 : vector<16xi1>, vector<16xi32>
        %parallel_loop3A_568 = arith.cmpf ole, %parallel_loop3A_556, %parallel_loop3A_309 : vector<16xf32>
        %parallel_loop3A_569 = arith.constant 16 : i32
        %parallel_loop3A_570 = vector.broadcast %parallel_loop3A_569 : i32 to vector<16xi32>
        %parallel_loop3A_571 = arith.addi %parallel_loop3A_536, %parallel_loop3A_570 : vector<16xi32>
        %parallel_loop3A_572 = arith.select %parallel_loop3A_568, %parallel_loop3A_571, %parallel_loop3A_536 : vector<16xi1>, vector<16xi32>
        %parallel_loop3A_573 = arith.cmpf ole, %parallel_loop3A_557, %parallel_loop3A_317 : vector<16xf32>
        %parallel_loop3A_574 = arith.constant 16 : i32
        %parallel_loop3A_575 = vector.broadcast %parallel_loop3A_574 : i32 to vector<16xi32>
        %parallel_loop3A_576 = arith.addi %parallel_loop3A_541, %parallel_loop3A_575 : vector<16xi32>
        %parallel_loop3A_577 = arith.select %parallel_loop3A_573, %parallel_loop3A_576, %parallel_loop3A_541 : vector<16xi1>, vector<16xi32>
        %parallel_loop3A_578 = arith.constant 4 : i32
        %parallel_loop3A_579 = vector.broadcast %parallel_loop3A_578 : i32 to vector<16xi32>
        %parallel_loop3A_580 = arith.shrsi %parallel_loop3A_562, %parallel_loop3A_579 : vector<16xi32>
        %parallel_loop3A_581 = arith.constant 4 : i32
        %parallel_loop3A_582 = vector.broadcast %parallel_loop3A_581 : i32 to vector<16xi32>
        %parallel_loop3A_583 = arith.shrsi %parallel_loop3A_567, %parallel_loop3A_582 : vector<16xi32>
        %parallel_loop3A_584 = arith.constant 4 : i32
        %parallel_loop3A_585 = vector.broadcast %parallel_loop3A_584 : i32 to vector<16xi32>
        %parallel_loop3A_586 = arith.shrsi %parallel_loop3A_572, %parallel_loop3A_585 : vector<16xi32>
        %parallel_loop3A_587 = arith.constant 4 : i32
        %parallel_loop3A_588 = vector.broadcast %parallel_loop3A_587 : i32 to vector<16xi32>
        %parallel_loop3A_589 = arith.shrsi %parallel_loop3A_577, %parallel_loop3A_588 : vector<16xi32>
        %parallel_loop3A_590 = tpu.vector_load_idx %arg10[%parallel_loop3A_580] : memref<256xf32, #tpu.memory_space<vmem>>[vector<16xi32>], vector<16xf32>,
        %parallel_loop3A_591 = tpu.vector_load_idx %arg10[%parallel_loop3A_583] : memref<256xf32, #tpu.memory_space<vmem>>[vector<16xi32>], vector<16xf32>,
        %parallel_loop3A_592 = tpu.vector_load_idx %arg10[%parallel_loop3A_586] : memref<256xf32, #tpu.memory_space<vmem>>[vector<16xi32>], vector<16xf32>,
        %parallel_loop3A_593 = tpu.vector_load_idx %arg10[%parallel_loop3A_589] : memref<256xf32, #tpu.memory_space<vmem>>[vector<16xi32>], vector<16xf32>,
        %parallel_loop3A_594 = arith.cmpf ole, %parallel_loop3A_590, %parallel_loop3A_293 : vector<16xf32>
        %parallel_loop3A_595 = arith.constant 8 : i32
        %parallel_loop3A_596 = vector.broadcast %parallel_loop3A_595 : i32 to vector<16xi32>
        %parallel_loop3A_597 = arith.addi %parallel_loop3A_562, %parallel_loop3A_596 : vector<16xi32>
        %parallel_loop3A_598 = arith.select %parallel_loop3A_594, %parallel_loop3A_597, %parallel_loop3A_562 : vector<16xi1>, vector<16xi32>
        %parallel_loop3A_599 = arith.cmpf ole, %parallel_loop3A_591, %parallel_loop3A_301 : vector<16xf32>
        %parallel_loop3A_600 = arith.constant 8 : i32
        %parallel_loop3A_601 = vector.broadcast %parallel_loop3A_600 : i32 to vector<16xi32>
        %parallel_loop3A_602 = arith.addi %parallel_loop3A_567, %parallel_loop3A_601 : vector<16xi32>
        %parallel_loop3A_603 = arith.select %parallel_loop3A_599, %parallel_loop3A_602, %parallel_loop3A_567 : vector<16xi1>, vector<16xi32>
        %parallel_loop3A_604 = arith.cmpf ole, %parallel_loop3A_592, %parallel_loop3A_309 : vector<16xf32>
        %parallel_loop3A_605 = arith.constant 8 : i32
        %parallel_loop3A_606 = vector.broadcast %parallel_loop3A_605 : i32 to vector<16xi32>
        %parallel_loop3A_607 = arith.addi %parallel_loop3A_572, %parallel_loop3A_606 : vector<16xi32>
        %parallel_loop3A_608 = arith.select %parallel_loop3A_604, %parallel_loop3A_607, %parallel_loop3A_572 : vector<16xi1>, vector<16xi32>
        %parallel_loop3A_609 = arith.cmpf ole, %parallel_loop3A_593, %parallel_loop3A_317 : vector<16xf32>
        %parallel_loop3A_610 = arith.constant 8 : i32
        %parallel_loop3A_611 = vector.broadcast %parallel_loop3A_610 : i32 to vector<16xi32>
        %parallel_loop3A_612 = arith.addi %parallel_loop3A_577, %parallel_loop3A_611 : vector<16xi32>
        %parallel_loop3A_613 = arith.select %parallel_loop3A_609, %parallel_loop3A_612, %parallel_loop3A_577 : vector<16xi1>, vector<16xi32>
        %parallel_loop3A_614 = arith.constant 3 : i32
        %parallel_loop3A_615 = vector.broadcast %parallel_loop3A_614 : i32 to vector<16xi32>
        %parallel_loop3A_616 = arith.shrsi %parallel_loop3A_598, %parallel_loop3A_615 : vector<16xi32>
        %parallel_loop3A_617 = arith.constant 3 : i32
        %parallel_loop3A_618 = vector.broadcast %parallel_loop3A_617 : i32 to vector<16xi32>
        %parallel_loop3A_619 = arith.shrsi %parallel_loop3A_603, %parallel_loop3A_618 : vector<16xi32>
        %parallel_loop3A_620 = arith.constant 3 : i32
        %parallel_loop3A_621 = vector.broadcast %parallel_loop3A_620 : i32 to vector<16xi32>
        %parallel_loop3A_622 = arith.shrsi %parallel_loop3A_608, %parallel_loop3A_621 : vector<16xi32>
        %parallel_loop3A_623 = arith.constant 3 : i32
        %parallel_loop3A_624 = vector.broadcast %parallel_loop3A_623 : i32 to vector<16xi32>
        %parallel_loop3A_625 = arith.shrsi %parallel_loop3A_613, %parallel_loop3A_624 : vector<16xi32>
        %parallel_loop3A_626 = tpu.vector_load_idx %arg11[%parallel_loop3A_616] : memref<512xf32, #tpu.memory_space<vmem>>[vector<16xi32>], vector<16xf32>,
        %parallel_loop3A_627 = tpu.vector_load_idx %arg11[%parallel_loop3A_619] : memref<512xf32, #tpu.memory_space<vmem>>[vector<16xi32>], vector<16xf32>,
        %parallel_loop3A_628 = tpu.vector_load_idx %arg11[%parallel_loop3A_622] : memref<512xf32, #tpu.memory_space<vmem>>[vector<16xi32>], vector<16xf32>,
        %parallel_loop3A_629 = tpu.vector_load_idx %arg11[%parallel_loop3A_625] : memref<512xf32, #tpu.memory_space<vmem>>[vector<16xi32>], vector<16xf32>,
        %parallel_loop3A_630 = arith.cmpf ole, %parallel_loop3A_626, %parallel_loop3A_293 : vector<16xf32>
        %parallel_loop3A_631 = arith.constant 4 : i32
        %parallel_loop3A_632 = vector.broadcast %parallel_loop3A_631 : i32 to vector<16xi32>
        %parallel_loop3A_633 = arith.addi %parallel_loop3A_598, %parallel_loop3A_632 : vector<16xi32>
        %parallel_loop3A_634 = arith.select %parallel_loop3A_630, %parallel_loop3A_633, %parallel_loop3A_598 : vector<16xi1>, vector<16xi32>
        %parallel_loop3A_635 = arith.cmpf ole, %parallel_loop3A_627, %parallel_loop3A_301 : vector<16xf32>
        %parallel_loop3A_636 = arith.constant 4 : i32
        %parallel_loop3A_637 = vector.broadcast %parallel_loop3A_636 : i32 to vector<16xi32>
        %parallel_loop3A_638 = arith.addi %parallel_loop3A_603, %parallel_loop3A_637 : vector<16xi32>
        %parallel_loop3A_639 = arith.select %parallel_loop3A_635, %parallel_loop3A_638, %parallel_loop3A_603 : vector<16xi1>, vector<16xi32>
        %parallel_loop3A_640 = arith.cmpf ole, %parallel_loop3A_628, %parallel_loop3A_309 : vector<16xf32>
        %parallel_loop3A_641 = arith.constant 4 : i32
        %parallel_loop3A_642 = vector.broadcast %parallel_loop3A_641 : i32 to vector<16xi32>
        %parallel_loop3A_643 = arith.addi %parallel_loop3A_608, %parallel_loop3A_642 : vector<16xi32>
        %parallel_loop3A_644 = arith.select %parallel_loop3A_640, %parallel_loop3A_643, %parallel_loop3A_608 : vector<16xi1>, vector<16xi32>
        %parallel_loop3A_645 = arith.cmpf ole, %parallel_loop3A_629, %parallel_loop3A_317 : vector<16xf32>
        %parallel_loop3A_646 = arith.constant 4 : i32
        %parallel_loop3A_647 = vector.broadcast %parallel_loop3A_646 : i32 to vector<16xi32>
        %parallel_loop3A_648 = arith.addi %parallel_loop3A_613, %parallel_loop3A_647 : vector<16xi32>
        %parallel_loop3A_649 = arith.select %parallel_loop3A_645, %parallel_loop3A_648, %parallel_loop3A_613 : vector<16xi1>, vector<16xi32>
        %parallel_loop3A_650 = arith.constant 2 : i32
        %parallel_loop3A_651 = vector.broadcast %parallel_loop3A_650 : i32 to vector<16xi32>
        %parallel_loop3A_652 = arith.shrsi %parallel_loop3A_634, %parallel_loop3A_651 : vector<16xi32>
        %parallel_loop3A_653 = arith.constant 2 : i32
        %parallel_loop3A_654 = vector.broadcast %parallel_loop3A_653 : i32 to vector<16xi32>
        %parallel_loop3A_655 = arith.shrsi %parallel_loop3A_639, %parallel_loop3A_654 : vector<16xi32>
        %parallel_loop3A_656 = arith.constant 2 : i32
        %parallel_loop3A_657 = vector.broadcast %parallel_loop3A_656 : i32 to vector<16xi32>
        %parallel_loop3A_658 = arith.shrsi %parallel_loop3A_644, %parallel_loop3A_657 : vector<16xi32>
        %parallel_loop3A_659 = arith.constant 2 : i32
        %parallel_loop3A_660 = vector.broadcast %parallel_loop3A_659 : i32 to vector<16xi32>
        %parallel_loop3A_661 = arith.shrsi %parallel_loop3A_649, %parallel_loop3A_660 : vector<16xi32>
        %parallel_loop3A_662 = tpu.vector_load_idx %arg12[%parallel_loop3A_652] : memref<1024xf32, #tpu.memory_space<vmem>>[vector<16xi32>], vector<16xf32>,
        %parallel_loop3A_663 = tpu.vector_load_idx %arg12[%parallel_loop3A_655] : memref<1024xf32, #tpu.memory_space<vmem>>[vector<16xi32>], vector<16xf32>,
        %parallel_loop3A_664 = tpu.vector_load_idx %arg12[%parallel_loop3A_658] : memref<1024xf32, #tpu.memory_space<vmem>>[vector<16xi32>], vector<16xf32>,
        %parallel_loop3A_665 = tpu.vector_load_idx %arg12[%parallel_loop3A_661] : memref<1024xf32, #tpu.memory_space<vmem>>[vector<16xi32>], vector<16xf32>,
        %parallel_loop3A_666 = arith.cmpf ole, %parallel_loop3A_662, %parallel_loop3A_293 : vector<16xf32>
        %parallel_loop3A_667 = arith.constant 2 : i32
        %parallel_loop3A_668 = vector.broadcast %parallel_loop3A_667 : i32 to vector<16xi32>
        %parallel_loop3A_669 = arith.addi %parallel_loop3A_634, %parallel_loop3A_668 : vector<16xi32>
        %parallel_loop3A_670 = arith.select %parallel_loop3A_666, %parallel_loop3A_669, %parallel_loop3A_634 : vector<16xi1>, vector<16xi32>
        %parallel_loop3A_671 = arith.cmpf ole, %parallel_loop3A_663, %parallel_loop3A_301 : vector<16xf32>
        %parallel_loop3A_672 = arith.constant 2 : i32
        %parallel_loop3A_673 = vector.broadcast %parallel_loop3A_672 : i32 to vector<16xi32>
        %parallel_loop3A_674 = arith.addi %parallel_loop3A_639, %parallel_loop3A_673 : vector<16xi32>
        %parallel_loop3A_675 = arith.select %parallel_loop3A_671, %parallel_loop3A_674, %parallel_loop3A_639 : vector<16xi1>, vector<16xi32>
        %parallel_loop3A_676 = arith.cmpf ole, %parallel_loop3A_664, %parallel_loop3A_309 : vector<16xf32>
        %parallel_loop3A_677 = arith.constant 2 : i32
        %parallel_loop3A_678 = vector.broadcast %parallel_loop3A_677 : i32 to vector<16xi32>
        %parallel_loop3A_679 = arith.addi %parallel_loop3A_644, %parallel_loop3A_678 : vector<16xi32>
        %parallel_loop3A_680 = arith.select %parallel_loop3A_676, %parallel_loop3A_679, %parallel_loop3A_644 : vector<16xi1>, vector<16xi32>
        %parallel_loop3A_681 = arith.cmpf ole, %parallel_loop3A_665, %parallel_loop3A_317 : vector<16xf32>
        %parallel_loop3A_682 = arith.constant 2 : i32
        %parallel_loop3A_683 = vector.broadcast %parallel_loop3A_682 : i32 to vector<16xi32>
        %parallel_loop3A_684 = arith.addi %parallel_loop3A_649, %parallel_loop3A_683 : vector<16xi32>
        %parallel_loop3A_685 = arith.select %parallel_loop3A_681, %parallel_loop3A_684, %parallel_loop3A_649 : vector<16xi1>, vector<16xi32>
        %parallel_loop3A_686 = arith.constant 1 : i32
        %parallel_loop3A_687 = vector.broadcast %parallel_loop3A_686 : i32 to vector<16xi32>
        %parallel_loop3A_688 = arith.shrsi %parallel_loop3A_670, %parallel_loop3A_687 : vector<16xi32>
        %parallel_loop3A_689 = arith.constant 1 : i32
        %parallel_loop3A_690 = vector.broadcast %parallel_loop3A_689 : i32 to vector<16xi32>
        %parallel_loop3A_691 = arith.shrsi %parallel_loop3A_675, %parallel_loop3A_690 : vector<16xi32>
        %parallel_loop3A_692 = arith.constant 1 : i32
        %parallel_loop3A_693 = vector.broadcast %parallel_loop3A_692 : i32 to vector<16xi32>
        %parallel_loop3A_694 = arith.shrsi %parallel_loop3A_680, %parallel_loop3A_693 : vector<16xi32>
        %parallel_loop3A_695 = arith.constant 1 : i32
        %parallel_loop3A_696 = vector.broadcast %parallel_loop3A_695 : i32 to vector<16xi32>
        %parallel_loop3A_697 = arith.shrsi %parallel_loop3A_685, %parallel_loop3A_696 : vector<16xi32>
        %parallel_loop3A_698 = tpu.vector_load_idx %arg13[%parallel_loop3A_688] : memref<2048xf32, #tpu.memory_space<vmem>>[vector<16xi32>], vector<16xf32>,
        %parallel_loop3A_699 = tpu.vector_load_idx %arg13[%parallel_loop3A_691] : memref<2048xf32, #tpu.memory_space<vmem>>[vector<16xi32>], vector<16xf32>,
        %parallel_loop3A_700 = tpu.vector_load_idx %arg13[%parallel_loop3A_694] : memref<2048xf32, #tpu.memory_space<vmem>>[vector<16xi32>], vector<16xf32>,
        %parallel_loop3A_701 = tpu.vector_load_idx %arg13[%parallel_loop3A_697] : memref<2048xf32, #tpu.memory_space<vmem>>[vector<16xi32>], vector<16xf32>,
        %parallel_loop3A_702 = arith.cmpf ole, %parallel_loop3A_698, %parallel_loop3A_293 : vector<16xf32>
        %parallel_loop3A_703 = arith.constant 1 : i32
        %parallel_loop3A_704 = vector.broadcast %parallel_loop3A_703 : i32 to vector<16xi32>
        %parallel_loop3A_705 = arith.addi %parallel_loop3A_670, %parallel_loop3A_704 : vector<16xi32>
        %parallel_loop3A_706 = arith.select %parallel_loop3A_702, %parallel_loop3A_705, %parallel_loop3A_670 : vector<16xi1>, vector<16xi32>
        %parallel_loop3A_707 = arith.cmpf ole, %parallel_loop3A_699, %parallel_loop3A_301 : vector<16xf32>
        %parallel_loop3A_708 = arith.constant 1 : i32
        %parallel_loop3A_709 = vector.broadcast %parallel_loop3A_708 : i32 to vector<16xi32>
        %parallel_loop3A_710 = arith.addi %parallel_loop3A_675, %parallel_loop3A_709 : vector<16xi32>
        %parallel_loop3A_711 = arith.select %parallel_loop3A_707, %parallel_loop3A_710, %parallel_loop3A_675 : vector<16xi1>, vector<16xi32>
        %parallel_loop3A_712 = arith.cmpf ole, %parallel_loop3A_700, %parallel_loop3A_309 : vector<16xf32>
        %parallel_loop3A_713 = arith.constant 1 : i32
        %parallel_loop3A_714 = vector.broadcast %parallel_loop3A_713 : i32 to vector<16xi32>
        %parallel_loop3A_715 = arith.addi %parallel_loop3A_680, %parallel_loop3A_714 : vector<16xi32>
        %parallel_loop3A_716 = arith.select %parallel_loop3A_712, %parallel_loop3A_715, %parallel_loop3A_680 : vector<16xi1>, vector<16xi32>
        %parallel_loop3A_717 = arith.cmpf ole, %parallel_loop3A_701, %parallel_loop3A_317 : vector<16xf32>
        %parallel_loop3A_718 = arith.constant 1 : i32
        %parallel_loop3A_719 = vector.broadcast %parallel_loop3A_718 : i32 to vector<16xi32>
        %parallel_loop3A_720 = arith.addi %parallel_loop3A_685, %parallel_loop3A_719 : vector<16xi32>
        %parallel_loop3A_721 = arith.select %parallel_loop3A_717, %parallel_loop3A_720, %parallel_loop3A_685 : vector<16xi1>, vector<16xi32>
        %parallel_loop3A_722 = arith.constant 1 : i32
        %parallel_loop3A_723 = vector.broadcast %parallel_loop3A_722 : i32 to vector<16xi32>
        %parallel_loop3A_724 = arith.subi %parallel_loop3A_706, %parallel_loop3A_723 : vector<16xi32>
        %parallel_loop3A_725 = arith.constant 3 : i32
        %parallel_loop3A_726 = vector.broadcast %parallel_loop3A_725 : i32 to vector<16xi32>
        %parallel_loop3A_727 = arith.maxsi %parallel_loop3A_724, %parallel_loop3A_726 : vector<16xi32>
        %parallel_loop3A_728 = arith.constant 4091 : i32
        %parallel_loop3A_729 = vector.broadcast %parallel_loop3A_728 : i32 to vector<16xi32>
        %parallel_loop3A_730 = arith.minsi %parallel_loop3A_727, %parallel_loop3A_729 : vector<16xi32>
        %parallel_loop3A_731 = arith.constant 1 : i32
        %parallel_loop3A_732 = vector.broadcast %parallel_loop3A_731 : i32 to vector<16xi32>
        %parallel_loop3A_733 = arith.subi %parallel_loop3A_711, %parallel_loop3A_732 : vector<16xi32>
        %parallel_loop3A_734 = arith.constant 3 : i32
        %parallel_loop3A_735 = vector.broadcast %parallel_loop3A_734 : i32 to vector<16xi32>
        %parallel_loop3A_736 = arith.maxsi %parallel_loop3A_733, %parallel_loop3A_735 : vector<16xi32>
        %parallel_loop3A_737 = arith.constant 4091 : i32
        %parallel_loop3A_738 = vector.broadcast %parallel_loop3A_737 : i32 to vector<16xi32>
        %parallel_loop3A_739 = arith.minsi %parallel_loop3A_736, %parallel_loop3A_738 : vector<16xi32>
        %parallel_loop3A_740 = arith.constant 1 : i32
        %parallel_loop3A_741 = vector.broadcast %parallel_loop3A_740 : i32 to vector<16xi32>
        %parallel_loop3A_742 = arith.subi %parallel_loop3A_716, %parallel_loop3A_741 : vector<16xi32>
        %parallel_loop3A_743 = arith.constant 3 : i32
        %parallel_loop3A_744 = vector.broadcast %parallel_loop3A_743 : i32 to vector<16xi32>
        %parallel_loop3A_745 = arith.maxsi %parallel_loop3A_742, %parallel_loop3A_744 : vector<16xi32>
        %parallel_loop3A_746 = arith.constant 4091 : i32
        %parallel_loop3A_747 = vector.broadcast %parallel_loop3A_746 : i32 to vector<16xi32>
        %parallel_loop3A_748 = arith.minsi %parallel_loop3A_745, %parallel_loop3A_747 : vector<16xi32>
        %parallel_loop3A_749 = arith.constant 1 : i32
        %parallel_loop3A_750 = vector.broadcast %parallel_loop3A_749 : i32 to vector<16xi32>
        %parallel_loop3A_751 = arith.subi %parallel_loop3A_721, %parallel_loop3A_750 : vector<16xi32>
        %parallel_loop3A_752 = arith.constant 3 : i32
        %parallel_loop3A_753 = vector.broadcast %parallel_loop3A_752 : i32 to vector<16xi32>
        %parallel_loop3A_754 = arith.maxsi %parallel_loop3A_751, %parallel_loop3A_753 : vector<16xi32>
        %parallel_loop3A_755 = arith.constant 4091 : i32
        %parallel_loop3A_756 = vector.broadcast %parallel_loop3A_755 : i32 to vector<16xi32>
        %parallel_loop3A_757 = arith.minsi %parallel_loop3A_754, %parallel_loop3A_756 : vector<16xi32>
        %parallel_loop3A_758 = tpu.vector_load_idx %arg20[%parallel_loop3A_730] : memref<4096xf32, #tpu.memory_space<vmem>>[vector<16xi32>], vector<16xf32>,
        %parallel_loop3A_759 = tpu.vector_load_idx %arg21[%parallel_loop3A_730] : memref<4096xf32, #tpu.memory_space<vmem>>[vector<16xi32>], vector<16xf32>,
        %parallel_loop3A_760 = tpu.vector_load_idx %arg22[%parallel_loop3A_730] : memref<4096xf32, #tpu.memory_space<vmem>>[vector<16xi32>], vector<16xf32>,
        %parallel_loop3A_761 = tpu.vector_load_idx %arg23[%parallel_loop3A_730] : memref<4096xf32, #tpu.memory_space<vmem>>[vector<16xi32>], vector<16xf32>,
        %parallel_loop3A_762 = tpu.vector_load_idx %arg14[%parallel_loop3A_730] : memref<4096xf32, #tpu.memory_space<vmem>>[vector<16xi32>], vector<16xf32>,
        %parallel_loop3A_763 = tpu.vector_load_idx %arg15[%parallel_loop3A_730] : memref<4096xf32, #tpu.memory_space<vmem>>[vector<16xi32>], vector<16xf32>,
        %parallel_loop3A_764 = tpu.vector_load_idx %arg16[%parallel_loop3A_730] : memref<4096xf32, #tpu.memory_space<vmem>>[vector<16xi32>], vector<16xf32>,
        %parallel_loop3A_765 = tpu.vector_load_idx %arg17[%parallel_loop3A_730] : memref<4096xf32, #tpu.memory_space<vmem>>[vector<16xi32>], vector<16xf32>,
        %parallel_loop3A_766 = tpu.vector_load_idx %arg18[%parallel_loop3A_730] : memref<4096xf32, #tpu.memory_space<vmem>>[vector<16xi32>], vector<16xf32>,
        %parallel_loop3A_767 = tpu.vector_load_idx %arg19[%parallel_loop3A_730] : memref<4096xf32, #tpu.memory_space<vmem>>[vector<16xi32>], vector<16xf32>,
        %parallel_loop3A_768 = arith.subf %parallel_loop3A_293, %parallel_loop3A_764 : vector<16xf32>
        %parallel_loop3A_769 = arith.subf %parallel_loop3A_293, %parallel_loop3A_763 : vector<16xf32>
        %parallel_loop3A_770 = arith.subf %parallel_loop3A_293, %parallel_loop3A_762 : vector<16xf32>
        %parallel_loop3A_771 = arith.subf %parallel_loop3A_767, %parallel_loop3A_764 : vector<16xf32>
        %parallel_loop3A_772 = arith.divf %parallel_loop3A_768, %parallel_loop3A_771 : vector<16xf32>
        %parallel_loop3A_773 = arith.subf %parallel_loop3A_766, %parallel_loop3A_763 : vector<16xf32>
        %parallel_loop3A_774 = arith.divf %parallel_loop3A_769, %parallel_loop3A_773 : vector<16xf32>
        %parallel_loop3A_775 = arith.subf %parallel_loop3A_765, %parallel_loop3A_762 : vector<16xf32>
        %parallel_loop3A_776 = arith.divf %parallel_loop3A_770, %parallel_loop3A_775 : vector<16xf32>
        %parallel_loop3A_777 = arith.subf %parallel_loop3A_761, %parallel_loop3A_760 : vector<16xf32>
        %parallel_loop3A_778 = arith.mulf %parallel_loop3A_772, %parallel_loop3A_777 : vector<16xf32>
        %parallel_loop3A_779 = arith.addf %parallel_loop3A_760, %parallel_loop3A_778 : vector<16xf32>
        %parallel_loop3A_780 = arith.subf %parallel_loop3A_760, %parallel_loop3A_759 : vector<16xf32>
        %parallel_loop3A_781 = arith.mulf %parallel_loop3A_774, %parallel_loop3A_780 : vector<16xf32>
        %parallel_loop3A_782 = arith.addf %parallel_loop3A_759, %parallel_loop3A_781 : vector<16xf32>
        %parallel_loop3A_783 = arith.subf %parallel_loop3A_759, %parallel_loop3A_758 : vector<16xf32>
        %parallel_loop3A_784 = arith.mulf %parallel_loop3A_776, %parallel_loop3A_783 : vector<16xf32>
        %parallel_loop3A_785 = arith.addf %parallel_loop3A_758, %parallel_loop3A_784 : vector<16xf32>
        %parallel_loop3A_786 = arith.subf %parallel_loop3A_766, %parallel_loop3A_764 : vector<16xf32>
        %parallel_loop3A_787 = arith.divf %parallel_loop3A_768, %parallel_loop3A_786 : vector<16xf32>
        %parallel_loop3A_788 = arith.subf %parallel_loop3A_765, %parallel_loop3A_763 : vector<16xf32>
        %parallel_loop3A_789 = arith.divf %parallel_loop3A_769, %parallel_loop3A_788 : vector<16xf32>
        %parallel_loop3A_790 = arith.subf %parallel_loop3A_779, %parallel_loop3A_782 : vector<16xf32>
        %parallel_loop3A_791 = arith.mulf %parallel_loop3A_787, %parallel_loop3A_790 : vector<16xf32>
        %parallel_loop3A_792 = arith.addf %parallel_loop3A_782, %parallel_loop3A_791 : vector<16xf32>
        %parallel_loop3A_793 = arith.subf %parallel_loop3A_782, %parallel_loop3A_785 : vector<16xf32>
        %parallel_loop3A_794 = arith.mulf %parallel_loop3A_789, %parallel_loop3A_793 : vector<16xf32>
        %parallel_loop3A_795 = arith.addf %parallel_loop3A_785, %parallel_loop3A_794 : vector<16xf32>
        %parallel_loop3A_796 = arith.subf %parallel_loop3A_765, %parallel_loop3A_764 : vector<16xf32>
        %parallel_loop3A_797 = arith.divf %parallel_loop3A_768, %parallel_loop3A_796 : vector<16xf32>
        %parallel_loop3A_798 = arith.subf %parallel_loop3A_792, %parallel_loop3A_795 : vector<16xf32>
        %parallel_loop3A_799 = arith.mulf %parallel_loop3A_797, %parallel_loop3A_798 : vector<16xf32>
        %parallel_loop3A_800 = arith.addf %parallel_loop3A_795, %parallel_loop3A_799 : vector<16xf32>
        %parallel_loop3A_801 = arith.constant 4 : i32
        %parallel_loop3A_802 = arith.muli %parallel_loop3A_285, %parallel_loop3A_801 : i32
        %parallel_loop3A_803 = arith.constant 0 : i32
        %parallel_loop3A_804 = arith.addi %parallel_loop3A_802, %parallel_loop3A_803 : i32
        %parallel_loop3A_805 = arith.constant 16 : i32
        %parallel_loop3A_806 = arith.muli %parallel_loop3A_804, %parallel_loop3A_805 : i32
        %parallel_loop3A_807 = arith.index_cast %parallel_loop3A_806 : i32 to index
        %parallel_loop3A_808 = tpu.vector_load %arg34[%parallel_loop3A_807] {strides = array<i32>} : memref<16384xf32, #tpu.memory_space<vmem>>, vector<16xf32>,
        tpu.vector_store %arg34[%parallel_loop3A_807], %parallel_loop3A_800 {strides = array<i32>} : memref<16384xf32, #tpu.memory_space<vmem>>, vector<16xf32>,
        %parallel_loop3A_809 = tpu.vector_load_idx %arg20[%parallel_loop3A_739] : memref<4096xf32, #tpu.memory_space<vmem>>[vector<16xi32>], vector<16xf32>,
        %parallel_loop3A_810 = tpu.vector_load_idx %arg21[%parallel_loop3A_739] : memref<4096xf32, #tpu.memory_space<vmem>>[vector<16xi32>], vector<16xf32>,
        %parallel_loop3A_811 = tpu.vector_load_idx %arg22[%parallel_loop3A_739] : memref<4096xf32, #tpu.memory_space<vmem>>[vector<16xi32>], vector<16xf32>,
        %parallel_loop3A_812 = tpu.vector_load_idx %arg23[%parallel_loop3A_739] : memref<4096xf32, #tpu.memory_space<vmem>>[vector<16xi32>], vector<16xf32>,
        %parallel_loop3A_813 = tpu.vector_load_idx %arg14[%parallel_loop3A_739] : memref<4096xf32, #tpu.memory_space<vmem>>[vector<16xi32>], vector<16xf32>,
        %parallel_loop3A_814 = tpu.vector_load_idx %arg15[%parallel_loop3A_739] : memref<4096xf32, #tpu.memory_space<vmem>>[vector<16xi32>], vector<16xf32>,
        %parallel_loop3A_815 = tpu.vector_load_idx %arg16[%parallel_loop3A_739] : memref<4096xf32, #tpu.memory_space<vmem>>[vector<16xi32>], vector<16xf32>,
        %parallel_loop3A_816 = tpu.vector_load_idx %arg17[%parallel_loop3A_739] : memref<4096xf32, #tpu.memory_space<vmem>>[vector<16xi32>], vector<16xf32>,
        %parallel_loop3A_817 = tpu.vector_load_idx %arg18[%parallel_loop3A_739] : memref<4096xf32, #tpu.memory_space<vmem>>[vector<16xi32>], vector<16xf32>,
        %parallel_loop3A_818 = tpu.vector_load_idx %arg19[%parallel_loop3A_739] : memref<4096xf32, #tpu.memory_space<vmem>>[vector<16xi32>], vector<16xf32>,
        %parallel_loop3A_819 = arith.subf %parallel_loop3A_301, %parallel_loop3A_815 : vector<16xf32>
        %parallel_loop3A_820 = arith.subf %parallel_loop3A_301, %parallel_loop3A_814 : vector<16xf32>
        %parallel_loop3A_821 = arith.subf %parallel_loop3A_301, %parallel_loop3A_813 : vector<16xf32>
        %parallel_loop3A_822 = arith.subf %parallel_loop3A_818, %parallel_loop3A_815 : vector<16xf32>
        %parallel_loop3A_823 = arith.divf %parallel_loop3A_819, %parallel_loop3A_822 : vector<16xf32>
        %parallel_loop3A_824 = arith.subf %parallel_loop3A_817, %parallel_loop3A_814 : vector<16xf32>
        %parallel_loop3A_825 = arith.divf %parallel_loop3A_820, %parallel_loop3A_824 : vector<16xf32>
        %parallel_loop3A_826 = arith.subf %parallel_loop3A_816, %parallel_loop3A_813 : vector<16xf32>
        %parallel_loop3A_827 = arith.divf %parallel_loop3A_821, %parallel_loop3A_826 : vector<16xf32>
        %parallel_loop3A_828 = arith.subf %parallel_loop3A_812, %parallel_loop3A_811 : vector<16xf32>
        %parallel_loop3A_829 = arith.mulf %parallel_loop3A_823, %parallel_loop3A_828 : vector<16xf32>
        %parallel_loop3A_830 = arith.addf %parallel_loop3A_811, %parallel_loop3A_829 : vector<16xf32>
        %parallel_loop3A_831 = arith.subf %parallel_loop3A_811, %parallel_loop3A_810 : vector<16xf32>
        %parallel_loop3A_832 = arith.mulf %parallel_loop3A_825, %parallel_loop3A_831 : vector<16xf32>
        %parallel_loop3A_833 = arith.addf %parallel_loop3A_810, %parallel_loop3A_832 : vector<16xf32>
        %parallel_loop3A_834 = arith.subf %parallel_loop3A_810, %parallel_loop3A_809 : vector<16xf32>
        %parallel_loop3A_835 = arith.mulf %parallel_loop3A_827, %parallel_loop3A_834 : vector<16xf32>
        %parallel_loop3A_836 = arith.addf %parallel_loop3A_809, %parallel_loop3A_835 : vector<16xf32>
        %parallel_loop3A_837 = arith.subf %parallel_loop3A_817, %parallel_loop3A_815 : vector<16xf32>
        %parallel_loop3A_838 = arith.divf %parallel_loop3A_819, %parallel_loop3A_837 : vector<16xf32>
        %parallel_loop3A_839 = arith.subf %parallel_loop3A_816, %parallel_loop3A_814 : vector<16xf32>
        %parallel_loop3A_840 = arith.divf %parallel_loop3A_820, %parallel_loop3A_839 : vector<16xf32>
        %parallel_loop3A_841 = arith.subf %parallel_loop3A_830, %parallel_loop3A_833 : vector<16xf32>
        %parallel_loop3A_842 = arith.mulf %parallel_loop3A_838, %parallel_loop3A_841 : vector<16xf32>
        %parallel_loop3A_843 = arith.addf %parallel_loop3A_833, %parallel_loop3A_842 : vector<16xf32>
        %parallel_loop3A_844 = arith.subf %parallel_loop3A_833, %parallel_loop3A_836 : vector<16xf32>
        %parallel_loop3A_845 = arith.mulf %parallel_loop3A_840, %parallel_loop3A_844 : vector<16xf32>
        %parallel_loop3A_846 = arith.addf %parallel_loop3A_836, %parallel_loop3A_845 : vector<16xf32>
        %parallel_loop3A_847 = arith.subf %parallel_loop3A_816, %parallel_loop3A_815 : vector<16xf32>
        %parallel_loop3A_848 = arith.divf %parallel_loop3A_819, %parallel_loop3A_847 : vector<16xf32>
        %parallel_loop3A_849 = arith.subf %parallel_loop3A_843, %parallel_loop3A_846 : vector<16xf32>
        %parallel_loop3A_850 = arith.mulf %parallel_loop3A_848, %parallel_loop3A_849 : vector<16xf32>
        %parallel_loop3A_851 = arith.addf %parallel_loop3A_846, %parallel_loop3A_850 : vector<16xf32>
        %parallel_loop3A_852 = arith.constant 4 : i32
        %parallel_loop3A_853 = arith.muli %parallel_loop3A_285, %parallel_loop3A_852 : i32
        %parallel_loop3A_854 = arith.constant 1 : i32
        %parallel_loop3A_855 = arith.addi %parallel_loop3A_853, %parallel_loop3A_854 : i32
        %parallel_loop3A_856 = arith.constant 16 : i32
        %parallel_loop3A_857 = arith.muli %parallel_loop3A_855, %parallel_loop3A_856 : i32
        %parallel_loop3A_858 = arith.index_cast %parallel_loop3A_857 : i32 to index
        %parallel_loop3A_859 = tpu.vector_load %arg34[%parallel_loop3A_858] {strides = array<i32>} : memref<16384xf32, #tpu.memory_space<vmem>>, vector<16xf32>,
        tpu.vector_store %arg34[%parallel_loop3A_858], %parallel_loop3A_851 {strides = array<i32>} : memref<16384xf32, #tpu.memory_space<vmem>>, vector<16xf32>,
        %parallel_loop3A_860 = tpu.vector_load_idx %arg20[%parallel_loop3A_748] : memref<4096xf32, #tpu.memory_space<vmem>>[vector<16xi32>], vector<16xf32>,
        %parallel_loop3A_861 = tpu.vector_load_idx %arg21[%parallel_loop3A_748] : memref<4096xf32, #tpu.memory_space<vmem>>[vector<16xi32>], vector<16xf32>,
        %parallel_loop3A_862 = tpu.vector_load_idx %arg22[%parallel_loop3A_748] : memref<4096xf32, #tpu.memory_space<vmem>>[vector<16xi32>], vector<16xf32>,
        %parallel_loop3A_863 = tpu.vector_load_idx %arg23[%parallel_loop3A_748] : memref<4096xf32, #tpu.memory_space<vmem>>[vector<16xi32>], vector<16xf32>,
        %parallel_loop3A_864 = tpu.vector_load_idx %arg14[%parallel_loop3A_748] : memref<4096xf32, #tpu.memory_space<vmem>>[vector<16xi32>], vector<16xf32>,
        %parallel_loop3A_865 = tpu.vector_load_idx %arg15[%parallel_loop3A_748] : memref<4096xf32, #tpu.memory_space<vmem>>[vector<16xi32>], vector<16xf32>,
        %parallel_loop3A_866 = tpu.vector_load_idx %arg16[%parallel_loop3A_748] : memref<4096xf32, #tpu.memory_space<vmem>>[vector<16xi32>], vector<16xf32>,
        %parallel_loop3A_867 = tpu.vector_load_idx %arg17[%parallel_loop3A_748] : memref<4096xf32, #tpu.memory_space<vmem>>[vector<16xi32>], vector<16xf32>,
        %parallel_loop3A_868 = tpu.vector_load_idx %arg18[%parallel_loop3A_748] : memref<4096xf32, #tpu.memory_space<vmem>>[vector<16xi32>], vector<16xf32>,
        %parallel_loop3A_869 = tpu.vector_load_idx %arg19[%parallel_loop3A_748] : memref<4096xf32, #tpu.memory_space<vmem>>[vector<16xi32>], vector<16xf32>,
        %parallel_loop3A_870 = arith.subf %parallel_loop3A_309, %parallel_loop3A_866 : vector<16xf32>
        %parallel_loop3A_871 = arith.subf %parallel_loop3A_309, %parallel_loop3A_865 : vector<16xf32>
        %parallel_loop3A_872 = arith.subf %parallel_loop3A_309, %parallel_loop3A_864 : vector<16xf32>
        %parallel_loop3A_873 = arith.subf %parallel_loop3A_869, %parallel_loop3A_866 : vector<16xf32>
        %parallel_loop3A_874 = arith.divf %parallel_loop3A_870, %parallel_loop3A_873 : vector<16xf32>
        %parallel_loop3A_875 = arith.subf %parallel_loop3A_868, %parallel_loop3A_865 : vector<16xf32>
        %parallel_loop3A_876 = arith.divf %parallel_loop3A_871, %parallel_loop3A_875 : vector<16xf32>
        %parallel_loop3A_877 = arith.subf %parallel_loop3A_867, %parallel_loop3A_864 : vector<16xf32>
        %parallel_loop3A_878 = arith.divf %parallel_loop3A_872, %parallel_loop3A_877 : vector<16xf32>
        %parallel_loop3A_879 = arith.subf %parallel_loop3A_863, %parallel_loop3A_862 : vector<16xf32>
        %parallel_loop3A_880 = arith.mulf %parallel_loop3A_874, %parallel_loop3A_879 : vector<16xf32>
        %parallel_loop3A_881 = arith.addf %parallel_loop3A_862, %parallel_loop3A_880 : vector<16xf32>
        %parallel_loop3A_882 = arith.subf %parallel_loop3A_862, %parallel_loop3A_861 : vector<16xf32>
        %parallel_loop3A_883 = arith.mulf %parallel_loop3A_876, %parallel_loop3A_882 : vector<16xf32>
        %parallel_loop3A_884 = arith.addf %parallel_loop3A_861, %parallel_loop3A_883 : vector<16xf32>
        %parallel_loop3A_885 = arith.subf %parallel_loop3A_861, %parallel_loop3A_860 : vector<16xf32>
        %parallel_loop3A_886 = arith.mulf %parallel_loop3A_878, %parallel_loop3A_885 : vector<16xf32>
        %parallel_loop3A_887 = arith.addf %parallel_loop3A_860, %parallel_loop3A_886 : vector<16xf32>
        %parallel_loop3A_888 = arith.subf %parallel_loop3A_868, %parallel_loop3A_866 : vector<16xf32>
        %parallel_loop3A_889 = arith.divf %parallel_loop3A_870, %parallel_loop3A_888 : vector<16xf32>
        %parallel_loop3A_890 = arith.subf %parallel_loop3A_867, %parallel_loop3A_865 : vector<16xf32>
        %parallel_loop3A_891 = arith.divf %parallel_loop3A_871, %parallel_loop3A_890 : vector<16xf32>
        %parallel_loop3A_892 = arith.subf %parallel_loop3A_881, %parallel_loop3A_884 : vector<16xf32>
        %parallel_loop3A_893 = arith.mulf %parallel_loop3A_889, %parallel_loop3A_892 : vector<16xf32>
        %parallel_loop3A_894 = arith.addf %parallel_loop3A_884, %parallel_loop3A_893 : vector<16xf32>
        %parallel_loop3A_895 = arith.subf %parallel_loop3A_884, %parallel_loop3A_887 : vector<16xf32>
        %parallel_loop3A_896 = arith.mulf %parallel_loop3A_891, %parallel_loop3A_895 : vector<16xf32>
        %parallel_loop3A_897 = arith.addf %parallel_loop3A_887, %parallel_loop3A_896 : vector<16xf32>
        %parallel_loop3A_898 = arith.subf %parallel_loop3A_867, %parallel_loop3A_866 : vector<16xf32>
        %parallel_loop3A_899 = arith.divf %parallel_loop3A_870, %parallel_loop3A_898 : vector<16xf32>
        %parallel_loop3A_900 = arith.subf %parallel_loop3A_894, %parallel_loop3A_897 : vector<16xf32>
        %parallel_loop3A_901 = arith.mulf %parallel_loop3A_899, %parallel_loop3A_900 : vector<16xf32>
        %parallel_loop3A_902 = arith.addf %parallel_loop3A_897, %parallel_loop3A_901 : vector<16xf32>
        %parallel_loop3A_903 = arith.constant 4 : i32
        %parallel_loop3A_904 = arith.muli %parallel_loop3A_285, %parallel_loop3A_903 : i32
        %parallel_loop3A_905 = arith.constant 2 : i32
        %parallel_loop3A_906 = arith.addi %parallel_loop3A_904, %parallel_loop3A_905 : i32
        %parallel_loop3A_907 = arith.constant 16 : i32
        %parallel_loop3A_908 = arith.muli %parallel_loop3A_906, %parallel_loop3A_907 : i32
        %parallel_loop3A_909 = arith.index_cast %parallel_loop3A_908 : i32 to index
        %parallel_loop3A_910 = tpu.vector_load %arg34[%parallel_loop3A_909] {strides = array<i32>} : memref<16384xf32, #tpu.memory_space<vmem>>, vector<16xf32>,
        tpu.vector_store %arg34[%parallel_loop3A_909], %parallel_loop3A_902 {strides = array<i32>} : memref<16384xf32, #tpu.memory_space<vmem>>, vector<16xf32>,
        %parallel_loop3A_911 = tpu.vector_load_idx %arg20[%parallel_loop3A_757] : memref<4096xf32, #tpu.memory_space<vmem>>[vector<16xi32>], vector<16xf32>,
        %parallel_loop3A_912 = tpu.vector_load_idx %arg21[%parallel_loop3A_757] : memref<4096xf32, #tpu.memory_space<vmem>>[vector<16xi32>], vector<16xf32>,
        %parallel_loop3A_913 = tpu.vector_load_idx %arg22[%parallel_loop3A_757] : memref<4096xf32, #tpu.memory_space<vmem>>[vector<16xi32>], vector<16xf32>,
        %parallel_loop3A_914 = tpu.vector_load_idx %arg23[%parallel_loop3A_757] : memref<4096xf32, #tpu.memory_space<vmem>>[vector<16xi32>], vector<16xf32>,
        %parallel_loop3A_915 = tpu.vector_load_idx %arg14[%parallel_loop3A_757] : memref<4096xf32, #tpu.memory_space<vmem>>[vector<16xi32>], vector<16xf32>,
        %parallel_loop3A_916 = tpu.vector_load_idx %arg15[%parallel_loop3A_757] : memref<4096xf32, #tpu.memory_space<vmem>>[vector<16xi32>], vector<16xf32>,
        %parallel_loop3A_917 = tpu.vector_load_idx %arg16[%parallel_loop3A_757] : memref<4096xf32, #tpu.memory_space<vmem>>[vector<16xi32>], vector<16xf32>,
        %parallel_loop3A_918 = tpu.vector_load_idx %arg17[%parallel_loop3A_757] : memref<4096xf32, #tpu.memory_space<vmem>>[vector<16xi32>], vector<16xf32>,
        %parallel_loop3A_919 = tpu.vector_load_idx %arg18[%parallel_loop3A_757] : memref<4096xf32, #tpu.memory_space<vmem>>[vector<16xi32>], vector<16xf32>,
        %parallel_loop3A_920 = tpu.vector_load_idx %arg19[%parallel_loop3A_757] : memref<4096xf32, #tpu.memory_space<vmem>>[vector<16xi32>], vector<16xf32>,
        %parallel_loop3A_921 = arith.subf %parallel_loop3A_317, %parallel_loop3A_917 : vector<16xf32>
        %parallel_loop3A_922 = arith.subf %parallel_loop3A_317, %parallel_loop3A_916 : vector<16xf32>
        %parallel_loop3A_923 = arith.subf %parallel_loop3A_317, %parallel_loop3A_915 : vector<16xf32>
        %parallel_loop3A_924 = arith.subf %parallel_loop3A_920, %parallel_loop3A_917 : vector<16xf32>
        %parallel_loop3A_925 = arith.divf %parallel_loop3A_921, %parallel_loop3A_924 : vector<16xf32>
        %parallel_loop3A_926 = arith.subf %parallel_loop3A_919, %parallel_loop3A_916 : vector<16xf32>
        %parallel_loop3A_927 = arith.divf %parallel_loop3A_922, %parallel_loop3A_926 : vector<16xf32>
        %parallel_loop3A_928 = arith.subf %parallel_loop3A_918, %parallel_loop3A_915 : vector<16xf32>
        %parallel_loop3A_929 = arith.divf %parallel_loop3A_923, %parallel_loop3A_928 : vector<16xf32>
        %parallel_loop3A_930 = arith.subf %parallel_loop3A_914, %parallel_loop3A_913 : vector<16xf32>
        %parallel_loop3A_931 = arith.mulf %parallel_loop3A_925, %parallel_loop3A_930 : vector<16xf32>
        %parallel_loop3A_932 = arith.addf %parallel_loop3A_913, %parallel_loop3A_931 : vector<16xf32>
        %parallel_loop3A_933 = arith.subf %parallel_loop3A_913, %parallel_loop3A_912 : vector<16xf32>
        %parallel_loop3A_934 = arith.mulf %parallel_loop3A_927, %parallel_loop3A_933 : vector<16xf32>
        %parallel_loop3A_935 = arith.addf %parallel_loop3A_912, %parallel_loop3A_934 : vector<16xf32>
        %parallel_loop3A_936 = arith.subf %parallel_loop3A_912, %parallel_loop3A_911 : vector<16xf32>
        %parallel_loop3A_937 = arith.mulf %parallel_loop3A_929, %parallel_loop3A_936 : vector<16xf32>
        %parallel_loop3A_938 = arith.addf %parallel_loop3A_911, %parallel_loop3A_937 : vector<16xf32>
        %parallel_loop3A_939 = arith.subf %parallel_loop3A_919, %parallel_loop3A_917 : vector<16xf32>
        %parallel_loop3A_940 = arith.divf %parallel_loop3A_921, %parallel_loop3A_939 : vector<16xf32>
        %parallel_loop3A_941 = arith.subf %parallel_loop3A_918, %parallel_loop3A_916 : vector<16xf32>
        %parallel_loop3A_942 = arith.divf %parallel_loop3A_922, %parallel_loop3A_941 : vector<16xf32>
        %parallel_loop3A_943 = arith.subf %parallel_loop3A_932, %parallel_loop3A_935 : vector<16xf32>
        %parallel_loop3A_944 = arith.mulf %parallel_loop3A_940, %parallel_loop3A_943 : vector<16xf32>
        %parallel_loop3A_945 = arith.addf %parallel_loop3A_935, %parallel_loop3A_944 : vector<16xf32>
        %parallel_loop3A_946 = arith.subf %parallel_loop3A_935, %parallel_loop3A_938 : vector<16xf32>
        %parallel_loop3A_947 = arith.mulf %parallel_loop3A_942, %parallel_loop3A_946 : vector<16xf32>
        %parallel_loop3A_948 = arith.addf %parallel_loop3A_938, %parallel_loop3A_947 : vector<16xf32>
        %parallel_loop3A_949 = arith.subf %parallel_loop3A_918, %parallel_loop3A_917 : vector<16xf32>
        %parallel_loop3A_950 = arith.divf %parallel_loop3A_921, %parallel_loop3A_949 : vector<16xf32>
        %parallel_loop3A_951 = arith.subf %parallel_loop3A_945, %parallel_loop3A_948 : vector<16xf32>
        %parallel_loop3A_952 = arith.mulf %parallel_loop3A_950, %parallel_loop3A_951 : vector<16xf32>
        %parallel_loop3A_953 = arith.addf %parallel_loop3A_948, %parallel_loop3A_952 : vector<16xf32>
        %parallel_loop3A_954 = arith.constant 4 : i32
        %parallel_loop3A_955 = arith.muli %parallel_loop3A_285, %parallel_loop3A_954 : i32
        %parallel_loop3A_956 = arith.constant 3 : i32
        %parallel_loop3A_957 = arith.addi %parallel_loop3A_955, %parallel_loop3A_956 : i32
        %parallel_loop3A_958 = arith.constant 16 : i32
        %parallel_loop3A_959 = arith.muli %parallel_loop3A_957, %parallel_loop3A_958 : i32
        %parallel_loop3A_960 = arith.index_cast %parallel_loop3A_959 : i32 to index
        %parallel_loop3A_961 = tpu.vector_load %arg34[%parallel_loop3A_960] {strides = array<i32>} : memref<16384xf32, #tpu.memory_space<vmem>>, vector<16xf32>,
        tpu.vector_store %arg34[%parallel_loop3A_960], %parallel_loop3A_953 {strides = array<i32>} : memref<16384xf32, #tpu.memory_space<vmem>>, vector<16xf32>,
      } {sc.loop_unroll_factor = 1 : i64, sc.parallel_access}
      %mul3A_280 = arith.constant 16384 : i32
      %mul3A_281 = arith.muli %add3A_243, %mul3A_280 : i32
      %add3A_282 = arith.addi %mul3A_2, %mul3A_281 : i32
      %dma_start3A_283 = tpu.memref_slice %arg4[%add3A_282] : memref<4194304xf32, #tpu.memory_space<hbm>> -> memref<16384xf32, #tpu.memory_space<hbm>>
      %dma_start3A_284 = tpu.memref_slice %arg4[%add3A_282] : memref<4194304xf32, #tpu.memory_space<hbm>> -> memref<16384xf32, #tpu.memory_space<hbm>>
      tpu.enqueue_dma source(%arg34 : memref<16384xf32, #tpu.memory_space<vmem>>) target(%dma_start3A_284 : memref<16384xf32, #tpu.memory_space<hbm>>) target_semaphore(%arg39 : memref<!tpu.dma_semaphore, #tpu.memory_space<semaphore_mem>>)
    }
    %scan3A_230 = arith.constant 4 : i32
    %add3A_231 = arith.constant 98304 : i32
    %add3A_232 = arith.addi %mul3A_2, %add3A_231 : i32
    %dma_wait3A_233 = tpu.memref_slice %arg4[%add3A_232] : memref<4194304xf32, #tpu.memory_space<hbm>> -> memref<16384xf32, #tpu.memory_space<hbm>>
    %dma_wait3A_234 = tpu.memref_slice %arg4[%add3A_232] : memref<4194304xf32, #tpu.memory_space<hbm>> -> memref<16384xf32, #tpu.memory_space<hbm>>
    tpu.wait_dma2 semaphore(%arg38 : memref<!tpu.dma_semaphore, #tpu.memory_space<semaphore_mem>>) src(%arg33 : memref<16384xf32, #tpu.memory_space<vmem>>) dst(%dma_wait3A_234 : memref<16384xf32, #tpu.memory_space<hbm>>)
    %add3A_235 = arith.constant 114688 : i32
    %add3A_236 = arith.addi %mul3A_2, %add3A_235 : i32
    %dma_wait3A_237 = tpu.memref_slice %arg4[%add3A_236] : memref<4194304xf32, #tpu.memory_space<hbm>> -> memref<16384xf32, #tpu.memory_space<hbm>>
    %dma_wait3A_238 = tpu.memref_slice %arg4[%add3A_236] : memref<4194304xf32, #tpu.memory_space<hbm>> -> memref<16384xf32, #tpu.memory_space<hbm>>
    tpu.wait_dma2 semaphore(%arg39 : memref<!tpu.dma_semaphore, #tpu.memory_space<semaphore_mem>>) src(%arg34 : memref<16384xf32, #tpu.memory_space<vmem>>) dst(%dma_wait3A_238 : memref<16384xf32, #tpu.memory_space<hbm>>)
    return
  }
}

</mosaic_0001>

<sc_bundles>
// kernel: kernel.3.cloned.1.call-start
scs
__scs_entry_jumppad:
0x0: {  	(pc) =	sbr.rel $0x88, $3  }
0x1: {  	(tag) =	ssettag $0x0;
	lr =	simm.s32 $0x1  }
0x2: {  	[smem:$0x3F9E] =	sst lr;
	_ =	strace $0xD0000000  }
0x3: {  	_ = 	snop  }
0x4: {  	_ = 	snop  }
0x5: {  	_ = 	snop  }
0x6: {  	_ = 	snop  }
0x7: {  	_ = 	snop  }
__scs_overlays_trampoline_lowered:
0x8: {  	[smem:$0x3FAD] =	sst s0  }
0x9: {  	[smem:$0x3FAE] =	sst s1  }
0xa: {  	[smem:$0x3FAF] =	sst s2  }
0xb: {  	[smem:$0x3FB0] =	sst s3  }
0xc: {  	[smem:$0x3FB1] =	sst s4  }
0xd: {  	[smem:$0x3FB2] =	sst s5  }
0xe: {  	[smem:$0x3FB3] =	sst s6  }
0xf: {  	[smem:$0x3FB4] =	sst s7  }
0x10: {  	[smem:$0x3FB5] =	sst s8  }
0x11: {  	[smem:$0x3FB6] =	sst s9;
	s0 =	simm.s32 @!p0 $0x0  }
0x12: {  	s1 =	sld [smem:$0x3F9C];
	s0 =	simm.s32 @p0 $0x1  }
0x13: {  	[smem:$0x3FB7] =	sst s0;
	s0 =	simm.s32 @!p1 $0x0  }
0x14: {  	s2 =	sld [smem:$0x3F9B];
	s0 =	simm.s32 @p1 $0x1  }
0x15: {  	[smem:$0x3FB8] =	sst s0;
	s0 =	simm.s32 @!p2 $0x0  }
0x16: {  	s3 =	sld [smem:$0x3FDB];
	s0 =	simm.s32 @p2 $0x1  }
0x17: {  	s4 =	simm.s32 $0x1BF5;
	[smem:$0x3FBA] =	sst s0  }
0x18: {  	s0 =	sld [smem:$0x3F9D];
	_ =	swait.ge [sflag:s4], $0x0  }
0x19: {  	s7 =	sld [smem:$0x3F9E]  }
0x1a: {  	s8 =	sadd.s32 $0xFFFFE003, lr  }
0x1b: {  	s9 =	sadd.s32 $0xFFFFFEF7, lr;
	s5 =	simm.s32 $0xFFFFFFFF;
	p2 =	slt.u32 s8, $0xFFFFF086  }
0x1c: {  	p1 =	slt.u32 s9, $0xF7A;
	s5 =	simm.s32 @!p2 $0x0  }
0x1d: {  	s5 =	simm.s32 @p1 $0x1;
	p0 =	seq.s32 s7, s2  }
0x1e: {  	s7 =	smul.u32 @!p0 $0xF7A, s2;
	p2 =	seq.s32 @!p0 s5, $0x0  }
0x1f: {  	s9 =	smul.u32 $0xF7A, s1;
	s8 =	simm.s32 @!p0 $0x1BF5;
	p2 =	por !p2, p0  }
0x20: {  	[sflag:s8] =	ssyncset.s32 @!p0 $0xFFFFF086;
	s6 =	sadd.s32 @!p0 s3, s7;
	s7 =	simm.s32 @!p0 $0x108  }
0x21: {  	s3 =	sadd.s32 s3, s9;
	s6 =	sadd.s32 @!p0 $0x88, s6;
	s7 =	simm.s32 @p2 $0x1082  }
0x22: {  	[simem:s7], [sflag:s8] =	dma.local @!p0 [hbm:s6], $0xF7A  }
0x23: {  	s9 =	sor.u32 $0xD0000000, s2;
	s6 =	simm.s32 $0x108;
	_ =	swait.ge @!p0 [sflag:s8], $0x0  }
0x24: {  	s3 =	sadd.s32 $0x88, s3;
	s6 =	simm.s32 @!p1 $0x1082;
	[sflag:s4] =	ssyncset.s32 $0xFFFFF086  }
0x25: {  	[simem:s6], [sflag:s4] =	dma.local [hbm:s3], $0xF7A  }
0x26: {  	[smem:$0x3F9E] =	sst s1;
	(tag) =	ssettag s2;
	_ =	strace s9  }
0x27: {  	s1 =	sld [smem:$0x3FAE]  }
0x28: {  	s2 =	sld [smem:$0x3FAF]  }
0x29: {  	s4 =	sld [smem:$0x3FB1]  }
0x2a: {  	p0 =	seq.s32 s5, $0x0;
	s5 =	sld [smem:$0x3FB2]  }
0x2b: {  	s6 =	sld [smem:$0x3FB3]  }
0x2c: {  	s7 =	sld [smem:$0x3FB4]  }
0x2d: {  	s3 =	simm.s32 $0x108;
	s8 =	sld [smem:$0x3FB5]  }
0x2e: {  	s3 =	simm.s32 @!p0 $0x1082;
	s9 =	sld [smem:$0x3FB6]  }
0x2f: {  	lr =	sadd.s32 s0, s3;
	s0 =	sld [smem:$0x3FAD]  }
0x30: {  	s3 =	sld [smem:$0x3FB0]  }
0x31: {  	[smem:$0x3FB9] =	sst s10  }
0x32: {  	s10 =	sld [smem:$0x3FB7];
	_ =	sdelay $0x3  }
0x33: {  	p0 =	seq.s32 s10, $0x1;
	s10 =	sld [smem:$0x3FB9];
	_ =	sdelay $0x3  }
0x34: {  	[smem:$0x3FB9] =	sst s10  }
0x35: {  	s10 =	sld [smem:$0x3FB8];
	_ =	sdelay $0x3  }
0x36: {  	p1 =	seq.s32 s10, $0x1;
	s10 =	sld [smem:$0x3FB9];
	_ =	sdelay $0x3  }
0x37: {  	[smem:$0x3FB9] =	sst s10  }
0x38: {  	s10 =	sld [smem:$0x3FBA]  }
0x39: {  	_ = 	snop;
	(pc) =	sbr.ind lr, $3  }
0x3a: {  	_ = 	snop  }
0x3b: {  	_ = 	snop  }
0x3c: {  	p2 =	seq.s32 s10, $0x1;
	s10 =	sld [smem:$0x3FB9]  }
0x3d: {  	_ =	shalt  }
0x3e: {  	_ =	shalt  }
0x3f: {  	_ =	shalt  }
0x40: {  	_ =	shalt  }
0x41: {  	_ =	shalt  }
0x42: {  	_ =	shalt  }
0x43: {  	_ =	shalt  }
0x44: {  	_ =	shalt  }
0x45: {  	_ =	shalt  }
0x46: {  	_ =	shalt  }
0x47: {  	_ =	shalt  }
0x48: {  	_ =	shalt  }
0x49: {  	_ =	shalt  }
0x4a: {  	_ =	shalt  }
0x4b: {  	_ =	shalt  }
0x4c: {  	_ =	shalt  }
0x4d: {  	_ =	shalt  }
0x4e: {  	_ =	shalt  }
0x4f: {  	_ =	shalt  }
0x50: {  	_ =	shalt  }
0x51: {  	_ =	shalt  }
0x52: {  	_ =	shalt  }
0x53: {  	_ =	shalt  }
0x54: {  	_ =	shalt  }
0x55: {  	_ =	shalt  }
0x56: {  	_ =	shalt  }
0x57: {  	_ =	shalt  }
0x58: {  	_ =	shalt  }
0x59: {  	_ =	shalt  }
0x5a: {  	_ =	shalt  }
0x5b: {  	_ =	shalt  }
0x5c: {  	_ =	shalt  }
0x5d: {  	_ =	shalt  }
0x5e: {  	_ =	shalt  }
0x5f: {  	_ =	shalt  }
0x60: {  	_ =	shalt  }
0x61: {  	_ =	shalt  }
0x62: {  	_ =	shalt  }
0x63: {  	_ =	shalt  }
0x64: {  	_ =	shalt  }
0x65: {  	_ =	shalt  }
0x66: {  	_ =	shalt  }
0x67: {  	_ =	shalt  }
0x68: {  	_ =	shalt  }
0x69: {  	_ =	shalt  }
0x6a: {  	_ =	shalt  }
0x6b: {  	_ =	shalt  }
0x6c: {  	_ =	shalt  }
0x6d: {  	_ =	shalt  }
0x6e: {  	_ =	shalt  }
0x6f: {  	_ =	shalt  }
0x70: {  	_ =	shalt  }
0x71: {  	_ =	shalt  }
0x72: {  	_ =	shalt  }
0x73: {  	_ =	shalt  }
0x74: {  	_ =	shalt  }
0x75: {  	_ =	shalt  }
0x76: {  	_ =	shalt  }
0x77: {  	_ =	shalt  }
0x78: {  	_ =	shalt  }
0x79: {  	_ =	shalt  }
0x7a: {  	_ =	shalt  }
0x7b: {  	_ =	shalt  }
0x7c: {  	_ =	shalt  }
0x7d: {  	_ =	shalt  }
0x7e: {  	_ =	shalt  }
0x7f: {  	_ =	shalt  }
0x80: {  	_ =	shalt  }
0x81: {  	_ =	shalt  }
0x82: {  	_ =	shalt  }
0x83: {  	_ =	shalt  }
0x84: {  	_ =	shalt  }
0x85: {  	_ =	shalt  }
0x86: {  	_ =	shalt  }
0x87: {  	_ =	shalt  }
.Lfunc_end0:
.L_simem_size_0:
called_computation_lowered:
.L_overlay_start_0:
0x88: {  	s2 =	sld [smem:$0x3FD9]  }
0x89: {  	s3 =	sld [smem:$0x3FFE];
	_ =	sdelay $0x1  }
0x8a: {  	s1 =	srdreg.scid  }
0x8b: {  	s0 =	sand.u32 $0x1, s1  }
0x8c: {  	s17 =	sshll.u32 s0, $0xA;
	s2 =	sadd.s32 s3, s2  }
0x8d: {  	s2 =	sadd.s32 s2, s17  }
0x8e: {  	[smem:$0x3FC5] =	sst s2  }
0x8f: {  	_ = 	snop  }
0x90: {  	s2 =	sld [smem:$0x3FC9]  }
0x91: {  	s18 =	sld [smem:$0x3FD0];
	(tm) =	ssettm $0x1  }
0x92: {  	s4 =	sld [smem:$0x3FFB];
	_ =	sdelay $0x3  }
0x93: {  	_ =	strace s4  }
0x94: {  	s4 =	sld [smem:$0x3FFC];
	_ =	sdelay $0x3  }
0x95: {  	_ =	strace s4  }
0x96: {  	s4 =	sld [smem:$0x3FFD];
	_ =	sdelay $0x3  }
0x97: {  	_ =	strace s4  }
0x98: {  	_ =	strace $0x8FFFFFFF  }
0x99: {  	s19 =	sld [smem:$0x3FDB];
	_ =	sdelay $0x1  }
0x9a: {  	s5 =	simm.s32 $_scs_section_size  }
0x9b: {  	s6 =	simm.s32 $_size__tile_overlayer_lowered;
	s7 =	simm.s32 $_tile_overlayer_lowered  }
0x9c: {  	s22 =	simm.s32 $0x1BFF;
	s21 =	sshll.u32 s7, $0x1;
	s4 =	sadd.s32 s5, s19  }
0x9d: {  	s8 =	simm.s32 $0x0;
	s20 =	sshll.u32 s6, $0x1;
	s6 =	sadd.s32 s21, s4  }
0x9e: {  	[timem:s8], [sflag:s22] =	dma.local [hbm:s6], s20  }
0x9f: {  	_ =	swait.ge [sflag:s22], s20  }
0xa0: {  	s5 =	ssub.s32 $0x0, s20;
	[sflag:s22] =	ssyncset.done $0x0  }
0xa1: {  	[sflag:s22] =	ssyncadd.s32 s5;
	_ =	sdelay $0x1  }
0xa2: {  	s23 =	simm.s32 $0x1B8B  }
0xa3: {  	_ =	swait.ge [sflag:s23], $0x1  }
0xa4: {  	[sflag:s23] =	ssyncset.done $0x0  }
0xa5: {  	s25 =	simm.s32 $0x1B8E;
	s24 =	sld [smem:$0x3FFE];
	[sflag:s23] =	ssyncadd.s32 $0xFFFFFFFF  }
0xa6: {  	s26 =	simm.s32 $execute0_lowered;
	[smem:$0x3FD2] =	sst s25  }
0xa7: {  	s6 =	sshll.u32 s26, $0x1;
	_ =	strace $0x80000046;
	[dreg:$0x1] =	wrdreg $0xFFFFFFFF  }
0xa8: {  	s28 =	simm.s32 $_size_execute0_lowered;
	s4 =	sadd.s32 s4, s6;
	[dreg:$0x0] =	wrdreg $0x0  }
0xa9: {  	s6 =	sshll.u32 s28, $0x1;
	[dreg:$0x2] =	wrdreg s4  }
0xaa: {  	[dreg:$0x3] =	wrdreg s6  }
0xab: {  	[dreg:$0x4] =	wrdreg $0xC0  }
0xac: {  	_ =	task [dreg:s8], $0x5FFFF  }
0xad: {  	[dreg:$0x1] =	wrdreg $0xFFFFFFFF  }
0xae: {  	[dreg:$0x0] =	wrdreg $0x60  }
0xaf: {  	[dreg:$0x2] =	wrdreg s2  }
0xb0: {  	[dreg:$0x3] =	wrdreg s24  }
0xb1: {  	[dreg:$0x4] =	wrdreg s18  }
0xb2: {  	[dreg:$0x5] =	wrdreg $0x9  }
0xb3: {  	_ =	task.clear_ibuf [dreg:s8], $0x6FFFF;
	_ =	strace $0x90000046  }
0xb4: {  	s29 =	simm.s32 $0x9;
	_ =	strace $0x80000048  }
0xb5: {  	_ =	swait.ge [sflag:s29], $0x1  }
0xb6: {  	[sflag:s29] =	ssyncadd.s32 $0xFFFFFFFF  }
0xb7: {  	_ =	strace $0x90000048  }
0xb8: {  	_ =	sfence  }
0xb9: {  	s30 =	sld [smem:$0x0];
	_ =	sdelay $0x2  }
0xba: {  	s31 =	sshll.u32 s1, $0xD;
	s1 =	sshrl.u32 s1, $0x2  }
0xbb: {  	s3 =	sand.u32 $0x4000, s31;
	s1 =	sadd.s32 s1, s30  }
0xbc: {  	s0 =	sor.u32 s3, s0;
	s1 =	sshll.u32 s1, $0x11  }
0xbd: {  	s0 =	sor.u32 s1, s0  }
0xbe: {  	s0 =	sadd.s32 $0x8F2B, s0  }
0xbf: {  	[sflag:s0] =	ssyncadd.remote.s32 $0x1  }
0xc0: {  	_ =	sfence.sel $0xFFFF  }
0xc1: {  	[dreg:$0x0] =	wrdreg $0xFFFFFFFF;
	(pc) =	sbr.abs _section_cstart, $3  }
0xc2: {  	[dreg:$0x1] =	wrdreg $0xFFFFFFFF  }
0xc3: {  	_ =	task.clear_ibuf [dreg:s8], $0x2FFFF;
	_ =	strace $0x9FFFFFFF  }
0xc4: {  	(tm) =	ssettm $0x7FFFFFFF  }
0xc5: {  	_ =	shalt  }
tec
execute0_lowered:
.L_overlay_start_1:
0x0: {  	(tag) =	ssettag $0x1  }
0x1: {  	s7 =	rddreg [dreg:$0x0]  }
0x2: {  	s0 =	rddreg [dreg:$0x1];
	s3 =	simm.s32 $0x0  }
0x3: {  	[smem:$0x7FF] =	sst s3;
	s2 =	sadd.s32 $0x1C00, s0  }
0x4: {  	s24 =	sadd.s32 $0x1C01, s0;
	_ =	strace $0x80000047;
	[dreg:$0x4] =	wrdreg s2  }
0x5: {  	s25 =	sadd.s32 $0x1C03, s0;
	[dreg:$0x6] =	wrdreg s24  }
0x6: {  	s26 =	sadd.s32 $0x1C07, s0;
	[dreg:$0x7] =	wrdreg s25  }
0x7: {  	s29 =	sadd.s32 $0x1C0F, s0;
	[dreg:$0x8] =	wrdreg s26  }
0x8: {  	s30 =	sadd.s32 $0x1C1F, s0;
	[dreg:$0x9] =	wrdreg s29  }
0x9: {  	s6 =	sadd.s32 $0x1C7F, s0;
	[dreg:$0xa] =	wrdreg s30  }
0xa: {  	s8 =	sadd.s32 $0x1CFF, s0;
	[dreg:$0xc] =	wrdreg s6  }
0xb: {  	s9 =	sadd.s32 $0x1DFF, s0;
	[dreg:$0xd] =	wrdreg s8  }
0xc: {  	s10 =	sadd.s32 $0x1FFF, s0;
	[dreg:$0xe] =	wrdreg s9  }
0xd: {  	s11 =	sadd.s32 $0x21FF, s0;
	[dreg:$0xf] =	wrdreg s10  }
0xe: {  	s12 =	sadd.s32 $0x23FF, s0;
	[dreg:$0x10] =	wrdreg s11  }
0xf: {  	s13 =	sadd.s32 $0x25FF, s0;
	[dreg:$0x11] =	wrdreg s12  }
0x10: {  	s14 =	sadd.s32 $0x27FF, s0;
	[dreg:$0x12] =	wrdreg s13  }
0x11: {  	s1 =	srdreg.scid;
	s15 =	sadd.s32 $0x29FF, s0;
	[dreg:$0x13] =	wrdreg s14  }
0x12: {  	s5 =	stileid.u32;
	s16 =	sadd.s32 $0x2BFF, s0;
	[dreg:$0x14] =	wrdreg s15  }
0x13: {  	s28 =	simm.s32 $0x2;
	s17 =	sadd.s32 $0x2DFF, s0;
	[dreg:$0x15] =	wrdreg s16  }
0x14: {  	s31 =	simm.s32 $0x3;
	s18 =	sadd.s32 $0x2FFF, s0;
	[dreg:$0x16] =	wrdreg s17  }
0x15: {  	s1 =	sand.u32 $0x1, s1;
	s19 =	sadd.s32 $0x31FF, s0;
	[dreg:$0x17] =	wrdreg s18  }
0x16: {  	s5 =	sshll.u32 s5, $0x12;
	s20 =	sadd.s32 $0x3201, s0;
	[dreg:$0x18] =	wrdreg s19  }
0x17: {  	s21 =	sadd.s32 $0x3203, s0;
	s22 =	sadd.s32 $0x3205, s0;
	[dreg:$0x19] =	wrdreg s20  }
0x18: {  	s23 =	ssub.s32 $0x2, s1;
	s1 =	sshll.u32 s1, $0x11;
	[dreg:$0x1a] =	wrdreg s21  }
0x19: {  	[dreg:$0x1b] =	wrdreg s22;
	s24 =	sadd.s32 $0x3209, s0;
	s8 =	simm.s32 $0x80  }
0x1a: {  	s9 =	simm.s32 $0x100;
	s10 =	simm.s32 $0x180;
	s11 =	simm.s32 $0x200  }
0x1b: {  	s12 =	simm.s32 $0x280;
	s13 =	simm.s32 $0x380;
	s14 =	simm.s32 $0x580  }
0x1c: {  	s15 =	simm.s32 $0x980;
	s16 =	simm.s32 $0x1180;
	s17 =	simm.s32 $0x2180  }
0x1d: {  	s18 =	simm.s32 $0x3180;
	s4 =	sshrl.u32 s23, $0x1;
	[dreg:$0x1d] =	wrdreg s24  }
0x1e: {  	s2 =	ssub.s32 s23, s4;
	s4 =	sor.u32 s1, s5;
	s5 =	sadd.s32 $0x1C3F, s0  }
0x1f: {  	s19 =	simm.s32 $0x4180;
	s23 =	sadd.s32 $0x3207, s0;
	[dreg:$0xb] =	wrdreg s5  }
0x20: {  	s20 =	simm.s32 $0x5180;
	s0 =	sadd.s32 $0x320B, s0;
	[dreg:$0x1c] =	wrdreg s23  }
0x21: {  	s21 =	simm.s32 $0x6180;
	s22 =	simm.s32 $0x7180;
	[dreg:$0x1e] =	wrdreg s0  }
0x22: {  	s24 =	simm.s32 $0x9180;
	s29 =	smax.u32 s2, $0x1;
	[dreg:$0x5] =	wrdreg s4  }
0x23: {  	s25 =	sshrl.u32 s4, $0x3;
	s30 =	sor.u32 $0x8000, s4;
	[smem:$0x7FC] =	sst s29  }
0x24: {  	s23 =	simm.s32 $0x8180;
	s26 =	sadd.s32 s7, s25;
	[smem:$0x7FD] =	sst s30  }
0x25: {  	v0 =	vimm.s32 $0x0;
	s2 =	simm.s32 $0x0;
	s25 =	simm.s32 $0xA180;
	[dreg:$0x1f] =	wrdreg s26  }
.LBB2_1:
0x26: {  	[smem:$0x7FB] =	sst s2  }
0x27: {  	s0 =	rddreg [dreg:$0x4]  }
0x28: {  	[tilespmem:s3], [sflag:$0x1] =	stream.linear.gather [hbm4b:s0+s3], $0x8, $0x38;
	[tilespmem:$0x1B500] =	vst v63  }
0x29: {  	s26 =	rddreg [dreg:$0x6]  }
0x2a: {  	[tilespmem:s8], [sflag:$0x1] =	stream.linear.gather [hbm4b:s26+s3], $0x10, $0x38;
	[tilespmem:$0x1B500] =	vst v63  }
0x2b: {  	s29 =	rddreg [dreg:$0x7]  }
0x2c: {  	[tilespmem:s9], [sflag:$0x1] =	stream.linear.gather [hbm4b:s29+s3], $0x20, $0x38;
	[tilespmem:$0x1B500] =	vst v63  }
0x2d: {  	s30 =	rddreg [dreg:$0x8]  }
0x2e: {  	[tilespmem:s10], [sflag:$0x1] =	stream.linear.gather [hbm4b:s30+s3], $0x40, $0x38;
	[tilespmem:$0x1B500] =	vst v63  }
0x2f: {  	s1 =	rddreg [dreg:$0x9]  }
0x30: {  	[tilespmem:s11], [sflag:$0x1] =	stream.linear.gather [hbm4b:s1+s3], $0x80, $0x38;
	[tilespmem:$0x1B500] =	vst v63  }
0x31: {  	s2 =	rddreg [dreg:$0xa]  }
0x32: {  	[tilespmem:s12], [sflag:$0x1] =	stream.linear.gather [hbm4b:s2+s3], $0x100, $0x38;
	[tilespmem:$0x1B500] =	vst v63  }
0x33: {  	s4 =	rddreg [dreg:$0xb]  }
0x34: {  	[tilespmem:s13], [sflag:$0x1] =	stream.linear.gather [hbm4b:s4+s3], $0x200, $0x38;
	[tilespmem:$0x1B500] =	vst v63  }
0x35: {  	s5 =	rddreg [dreg:$0xc]  }
0x36: {  	[tilespmem:s14], [sflag:$0x1] =	stream.linear.gather [hbm4b:s5+s3], $0x400, $0x38;
	[tilespmem:$0x1B500] =	vst v63  }
0x37: {  	s6 =	rddreg [dreg:$0xd]  }
0x38: {  	[tilespmem:s15], [sflag:$0x1] =	stream.linear.gather [hbm4b:s6+s3], $0x800, $0x38;
	[tilespmem:$0x1B500] =	vst v63  }
0x39: {  	s26 =	rddreg [dreg:$0xe]  }
0x3a: {  	[tilespmem:s16], [sflag:$0x1] =	stream.linear.gather [hbm4b:s26+s3], $0x1000, $0x38;
	[tilespmem:$0x1B500] =	vst v63  }
0x3b: {  	s29 =	rddreg [dreg:$0xf]  }
0x3c: {  	[tilespmem:s17], [sflag:$0x1] =	stream.linear.gather [hbm4b:s29+s3], $0x1000, $0x38;
	[tilespmem:$0x1B500] =	vst v63  }
0x3d: {  	s30 =	rddreg [dreg:$0x10]  }
0x3e: {  	[tilespmem:s18], [sflag:$0x1] =	stream.linear.gather [hbm4b:s30+s3], $0x1000, $0x38;
	[tilespmem:$0x1B500] =	vst v63  }
0x3f: {  	s1 =	rddreg [dreg:$0x11]  }
0x40: {  	[tilespmem:s19], [sflag:$0x1] =	stream.linear.gather [hbm4b:s1+s3], $0x1000, $0x38;
	[tilespmem:$0x1B500] =	vst v63  }
0x41: {  	s2 =	rddreg [dreg:$0x12]  }
0x42: {  	[tilespmem:s20], [sflag:$0x1] =	stream.linear.gather [hbm4b:s2+s3], $0x1000, $0x38;
	[tilespmem:$0x1B500] =	vst v63  }
0x43: {  	s4 =	rddreg [dreg:$0x13]  }
0x44: {  	[tilespmem:s21], [sflag:$0x1] =	stream.linear.gather [hbm4b:s4+s3], $0x1000, $0x38;
	[tilespmem:$0x1B500] =	vst v63  }
0x45: {  	s5 =	rddreg [dreg:$0x14]  }
0x46: {  	[tilespmem:s22], [sflag:$0x1] =	stream.linear.gather [hbm4b:s5+s3], $0x1000, $0x38;
	[tilespmem:$0x1B500] =	vst v63  }
0x47: {  	s6 =	rddreg [dreg:$0x15]  }
0x48: {  	[tilespmem:s23], [sflag:$0x1] =	stream.linear.gather [hbm4b:s6+s3], $0x1000, $0x38;
	[tilespmem:$0x1B500] =	vst v63  }
0x49: {  	s26 =	rddreg [dreg:$0x16]  }
0x4a: {  	[tilespmem:s24], [sflag:$0x1] =	stream.linear.gather [hbm4b:s26+s3], $0x1000, $0x38;
	[tilespmem:$0x1B500] =	vst v63  }
0x4b: {  	s29 =	rddreg [dreg:$0x17]  }
0x4c: {  	[tilespmem:s25], [sflag:$0x1] =	stream.linear.gather [hbm4b:s29+s3], $0x1000, $0x38;
	[tilespmem:$0x1B500] =	vst v63  }
0x4d: {  	s30 =	rddreg [dreg:$0x18];
	s1 =	simm.s32 $0xB180  }
0x4e: {  	[tilespmem:s1], [sflag:$0x1] =	stream.linear.gather [hbm4b:s30+s3], $0x10, $0x38;
	[tilespmem:$0x1B500] =	vst v63  }
0x4f: {  	s2 =	simm.s32 $0xB200;
	s1 =	rddreg [dreg:$0x19]  }
0x50: {  	[tilespmem:s2], [sflag:$0x1] =	stream.linear.gather [hbm4b:s1+s3], $0x10, $0x38;
	[tilespmem:$0x1B500] =	vst v63  }
0x51: {  	s4 =	rddreg [dreg:$0x1a];
	s5 =	simm.s32 $0xB280  }
0x52: {  	[tilespmem:s5], [sflag:$0x1] =	stream.linear.gather [hbm4b:s4+s3], $0x10, $0x38;
	[tilespmem:$0x1B500] =	vst v63  }
0x53: {  	s6 =	rddreg [dreg:$0x1b];
	s26 =	simm.s32 $0xB300  }
0x54: {  	[tilespmem:s26], [sflag:$0x1] =	stream.linear.gather [hbm4b:s6+s3], $0x10, $0x38;
	[tilespmem:$0x1B500] =	vst v63  }
0x55: {  	s29 =	rddreg [dreg:$0x1c];
	s30 =	simm.s32 $0xB380  }
0x56: {  	[tilespmem:s30], [sflag:$0x1] =	stream.linear.gather [hbm4b:s29+s3], $0x10, $0x38;
	[tilespmem:$0x1B500] =	vst v63  }
0x57: {  	s2 =	rddreg [dreg:$0x1d];
	s4 =	simm.s32 $0xB400  }
0x58: {  	[tilespmem:s4], [sflag:$0x1] =	stream.linear.gather [hbm4b:s2+s3], $0x10, $0x38;
	[tilespmem:$0x1B500] =	vst v63  }
0x59: {  	s5 =	rddreg [dreg:$0x1e];
	s6 =	simm.s32 $0xB480;
	s26 =	simm.s32 $0x1  }
0x5a: {  	[tilespmem:s6], [sflag:$0x1] =	stream.linear.gather [hbm4b:s5+s3], $0x10, $0x38;
	[tilespmem:$0x1B500] =	vst v63  }
0x5b: {  	_ =	swait.ge [sflag:s26], $0x8  }
0x5c: {  	[sflag:s26] =	ssyncset.done $0x0  }
0x5d: {  	[sflag:s26] =	ssyncadd.s32 $0xFFFFFFF8  }
0x5e: {  	_ =	swait.ge [sflag:s26], $0x10  }
0x5f: {  	[sflag:s26] =	ssyncset.done $0x0  }
0x60: {  	[sflag:s26] =	ssyncadd.s32 $0xFFFFFFF0  }
0x61: {  	_ =	swait.ge [sflag:s26], $0x20  }
0x62: {  	[sflag:s26] =	ssyncset.done $0x0  }
0x63: {  	[sflag:s26] =	ssyncadd.s32 $0xFFFFFFE0  }
0x64: {  	_ =	swait.ge [sflag:s26], $0x40  }
0x65: {  	[sflag:s26] =	ssyncset.done $0x0  }
0x66: {  	[sflag:s26] =	ssyncadd.s32 $0xFFFFFFC0  }
0x67: {  	_ =	swait.ge [sflag:s26], $0x80  }
0x68: {  	[sflag:s26] =	ssyncset.done $0x0  }
0x69: {  	[sflag:s26] =	ssyncadd.s32 $0xFFFFFF80  }
0x6a: {  	_ =	swait.ge [sflag:s26], $0x100  }
0x6b: {  	[sflag:s26] =	ssyncset.done $0x0  }
0x6c: {  	[sflag:s26] =	ssyncadd.s32 $0xFFFFFF00  }
0x6d: {  	_ =	swait.ge [sflag:s26], $0x200  }
0x6e: {  	[sflag:s26] =	ssyncset.done $0x0  }
0x6f: {  	[sflag:s26] =	ssyncadd.s32 $0xFFFFFE00  }
0x70: {  	_ =	swait.ge [sflag:s26], $0x400  }
0x71: {  	[sflag:s26] =	ssyncset.done $0x0  }
0x72: {  	[sflag:s26] =	ssyncadd.s32 $0xFFFFFC00  }
0x73: {  	_ =	swait.ge [sflag:s26], $0x800  }
0x74: {  	[sflag:s26] =	ssyncset.done $0x0  }
0x75: {  	[sflag:s26] =	ssyncadd.s32 $0xFFFFF800  }
0x76: {  	_ =	swait.ge [sflag:s26], $0x1000  }
0x77: {  	[sflag:s26] =	ssyncset.done $0x0  }
0x78: {  	[sflag:s26] =	ssyncadd.s32 $0xFFFFF000  }
0x79: {  	_ =	swait.ge [sflag:s26], $0x1000  }
0x7a: {  	[sflag:s26] =	ssyncset.done $0x0  }
0x7b: {  	[sflag:s26] =	ssyncadd.s32 $0xFFFFF000  }
0x7c: {  	_ =	swait.ge [sflag:s26], $0x1000  }
0x7d: {  	[sflag:s26] =	ssyncset.done $0x0  }
0x7e: {  	[sflag:s26] =	ssyncadd.s32 $0xFFFFF000  }
0x7f: {  	_ =	swait.ge [sflag:s26], $0x1000  }
0x80: {  	[sflag:s26] =	ssyncset.done $0x0  }
0x81: {  	[sflag:s26] =	ssyncadd.s32 $0xFFFFF000  }
0x82: {  	_ =	swait.ge [sflag:s26], $0x1000  }
0x83: {  	[sflag:s26] =	ssyncset.done $0x0  }
0x84: {  	[sflag:s26] =	ssyncadd.s32 $0xFFFFF000  }
0x85: {  	_ =	swait.ge [sflag:s26], $0x1000  }
0x86: {  	[sflag:s26] =	ssyncset.done $0x0  }
0x87: {  	[sflag:s26] =	ssyncadd.s32 $0xFFFFF000  }
0x88: {  	_ =	swait.ge [sflag:s26], $0x1000  }
0x89: {  	[sflag:s26] =	ssyncset.done $0x0  }
0x8a: {  	[sflag:s26] =	ssyncadd.s32 $0xFFFFF000  }
0x8b: {  	_ =	swait.ge [sflag:s26], $0x1000  }
0x8c: {  	[sflag:s26] =	ssyncset.done $0x0  }
0x8d: {  	[sflag:s26] =	ssyncadd.s32 $0xFFFFF000  }
0x8e: {  	_ =	swait.ge [sflag:s26], $0x1000  }
0x8f: {  	[sflag:s26] =	ssyncset.done $0x0  }
0x90: {  	[sflag:s26] =	ssyncadd.s32 $0xFFFFF000  }
0x91: {  	_ =	swait.ge [sflag:s26], $0x1000  }
0x92: {  	[sflag:s26] =	ssyncset.done $0x0  }
0x93: {  	[sflag:s26] =	ssyncadd.s32 $0xFFFFF000  }
0x94: {  	_ =	swait.ge [sflag:s26], $0x10  }
0x95: {  	[sflag:s26] =	ssyncset.done $0x0  }
0x96: {  	[sflag:s26] =	ssyncadd.s32 $0xFFFFFFF0  }
0x97: {  	_ =	swait.ge [sflag:s26], $0x10  }
0x98: {  	[sflag:s26] =	ssyncset.done $0x0  }
0x99: {  	[sflag:s26] =	ssyncadd.s32 $0xFFFFFFF0  }
0x9a: {  	_ =	swait.ge [sflag:s26], $0x10  }
0x9b: {  	[sflag:s26] =	ssyncset.done $0x0  }
0x9c: {  	[sflag:s26] =	ssyncadd.s32 $0xFFFFFFF0  }
0x9d: {  	_ =	swait.ge [sflag:s26], $0x10  }
0x9e: {  	[sflag:s26] =	ssyncset.done $0x0  }
0x9f: {  	[sflag:s26] =	ssyncadd.s32 $0xFFFFFFF0  }
0xa0: {  	_ =	swait.ge [sflag:s26], $0x10  }
0xa1: {  	[sflag:s26] =	ssyncset.done $0x0  }
0xa2: {  	[sflag:s26] =	ssyncadd.s32 $0xFFFFFFF0  }
0xa3: {  	_ =	swait.ge [sflag:s26], $0x10  }
0xa4: {  	[sflag:s26] =	ssyncset.done $0x0  }
0xa5: {  	[sflag:s26] =	ssyncadd.s32 $0xFFFFFFF0  }
0xa6: {  	_ =	swait.ge [sflag:s26], $0x10  }
0xa7: {  	[sflag:s26] =	ssyncset.done $0x0  }
0xa8: {  	[sflag:s26] =	ssyncadd.s32 $0xFFFFFFF0  }
0xa9: {  	v1 =	vld [tilespmem:$0xB180]  }
0xaa: {  	v2 =	vld [tilespmem:$0xB200]  }
0xab: {  	v3 =	vld [tilespmem:$0xB280]  }
0xac: {  	v4 =	vld [tilespmem:$0xB300]  }
0xad: {  	v5 =	vld [tilespmem:$0xB380]  }
0xae: {  	s30 =	simm.s32 $0xB500;
	s4 =	simm.s32 $0x0;
	s29 =	rddreg [dreg:$0x1f];
	v6 =	vld [tilespmem:$0xB400]  }
0xaf: {  	v7 =	vld [tilespmem:$0xB480];
	[tilespmem:s30], [sflag:$0x2] =	stream.linear.gather [hbm4b:s29+s3], $0x4000, $0x38  }
.LBB2_2:
0xb0: {  	s30 =	sshll.u32 s4, $0xF;
	s0 =	rddreg [dreg:$0x5]  }
0xb1: {  	s0 =	sor.u32 s0, s30  }
0xb2: {  	_ =	swait.ge [sflag:s28], $0x4000;
	s0 =	sshrl.u32 s0, $0x3  }
0xb3: {  	s2 =	simm.s32 $0xF500;
	[sflag:s28] =	ssyncset.done $0x0;
	s29 =	sor.u32 $0x800, s0  }
0xb4: {  	p0 =	seq.s32 s4, $0x0;
	[sflag:s28] =	ssyncadd.s32 $0xFFFFC000;
	s1 =	sadd.s32 s7, s29  }
0xb5: {  	[tilespmem:s2], [sflag:$0x3] =	stream.linear.gather [hbm4b:s1+s3], $0x4000, $0x38;
	[tilespmem:$0x1B500] =	vst v63  }
0xb6: {  	s1 =	simm.s32 @!p0 $0x4  }
0xb7: {  	_ =	swait.ge @!p0 [sflag:s1], $0x4000  }
0xb8: {  	[sflag:s1] =	ssyncset.done @!p0 $0x0  }
0xb9: {  	s2 =	simm.s32 $0x0;
	[sflag:s1] =	ssyncadd.s32 @!p0 $0xFFFFC000  }
0xba: {  	v10 =	vld [tilespmem:s2+$0xB500];
	_ =	sdelay $0x4  }
0xbb: {  	vm0 =	vle.f32 v1, v10  }
0xbc: {  	v8 =	vsel vm0, v3, v2  }
0xbd: {  	v9 =	vsel vm0, $0x800, v0;
	vm1 =	vle.f32 v8, v10  }
0xbe: {  	v8 =	vor.u32 $0x400, v9;
	v11 =	vsel vm1, v5, v4;
	v12 =	vsel vm1, v7, v6  }
0xbf: {  	v8 =	vsel vm1, v8, v9;
	v9 =	vsel vm0, v12, v11  }
0xc0: {  	v11 =	vor.u32 $0x200, v8;
	vm0 =	vle.f32 v9, v10  }
0xc1: {  	v8 =	vsel vm0, v11, v8  }
0xc2: {  	v9 =	vshrl.u32 v8, $0x9;
	_ =	sdelay $0x4  }
0xc3: {  	v9 =	vld.idx.msk [tilespmem:v9+s3+$0x0], $0xffff;
	_ =	sdelay $0x4  }
0xc4: {  	v11 =	vor.u32 $0x100, v8;
	vm6 =	vle.f32 v9, v10  }
0xc5: {  	v8 =	vsel vm6, v11, v8  }
0xc6: {  	v9 =	vshrl.u32 v8, $0x8;
	_ =	sdelay $0x4  }
0xc7: {  	v9 =	vld.idx.msk [tilespmem:v9+s8+$0x0], $0xffff;
	_ =	sdelay $0x4  }
0xc8: {  	v11 =	vadd.s32 $0x80, v8;
	vm7 =	vle.f32 v9, v10  }
0xc9: {  	v9 =	vsel vm7, v11, v8  }
0xca: {  	v8 =	vshrl.u32 v9, $0x7  }
0xcb: {  	v18 =	vld [tilespmem:s2+$0xB510]  }
0xcc: {  	v17 =	vld [tilespmem:s2+$0xB520];
	_ =	sdelay $0x2  }
0xcd: {  	v11 =	vld.idx.msk [tilespmem:v8+s9+$0x0], $0xffff  }
0xce: {  	vm8 =	vle.f32 v1, v18  }
0xcf: {  	vm12 =	vle.f32 v1, v17;
	v13 =	vsel vm8, v3, v2;
	v12 =	vsel vm8, $0x800, v0  }
0xd0: {  	v15 =	vsel vm12, v3, v2;
	vm9 =	vle.f32 v13, v18;
	v14 =	vor.u32 $0x400, v12;
	v8 =	vld [tilespmem:s2+$0xB530]  }
0xd1: {  	v13 =	vsel vm9, v5, v4;
	v12 =	vsel vm9, v14, v12;
	v14 =	vsel vm9, v7, v6  }
0xd2: {  	v13 =	vsel vm8, v14, v13;
	vm10 =	vle.f32 v11, v10;
	v11 =	vadd.s32 $0x40, v9  }
0xd3: {  	v14 =	vor.u32 $0x200, v12;
	vm11 =	vle.f32 v13, v18;
	v9 =	vsel vm10, v11, v9  }
0xd4: {  	vm2 =	vle.f32 v15, v17;
	v11 =	vsel vm11, v14, v12;
	v12 =	vshrl.u32 v9, $0x6  }
0xd5: {  	vm13 =	vle.f32 v1, v8;
	v14 =	vsel vm12, $0x800, v0;
	v13 =	vshrl.u32 v11, $0x9  }
0xd6: {  	v16 =	vsel vm13, $0x800, v0;
	v19 =	vsel vm13, v3, v2;
	v20 =	vor.u32 $0x400, v14  }
0xd7: {  	v15 =	vor.u32 $0x400, v16;
	vm3 =	vle.f32 v19, v8;
	v19 =	vsel vm2, v5, v4  }
0xd8: {  	v14 =	vsel vm2, v20, v14;
	v20 =	vsel vm2, v7, v6;
	v15 =	vsel vm3, v15, v16  }
0xd9: {  	v16 =	vsel vm3, v5, v4;
	v21 =	vsel vm3, v7, v6;
	v19 =	vsel vm12, v20, v19;
	v12 =	vld.idx.msk [tilespmem:v12+s10+$0x0], $0xffff  }
0xda: {  	v20 =	vor.u32 $0x200, v14;
	v16 =	vsel vm13, v21, v16;
	vm0 =	vle.f32 v19, v17;
	v13 =	vld.idx.msk [tilespmem:v13+s3+$0x0], $0xffff  }
0xdb: {  	v19 =	vor.u32 $0x200, v15;
	vm14 =	vle.f32 v16, v8;
	v14 =	vsel vm0, v20, v14  }
0xdc: {  	v15 =	vsel vm14, v19, v15;
	v16 =	vshrl.u32 v14, $0x9  }
0xdd: {  	v19 =	vshrl.u32 v15, $0x9  }
0xde: {  	vm15 =	vle.f32 v12, v10;
	v12 =	vadd.s32 $0x20, v9  }
0xdf: {  	v20 =	vor.u32 $0x100, v11;
	vm4 =	vle.f32 v13, v18;
	v9 =	vsel vm15, v12, v9  }
0xe0: {  	v11 =	vsel vm4, v20, v11;
	v12 =	vshrl.u32 v9, $0x5  }
0xe1: {  	v16 =	vld.idx.msk [tilespmem:v16+s3+$0x0], $0xffff;
	v13 =	vshrl.u32 v11, $0x8  }
0xe2: {  	v19 =	vld.idx.msk [tilespmem:v19+s3+$0x0], $0xffff;
	_ =	sdelay $0x2  }
0xe3: {  	v12 =	vld.idx.msk [tilespmem:v12+s11+$0x0], $0xffff  }
0xe4: {  	v20 =	vor.u32 $0x100, v14;
	vm5 =	vle.f32 v16, v17;
	v13 =	vld.idx.msk [tilespmem:v13+s8+$0x0], $0xffff  }
0xe5: {  	v16 =	vor.u32 $0x100, v15;
	vm6 =	vle.f32 v19, v8;
	v14 =	vsel vm5, v20, v14  }
0xe6: {  	v15 =	vsel vm6, v16, v15;
	v16 =	vshrl.u32 v14, $0x8  }
0xe7: {  	v19 =	vshrl.u32 v15, $0x8  }
0xe8: {  	vm7 =	vle.f32 v12, v10;
	v12 =	vadd.s32 $0x10, v9  }
0xe9: {  	vm8 =	vle.f32 v13, v18;
	v13 =	vadd.s32 $0x80, v11;
	v9 =	vsel vm7, v12, v9  }
0xea: {  	v11 =	vsel vm8, v13, v11;
	v12 =	vshrl.u32 v9, $0x4  }
0xeb: {  	v16 =	vld.idx.msk [tilespmem:v16+s8+$0x0], $0xffff;
	v13 =	vshrl.u32 v11, $0x7  }
0xec: {  	v19 =	vld.idx.msk [tilespmem:v19+s8+$0x0], $0xffff;
	_ =	sdelay $0x2  }
0xed: {  	v12 =	vld.idx.msk [tilespmem:v12+s12+$0x0], $0xffff  }
0xee: {  	vm9 =	vle.f32 v16, v17;
	v16 =	vadd.s32 $0x80, v14;
	v13 =	vld.idx.msk [tilespmem:v13+s9+$0x0], $0xffff  }
0xef: {  	vm10 =	vle.f32 v19, v8;
	v14 =	vsel vm9, v16, v14;
	v16 =	vadd.s32 $0x80, v15  }
0xf0: {  	v15 =	vsel vm10, v16, v15;
	v16 =	vshrl.u32 v14, $0x7  }
0xf1: {  	v19 =	vshrl.u32 v15, $0x7  }
0xf2: {  	v20 =	vadd.s32 $0x8, v9;
	vm11 =	vle.f32 v12, v10  }
0xf3: {  	vm12 =	vle.f32 v13, v18;
	v12 =	vadd.s32 $0x40, v11;
	v9 =	vsel vm11, v20, v9  }
0xf4: {  	v11 =	vsel vm12, v12, v11;
	v12 =	vshrl.u32 v9, $0x3  }
0xf5: {  	v16 =	vld.idx.msk [tilespmem:v16+s9+$0x0], $0xffff;
	v13 =	vshrl.u32 v11, $0x6  }
0xf6: {  	v19 =	vld.idx.msk [tilespmem:v19+s9+$0x0], $0xffff;
	_ =	sdelay $0x2  }
0xf7: {  	v12 =	vld.idx.msk [tilespmem:v12+s13+$0x0], $0xffff  }
0xf8: {  	v20 =	vadd.s32 $0x40, v14;
	vm13 =	vle.f32 v16, v17;
	v13 =	vld.idx.msk [tilespmem:v13+s10+$0x0], $0xffff  }
0xf9: {  	s1 =	simm.s32 $0x40;
	v14 =	vsel vm13, v20, v14;
	v20 =	vadd.s32 $0x40, v15;
	vm14 =	vle.f32 v19, v8  }
0xfa: {  	v16 =	vld [tilespmem:s1+$0xB500];
	v19 =	vshrl.u32 v14, $0x6;
	v15 =	vsel vm14, v20, v15  }
0xfb: {  	v20 =	vshrl.u32 v15, $0x6  }
0xfc: {  	vm15 =	vle.f32 v12, v10;
	v12 =	vadd.s32 $0x4, v9  }
0xfd: {  	v21 =	vadd.s32 $0x20, v11;
	vm4 =	vle.f32 v13, v18;
	v13 =	vsel vm15, v12, v9  }
0xfe: {  	v11 =	vsel vm4, v21, v11;
	v9 =	vshrl.u32 v13, $0x2  }
0xff: {  	vm5 =	vle.f32 v1, v16;
	v19 =	vld.idx.msk [tilespmem:v19+s10+$0x0], $0xffff;
	v12 =	vshrl.u32 v11, $0x5  }
0x100: {  	v21 =	vsel vm5, v3, v2;
	v20 =	vld.idx.msk [tilespmem:v20+s10+$0x0], $0xffff  }
0x101: {  	v22 =	vsel vm5, $0x800, v0;
	vm6 =	vle.f32 v21, v16  }
0x102: {  	v21 =	vor.u32 $0x400, v22;
	v23 =	vsel vm6, v5, v4;
	v24 =	vsel vm6, v7, v6  }
0x103: {  	v21 =	vsel vm6, v21, v22;
	v22 =	vsel vm5, v24, v23;
	v9 =	vld.idx.msk [tilespmem:v9+s14+$0x0], $0xffff  }
0x104: {  	v23 =	vor.u32 $0x200, v21;
	vm0 =	vle.f32 v22, v16;
	vm7 =	vle.f32 v19, v17;
	v22 =	vld.idx.msk [tilespmem:v12+s11+$0x0], $0xffff  }
0x105: {  	v19 =	vadd.s32 $0x20, v15;
	v21 =	vsel vm0, v23, v21;
	vm8 =	vle.f32 v20, v8  }
0x106: {  	v12 =	vadd.s32 $0x20, v14;
	v20 =	vshrl.u32 v21, $0x9;
	v15 =	vsel vm8, v19, v15  }
0x107: {  	v23 =	vsel vm7, v12, v14;
	v24 =	vshrl.u32 v15, $0x5  }
0x108: {  	v14 =	vadd.s32 $0x2, v13;
	v19 =	vshrl.u32 v23, $0x5;
	vm9 =	vle.f32 v9, v10  }
0x109: {  	v12 =	vld [tilespmem:s1+$0xB520];
	vm10 =	vle.f32 v22, v18;
	v22 =	vadd.s32 $0x10, v11;
	v13 =	vsel vm9, v14, v13  }
0x10a: {  	v9 =	vld [tilespmem:s1+$0xB530];
	v11 =	vsel vm10, v22, v11;
	v22 =	vshrl.u32 v13, $0x1  }
0x10b: {  	v20 =	vld.idx.msk [tilespmem:v20+s3+$0x0], $0xffff;
	v25 =	vshrl.u32 v11, $0x4  }
0x10c: {  	v14 =	vld [tilespmem:s1+$0xB510]  }
0x10d: {  	v19 =	vld.idx.msk [tilespmem:v19+s11+$0x0], $0xffff  }
0x10e: {  	v24 =	vld.idx.msk [tilespmem:v24+s11+$0x0], $0xffff;
	vm11 =	vle.f32 v1, v12  }
0x10f: {  	v26 =	vsel vm11, $0x800, v0;
	v27 =	vsel vm11, v3, v2;
	v22 =	vld.idx.msk [tilespmem:v22+s15+$0x0], $0xffff  }
0x110: {  	v30 =	vor.u32 $0x100, v21;
	v31 =	vor.u32 $0x400, v26;
	vm8 =	vle.f32 v27, v12;
	v25 =	vld.idx.msk [tilespmem:v25+s12+$0x0], $0xffff  }
0x111: {  	vm12 =	vle.f32 v1, v9;
	vm13 =	vle.f32 v20, v16;
	vm0 =	vle.f32 v1, v14  }
0x112: {  	v28 =	vsel vm12, $0x800, v0;
	vm14 =	vle.f32 v19, v17;
	v19 =	vadd.s32 $0x10, v23  }
0x113: {  	v20 =	vsel vm13, v30, v21;
	vm15 =	vle.f32 v24, v8;
	v19 =	vsel vm14, v19, v23  }
0x114: {  	v30 =	vshrl.u32 v20, $0x8;
	v23 =	vshrl.u32 v19, $0x4;
	vm4 =	vle.f32 v22, v10  }
0x115: {  	v22 =	vadd.s32 $0x8, v11;
	vm5 =	vle.f32 v25, v18;
	v24 =	vsel vm4, $0x1, v0  }
0x116: {  	v25 =	vadd.s32 $0x10, v15;
	v11 =	vsel vm5, v22, v11;
	v13 =	vadd.s32 v24, v13  }
0x117: {  	v15 =	vsel vm15, v25, v15;
	v22 =	vshrl.u32 v11, $0x3;
	v13 =	vmax.u32 v13, $0x4  }
0x118: {  	v21 =	vsel vm0, v3, v2;
	v25 =	vshrl.u32 v15, $0x4;
	v13 =	vmin.u32 v13, $0xFFC  }
0x119: {  	v29 =	vsel vm0, $0x800, v0;
	vm10 =	vle.f32 v21, v14;
	v13 =	vadd.s32 $0xFFFFFFFF, v13  }
0x11a: {  	v21 =	vsel vm8, v31, v26;
	v26 =	vsel vm8, v5, v4;
	v31 =	vsel vm8, v7, v6;
	v23 =	vld.idx.msk [tilespmem:v23+s12+$0x0], $0xffff  }
0x11b: {  	v27 =	vor.u32 $0x400, v28;
	v33 =	vor.u32 $0x200, v21;
	v26 =	vsel vm11, v31, v26;
	v30 =	vld.idx.msk [tilespmem:v30+s8+$0x0], $0xffff  }
0x11c: {  	v35 =	vsel vm10, v7, v6;
	vm2 =	vle.f32 v26, v12;
	v24 =	vsel vm12, v3, v2;
	v22 =	vld.idx.msk [tilespmem:v22+s13+$0x0], $0xffff  }
0x11d: {  	v26 =	vadd.s32 $0x8, v19;
	v21 =	vsel vm2, v33, v21;
	vm9 =	vle.f32 v24, v9;
	v25 =	vld.idx.msk [tilespmem:v25+s12+$0x0], $0xffff  }
0x11e: {  	v54 =	vadd.s32 $0x4, v11;
	v24 =	vor.u32 $0x400, v29;
	v27 =	vsel vm9, v27, v28;
	v34 =	vld.idx.msk [tilespmem:v13+s16+$0x0], $0xffff  }
0x11f: {  	v28 =	vsel vm9, v5, v4;
	v32 =	vsel vm9, v7, v6;
	vm11 =	vle.f32 v23, v17;
	v23 =	vld.idx.msk [tilespmem:v13+s17+$0x0], $0xffff  }
0x120: {  	v24 =	vsel vm10, v24, v29;
	v28 =	vsel vm12, v32, v28;
	v19 =	vsel vm11, v26, v19;
	v26 =	vld.idx.msk [tilespmem:v13+s18+$0x0], $0xffff  }
0x121: {  	v31 =	vor.u32 $0x200, v27;
	vm13 =	vle.f32 v28, v9;
	v28 =	vshrl.u32 v21, $0x9;
	v55 =	vld.idx.msk [tilespmem:v13+s20+$0x0], $0xffff  }
0x122: {  	v27 =	vsel vm13, v31, v27;
	v53 =	vshrl.u32 v19, $0x3;
	vm12 =	vle.f32 v22, v18;
	v22 =	vld.idx.msk [tilespmem:v13+s21+$0x0], $0xffff  }
0x123: {  	v29 =	vsel vm10, v5, v4;
	v37 =	vshrl.u32 v27, $0x9;
	v36 =	vld.idx.msk [tilespmem:v13+s19+$0x0], $0xffff;
	v11 =	vsel vm12, v54, v11  }
0x124: {  	v38 =	vadd.s32 $0x8, v15;
	v29 =	vsel vm0, v35, v29;
	v61 =	vld.idx.msk [tilespmem:v13+s24+$0x0], $0xffff;
	v31 =	vshrl.u32 v11, $0x2  }
0x125: {  	vm0 =	vle.f32 v29, v14;
	v39 =	vld.idx.msk [tilespmem:v13+s25+$0x0], $0xffff;
	vm14 =	vle.f32 v25, v8;
	v25 =	vor.u32 $0x200, v24  }
0x126: {  	vm15 =	vle.f32 v30, v16;
	v28 =	vld.idx.msk [tilespmem:v28+s3+$0x0], $0xffff;
	v15 =	vsel vm14, v38, v15;
	v24 =	vsel vm0, v25, v24  }
0x127: {  	v25 =	vadd.s32 $0x80, v20;
	v29 =	vshrl.u32 v15, $0x3;
	v32 =	vld.idx.msk [tilespmem:v53+s13+$0x0], $0xffff;
	v22 =	vsub.f32 v22, v26  }
0x128: {  	v20 =	vsel vm15, v25, v20;
	v25 =	vld.idx.msk [tilespmem:v37+s3+$0x0], $0xffff;
	v56 =	vsub.f32 v55, v23  }
0x129: {  	v30 =	vld.idx.msk [tilespmem:v31+s14+$0x0], $0xffff;
	v31 =	vsub.f32 v36, v34;
	(erf) = vrcp.f32 v22  }
0x12a: {  	v60 =	vor.u32 $0x100, v27;
	(erf) = vrcp.f32 v56  }
0x12b: {  	vm5 =	vle.f32 v28, v12;
	v28 =	vld.idx.msk [tilespmem:v13+s23+$0x0], $0xffff;
	v22 =	vshrl.u32 v24, $0x9;
	(erf) = vrcp.f32 v31  }
0x12c: {  	v59 =	vadd.s32 $0x4, v19;
	v58 =	vor.u32 $0x100, v24;
	v57 =	vshrl.u32 v20, $0x7;
	v29 =	vld.idx.msk [tilespmem:v29+s13+$0x0], $0xffff  }
0x12d: {  	v33 =	vsub.f32 v55, v26;
	v40 =	vsub.f32 v36, v23;
	vm4 =	vle.f32 v32, v17  }
0x12e: {  	v39 =	vsub.f32 v39, v61;
	vm7 =	vle.f32 v25, v9;
	v19 =	vsel vm4, v59, v19  }
0x12f: {  	v13 =	vld.idx.msk [tilespmem:v13+s22+$0x0], $0xffff;
	v31 =	vor.u32 $0x100, v21;
	vm6 =	vle.f32 v30, v18;
	v30 =	vadd.s32 $0x2, v11  }
0x130: {  	v42 =	vsub.f32 v61, v28;
	(erf) = vrcp.f32 v33;
	v22 =	vld.idx.msk [tilespmem:v22+s3+$0x0], $0xffff;
	v30 =	vsel vm6, v30, v11  }
0x131: {  	vm8 =	vle.f32 v29, v8;
	v11 =	vadd.s32 $0x4, v15;
	v62 =	vshrl.u32 v30, $0x1  }
0x132: {  	(erf) = vrcp.f32 v40;
	v15 =	vsel vm8, v11, v15;
	v11 =	vsub.f32 v10, v23;
	v23 =	vpop (erf)  }
0x133: {  	v35 =	vld.idx.msk [tilespmem:v57+s9+$0x0], $0xffff;
	v25 =	vshrl.u32 v19, $0x2;
	v29 =	vsub.f32 v10, v26;
	v10 =	vsub.f32 v10, v34;
	v43 =	vpop (erf)  }
0x134: {  	v44 =	vsub.f32 v28, v13;
	v26 =	vsub.f32 v36, v26;
	v63 =	vshrl.u32 v15, $0x2;
	v41 =	vpop (erf)  }
0x135: {  	v23 =	vmul.f32 v23, v29;
	vm9 =	vle.f32 v22, v14;
	v10 =	vmul.f32 v41, v10  }
0x136: {  	v34 =	vmul.f32 v43, v11;
	(erf) = vrcp.f32 v26;
	v26 =	vsel vm9, v58, v24;
	v24 =	vld.idx.msk [tilespmem:v62+s15+$0x0], $0xffff  }
0x137: {  	v31 =	vsel vm5, v31, v21;
	v22 =	vmul.f32 v23, v39;
	v10 =	vmul.f32 v10, v44  }
0x138: {  	vm10 =	vle.f32 v35, v16;
	v21 =	vld.idx.msk [tilespmem:v25+s14+$0x0], $0xffff;
	v25 =	vadd.s32 $0x40, v20;
	v23 =	vmul.f32 v34, v42  }
0x139: {  	v27 =	vsel vm7, v60, v27;
	v47 =	vsel vm10, v25, v20;
	v22 =	vadd.f32 v22, v61  }
0x13a: {  	v48 =	vshrl.u32 v47, $0x6;
	v45 =	vpop (erf);
	v46 =	vld.idx.msk [tilespmem:v63+s14+$0x0], $0xffff;
	v23 =	vadd.f32 v23, v28;
	v13 =	vadd.f32 v10, v13  }
0x13b: {  	v25 =	vshrl.u32 v26, $0x8;
	v20 =	vmul.f32 v45, v29;
	vm12 =	vle.f32 v24, v18;
	v10 =	vpop (erf)  }
0x13c: {  	v10 =	vmul.f32 v10, v11;
	v11 =	vsub.f32 v22, v23;
	v22 =	vsub.f32 v23, v13  }
0x13d: {  	v49 =	vadd.s32 $0x2, v19;
	v28 =	vshrl.u32 v31, $0x8;
	v24 =	vsel vm12, $0x1, v0  }
0x13e: {  	vm11 =	vle.f32 v21, v17;
	v20 =	vmul.f32 v11, v20;
	v22 =	vmul.f32 v22, v10  }
0x13f: {  	v50 =	vadd.s32 $0x2, v15;
	v21 =	vsel vm11, v49, v19;
	v32 =	vld.idx.msk [tilespmem:v48+s10+$0x0], $0xffff;
	vm13 =	vle.f32 v46, v8  }
0x140: {  	s5 =	simm.s32 $0x80;
	v52 =	vld.idx.msk [tilespmem:v25+s8+$0x0], $0xffff;
	v20 =	vadd.f32 v20, v23;
	v22 =	vadd.f32 v22, v13;
	v23 =	vadd.s32 v24, v30;
	v24 =	vpop (erf)  }
0x141: {  	v19 =	vsel vm13, v50, v15;
	v15 =	vld [tilespmem:s5+$0xB500];
	v30 =	vshrl.u32 v21, $0x1;
	v24 =	vmul.f32 v24, v29  }
0x142: {  	v28 =	vld.idx.msk [tilespmem:v28+s8+$0x0], $0xffff;
	v23 =	vmax.u32 v23, $0x4;
	v29 =	vshrl.u32 v19, $0x1;
	v20 =	vsub.f32 v20, v22  }
0x143: {  	v51 =	vshrl.u32 v27, $0x8;
	v11 =	vld [tilespmem:s5+$0xB520];
	v23 =	vmin.u32 v23, $0xFFC  }
0x144: {  	v10 =	vld [tilespmem:s5+$0xB530];
	v35 =	vadd.s32 $0xFFFFFFFF, v23;
	v20 =	vmul.f32 v20, v24  }
0x145: {  	v56 =	vadd.s32 $0x20, v47;
	v57 =	vadd.s32 $0x80, v26;
	vm15 =	vle.f32 v32, v16;
	v13 =	vld [tilespmem:s5+$0xB510]  }
0x146: {  	v32 =	vsel vm15, v56, v47;
	vm8 =	vle.f32 v52, v14;
	v30 =	vld.idx.msk [tilespmem:v30+s15+$0x0], $0xffff;
	v23 =	vadd.f32 v20, v22  }
0x147: {  	v59 =	vshrl.u32 v32, $0x5;
	v26 =	vsel vm8, v57, v26;
	v20 =	vld.idx.msk [tilespmem:v29+s15+$0x0], $0xffff  }
0x148: {  	vm14 =	vle.f32 v1, v15;
	v43 =	vshrl.u32 v26, $0x7;
	v57 =	vadd.s32 $0x40, v26;
	v29 =	vld.idx.msk [tilespmem:v51+s8+$0x0], $0xffff;
	[tilespmem:s2+$0x13500] =	vst v23  }
0x149: {  	v55 =	vsel vm14, $0x800, v0;
	v58 =	vsel vm14, v3, v2;
	vm9 =	vle.f32 v28, v12;
	v38 =	vld.idx.msk [tilespmem:v35+s16+$0x0], $0xffff  }
0x14a: {  	v28 =	vadd.s32 $0x80, v31;
	vm1 =	vle.f32 v1, v11;
	vm2 =	vle.f32 v1, v10;
	v40 =	vld.idx.msk [tilespmem:v35+s17+$0x0], $0xffff  }
0x14b: {  	v28 =	vsel vm9, v28, v31;
	vm11 =	vle.f32 v58, v15;
	v61 =	vor.u32 $0x400, v55;
	v34 =	vld.idx.msk [tilespmem:v35+s18+$0x0], $0xffff  }
0x14c: {  	v24 =	vsel vm1, $0x800, v0;
	v53 =	vsel vm1, v3, v2;
	v54 =	vsel vm2, v3, v2;
	v60 =	vld.idx.msk [tilespmem:v35+s21+$0x0], $0xffff  }
0x14d: {  	v39 =	vsel vm11, v61, v55;
	v62 =	vsel vm11, v5, v4;
	v47 =	vsel vm11, v7, v6;
	v44 =	vld.idx.msk [tilespmem:v35+s20+$0x0], $0xffff  }
0x14e: {  	v55 =	vadd.s32 $0x10, v32;
	vm0 =	vle.f32 v1, v13;
	v45 =	vor.u32 $0x400, v24;
	v31 =	vld.idx.msk [tilespmem:v35+s19+$0x0], $0xffff  }
0x14f: {  	vm3 =	vle.f32 v53, v11;
	vm10 =	vle.f32 v29, v9;
	v29 =	vadd.s32 $0x80, v27  }
0x150: {  	v41 =	vsel vm14, v47, v62;
	v27 =	vsel vm10, v29, v27;
	v29 =	vshrl.u32 v28, $0x7  }
0x151: {  	v36 =	vld.idx.msk [tilespmem:v59+s11+$0x0], $0xffff;
	v63 =	vor.u32 $0x200, v39;
	v22 =	vsel vm2, $0x800, v0;
	v42 =	vsub.f32 v60, v34  }
0x152: {  	v25 =	vsel vm0, v3, v2;
	v43 =	vld.idx.msk [tilespmem:v43+s9+$0x0], $0xffff;
	vm4 =	vle.f32 v41, v15;
	v48 =	vsub.f32 v44, v40  }
0x153: {  	v46 =	vshrl.u32 v27, $0x7;
	v52 =	vsub.f32 v31, v38;
	(erf) = vrcp.f32 v42  }
0x154: {  	v24 =	vsel vm3, v45, v24;
	v37 =	vor.u32 $0x400, v22;
	v41 =	vld.idx.msk [tilespmem:v35+s24+$0x0], $0xffff;
	(erf) = vrcp.f32 v48  }
0x155: {  	v39 =	vsel vm4, v63, v39;
	vm4 =	vle.f32 v54, v10;
	v29 =	vld.idx.msk [tilespmem:v29+s9+$0x0], $0xffff;
	(erf) = vrcp.f32 v52  }
0x156: {  	v54 =	vadd.s32 $0x40, v28;
	v23 =	vsel vm0, $0x800, v0;
	vm12 =	vle.f32 v36, v16;
	v56 =	vld.idx.msk [tilespmem:v35+s25+$0x0], $0xffff  }
0x157: {  	v32 =	vsel vm12, v55, v32;
	vm6 =	vle.f32 v43, v14;
	v58 =	vsub.f32 v44, v34;
	v44 =	vld.idx.msk [tilespmem:v35+s23+$0x0], $0xffff  }
0x158: {  	v36 =	vshrl.u32 v32, $0x4;
	vm12 =	vle.f32 v30, v17;
	v26 =	vsel vm6, v57, v26;
	v53 =	vld.idx.msk [tilespmem:v46+s9+$0x0], $0xffff  }
0x159: {  	v59 =	vadd.s32 $0x40, v27;
	v49 =	vsub.f32 v31, v40;
	v35 =	vld.idx.msk [tilespmem:v35+s22+$0x0], $0xffff;
	v43 =	vsub.f32 v18, v34  }
0x15a: {  	(erf) = vrcp.f32 v58;
	vm13 =	vle.f32 v29, v12;
	v29 =	vshrl.u32 v26, $0x6  }
0x15b: {  	v61 =	vsub.f32 v56, v41;
	(erf) = vrcp.f32 v49;
	v28 =	vsel vm13, v54, v28  }
0x15c: {  	v40 =	vsub.f32 v18, v40;
	v18 =	vsub.f32 v18, v38;
	v60 =	vshrl.u32 v28, $0x6;
	v62 =	vpop (erf)  }
0x15d: {  	v31 =	vsub.f32 v31, v34;
	v50 =	vsub.f32 v41, v44;
	vm14 =	vle.f32 v53, v9;
	v52 =	vpop (erf)  }
0x15e: {  	v36 =	vld.idx.msk [tilespmem:v36+s12+$0x0], $0xffff;
	v54 =	vsub.f32 v44, v35;
	v27 =	vsel vm14, v59, v27;
	v48 =	vmul.f32 v62, v43;
	v53 =	vpop (erf)  }
0x15f: {  	v63 =	vshrl.u32 v27, $0x6;
	v29 =	vld.idx.msk [tilespmem:v29+s10+$0x0], $0xffff;
	v38 =	vmul.f32 v52, v40;
	v18 =	vmul.f32 v53, v18  }
0x160: {  	v30 =	vsel vm12, $0x1, v0;
	(erf) = vrcp.f32 v31;
	v47 =	vmul.f32 v48, v61  }
0x161: {  	v57 =	vadd.s32 $0x8, v32;
	v31 =	vld.idx.msk [tilespmem:v60+s10+$0x0], $0xffff;
	v38 =	vmul.f32 v38, v50;
	v18 =	vmul.f32 v18, v54  }
0x162: {  	v21 =	vadd.s32 v30, v21;
	v56 =	vadd.s32 $0x20, v26;
	v41 =	vadd.f32 v47, v41  }
0x163: {  	v46 =	vshrl.u32 v39, $0x9;
	v60 =	vpop (erf);
	v59 =	vadd.f32 v38, v44;
	v18 =	vadd.f32 v18, v35  }
0x164: {  	vm15 =	vle.f32 v36, v16;
	v58 =	vld.idx.msk [tilespmem:v63+s10+$0x0], $0xffff;
	v61 =	vmul.f32 v60, v43;
	v62 =	vpop (erf);
	vm9 =	vle.f32 v29, v14  }
0x165: {  	v35 =	vmul.f32 v62, v40;
	v38 =	vsub.f32 v41, v59;
	v63 =	vsub.f32 v59, v18  }
0x166: {  	v29 =	vsel vm15, v57, v32;
	v26 =	vsel vm9, v56, v26;
	vm10 =	vle.f32 v31, v12  }
0x167: {  	v31 =	vshrl.u32 v29, $0x3;
	v32 =	vmul.f32 v38, v61;
	v35 =	vmul.f32 v63, v35  }
0x168: {  	v51 =	vadd.s32 $0x20, v28;
	v55 =	vadd.s32 $0x20, v27;
	v34 =	vshrl.u32 v26, $0x5  }
0x169: {  	vm11 =	vle.f32 v58, v9;
	v32 =	vadd.f32 v32, v59;
	v18 =	vadd.f32 v35, v18  }
0x16a: {  	v21 =	vmax.u32 v21, $0x4;
	v28 =	vsel vm10, v51, v28;
	v41 =	vpop (erf);
	v27 =	vsel vm11, v55, v27  }
0x16b: {  	v44 =	vshrl.u32 v28, $0x5;
	v30 =	vmul.f32 v41, v43;
	v32 =	vsub.f32 v32, v18  }
0x16c: {  	v21 =	vmin.u32 v21, $0xFFC;
	vm13 =	vle.f32 v25, v13;
	v25 =	vshrl.u32 v27, $0x5;
	v31 =	vld.idx.msk [tilespmem:v31+s13+$0x0], $0xffff  }
0x16d: {  	v21 =	vadd.s32 $0xFFFFFFFF, v21;
	v42 =	vor.u32 $0x400, v23;
	v34 =	vld.idx.msk [tilespmem:v34+s11+$0x0], $0xffff;
	v30 =	vmul.f32 v32, v30  }
0x16e: {  	v22 =	vsel vm4, v37, v22;
	v49 =	vsel vm3, v7, v6;
	v23 =	vsel vm13, v42, v23;
	v47 =	vld.idx.msk [tilespmem:v46+s3+$0x0], $0xffff  }
0x16f: {  	v52 =	vsel vm13, v7, v6;
	v48 =	vsel vm3, v5, v4;
	v18 =	vadd.f32 v30, v18  }
0x170: {  	v53 =	vor.u32 $0x100, v39;
	v50 =	vsel vm4, v5, v4;
	v54 =	vor.u32 $0x200, v24;
	v33 =	vld.idx.msk [tilespmem:v44+s11+$0x0], $0xffff  }
0x171: {  	v56 =	vor.u32 $0x200, v22;
	v25 =	vld.idx.msk [tilespmem:v25+s11+$0x0], $0xffff;
	vm14 =	vle.f32 v31, v16;
	v31 =	vadd.s32 $0x4, v29;
	[tilespmem:s2+$0x13510] =	vst v18  }
0x172: {  	vm15 =	vle.f32 v34, v14;
	v29 =	vsel vm14, v31, v29;
	v18 =	vadd.s32 $0x10, v26;
	v31 =	vld.idx.msk [tilespmem:v21+s16+$0x0], $0xffff  }
0x173: {  	vm7 =	vle.f32 v47, v15;
	v18 =	vsel vm15, v18, v26;
	v26 =	vshrl.u32 v29, $0x2;
	v32 =	vld.idx.msk [tilespmem:v21+s17+$0x0], $0xffff  }
0x174: {  	v51 =	vsel vm4, v7, v6;
	v61 =	vor.u32 $0x200, v23;
	v39 =	vsel vm7, v53, v39;
	v42 =	vld.idx.msk [tilespmem:v21+s18+$0x0], $0xffff  }
0x175: {  	v37 =	vsel vm2, v51, v50;
	v57 =	vshrl.u32 v39, $0x8;
	v59 =	vadd.s32 $0x10, v28;
	v58 =	vld.idx.msk [tilespmem:v21+s21+$0x0], $0xffff  }
0x176: {  	vm12 =	vle.f32 v37, v10;
	v35 =	vsel vm1, v49, v48;
	v30 =	vsel vm13, v5, v4;
	v60 =	vld.idx.msk [tilespmem:v21+s20+$0x0], $0xffff  }
0x177: {  	v30 =	vsel vm0, v52, v30;
	vm8 =	vle.f32 v33, v12;
	v33 =	vld.idx.msk [tilespmem:v21+s19+$0x0], $0xffff;
	v55 =	vshrl.u32 v18, $0x4  }
0x178: {  	v36 =	vsel vm12, v56, v22;
	vm10 =	vle.f32 v35, v11;
	vm11 =	vle.f32 v30, v13;
	v26 =	vld.idx.msk [tilespmem:v26+s14+$0x0], $0xffff  }
0x179: {  	v28 =	vsel vm8, v59, v28;
	vm9 =	vle.f32 v25, v9;
	v25 =	vadd.s32 $0x10, v27  }
0x17a: {  	v30 =	vsel vm10, v54, v24;
	v24 =	vld.idx.msk [tilespmem:v57+s8+$0x0], $0xffff;
	v25 =	vsel vm9, v25, v27;
	v27 =	vshrl.u32 v28, $0x4  }
0x17b: {  	v48 =	vadd.s32 $0x80, v39;
	v62 =	vshrl.u32 v25, $0x4;
	v22 =	vsub.f32 v58, v42  }
0x17c: {  	v53 =	vshrl.u32 v36, $0x9;
	v49 =	vsub.f32 v60, v32;
	v51 =	vsub.f32 v33, v31;
	v63 =	vld.idx.msk [tilespmem:v55+s12+$0x0], $0xffff  }
0x17d: {  	(erf) = vrcp.f32 v22;
	vm13 =	vle.f32 v26, v16;
	v26 =	vadd.s32 $0x2, v29  }
0x17e: {  	v37 =	vsel vm11, v61, v23;
	v52 =	vld.idx.msk [tilespmem:v21+s25+$0x0], $0xffff;
	(erf) = vrcp.f32 v49;
	v26 =	vsel vm13, v26, v29  }
0x17f: {  	vm15 =	vle.f32 v24, v15;
	v22 =	vld.idx.msk [tilespmem:v27+s12+$0x0], $0xffff;
	(erf) = vrcp.f32 v51;
	v24 =	vshrl.u32 v26, $0x1  }
0x180: {  	v23 =	vshrl.u32 v30, $0x9;
	v50 =	vadd.s32 $0x8, v18;
	v59 =	vadd.s32 $0x8, v25;
	v27 =	vld.idx.msk [tilespmem:v62+s12+$0x0], $0xffff  }
0x181: {  	v57 =	vld.idx.msk [tilespmem:v21+s23+$0x0], $0xffff;
	v41 =	vsel vm15, v48, v39;
	v38 =	vsub.f32 v60, v42;
	vm14 =	vle.f32 v63, v14  }
0x182: {  	v58 =	vadd.s32 $0x8, v28;
	v60 =	vsub.f32 v33, v32;
	v29 =	vld.idx.msk [tilespmem:v21+s24+$0x0], $0xffff;
	v18 =	vsel vm14, v50, v18  }
0x183: {  	v32 =	vsub.f32 v17, v32;
	v33 =	vsub.f32 v33, v42;
	v21 =	vld.idx.msk [tilespmem:v21+s22+$0x0], $0xffff;
	v54 =	vshrl.u32 v18, $0x3  }
0x184: {  	v55 =	vshrl.u32 v37, $0x9;
	(erf) = vrcp.f32 v38;
	vm4 =	vle.f32 v22, v12;
	v22 =	vld.idx.msk [tilespmem:v24+s15+$0x0], $0xffff  }
0x185: {  	v56 =	vshrl.u32 v41, $0x7;
	(erf) = vrcp.f32 v60;
	vm5 =	vle.f32 v27, v9  }
0x186: {  	v27 =	vsel vm4, v58, v28;
	v45 =	vsel vm5, v59, v25;
	v25 =	vsub.f32 v17, v42;
	v61 =	vpop (erf)  }
0x187: {  	v17 =	vsub.f32 v17, v31;
	v49 =	vadd.s32 $0x4, v18;
	v28 =	vsub.f32 v52, v29;
	v31 =	vpop (erf)  }
0x188: {  	v63 =	vsub.f32 v29, v57;
	v35 =	vmul.f32 v61, v25;
	v34 =	vld.idx.msk [tilespmem:v54+s13+$0x0], $0xffff;
	v47 =	vpop (erf);
	v31 =	vmul.f32 v31, v32  }
0x189: {  	v48 =	vsub.f32 v57, v21;
	v17 =	vmul.f32 v47, v17;
	vm6 =	vle.f32 v22, v16  }
0x18a: {  	v28 =	vmul.f32 v35, v28;
	v22 =	vmul.f32 v31, v63;
	v31 =	vsel vm6, $0x1, v0  }
0x18b: {  	(erf) = vrcp.f32 v33;
	v17 =	vmul.f32 v17, v48;
	v26 =	vadd.s32 v31, v26  }
0x18c: {  	v62 =	vshrl.u32 v45, $0x3;
	v24 =	vshrl.u32 v27, $0x3;
	v28 =	vadd.f32 v28, v29  }
0x18d: {  	vm7 =	vle.f32 v34, v14;
	v17 =	vadd.f32 v17, v21;
	v21 =	vpop (erf);
	v22 =	vadd.f32 v22, v57  }
0x18e: {  	v29 =	vsel vm7, v49, v18;
	v21 =	vmul.f32 v21, v25;
	v18 =	vmax.u32 v26, $0x4;
	v26 =	vpop (erf)  }
0x18f: {  	v51 =	vld.idx.msk [tilespmem:v53+s3+$0x0], $0xffff;
	v28 =	vsub.f32 v28, v22;
	v50 =	vsub.f32 v22, v17;
	v26 =	vmul.f32 v26, v32  }
0x190: {  	v53 =	vld.idx.msk [tilespmem:v55+s3+$0x0], $0xffff;
	v52 =	vshrl.u32 v29, $0x2;
	v18 =	vmin.u32 v18, $0xFFC  }
0x191: {  	v31 =	vld.idx.msk [tilespmem:v23+s3+$0x0], $0xffff;
	v23 =	vadd.s32 $0xFFFFFFFF, v18;
	v18 =	vmul.f32 v28, v21;
	v21 =	vmul.f32 v50, v26  }
0x192: {  	vm8 =	vle.f32 v20, v8;
	v43 =	vld.idx.msk [tilespmem:v56+s9+$0x0], $0xffff  }
0x193: {  	v20 =	vld.idx.msk [tilespmem:v24+s13+$0x0], $0xffff;
	v24 =	vsel vm8, $0x1, v0;
	v18 =	vadd.f32 v18, v22;
	v26 =	vadd.f32 v21, v17  }
0x194: {  	v54 =	vld.idx.msk [tilespmem:v62+s13+$0x0], $0xffff;
	v19 =	vadd.s32 v24, v19;
	v17 =	vpop (erf)  }
0x195: {  	v19 =	vmax.u32 v19, $0x4;
	v28 =	vld.idx.msk [tilespmem:v52+s14+$0x0], $0xffff;
	v21 =	vmul.f32 v17, v25;
	v18 =	vsub.f32 v18, v26  }
0x196: {  	v24 =	vld.idx.msk [tilespmem:v23+s16+$0x0], $0xffff;
	v17 =	vmin.u32 v19, $0xFFC  }
0x197: {  	v38 =	vld.idx.msk [tilespmem:v23+s17+$0x0], $0xffff;
	v17 =	vadd.s32 $0xFFFFFFFF, v17;
	v18 =	vmul.f32 v18, v21  }
0x198: {  	v22 =	vld.idx.msk [tilespmem:v23+s19+$0x0], $0xffff  }
0x199: {  	v40 =	vld.idx.msk [tilespmem:v23+s20+$0x0], $0xffff;
	v18 =	vadd.f32 v18, v26  }
0x19a: {  	v25 =	vld.idx.msk [tilespmem:v23+s21+$0x0], $0xffff  }
0x19b: {  	v55 =	vor.u32 $0x100, v30;
	v56 =	vor.u32 $0x100, v36;
	vm12 =	vle.f32 v51, v10;
	v21 =	vld.idx.msk [tilespmem:v23+s18+$0x0], $0xffff;
	[tilespmem:s2+$0x13520] =	vst v18  }
0x19c: {  	vm13 =	vle.f32 v53, v13;
	vm10 =	vle.f32 v20, v12;
	v20 =	vadd.s32 $0x4, v27;
	v18 =	vld.idx.msk [tilespmem:v17+s16+$0x0], $0xffff  }
0x19d: {  	vm14 =	vle.f32 v43, v15;
	v62 =	vadd.s32 $0x4, v45;
	v32 =	vsel vm10, v20, v27;
	v19 =	vld.idx.msk [tilespmem:v17+s17+$0x0], $0xffff  }
0x19e: {  	v27 =	vadd.s32 $0x2, v29;
	v57 =	vshrl.u32 v32, $0x2;
	vm11 =	vle.f32 v28, v14;
	v20 =	vld.idx.msk [tilespmem:v17+s18+$0x0], $0xffff  }
0x19f: {  	vm15 =	vle.f32 v54, v9;
	vm9 =	vle.f32 v31, v11;
	v34 =	vsel vm11, v27, v29;
	v58 =	vld.idx.msk [tilespmem:v17+s21+$0x0], $0xffff  }
0x1a0: {  	v27 =	vsel vm9, v55, v30;
	v59 =	vshrl.u32 v34, $0x1;
	v42 =	vld.idx.msk [tilespmem:v17+s20+$0x0], $0xffff;
	v25 =	vsub.f32 v25, v21  }
0x1a1: {  	v33 =	vshrl.u32 v27, $0x8;
	v29 =	vsub.f32 v40, v38;
	v26 =	vor.u32 $0x100, v37;
	v39 =	vld.idx.msk [tilespmem:v17+s19+$0x0], $0xffff  }
0x1a2: {  	v60 =	vsub.f32 v22, v24;
	v28 =	vsel vm13, v26, v37;
	(erf) = vrcp.f32 v25  }
0x1a3: {  	v43 =	vld.idx.msk [tilespmem:v57+s14+$0x0], $0xffff;
	v26 =	vsel vm12, v56, v36;
	v36 =	vsel vm15, v62, v45;
	(erf) = vrcp.f32 v29  }
0x1a4: {  	v37 =	vadd.s32 $0x2, v32;
	v45 =	vld.idx.msk [tilespmem:v23+s25+$0x0], $0xffff;
	(erf) = vrcp.f32 v60;
	v61 =	vsub.f32 v58, v20  }
0x1a5: {  	v30 =	vshrl.u32 v26, $0x8;
	v44 =	vld.idx.msk [tilespmem:v59+s15+$0x0], $0xffff;
	v25 =	vadd.s32 $0x40, v41;
	v63 =	vsub.f32 v42, v19  }
0x1a6: {  	v29 =	vsel vm14, v25, v41;
	v25 =	vld.idx.msk [tilespmem:v23+s23+$0x0], $0xffff;
	v46 =	vsub.f32 v39, v18;
	(erf) = vrcp.f32 v61  }
0x1a7: {  	s26 =	smov.u32 s7;
	s6 =	simm.s32 $0x300;
	v31 =	vshrl.u32 v28, $0x8;
	v41 =	vld.idx.msk [tilespmem:v23+s24+$0x0], $0xffff;
	v35 =	vshrl.u32 v29, $0x6;
	(erf) = vrcp.f32 v63  }
.LBB2_3:
0x1a8: {  	p0 =	sne.s32 s6, $0xFF00;
	v47 =	vshrl.u32 v36, $0x2;
	v48 =	vadd.s32 $0x2, v36;
	v49 =	vld.idx.msk [tilespmem:v17+s24+$0x0], $0xffff;
	(erf) = vrcp.f32 v46  }
0x1a9: {  	vm0 =	vle.f32 v43, v12;
	v43 =	vsub.f32 v16, v21;
	v40 =	vsub.f32 v40, v21;
	v46 =	vld.idx.msk [tilespmem:v17+s25+$0x0], $0xffff  }
0x1aa: {  	vm1 =	vle.f32 v44, v14;
	v44 =	vsub.f32 v16, v38;
	v38 =	vsub.f32 v22, v38  }
0x1ab: {  	v52 =	vsub.f32 v16, v24;
	v42 =	vsub.f32 v42, v20;
	v24 =	vpop (erf);
	(erf) = vrcp.f32 v40;
	v40 =	vld.idx.msk [tilespmem:v17+s23+$0x0], $0xffff  }
0x1ac: {  	v24 =	vmul.f32 v24, v43;
	v50 =	vpop (erf);
	(erf) = vrcp.f32 v38;
	v17 =	vld.idx.msk [tilespmem:v17+s22+$0x0], $0xffff;
	v38 =	vsub.f32 v39, v19  }
0x1ad: {  	v53 =	vsub.f32 v45, v41;
	v23 =	vld.idx.msk [tilespmem:v23+s22+$0x0], $0xffff;
	v50 =	vmul.f32 v50, v44;
	v51 =	vpop (erf);
	(erf) = vrcp.f32 v42  }
0x1ae: {  	v16 =	vmovc v15;
	v42 =	vmul.f32 v51, v52;
	v51 =	vsub.f32 v41, v25;
	(erf) = vrcp.f32 v38  }
0x1af: {  	v15 =	vmul.f32 v24, v53;
	v24 =	vsub.f32 v8, v20;
	v38 =	vsub.f32 v46, v49;
	v45 =	vpop (erf)  }
0x1b0: {  	v19 =	vsub.f32 v8, v19;
	v52 =	vsub.f32 v8, v18;
	v46 =	vmul.f32 v50, v51;
	v18 =	vpop (erf)  }
0x1b1: {  	v53 =	vsub.f32 v39, v20;
	v45 =	vmul.f32 v45, v24;
	v50 =	vsub.f32 v49, v40;
	v39 =	vpop (erf)  }
0x1b2: {  	v8 =	vmovc v9;
	v18 =	vmul.f32 v18, v19;
	v51 =	vsub.f32 v40, v17;
	v39 =	vmul.f32 v39, v52  }
0x1b3: {  	v9 =	vmovc v10;
	v52 =	vsub.f32 v25, v23;
	v38 =	vmul.f32 v45, v38;
	(erf) = vrcp.f32 v53  }
0x1b4: {  	v10 =	vsub.f32 v22, v21;
	v45 =	vmul.f32 v18, v50;
	v20 =	vpop (erf);
	v21 =	vmul.f32 v39, v51  }
0x1b5: {  	v15 =	vadd.f32 v15, v41;
	v39 =	vmul.f32 v42, v52;
	v38 =	vadd.f32 v38, v49;
	v22 =	vld.idx.msk [tilespmem:v47+s14+$0x0], $0xffff;
	v41 =	vpop (erf)  }
0x1b6: {  	(erf) = vrcp.f32 v10;
	v10 =	vadd.f32 v45, v40;
	v17 =	vadd.f32 v21, v17;
	v18 =	vpop (erf)  }
0x1b7: {  	v21 =	vadd.f32 v46, v25;
	v23 =	vadd.f32 v39, v23;
	v18 =	vmul.f32 v18, v24;
	v25 =	vpop (erf)  }
0x1b8: {  	v19 =	vmul.f32 v25, v19;
	v25 =	vsub.f32 v38, v10;
	v38 =	vsub.f32 v10, v17  }
0x1b9: {  	v20 =	vmul.f32 v20, v43;
	v39 =	vmul.f32 v41, v44;
	v15 =	vsub.f32 v15, v21  }
0x1ba: {  	v40 =	vsub.f32 v21, v23;
	v18 =	vmul.f32 v25, v18;
	v19 =	vmul.f32 v38, v19  }
0x1bb: {  	vm2 =	vle.f32 v22, v8;
	v22 =	vsel vm1, $0x1, v0;
	v15 =	vmul.f32 v15, v20  }
0x1bc: {  	s7 =	sshra.s32 s6, $0x2;
	v25 =	vmul.f32 v40, v39;
	v38 =	vadd.f32 v18, v10;
	v19 =	vadd.f32 v19, v17;
	v17 =	vpop (erf)  }
0x1bd: {  	v20 =	vsel vm0, v37, v32;
	v22 =	vadd.s32 v22, v34;
	v21 =	vadd.f32 v15, v21;
	v18 =	vld [tilespmem:s7+$0xB520]  }
0x1be: {  	v23 =	vadd.f32 v25, v23;
	v24 =	vmul.f32 v17, v24;
	v10 =	vld [tilespmem:s7+$0xB530];
	v25 =	vsub.f32 v38, v19  }
0x1bf: {  	v34 =	vshrl.u32 v20, $0x1;
	v22 =	vmax.u32 v22, $0x4;
	v17 =	vsel vm2, v48, v36;
	v32 =	vld [tilespmem:s7+$0xB510];
	v36 =	vpop (erf)  }
0x1c0: {  	v21 =	vsub.f32 v21, v23;
	v15 =	vld [tilespmem:s7+$0xB500];
	v36 =	vmul.f32 v36, v43;
	v24 =	vmul.f32 v25, v24  }
0x1c1: {  	v22 =	vmin.u32 v22, $0xFFC;
	v37 =	vshrl.u32 v17, $0x1;
	v33 =	vld.idx.msk [tilespmem:v33+s8+$0x0], $0xffff  }
0x1c2: {  	v38 =	vadd.s32 $0xFFFFFFFF, v22;
	v35 =	vld.idx.msk [tilespmem:v35+s10+$0x0], $0xffff;
	v21 =	vmul.f32 v21, v36;
	v19 =	vadd.f32 v24, v19  }
0x1c3: {  	v31 =	vld.idx.msk [tilespmem:v31+s8+$0x0], $0xffff  }
0x1c4: {  	vm1 =	vle.f32 v1, v18;
	v30 =	vld.idx.msk [tilespmem:v30+s8+$0x0], $0xffff;
	v21 =	vadd.f32 v21, v23;
	[tilespmem:s2+$0x13530] =	vst v19;
	s2 =	smov.u32 s1;
	s1 =	smov.u32 s5;
	s5 =	smov.u32 s7  }
0x1c5: {  	vm2 =	vle.f32 v1, v10;
	vm0 =	vle.f32 v1, v32;
	vm4 =	vle.f32 v1, v15;
	v25 =	vld.idx.msk [tilespmem:v34+s15+$0x0], $0xffff  }
0x1c6: {  	v23 =	vsel vm1, $0x800, v0;
	v22 =	vsel vm2, $0x800, v0;
	v34 =	vsel vm1, v3, v2;
	v19 =	vld.idx.msk [tilespmem:v37+s15+$0x0], $0xffff;
	[tilespmem:s2+$0x13500] =	vst v21  }
0x1c7: {  	v36 =	vsel vm2, v3, v2;
	v24 =	vsel vm0, v3, v2;
	v21 =	vsel vm0, $0x800, v0;
	v37 =	vld.idx.msk [tilespmem:v38+s16+$0x0], $0xffff  }
0x1c8: {  	v39 =	vsel vm4, $0x800, v0;
	vm3 =	vle.f32 v35, v16;
	v35 =	vadd.s32 $0x20, v29;
	v40 =	vld.idx.msk [tilespmem:v38+s17+$0x0], $0xffff  }
0x1c9: {  	vm5 =	vle.f32 v31, v13;
	v31 =	vadd.s32 $0x80, v28;
	v29 =	vsel vm3, v35, v29;
	v35 =	vld.idx.msk [tilespmem:v38+s18+$0x0], $0xffff  }
0x1ca: {  	v41 =	vsel vm4, v3, v2;
	v31 =	vsel vm5, v31, v28;
	v42 =	vshrl.u32 v29, $0x5;
	v43 =	vld.idx.msk [tilespmem:v38+s21+$0x0], $0xffff  }
0x1cb: {  	vm3 =	vle.f32 v33, v11;
	v28 =	vadd.s32 $0x80, v27;
	v33 =	vshrl.u32 v31, $0x7;
	v44 =	vld.idx.msk [tilespmem:v38+s20+$0x0], $0xffff  }
0x1cc: {  	v45 =	vsel vm3, v28, v27;
	vm3 =	vle.f32 v30, v9;
	v28 =	vadd.s32 $0x80, v26;
	v30 =	vld.idx.msk [tilespmem:v38+s19+$0x0], $0xffff  }
0x1cd: {  	v27 =	vor.u32 $0x400, v23;
	v46 =	vsel vm3, v28, v26;
	v26 =	vshrl.u32 v45, $0x7  }
0x1ce: {  	vm5 =	vle.f32 v41, v15;
	v28 =	vor.u32 $0x400, v39;
	v41 =	vshrl.u32 v46, $0x7  }
0x1cf: {  	vm3 =	vle.f32 v34, v18;
	v39 =	vsel vm5, v28, v39;
	v28 =	vor.u32 $0x400, v22;
	v34 =	vld.idx.msk [tilespmem:v42+s11+$0x0], $0xffff  }
0x1d0: {  	v47 =	vsel vm5, v7, v6;
	v42 =	vsel vm5, v5, v4;
	v43 =	vsub.f32 v43, v35;
	v33 =	vld.idx.msk [tilespmem:v33+s9+$0x0], $0xffff  }
0x1d1: {  	v42 =	vsel vm4, v47, v42;
	v47 =	vor.u32 $0x200, v39;
	v48 =	vsub.f32 v44, v40  }
0x1d2: {  	vm4 =	vle.f32 v42, v15;
	v49 =	vsub.f32 v30, v37;
	v42 =	vld.idx.msk [tilespmem:v26+s9+$0x0], $0xffff;
	(erf) = vrcp.f32 v43  }
0x1d3: {  	v26 =	vsel vm4, v47, v39;
	vm4 =	vle.f32 v36, v10;
	v36 =	vld.idx.msk [tilespmem:v41+s9+$0x0], $0xffff;
	(erf) = vrcp.f32 v48  }
0x1d4: {  	v39 =	vor.u32 $0x400, v21;
	v41 =	vshrl.u32 v26, $0x9;
	v43 =	vld.idx.msk [tilespmem:v38+s24+$0x0], $0xffff;
	(erf) = vrcp.f32 v49  }
0x1d5: {  	v47 =	vadd.s32 $0x40, v45;
	vm5 =	vle.f32 v34, v16;
	v34 =	vadd.s32 $0x10, v29;
	v48 =	vld.idx.msk [tilespmem:v38+s25+$0x0], $0xffff  }
0x1d6: {  	vm6 =	vle.f32 v33, v13;
	v33 =	vadd.s32 $0x40, v31;
	v29 =	vsel vm5, v34, v29  }
0x1d7: {  	v44 =	vsub.f32 v44, v35;
	v31 =	vsel vm6, v33, v31;
	v33 =	vshrl.u32 v29, $0x4;
	v34 =	vld.idx.msk [tilespmem:v38+s23+$0x0], $0xffff  }
0x1d8: {  	v49 =	vsub.f32 v30, v40;
	vm5 =	vle.f32 v42, v11;
	v42 =	vshrl.u32 v31, $0x6;
	v38 =	vld.idx.msk [tilespmem:v38+s22+$0x0], $0xffff  }
0x1d9: {  	v45 =	vsel vm5, v47, v45;
	v47 =	vadd.s32 $0x40, v46;
	(erf) = vrcp.f32 v44  }
0x1da: {  	vm5 =	vle.f32 v36, v9;
	v36 =	vshrl.u32 v45, $0x6;
	(erf) = vrcp.f32 v49  }
0x1db: {  	v44 =	vsel vm5, v47, v46;
	v46 =	vsub.f32 v14, v35;
	v47 =	vsub.f32 v48, v43;
	v48 =	vpop (erf)  }
0x1dc: {  	v52 =	vsub.f32 v14, v37;
	v40 =	vsub.f32 v14, v40;
	v49 =	vshrl.u32 v44, $0x6;
	v33 =	vld.idx.msk [tilespmem:v33+s12+$0x0], $0xffff;
	v37 =	vpop (erf)  }
0x1dd: {  	v30 =	vsub.f32 v30, v35;
	v48 =	vmul.f32 v48, v46;
	v50 =	vsub.f32 v43, v34;
	v42 =	vld.idx.msk [tilespmem:v42+s10+$0x0], $0xffff;
	v35 =	vpop (erf)  }
0x1de: {  	v14 =	vmovc v13;
	v37 =	vmul.f32 v37, v40;
	v51 =	vsub.f32 v34, v38;
	v35 =	vmul.f32 v35, v52  }
0x1df: {  	v13 =	vmovc v32;
	v52 =	vadd.s32 $0x20, v45;
	v47 =	vmul.f32 v48, v47;
	v36 =	vld.idx.msk [tilespmem:v36+s10+$0x0], $0xffff;
	(erf) = vrcp.f32 v30  }
0x1e0: {  	v30 =	vadd.s32 $0x20, v44;
	v32 =	vmul.f32 v37, v50;
	v50 =	vmul.f32 v35, v51  }
0x1e1: {  	v48 =	vadd.s32 $0x20, v31;
	v43 =	vadd.f32 v47, v43;
	v37 =	vld.idx.msk [tilespmem:v49+s10+$0x0], $0xffff;
	v49 =	vadd.s32 $0x8, v29  }
0x1e2: {  	vm5 =	vle.f32 v33, v16;
	v32 =	vadd.f32 v32, v34;
	v33 =	vadd.f32 v50, v38;
	v34 =	vpop (erf)  }
0x1e3: {  	vm6 =	vle.f32 v42, v14;
	v29 =	vsel vm5, v49, v29;
	v34 =	vmul.f32 v34, v46;
	v35 =	vpop (erf)  }
0x1e4: {  	v38 =	vsub.f32 v43, v32;
	v35 =	vmul.f32 v35, v40;
	v40 =	vsub.f32 v32, v33  }
0x1e5: {  	v31 =	vsel vm6, v48, v31;
	vm5 =	vle.f32 v36, v11;
	v36 =	vshrl.u32 v29, $0x3  }
0x1e6: {  	v42 =	vshrl.u32 v31, $0x5;
	v43 =	vmul.f32 v38, v34;
	v35 =	vmul.f32 v40, v35  }
0x1e7: {  	vm6 =	vle.f32 v25, v12;
	v38 =	vsel vm5, v52, v45;
	vm5 =	vle.f32 v37, v9  }
0x1e8: {  	v25 =	vsel vm6, $0x1, v0;
	v32 =	vadd.f32 v43, v32;
	v33 =	vadd.f32 v35, v33;
	v34 =	vpop (erf)  }
0x1e9: {  	v20 =	vadd.s32 v25, v20;
	v30 =	vsel vm5, v30, v44;
	v35 =	vshrl.u32 v38, $0x5  }
0x1ea: {  	v20 =	vmax.u32 v20, $0x4;
	v34 =	vmul.f32 v34, v46;
	v25 =	vld.idx.msk [tilespmem:v36+s13+$0x0], $0xffff;
	v32 =	vsub.f32 v32, v33  }
0x1eb: {  	vm5 =	vle.f32 v24, v13;
	v20 =	vmin.u32 v20, $0xFFC;
	v24 =	vshrl.u32 v30, $0x5;
	v36 =	vld.idx.msk [tilespmem:v42+s11+$0x0], $0xffff  }
0x1ec: {  	v23 =	vsel vm3, v27, v23;
	v20 =	vadd.s32 $0xFFFFFFFF, v20;
	v27 =	vld.idx.msk [tilespmem:v41+s3+$0x0], $0xffff;
	v32 =	vmul.f32 v32, v34  }
0x1ed: {  	v22 =	vsel vm4, v28, v22;
	v37 =	vsel vm3, v7, v6;
	v34 =	vsel vm3, v5, v4  }
0x1ee: {  	v28 =	vsel vm4, v5, v4;
	v40 =	vsel vm4, v7, v6;
	v32 =	vadd.f32 v32, v33  }
0x1ef: {  	v21 =	vsel vm5, v39, v21;
	v39 =	vsel vm5, v7, v6;
	v33 =	vsel vm5, v5, v4;
	v35 =	vld.idx.msk [tilespmem:v35+s11+$0x0], $0xffff  }
0x1f0: {  	v41 =	vor.u32 $0x100, v26;
	vm3 =	vle.f32 v25, v16;
	v25 =	vadd.s32 $0x4, v29;
	v24 =	vld.idx.msk [tilespmem:v24+s11+$0x0], $0xffff;
	[tilespmem:s2+$0x13510] =	vst v32  }
0x1f1: {  	vm4 =	vle.f32 v36, v14;
	v32 =	vadd.s32 $0x10, v31;
	v36 =	vsel vm3, v25, v29;
	v42 =	vld.idx.msk [tilespmem:v20+s16+$0x0], $0xffff  }
0x1f2: {  	vm3 =	vle.f32 v27, v15;
	v27 =	vsel vm4, v32, v31;
	v25 =	vshrl.u32 v36, $0x2;
	v31 =	vld.idx.msk [tilespmem:v20+s17+$0x0], $0xffff  }
0x1f3: {  	v29 =	vor.u32 $0x200, v23;
	v32 =	vsel vm3, v41, v26;
	v26 =	vshrl.u32 v27, $0x4;
	v41 =	vld.idx.msk [tilespmem:v20+s18+$0x0], $0xffff  }
0x1f4: {  	v34 =	vsel vm1, v37, v34;
	v37 =	vor.u32 $0x200, v22;
	v43 =	vshrl.u32 v32, $0x8;
	v44 =	vld.idx.msk [tilespmem:v20+s21+$0x0], $0xffff  }
0x1f5: {  	v28 =	vsel vm2, v40, v28;
	vm1 =	vle.f32 v35, v11;
	v35 =	vadd.s32 $0x10, v38;
	v40 =	vld.idx.msk [tilespmem:v20+s20+$0x0], $0xffff  }
0x1f6: {  	v38 =	vsel vm1, v35, v38;
	vm1 =	vle.f32 v24, v9;
	v24 =	vadd.s32 $0x10, v30;
	v45 =	vld.idx.msk [tilespmem:v20+s19+$0x0], $0xffff  }
0x1f7: {  	v35 =	vor.u32 $0x200, v21;
	v24 =	vsel vm1, v24, v30;
	v30 =	vshrl.u32 v38, $0x4;
	v46 =	vld.idx.msk [tilespmem:v25+s14+$0x0], $0xffff  }
0x1f8: {  	v25 =	vsel vm0, v39, v33;
	vm0 =	vle.f32 v34, v18;
	v33 =	vshrl.u32 v24, $0x4;
	v34 =	vld.idx.msk [tilespmem:v26+s12+$0x0], $0xffff  }
0x1f9: {  	vm1 =	vle.f32 v25, v13;
	v26 =	vsel vm0, v29, v23;
	vm0 =	vle.f32 v28, v10;
	v23 =	vld.idx.msk [tilespmem:v43+s8+$0x0], $0xffff  }
0x1fa: {  	v25 =	vsel vm1, v35, v21;
	v29 =	vsel vm0, v37, v22;
	v21 =	vsub.f32 v44, v41  }
0x1fb: {  	v28 =	vadd.s32 $0x80, v32;
	v22 =	vshrl.u32 v26, $0x9;
	v35 =	vsub.f32 v40, v31  }
0x1fc: {  	v37 =	vadd.s32 $0x8, v27;
	v39 =	vsub.f32 v45, v42;
	v30 =	vld.idx.msk [tilespmem:v30+s12+$0x0], $0xffff;
	(erf) = vrcp.f32 v21  }
0x1fd: {  	vm0 =	vle.f32 v46, v16;
	v21 =	vld.idx.msk [tilespmem:v33+s12+$0x0], $0xffff;
	v33 =	vadd.s32 $0x2, v36;
	(erf) = vrcp.f32 v35  }
0x1fe: {  	vm1 =	vle.f32 v34, v14;
	v33 =	vsel vm0, v33, v36;
	v34 =	vld.idx.msk [tilespmem:v20+s24+$0x0], $0xffff;
	(erf) = vrcp.f32 v39  }
0x1ff: {  	vm0 =	vle.f32 v23, v15;
	v23 =	vsel vm1, v37, v27;
	v27 =	vshrl.u32 v33, $0x1;
	v37 =	vld.idx.msk [tilespmem:v20+s25+$0x0], $0xffff  }
0x200: {  	v39 =	vshrl.u32 v29, $0x9;
	v35 =	vsel vm0, v28, v32;
	v28 =	vshrl.u32 v23, $0x3  }
0x201: {  	v36 =	vsub.f32 v40, v41;
	v32 =	vshrl.u32 v25, $0x9;
	v43 =	vshrl.u32 v35, $0x7;
	v44 =	vld.idx.msk [tilespmem:v20+s23+$0x0], $0xffff  }
0x202: {  	v47 =	vsub.f32 v45, v31;
	v46 =	vadd.s32 $0x8, v24;
	v40 =	vadd.s32 $0x8, v38;
	v20 =	vld.idx.msk [tilespmem:v20+s22+$0x0], $0xffff  }
0x203: {  	vm0 =	vle.f32 v30, v11;
	vm1 =	vle.f32 v21, v9;
	(erf) = vrcp.f32 v36  }
0x204: {  	v30 =	vsel vm0, v40, v38;
	v36 =	vsel vm1, v46, v24;
	v21 =	vld.idx.msk [tilespmem:v27+s15+$0x0], $0xffff;
	(erf) = vrcp.f32 v47  }
0x205: {  	v24 =	vshrl.u32 v30, $0x3;
	v37 =	vsub.f32 v37, v34;
	v27 =	vld.idx.msk [tilespmem:v28+s13+$0x0], $0xffff;
	v28 =	vsub.f32 v12, v41;
	v38 =	vpop (erf)  }
0x206: {  	v48 =	vsub.f32 v12, v42;
	v31 =	vsub.f32 v12, v31;
	v40 =	vshrl.u32 v36, $0x3;
	v42 =	vpop (erf)  }
0x207: {  	v41 =	vsub.f32 v45, v41;
	v46 =	vsub.f32 v34, v44;
	v38 =	vmul.f32 v38, v28;
	v45 =	vpop (erf)  }
0x208: {  	v12 =	vmovc v11;
	v42 =	vmul.f32 v42, v31;
	v47 =	vsub.f32 v44, v20;
	v45 =	vmul.f32 v45, v48  }
0x209: {  	v11 =	vmovc v18;
	v48 =	vadd.s32 $0x4, v23;
	v37 =	vmul.f32 v38, v37;
	(erf) = vrcp.f32 v41  }
0x20a: {  	vm0 =	vle.f32 v21, v16;
	v18 =	vmul.f32 v42, v46;
	v38 =	vmul.f32 v45, v47  }
0x20b: {  	vm1 =	vle.f32 v27, v14;
	v41 =	vsel vm0, $0x1, v0;
	v34 =	vadd.f32 v37, v34  }
0x20c: {  	v37 =	vadd.s32 v41, v33;
	v18 =	vadd.f32 v18, v44;
	v20 =	vadd.f32 v38, v20;
	v21 =	vpop (erf)  }
0x20d: {  	v33 =	vsel vm1, v48, v23;
	v23 =	vmax.u32 v37, $0x4;
	v21 =	vmul.f32 v21, v28;
	v27 =	vpop (erf)  }
0x20e: {  	v37 =	vld.idx.msk [tilespmem:v22+s3+$0x0], $0xffff;
	v22 =	vmul.f32 v27, v31;
	v27 =	vsub.f32 v34, v18;
	v31 =	vsub.f32 v18, v20  }
0x20f: {  	v38 =	vshrl.u32 v33, $0x2;
	v23 =	vmin.u32 v23, $0xFFC;
	v34 =	vld.idx.msk [tilespmem:v39+s3+$0x0], $0xffff  }
0x210: {  	v23 =	vadd.s32 $0xFFFFFFFF, v23;
	v39 =	vld.idx.msk [tilespmem:v32+s3+$0x0], $0xffff;
	v27 =	vmul.f32 v27, v21;
	v22 =	vmul.f32 v31, v22  }
0x211: {  	vm0 =	vle.f32 v19, v8;
	v41 =	vld.idx.msk [tilespmem:v43+s9+$0x0], $0xffff  }
0x212: {  	v19 =	vld.idx.msk [tilespmem:v24+s13+$0x0], $0xffff;
	v24 =	vsel vm0, $0x1, v0;
	v18 =	vadd.f32 v27, v18;
	v20 =	vadd.f32 v22, v20;
	v21 =	vpop (erf)  }
0x213: {  	v45 =	vld.idx.msk [tilespmem:v40+s13+$0x0], $0xffff;
	v17 =	vadd.s32 v24, v17  }
0x214: {  	v21 =	vmul.f32 v21, v28;
	v27 =	vld.idx.msk [tilespmem:v38+s14+$0x0], $0xffff;
	v17 =	vmax.u32 v17, $0x4;
	v18 =	vsub.f32 v18, v20  }
0x215: {  	v24 =	vld.idx.msk [tilespmem:v23+s16+$0x0], $0xffff;
	v17 =	vmin.u32 v17, $0xFFC  }
0x216: {  	v38 =	vld.idx.msk [tilespmem:v23+s17+$0x0], $0xffff;
	v17 =	vadd.s32 $0xFFFFFFFF, v17;
	v18 =	vmul.f32 v18, v21  }
0x217: {  	v21 =	vld.idx.msk [tilespmem:v23+s18+$0x0], $0xffff  }
0x218: {  	v22 =	vld.idx.msk [tilespmem:v23+s19+$0x0], $0xffff;
	v18 =	vadd.f32 v18, v20  }
0x219: {  	v40 =	vld.idx.msk [tilespmem:v23+s20+$0x0], $0xffff  }
0x21a: {  	v31 =	vld.idx.msk [tilespmem:v23+s21+$0x0], $0xffff;
	[tilespmem:s2+$0x13520] =	vst v18  }
0x21b: {  	v42 =	vor.u32 $0x100, v26;
	v43 =	vor.u32 $0x100, v29;
	v28 =	vor.u32 $0x100, v25;
	v18 =	vld.idx.msk [tilespmem:v17+s16+$0x0], $0xffff  }
0x21c: {  	vm0 =	vle.f32 v37, v11;
	vm1 =	vle.f32 v19, v12;
	v20 =	vadd.s32 $0x4, v30;
	v19 =	vld.idx.msk [tilespmem:v17+s17+$0x0], $0xffff  }
0x21d: {  	v32 =	vsel vm1, v20, v30;
	vm1 =	vle.f32 v27, v14;
	v27 =	vadd.s32 $0x2, v33;
	v20 =	vld.idx.msk [tilespmem:v17+s18+$0x0], $0xffff  }
0x21e: {  	vm2 =	vle.f32 v34, v10;
	v37 =	vshrl.u32 v32, $0x2;
	v34 =	vsel vm1, v27, v33;
	v46 =	vld.idx.msk [tilespmem:v17+s21+$0x0], $0xffff  }
0x21f: {  	vm1 =	vle.f32 v39, v13;
	v27 =	vsel vm0, v42, v26;
	v44 =	vshrl.u32 v34, $0x1;
	v42 =	vld.idx.msk [tilespmem:v17+s20+$0x0], $0xffff  }
0x220: {  	v26 =	vsel vm2, v43, v29;
	v28 =	vsel vm1, v28, v25;
	v25 =	vsub.f32 v31, v21;
	v39 =	vld.idx.msk [tilespmem:v17+s19+$0x0], $0xffff  }
0x221: {  	v33 =	vshrl.u32 v27, $0x8;
	v30 =	vshrl.u32 v26, $0x8;
	v29 =	vsub.f32 v40, v38  }
0x222: {  	v47 =	vsub.f32 v22, v24;
	v31 =	vshrl.u32 v28, $0x8;
	(erf) = vrcp.f32 v25  }
.Ltmp0:
0x223: {  	vm0 =	vle.f32 v41, v15;
	v25 =	vadd.s32 $0x40, v35;
	v43 =	vld.idx.msk [tilespmem:v37+s14+$0x0], $0xffff;
	(erf) = vrcp.f32 v29;
	(pc) =	sbr.rel @p0 .LBB2_3-.Ltmp0, $4  }
0x224: {  	v29 =	vsel vm0, v25, v35;
	v37 =	vsub.f32 v46, v20;
	v44 =	vld.idx.msk [tilespmem:v44+s15+$0x0], $0xffff;
	(erf) = vrcp.f32 v47  }
0x225: {  	v35 =	vshrl.u32 v29, $0x6;
	v47 =	vadd.s32 $0x4, v36;
	v48 =	vsub.f32 v42, v19;
	v25 =	vld.idx.msk [tilespmem:v23+s23+$0x0], $0xffff  }
0x226: {  	vm0 =	vle.f32 v45, v9;
	v46 =	vsub.f32 v39, v18;
	v41 =	vld.idx.msk [tilespmem:v23+s24+$0x0], $0xffff;
	(erf) = vrcp.f32 v37  }
0x227: {  	s6 =	sadd.s32 $0x100, s6;
	v36 =	vsel vm0, v47, v36;
	v37 =	vadd.s32 $0x2, v32;
	v45 =	vld.idx.msk [tilespmem:v23+s25+$0x0], $0xffff;
	(erf) = vrcp.f32 v48  }
0x228: {  	_ =	sdelay $0x2  }
0x229: {  	v40 =	vsub.f32 v40, v21  }
0x22a: {  	v47 =	vshrl.u32 v36, $0x2;
	(erf) = vrcp.f32 v46;
	v55 =	vsub.f32 v22, v38;
	v57 =	vld.idx.msk [tilespmem:v23+s22+$0x0], $0xffff  }
0x22b: {  	v48 =	vsub.f32 v16, v21;
	v56 =	vsub.f32 v16, v38;
	v49 =	vpop (erf);
	(erf) = vrcp.f32 v40  }
0x22c: {  	v16 =	vsub.f32 v16, v24;
	v23 =	vsub.f32 v42, v20;
	v24 =	vpop (erf);
	(erf) = vrcp.f32 v55  }
0x22d: {  	v59 =	vsub.f32 v39, v19;
	v61 =	vsub.f32 v39, v20;
	v58 =	vmul.f32 v49, v48  }
0x22e: {  	v45 =	vsub.f32 v45, v41;
	v24 =	vmul.f32 v24, v56;
	v60 =	vpop (erf);
	(erf) = vrcp.f32 v23  }
0x22f: {  	v23 =	vsub.f32 v41, v25;
	v62 =	vsub.f32 v25, v57;
	v16 =	vmul.f32 v60, v16  }
0x230: {  	v63 =	vsub.f32 v22, v21;
	(erf) = vrcp.f32 v59;
	v42 =	vmul.f32 v58, v45  }
0x231: {  	v21 =	vpop (erf);
	(erf) = vrcp.f32 v61;
	v16 =	vmul.f32 v16, v62  }
0x232: {  	v24 =	vmul.f32 v24, v23;
	v22 =	vpop (erf);
	(erf) = vrcp.f32 v63  }
0x233: {  	v51 =	vld.idx.msk [tilespmem:v47+s14+$0x0], $0xffff;
	v49 =	vadd.f32 v42, v41;
	v23 =	vpop (erf)  }
0x234: {  	v59 =	vld.idx.msk [tilespmem:v31+s8+$0x0], $0xffff;
	v52 =	vadd.f32 v24, v25;
	v40 =	vadd.f32 v16, v57;
	v50 =	vpop (erf)  }
0x235: {  	vm0 =	vle.f32 v43, v12;
	vm1 =	vle.f32 v44, v14;
	v16 =	vpop (erf);
	v24 =	vmul.f32 v50, v48  }
0x236: {  	v53 =	vsub.f32 v49, v52;
	v54 =	vsub.f32 v52, v40;
	v16 =	vmul.f32 v16, v56  }
0x237: {  	v37 =	vsel vm0, v37, v32;
	v55 =	vadd.s32 $0x2, v36;
	v61 =	vadd.s32 $0x80, v28  }
0x238: {  	vm2 =	vle.f32 v51, v9;
	v25 =	vpop (erf);
	v38 =	vmul.f32 v53, v24;
	v39 =	vmul.f32 v54, v16  }
0x239: {  	v57 =	vshrl.u32 v37, $0x1;
	v32 =	vsel vm2, v55, v36;
	vm8 =	vle.f32 v59, v13;
	v24 =	vpop (erf)  }
0x23a: {  	v56 =	vsel vm1, $0x1, v0;
	v38 =	vadd.f32 v38, v52;
	v16 =	vpop (erf);
	v39 =	vadd.f32 v39, v40  }
0x23b: {  	v41 =	vshrl.u32 v32, $0x1;
	v28 =	vsel vm8, v61, v28;
	v34 =	vadd.s32 v56, v34;
	v58 =	vpop (erf)  }
0x23c: {  	v34 =	vmax.u32 v34, $0x4;
	v40 =	vmul.f32 v58, v48;
	v38 =	vsub.f32 v38, v39  }
0x23d: {  	v33 =	vld.idx.msk [tilespmem:v33+s8+$0x0], $0xffff;
	v49 =	vshrl.u32 v28, $0x7;
	v34 =	vmin.u32 v34, $0xFFC  }
0x23e: {  	v30 =	vld.idx.msk [tilespmem:v30+s8+$0x0], $0xffff;
	v34 =	vadd.s32 $0xFFFFFFFF, v34;
	v38 =	vmul.f32 v38, v40  }
0x23f: {  	v35 =	vld.idx.msk [tilespmem:v35+s10+$0x0], $0xffff  }
0x240: {  	v36 =	vld.idx.msk [tilespmem:v57+s15+$0x0], $0xffff;
	v38 =	vadd.f32 v38, v39  }
0x241: {  	v31 =	vld.idx.msk [tilespmem:v41+s15+$0x0], $0xffff  }
0x242: {  	vm9 =	vle.f32 v33, v11;
	v42 =	vld.idx.msk [tilespmem:v49+s9+$0x0], $0xffff;
	v48 =	vadd.s32 $0x80, v27;
	[tilespmem:s1+$0x13500] =	vst v38  }
0x243: {  	vm10 =	vle.f32 v30, v10;
	v30 =	vadd.s32 $0x80, v26;
	v27 =	vsel vm9, v48, v27;
	v38 =	vld.idx.msk [tilespmem:v34+s16+$0x0], $0xffff  }
0x244: {  	v26 =	vsel vm10, v30, v26;
	v30 =	vshrl.u32 v27, $0x7;
	v39 =	vld.idx.msk [tilespmem:v34+s17+$0x0], $0xffff  }
0x245: {  	vm7 =	vle.f32 v35, v15;
	v35 =	vld.idx.msk [tilespmem:v34+s18+$0x0], $0xffff  }
0x246: {  	v60 =	vadd.s32 $0x20, v29;
	v63 =	vld.idx.msk [tilespmem:v34+s21+$0x0], $0xffff  }
0x247: {  	v29 =	vsel vm7, v60, v29;
	v51 =	vshrl.u32 v26, $0x7;
	v50 =	vld.idx.msk [tilespmem:v34+s20+$0x0], $0xffff  }
0x248: {  	v62 =	vshrl.u32 v29, $0x5;
	v33 =	vld.idx.msk [tilespmem:v34+s19+$0x0], $0xffff  }
0x249: {  	v30 =	vld.idx.msk [tilespmem:v30+s9+$0x0], $0xffff;
	_ =	sdelay $0x2  }
0x24a: {  	v54 =	vld.idx.msk [tilespmem:v51+s9+$0x0], $0xffff;
	v58 =	vadd.s32 $0x40, v28;
	vm12 =	vle.f32 v42, v13;
	v41 =	vsub.f32 v63, v35  }
0x24b: {  	v40 =	vld.idx.msk [tilespmem:v62+s11+$0x0], $0xffff;
	v28 =	vsel vm12, v58, v28;
	v52 =	vsub.f32 v50, v39;
	v53 =	vsub.f32 v33, v38  }
0x24c: {  	vm13 =	vle.f32 v30, v11;
	v30 =	vshrl.u32 v28, $0x6;
	(erf) = vrcp.f32 v41  }
0x24d: {  	v44 =	vld.idx.msk [tilespmem:v34+s24+$0x0], $0xffff;
	(erf) = vrcp.f32 v52  }
0x24e: {  	v57 =	vld.idx.msk [tilespmem:v34+s25+$0x0], $0xffff;
	(erf) = vrcp.f32 v53  }
0x24f: {  	v61 =	vadd.s32 $0x40, v26;
	v56 =	vadd.s32 $0x10, v29;
	v43 =	vld.idx.msk [tilespmem:v34+s23+$0x0], $0xffff  }
0x250: {  	vm14 =	vle.f32 v54, v10;
	v55 =	vadd.s32 $0x40, v27;
	vm11 =	vle.f32 v40, v15;
	v34 =	vld.idx.msk [tilespmem:v34+s22+$0x0], $0xffff  }
0x251: {  	v26 =	vsel vm14, v61, v26;
	v29 =	vsel vm11, v56, v29;
	v59 =	vsub.f32 v50, v35;
	v30 =	vld.idx.msk [tilespmem:v30+s10+$0x0], $0xffff  }
0x252: {  	v61 =	vadd.s32 $0x20, v28;
	v40 =	vshrl.u32 v29, $0x4;
	v60 =	vsub.f32 v33, v39  }
0x253: {  	v42 =	vsub.f32 v14, v35;
	v63 =	vsub.f32 v57, v44;
	(erf) = vrcp.f32 v59  }
0x254: {  	v39 =	vsub.f32 v14, v39;
	v27 =	vsel vm13, v55, v27;
	(erf) = vrcp.f32 v60  }
0x255: {  	v14 =	vsub.f32 v14, v38;
	v33 =	vsub.f32 v33, v35;
	v62 =	vshrl.u32 v27, $0x6;
	v52 =	vpop (erf)  }
0x256: {  	v57 =	vsub.f32 v43, v34;
	v53 =	vshrl.u32 v26, $0x6;
	vm4 =	vle.f32 v30, v13;
	v54 =	vpop (erf)  }
0x257: {  	v55 =	vsub.f32 v44, v43;
	v40 =	vld.idx.msk [tilespmem:v40+s12+$0x0], $0xffff;
	v28 =	vsel vm4, v61, v28;
	v46 =	vmul.f32 v52, v42;
	v56 =	vpop (erf)  }
0x258: {  	v35 =	vshrl.u32 v28, $0x5;
	v38 =	vmul.f32 v54, v39;
	v14 =	vmul.f32 v56, v14  }
0x259: {  	vm7 =	vle.f32 v36, v12;
	(erf) = vrcp.f32 v33;
	v45 =	vmul.f32 v46, v63  }
0x25a: {  	v36 =	vsel vm7, $0x1, v0;
	v59 =	vld.idx.msk [tilespmem:v62+s10+$0x0], $0xffff;
	v38 =	vmul.f32 v38, v55;
	v14 =	vmul.f32 v14, v57  }
0x25b: {  	v36 =	vadd.s32 v36, v37;
	v62 =	vadd.s32 $0x8, v29;
	v63 =	vld.idx.msk [tilespmem:v53+s10+$0x0], $0xffff;
	v44 =	vadd.f32 v45, v44  }
0x25c: {  	vm15 =	vle.f32 v40, v15;
	v40 =	vpop (erf);
	v38 =	vadd.f32 v38, v43;
	v14 =	vadd.f32 v14, v34  }
0x25d: {  	v36 =	vmax.u32 v36, $0x4;
	v29 =	vsel vm15, v62, v29;
	v30 =	vmul.f32 v40, v42;
	v43 =	vpop (erf);
	v53 =	vld.idx.msk [tilespmem:v35+s11+$0x0], $0xffff  }
0x25e: {  	v34 =	vmul.f32 v43, v39;
	v46 =	vsub.f32 v44, v38;
	v47 =	vsub.f32 v38, v14  }
0x25f: {  	v58 =	vadd.s32 $0x20, v27;
	v60 =	vadd.s32 $0x20, v26;
	v48 =	vshrl.u32 v29, $0x3  }
0x260: {  	vm6 =	vle.f32 v63, v10;
	v30 =	vmul.f32 v46, v30;
	v34 =	vmul.f32 v47, v34  }
0x261: {  	vm5 =	vle.f32 v59, v11;
	v55 =	vadd.s32 $0x10, v28;
	v26 =	vsel vm6, v60, v26  }
0x262: {  	vm9 =	vle.f32 v53, v13;
	v30 =	vadd.f32 v30, v38;
	v14 =	vadd.f32 v34, v14  }
0x263: {  	v27 =	vsel vm5, v58, v27;
	v50 =	vpop (erf);
	v52 =	vshrl.u32 v26, $0x5;
	v28 =	vsel vm9, v55, v28  }
0x264: {  	v34 =	vmul.f32 v50, v42;
	v57 =	vshrl.u32 v28, $0x4;
	v30 =	vsub.f32 v30, v14  }
0x265: {  	v36 =	vmin.u32 v36, $0xFFC;
	v51 =	vshrl.u32 v27, $0x5  }
0x266: {  	v36 =	vadd.s32 $0xFFFFFFFF, v36;
	v33 =	vld.idx.msk [tilespmem:v48+s13+$0x0], $0xffff;
	v30 =	vmul.f32 v30, v34;
	_ =	sdelay $0x1  }
0x267: {  	v54 =	vld.idx.msk [tilespmem:v52+s11+$0x0], $0xffff;
	v14 =	vadd.f32 v30, v14  }
0x268: {  	v38 =	vld.idx.msk [tilespmem:v57+s12+$0x0], $0xffff  }
0x269: {  	v30 =	vld.idx.msk [tilespmem:v51+s11+$0x0], $0xffff;
	[tilespmem:s1+$0x13510] =	vst v14  }
0x26a: {  	vm8 =	vle.f32 v33, v15;
	v14 =	vadd.s32 $0x4, v29;
	v33 =	vld.idx.msk [tilespmem:v36+s16+$0x0], $0xffff  }
0x26b: {  	v14 =	vsel vm8, v14, v29;
	v29 =	vld.idx.msk [tilespmem:v36+s17+$0x0], $0xffff  }
0x26c: {  	v37 =	vld.idx.msk [tilespmem:v36+s18+$0x0], $0xffff;
	v56 =	vshrl.u32 v14, $0x2  }
0x26d: {  	v58 =	vld.idx.msk [tilespmem:v36+s21+$0x0], $0xffff  }
0x26e: {  	v59 =	vld.idx.msk [tilespmem:v36+s20+$0x0], $0xffff  }
0x26f: {  	v35 =	vld.idx.msk [tilespmem:v36+s19+$0x0], $0xffff;
	vm10 =	vle.f32 v30, v11;
	v30 =	vadd.s32 $0x10, v27  }
0x270: {  	vm11 =	vle.f32 v54, v10;
	v27 =	vsel vm10, v30, v27;
	v30 =	vadd.s32 $0x10, v26  }
0x271: {  	v47 =	vadd.s32 $0x8, v28;
	vm13 =	vle.f32 v38, v13;
	v26 =	vsel vm11, v30, v26;
	v34 =	vld.idx.msk [tilespmem:v56+s14+$0x0], $0xffff  }
0x272: {  	v28 =	vsel vm13, v47, v28;
	v60 =	vshrl.u32 v26, $0x4;
	v39 =	vsub.f32 v58, v37  }
0x273: {  	v50 =	vshrl.u32 v28, $0x3;
	v61 =	vsub.f32 v59, v29  }
0x274: {  	v30 =	vshrl.u32 v27, $0x4;
	v62 =	vsub.f32 v35, v33;
	(erf) = vrcp.f32 v39  }
0x275: {  	v49 =	vld.idx.msk [tilespmem:v36+s25+$0x0], $0xffff;
	(erf) = vrcp.f32 v61  }
0x276: {  	v51 =	vld.idx.msk [tilespmem:v36+s23+$0x0], $0xffff;
	v46 =	vadd.s32 $0x2, v14;
	(erf) = vrcp.f32 v62;
	vm12 =	vle.f32 v34, v15  }
0x277: {  	v63 =	vld.idx.msk [tilespmem:v60+s12+$0x0], $0xffff;
	v14 =	vsel vm12, v46, v14  }
0x278: {  	v40 =	vsub.f32 v59, v37;
	v42 =	vld.idx.msk [tilespmem:v50+s13+$0x0], $0xffff;
	v48 =	vshrl.u32 v14, $0x1  }
0x279: {  	v54 =	vsub.f32 v35, v29;
	v30 =	vld.idx.msk [tilespmem:v30+s12+$0x0], $0xffff  }
0x27a: {  	v52 =	vadd.s32 $0x8, v27;
	(erf) = vrcp.f32 v40;
	v34 =	vld.idx.msk [tilespmem:v36+s24+$0x0], $0xffff  }
0x27b: {  	v53 =	vadd.s32 $0x8, v26;
	v35 =	vsub.f32 v35, v37;
	v36 =	vld.idx.msk [tilespmem:v36+s22+$0x0], $0xffff;
	(erf) = vrcp.f32 v54  }
0x27c: {  	v55 =	vsub.f32 v12, v37;
	v29 =	vsub.f32 v12, v29;
	vm15 =	vle.f32 v63, v10  }
0x27d: {  	v12 =	vsub.f32 v12, v33;
	(erf) = vrcp.f32 v35;
	v39 =	vsel vm15, v53, v26;
	v57 =	vpop (erf);
	v26 =	vld.idx.msk [tilespmem:v48+s15+$0x0], $0xffff  }
0x27e: {  	vm5 =	vle.f32 v42, v13;
	vm14 =	vle.f32 v30, v11;
	v63 =	vadd.s32 $0x4, v28;
	v59 =	vpop (erf)  }
0x27f: {  	v56 =	vsub.f32 v49, v34;
	v60 =	vsub.f32 v34, v51;
	v41 =	vmul.f32 v57, v55;
	v61 =	vpop (erf)  }
0x280: {  	v62 =	vsub.f32 v51, v36;
	v33 =	vmul.f32 v59, v29;
	v12 =	vmul.f32 v61, v12  }
0x281: {  	v30 =	vsel vm14, v52, v27;
	v28 =	vsel vm5, v63, v28;
	v40 =	vmul.f32 v41, v56  }
0x282: {  	v12 =	vmul.f32 v12, v62;
	vm4 =	vle.f32 v26, v15;
	v26 =	vmul.f32 v33, v60  }
0x283: {  	v27 =	vshrl.u32 v30, $0x3;
	v50 =	vshrl.u32 v28, $0x2;
	v47 =	vpop (erf);
	v34 =	vadd.f32 v40, v34  }
0x284: {  	v48 =	vpop (erf);
	v12 =	vadd.f32 v12, v36;
	v45 =	vsel vm4, $0x1, v0;
	v26 =	vadd.f32 v26, v51  }
0x285: {  	v29 =	vmul.f32 v48, v29;
	v33 =	vmul.f32 v47, v55;
	v14 =	vadd.s32 v45, v14  }
0x286: {  	v14 =	vmax.u32 v14, $0x4;
	v34 =	vsub.f32 v34, v26;
	v49 =	vsub.f32 v26, v12  }
0x287: {  	v58 =	vshrl.u32 v39, $0x3;
	v14 =	vmin.u32 v14, $0xFFC  }
0x288: {  	v37 =	vadd.s32 $0xFFFFFFFF, v14;
	v14 =	vmul.f32 v34, v33;
	v29 =	vmul.f32 v49, v29  }
0x289: {  	vm6 =	vle.f32 v31, v9  }
0x28a: {  	v31 =	vld.idx.msk [tilespmem:v27+s13+$0x0], $0xffff;
	v27 =	vsel vm6, $0x1, v0;
	v14 =	vadd.f32 v14, v26;
	v26 =	vadd.f32 v29, v12  }
0x28b: {  	v27 =	vadd.s32 v27, v32;
	v51 =	vld.idx.msk [tilespmem:v50+s14+$0x0], $0xffff;
	v12 =	vpop (erf)  }
0x28c: {  	v27 =	vmax.u32 v27, $0x4;
	v29 =	vld.idx.msk [tilespmem:v58+s13+$0x0], $0xffff;
	v52 =	vmul.f32 v12, v55;
	v14 =	vsub.f32 v14, v26  }
0x28d: {  	v12 =	vmin.u32 v27, $0xFFC;
	v53 =	vld.idx.msk [tilespmem:v37+s16+$0x0], $0xffff  }
0x28e: {  	v54 =	vld.idx.msk [tilespmem:v37+s17+$0x0], $0xffff;
	v12 =	vadd.s32 $0xFFFFFFFF, v12;
	v14 =	vmul.f32 v14, v52  }
0x28f: {  	v33 =	vld.idx.msk [tilespmem:v37+s18+$0x0], $0xffff  }
0x290: {  	v55 =	vld.idx.msk [tilespmem:v37+s21+$0x0], $0xffff;
	v14 =	vadd.f32 v14, v26  }
0x291: {  	v56 =	vld.idx.msk [tilespmem:v37+s20+$0x0], $0xffff  }
0x292: {  	v40 =	vld.idx.msk [tilespmem:v37+s19+$0x0], $0xffff;
	[tilespmem:s1+$0x13520] =	vst v14  }
0x293: {  	v14 =	vld.idx.msk [tilespmem:v12+s16+$0x0], $0xffff  }
0x294: {  	v26 =	vld.idx.msk [tilespmem:v12+s17+$0x0], $0xffff  }
0x295: {  	v27 =	vld.idx.msk [tilespmem:v12+s18+$0x0], $0xffff  }
0x296: {  	v36 =	vsub.f32 v55, v33;
	v57 =	vld.idx.msk [tilespmem:v12+s21+$0x0], $0xffff  }
0x297: {  	vm7 =	vle.f32 v31, v11;
	v58 =	vsub.f32 v56, v54;
	v59 =	vld.idx.msk [tilespmem:v12+s20+$0x0], $0xffff  }
0x298: {  	v31 =	vadd.s32 $0x4, v30;
	v60 =	vsub.f32 v40, v53;
	(erf) = vrcp.f32 v36;
	v61 =	vld.idx.msk [tilespmem:v12+s19+$0x0], $0xffff  }
0x299: {  	v42 =	vsel vm7, v31, v30;
	(erf) = vrcp.f32 v58  }
0x29a: {  	v30 =	vadd.s32 $0x2, v28;
	vm8 =	vle.f32 v51, v13;
	(erf) = vrcp.f32 v60  }
0x29b: {  	v31 =	vshrl.u32 v42, $0x2;
	v44 =	vsel vm8, v30, v28;
	v28 =	vsub.f32 v57, v27  }
0x29c: {  	v30 =	vadd.s32 $0x4, v39;
	v62 =	vshrl.u32 v44, $0x1;
	v49 =	vld.idx.msk [tilespmem:v37+s23+$0x0], $0xffff;
	v63 =	vsub.f32 v59, v26  }
0x29d: {  	vm9 =	vle.f32 v29, v10;
	v29 =	vld.idx.msk [tilespmem:v37+s24+$0x0], $0xffff;
	v48 =	vsub.f32 v61, v14;
	(erf) = vrcp.f32 v28  }
0x29e: {  	v39 =	vsel vm9, v30, v39;
	v30 =	vsub.f32 v56, v33;
	v28 =	vld.idx.msk [tilespmem:v37+s25+$0x0], $0xffff;
	(erf) = vrcp.f32 v63  }
0x29f: {  	v51 =	vsub.f32 v40, v54;
	v46 =	vsub.f32 v15, v33;
	v37 =	vld.idx.msk [tilespmem:v37+s22+$0x0], $0xffff;
	(erf) = vrcp.f32 v48  }
0x2a0: {  	v35 =	vsub.f32 v15, v54;
	v15 =	vsub.f32 v15, v53;
	(erf) = vrcp.f32 v30  }
0x2a1: {  	v33 =	vsub.f32 v40, v33;
	v55 =	vsub.f32 v61, v26;
	v52 =	vpop (erf);
	(erf) = vrcp.f32 v51  }
0x2a2: {  	v50 =	vshrl.u32 v39, $0x2;
	v57 =	vsub.f32 v29, v49;
	v30 =	vsub.f32 v59, v27;
	v53 =	vpop (erf)  }
0x2a3: {  	v36 =	vsub.f32 v61, v27;
	v54 =	vmul.f32 v52, v46;
	v34 =	vmul.f32 v53, v35;
	v56 =	vpop (erf)  }
0x2a4: {  	(erf) = vrcp.f32 v30;
	v15 =	vmul.f32 v56, v15;
	v58 =	vsub.f32 v49, v37  }
0x2a5: {  	v28 =	vsub.f32 v28, v29;
	(erf) = vrcp.f32 v55;
	v34 =	vmul.f32 v34, v57  }
0x2a6: {  	v60 =	vld.idx.msk [tilespmem:v62+s15+$0x0], $0xffff;
	v15 =	vmul.f32 v15, v58;
	v30 =	vpop (erf);
	(erf) = vrcp.f32 v36  }
0x2a7: {  	v59 =	vld.idx.msk [tilespmem:v31+s14+$0x0], $0xffff;
	v28 =	vmul.f32 v54, v28;
	v31 =	vpop (erf);
	(erf) = vrcp.f32 v33  }
0x2a8: {  	v34 =	vadd.f32 v34, v49;
	v32 =	vpop (erf)  }
0x2a9: {  	v61 =	vld.idx.msk [tilespmem:v50+s14+$0x0], $0xffff;
	v28 =	vadd.f32 v28, v29;
	v37 =	vadd.f32 v15, v37;
	v29 =	vpop (erf)  }
0x2aa: {  	v15 =	vpop (erf);
	v29 =	vmul.f32 v29, v46  }
0x2ab: {  	v62 =	vsub.f32 v28, v34;
	v38 =	vsub.f32 v34, v37;
	v15 =	vmul.f32 v15, v35  }
0x2ac: {  	v45 =	vadd.s32 $0x2, v39;
	vm11 =	vle.f32 v60, v13  }
0x2ad: {  	v49 =	vsel vm11, $0x1, v0;
	v28 =	vpop (erf);
	v47 =	vmul.f32 v62, v29;
	v48 =	vmul.f32 v38, v15  }
0x2ae: {  	v63 =	vadd.s32 $0x2, v42;
	vm12 =	vle.f32 v61, v10;
	v36 =	vadd.s32 v49, v44;
	v29 =	vpop (erf)  }
0x2af: {  	v33 =	vsel vm12, v45, v39;
	v34 =	vadd.f32 v47, v34;
	v15 =	vpop (erf);
	v35 =	vadd.f32 v48, v37  }
0x2b0: {  	vm10 =	vle.f32 v59, v11;
	v36 =	vmax.u32 v36, $0x4;
	v52 =	vshrl.u32 v33, $0x1;
	v51 =	vpop (erf)  }
0x2b1: {  	v38 =	vsel vm10, v63, v42;
	v39 =	vmul.f32 v51, v46;
	v34 =	vsub.f32 v34, v35  }
0x2b2: {  	v36 =	vmin.u32 v36, $0xFFC;
	v50 =	vshrl.u32 v38, $0x1  }
0x2b3: {  	v36 =	vadd.s32 $0xFFFFFFFF, v36;
	v34 =	vmul.f32 v34, v39;
	_ =	sdelay $0x1  }
0x2b4: {  	v34 =	vadd.f32 v34, v35  }
0x2b5: {  	v37 =	vld.idx.msk [tilespmem:v52+s15+$0x0], $0xffff  }
0x2b6: {  	v35 =	vld.idx.msk [tilespmem:v50+s15+$0x0], $0xffff;
	[tilespmem:s5+$0x13500] =	vst v34  }
0x2b7: {  	v34 =	vld.idx.msk [tilespmem:v36+s16+$0x0], $0xffff  }
0x2b8: {  	v53 =	vld.idx.msk [tilespmem:v36+s17+$0x0], $0xffff  }
0x2b9: {  	v54 =	vld.idx.msk [tilespmem:v36+s18+$0x0], $0xffff  }
0x2ba: {  	v55 =	vld.idx.msk [tilespmem:v36+s21+$0x0], $0xffff  }
0x2bb: {  	v56 =	vld.idx.msk [tilespmem:v36+s20+$0x0], $0xffff  }
0x2bc: {  	v57 =	vld.idx.msk [tilespmem:v36+s19+$0x0], $0xffff;
	_ =	sdelay $0x2  }
0x2bd: {  	v41 =	vsub.f32 v55, v54  }
0x2be: {  	v58 =	vsub.f32 v56, v53  }
0x2bf: {  	v59 =	vsub.f32 v57, v34;
	(erf) = vrcp.f32 v41  }
0x2c0: {  	(erf) = vrcp.f32 v58  }
0x2c1: {  	(erf) = vrcp.f32 v59  }
0x2c2: {  	v60 =	vld.idx.msk [tilespmem:v36+s24+$0x0], $0xffff  }
0x2c3: {  	v61 =	vld.idx.msk [tilespmem:v36+s25+$0x0], $0xffff;
	v42 =	vsub.f32 v56, v54  }
0x2c4: {  	v63 =	vsub.f32 v57, v53  }
0x2c5: {  	v62 =	vld.idx.msk [tilespmem:v36+s23+$0x0], $0xffff;
	(erf) = vrcp.f32 v42  }
0x2c6: {  	v36 =	vld.idx.msk [tilespmem:v36+s22+$0x0], $0xffff;
	(erf) = vrcp.f32 v63;
	_ =	sdelay $0x1  }
0x2c7: {  	v48 =	vsub.f32 v13, v54;
	v44 =	vsub.f32 v61, v60;
	v49 =	vpop (erf)  }
0x2c8: {  	v39 =	vsub.f32 v13, v53;
	v13 =	vsub.f32 v13, v34;
	v50 =	vpop (erf)  }
0x2c9: {  	v51 =	vsub.f32 v60, v62;
	v40 =	vsub.f32 v57, v54;
	v46 =	vmul.f32 v49, v48;
	v52 =	vpop (erf)  }
0x2ca: {  	v53 =	vsub.f32 v62, v36;
	v34 =	vmul.f32 v50, v39;
	v13 =	vmul.f32 v52, v13  }
0x2cb: {  	(erf) = vrcp.f32 v40;
	v44 =	vmul.f32 v46, v44  }
0x2cc: {  	v34 =	vmul.f32 v34, v51;
	v13 =	vmul.f32 v13, v53  }
0x2cd: {  	v55 =	vpop (erf);
	v54 =	vadd.f32 v44, v60  }
0x2ce: {  	v56 =	vpop (erf);
	v34 =	vadd.f32 v34, v62;
	v13 =	vadd.f32 v13, v36  }
0x2cf: {  	v39 =	vmul.f32 v56, v39  }
0x2d0: {  	v36 =	vmul.f32 v55, v48;
	v40 =	vsub.f32 v54, v34;
	v57 =	vsub.f32 v34, v13;
	_ =	sdelay $0x1  }
0x2d1: {  	v36 =	vmul.f32 v40, v36;
	v39 =	vmul.f32 v57, v39  }
0x2d2: {  	vm13 =	vle.f32 v35, v11  }
0x2d3: {  	v35 =	vsel vm13, $0x1, v0;
	v34 =	vadd.f32 v36, v34;
	v13 =	vadd.f32 v39, v13  }
0x2d4: {  	v35 =	vadd.s32 v35, v38;
	v58 =	vpop (erf)  }
0x2d5: {  	v35 =	vmax.u32 v35, $0x4;
	v36 =	vmul.f32 v58, v48;
	v34 =	vsub.f32 v34, v13  }
0x2d6: {  	v35 =	vmin.u32 v35, $0xFFC  }
0x2d7: {  	v35 =	vadd.s32 $0xFFFFFFFF, v35;
	v34 =	vmul.f32 v34, v36;
	_ =	sdelay $0x1  }
0x2d8: {  	v13 =	vadd.f32 v34, v13;
	_ =	sdelay $0x1  }
0x2d9: {  	[tilespmem:s5+$0x13510] =	vst v13  }
0x2da: {  	v13 =	vld.idx.msk [tilespmem:v35+s16+$0x0], $0xffff  }
0x2db: {  	v59 =	vld.idx.msk [tilespmem:v35+s17+$0x0], $0xffff  }
0x2dc: {  	v60 =	vld.idx.msk [tilespmem:v35+s18+$0x0], $0xffff  }
0x2dd: {  	v61 =	vld.idx.msk [tilespmem:v35+s21+$0x0], $0xffff  }
0x2de: {  	v62 =	vld.idx.msk [tilespmem:v35+s20+$0x0], $0xffff  }
0x2df: {  	v63 =	vld.idx.msk [tilespmem:v35+s19+$0x0], $0xffff;
	_ =	sdelay $0x2  }
0x2e0: {  	v38 =	vsub.f32 v61, v60  }
0x2e1: {  	v48 =	vsub.f32 v62, v59  }
0x2e2: {  	v49 =	vsub.f32 v63, v13;
	(erf) = vrcp.f32 v38  }
0x2e3: {  	(erf) = vrcp.f32 v48  }
0x2e4: {  	(erf) = vrcp.f32 v49  }
0x2e5: {  	v50 =	vld.idx.msk [tilespmem:v35+s24+$0x0], $0xffff  }
0x2e6: {  	v51 =	vld.idx.msk [tilespmem:v35+s25+$0x0], $0xffff;
	v39 =	vsub.f32 v62, v60  }
0x2e7: {  	v53 =	vsub.f32 v63, v59  }
0x2e8: {  	v52 =	vld.idx.msk [tilespmem:v35+s23+$0x0], $0xffff;
	(erf) = vrcp.f32 v39  }
0x2e9: {  	v35 =	vld.idx.msk [tilespmem:v35+s22+$0x0], $0xffff;
	(erf) = vrcp.f32 v53;
	_ =	sdelay $0x1  }
0x2ea: {  	v54 =	vsub.f32 v11, v60;
	v41 =	vsub.f32 v51, v50;
	v55 =	vpop (erf)  }
0x2eb: {  	v34 =	vsub.f32 v11, v59;
	v11 =	vsub.f32 v11, v13;
	v13 =	vpop (erf)  }
0x2ec: {  	v56 =	vsub.f32 v50, v52;
	v36 =	vsub.f32 v63, v60;
	v43 =	vmul.f32 v55, v54;
	v57 =	vpop (erf)  }
0x2ed: {  	v58 =	vsub.f32 v52, v35;
	v13 =	vmul.f32 v13, v34;
	v11 =	vmul.f32 v57, v11  }
0x2ee: {  	(erf) = vrcp.f32 v36;
	v41 =	vmul.f32 v43, v41  }
0x2ef: {  	v13 =	vmul.f32 v13, v56;
	v11 =	vmul.f32 v11, v58  }
0x2f0: {  	v60 =	vpop (erf);
	v59 =	vadd.f32 v41, v50  }
0x2f1: {  	v61 =	vpop (erf);
	v13 =	vadd.f32 v13, v52;
	v11 =	vadd.f32 v11, v35  }
0x2f2: {  	v34 =	vmul.f32 v61, v34  }
0x2f3: {  	v35 =	vmul.f32 v60, v54;
	v36 =	vsub.f32 v59, v13;
	v62 =	vsub.f32 v13, v11;
	_ =	sdelay $0x1  }
0x2f4: {  	v35 =	vmul.f32 v36, v35;
	v34 =	vmul.f32 v62, v34  }
0x2f5: {  	vm14 =	vle.f32 v37, v10  }
0x2f6: {  	v63 =	vsel vm14, $0x1, v0;
	v13 =	vadd.f32 v35, v13;
	v11 =	vadd.f32 v34, v11  }
0x2f7: {  	v33 =	vadd.s32 v63, v33;
	v38 =	vpop (erf)  }
0x2f8: {  	v33 =	vmax.u32 v33, $0x4;
	v34 =	vmul.f32 v38, v54;
	v13 =	vsub.f32 v13, v11  }
0x2f9: {  	v33 =	vmin.u32 v33, $0xFFC  }
0x2fa: {  	v42 =	vld.idx.msk [tilespmem:v17+s23+$0x0], $0xffff;
	v33 =	vadd.s32 $0xFFFFFFFF, v33;
	v13 =	vmul.f32 v13, v34  }
0x2fb: {  	v40 =	vld.idx.msk [tilespmem:v17+s24+$0x0], $0xffff  }
0x2fc: {  	v41 =	vld.idx.msk [tilespmem:v17+s25+$0x0], $0xffff;
	v11 =	vadd.f32 v13, v11  }
0x2fd: {  	v13 =	vld.idx.msk [tilespmem:v17+s22+$0x0], $0xffff  }
0x2fe: {  	[tilespmem:s5+$0x13520] =	vst v11  }
0x2ff: {  	v17 =	vsub.f32 v8, v19;
	v11 =	vsub.f32 v8, v20;
	v19 =	vld.idx.msk [tilespmem:v33+s16+$0x0], $0xffff  }
0x300: {  	v43 =	vsub.f32 v40, v42;
	v8 =	vsub.f32 v8, v18;
	v18 =	vld.idx.msk [tilespmem:v33+s17+$0x0], $0xffff  }
0x301: {  	v20 =	vsub.f32 v41, v40;
	v22 =	vmul.f32 v22, v17;
	v44 =	vld.idx.msk [tilespmem:v33+s18+$0x0], $0xffff;
	v21 =	vmul.f32 v21, v11  }
0x302: {  	v45 =	vld.idx.msk [tilespmem:v33+s21+$0x0], $0xffff;
	v8 =	vmul.f32 v23, v8;
	v23 =	vsub.f32 v42, v13  }
0x303: {  	v20 =	vmul.f32 v21, v20;
	v21 =	vmul.f32 v22, v43;
	v22 =	vld.idx.msk [tilespmem:v33+s20+$0x0], $0xffff  }
0x304: {  	v8 =	vmul.f32 v8, v23;
	v23 =	vld.idx.msk [tilespmem:v33+s19+$0x0], $0xffff  }
0x305: {  	v20 =	vadd.f32 v20, v40;
	v21 =	vadd.f32 v21, v42  }
0x306: {  	v8 =	vadd.f32 v8, v13  }
0x307: {  	v46 =	vsub.f32 v45, v44;
	v13 =	vmul.f32 v25, v11;
	v20 =	vsub.f32 v20, v21  }
0x308: {  	v47 =	vld.idx.msk [tilespmem:v12+s25+$0x0], $0xffff;
	v17 =	vmul.f32 v24, v17;
	v24 =	vsub.f32 v21, v8;
	v48 =	vsub.f32 v22, v18  }
0x309: {  	v25 =	vld.idx.msk [tilespmem:v12+s24+$0x0], $0xffff;
	(erf) = vrcp.f32 v46;
	v13 =	vmul.f32 v20, v13;
	v20 =	vsub.f32 v23, v19  }
0x30a: {  	v17 =	vmul.f32 v24, v17;
	v24 =	vld.idx.msk [tilespmem:v12+s23+$0x0], $0xffff;
	(erf) = vrcp.f32 v48  }
0x30b: {  	v26 =	vsub.f32 v9, v26;
	v49 =	vsub.f32 v23, v18;
	v12 =	vld.idx.msk [tilespmem:v12+s22+$0x0], $0xffff;
	(erf) = vrcp.f32 v20  }
0x30c: {  	v23 =	vsub.f32 v23, v44;
	v13 =	vadd.f32 v13, v21;
	v20 =	vld.idx.msk [tilespmem:v33+s24+$0x0], $0xffff  }
0x30d: {  	v8 =	vadd.f32 v17, v8;
	v17 =	vsub.f32 v9, v27;
	v27 =	vld.idx.msk [tilespmem:v33+s25+$0x0], $0xffff  }
0x30e: {  	v9 =	vsub.f32 v9, v14;
	v14 =	vsub.f32 v22, v44  }
0x30f: {  	v21 =	vsub.f32 v47, v25;
	v22 =	vmul.f32 v30, v17;
	v30 =	vmul.f32 v31, v26;
	v31 =	vld.idx.msk [tilespmem:v33+s23+$0x0], $0xffff  }
0x310: {  	v51 =	vld.idx.msk [tilespmem:v33+s22+$0x0], $0xffff;
	v9 =	vmul.f32 v32, v9;
	(erf) = vrcp.f32 v14;
	v50 =	vsub.f32 v25, v24  }
0x311: {  	v14 =	vsub.f32 v24, v12;
	(erf) = vrcp.f32 v49;
	v21 =	vmul.f32 v22, v21  }
0x312: {  	v52 =	vpop (erf);
	v22 =	vmul.f32 v30, v50;
	v30 =	vsub.f32 v10, v44;
	v27 =	vsub.f32 v27, v20  }
0x313: {  	v9 =	vmul.f32 v9, v14;
	v14 =	vsub.f32 v10, v18;
	v10 =	vsub.f32 v10, v19;
	v18 =	vpop (erf)  }
0x314: {  	v21 =	vadd.f32 v21, v25;
	v19 =	vmul.f32 v52, v30;
	v53 =	vsub.f32 v20, v31;
	v54 =	vpop (erf)  }
0x315: {  	v55 =	vsub.f32 v31, v51;
	v18 =	vmul.f32 v18, v14;
	v10 =	vmul.f32 v54, v10  }
0x316: {  	(erf) = vrcp.f32 v23;
	v22 =	vadd.f32 v22, v24;
	v19 =	vmul.f32 v19, v27  }
0x317: {  	v9 =	vadd.f32 v9, v12;
	v18 =	vmul.f32 v18, v53;
	v10 =	vmul.f32 v10, v55  }
0x318: {  	v21 =	vsub.f32 v21, v22;
	v19 =	vadd.f32 v19, v20  }
0x319: {  	v12 =	vmul.f32 v28, v17;
	v23 =	vpop (erf);
	v18 =	vadd.f32 v18, v31;
	v10 =	vadd.f32 v10, v51  }
0x31a: {  	v24 =	vsub.f32 v22, v9;
	v20 =	vmul.f32 v29, v26;
	v23 =	vmul.f32 v23, v30;
	v25 =	vpop (erf)  }
0x31b: {  	v14 =	vmul.f32 v25, v14;
	v19 =	vsub.f32 v19, v18;
	v25 =	vsub.f32 v18, v10  }
0x31c: {  	v12 =	vmul.f32 v21, v12;
	v20 =	vmul.f32 v24, v20  }
0x31d: {  	v13 =	vsub.f32 v13, v8;
	v19 =	vmul.f32 v19, v23;
	v14 =	vmul.f32 v25, v14  }
0x31e: {  	v12 =	vadd.f32 v12, v22;
	v9 =	vadd.f32 v20, v9  }
0x31f: {  	v11 =	vmul.f32 v16, v11;
	v16 =	vadd.f32 v19, v18;
	v10 =	vadd.f32 v14, v10  }
0x320: {  	v12 =	vsub.f32 v12, v9;
	v14 =	vmul.f32 v15, v17;
	v15 =	vpop (erf)  }
0x321: {  	v11 =	vmul.f32 v13, v11;
	v13 =	vmul.f32 v15, v30;
	v15 =	vsub.f32 v16, v10  }
0x322: {  	v12 =	vmul.f32 v12, v14  }
0x323: {  	v8 =	vadd.f32 v11, v8;
	v11 =	vmul.f32 v15, v13  }
0x324: {  	v9 =	vadd.f32 v12, v9  }
0x325: {  	[tilespmem:s2+$0x13530] =	vst v8;
	v8 =	vadd.f32 v11, v10  }
0x326: {  	s6 =	rddreg [dreg:$0x2];
	[tilespmem:s1+$0x13530] =	vst v9  }
0x327: {  	s7 =	simm.s32 $0x13500;
	s0 =	sadd.s32 s6, s0;
	[tilespmem:s5+$0x13530] =	vst v8  }
0x328: {  	[hbm4b:s0+s3] =	stream.linear.scatter [tilespmem:s7], [sflag:$0x4], $0x4000, $0x38;
	[tilespmem:$0x1B500] =	vst v63  }
0x329: {  	_ =	swait.ge [sflag:s31], $0x4000  }
0x32a: {  	s0 =	sld [smem:$0x7FD];
	_ =	sdelay $0x1  }
0x32b: {  	p0 =	seq.s32 s4, $0x3  }
0x32c: {  	p1 =	seq.s32 @!p0 s4, $0x0;
	s0 =	sadd.s32 @!p0 s30, s0  }
0x32d: {  	s2 =	simm.s32 @!p0 $0xB500;
	[sflag:s31] =	ssyncset.done $0x0;
	s0 =	sshrl.u32 @!p0 s0, $0x3  }
0x32e: {  	s1 =	simm.s32 @!p0 $0x0;
	[sflag:s31] =	ssyncadd.s32 $0xFFFFC000;
	s0 =	sadd.s32 @!p0 s26, s0  }
0x32f: {  	[tilespmem:s2], [sflag:$0x2] =	stream.linear.gather @!p0 [hbm4b:s0+s1], $0x4000, $0x38;
	[tilespmem:$0x1B500] =	vst v63  }
0x330: {  	p0 =	por p0, !p1  }
0x331: {  	s0 =	simm.s32 @p0 $0x5  }
0x332: {  	_ =	swait.ge @p0 [sflag:s0], $0x4000  }
0x333: {  	[sflag:s0] =	ssyncset.done @p0 $0x0  }
0x334: {  	[sflag:s0] =	ssyncadd.s32 @p0 $0xFFFFC000;
	s0 =	simm.s32 $0x0  }
0x335: {  	v10 =	vld [tilespmem:s0+$0xF500];
	_ =	sdelay $0x4  }
0x336: {  	vm15 =	vle.f32 v1, v10  }
0x337: {  	v8 =	vsel vm15, v3, v2  }
0x338: {  	v9 =	vsel vm15, $0x800, v0;
	vm4 =	vle.f32 v8, v10  }
0x339: {  	v8 =	vor.u32 $0x400, v9;
	v11 =	vsel vm4, v5, v4;
	v12 =	vsel vm4, v7, v6  }
0x33a: {  	v8 =	vsel vm4, v8, v9;
	v9 =	vsel vm15, v12, v11  }
0x33b: {  	v11 =	vor.u32 $0x200, v8;
	vm0 =	vle.f32 v9, v10  }
0x33c: {  	v8 =	vsel vm0, v11, v8  }
0x33d: {  	v9 =	vshrl.u32 v8, $0x9;
	_ =	sdelay $0x4  }
0x33e: {  	v9 =	vld.idx.msk [tilespmem:v9+s3+$0x0], $0xffff;
	_ =	sdelay $0x4  }
0x33f: {  	v11 =	vor.u32 $0x100, v8;
	vm5 =	vle.f32 v9, v10  }
0x340: {  	v8 =	vsel vm5, v11, v8  }
0x341: {  	v9 =	vshrl.u32 v8, $0x8;
	_ =	sdelay $0x4  }
0x342: {  	v9 =	vld.idx.msk [tilespmem:v9+s8+$0x0], $0xffff;
	_ =	sdelay $0x4  }
0x343: {  	v11 =	vadd.s32 $0x80, v8;
	vm6 =	vle.f32 v9, v10  }
0x344: {  	v9 =	vsel vm6, v11, v8  }
0x345: {  	v18 =	vld [tilespmem:s0+$0xF510];
	v8 =	vshrl.u32 v9, $0x7  }
0x346: {  	v17 =	vld [tilespmem:s0+$0xF520];
	_ =	sdelay $0x3  }
0x347: {  	vm7 =	vle.f32 v1, v18;
	v11 =	vld.idx.msk [tilespmem:v8+s9+$0x0], $0xffff  }
0x348: {  	vm11 =	vle.f32 v1, v17;
	v13 =	vsel vm7, v3, v2;
	v12 =	vsel vm7, $0x800, v0;
	v8 =	vld [tilespmem:s0+$0xF530]  }
0x349: {  	v15 =	vsel vm11, v3, v2;
	vm8 =	vle.f32 v13, v18;
	v14 =	vor.u32 $0x400, v12  }
0x34a: {  	v13 =	vsel vm8, v5, v4;
	v12 =	vsel vm8, v14, v12;
	v14 =	vsel vm8, v7, v6  }
0x34b: {  	vm13 =	vle.f32 v15, v17;
	v13 =	vsel vm7, v14, v13;
	v14 =	vor.u32 $0x200, v12  }
0x34c: {  	vm10 =	vle.f32 v13, v18;
	vm9 =	vle.f32 v11, v10;
	v11 =	vadd.s32 $0x40, v9  }
0x34d: {  	vm12 =	vle.f32 v1, v8;
	v9 =	vsel vm9, v11, v9;
	v11 =	vsel vm10, v14, v12  }
0x34e: {  	v14 =	vsel vm11, $0x800, v0;
	v16 =	vsel vm12, $0x800, v0;
	v19 =	vsel vm12, v3, v2  }
0x34f: {  	v12 =	vshrl.u32 v9, $0x6;
	v13 =	vshrl.u32 v11, $0x9;
	v20 =	vor.u32 $0x400, v14  }
0x350: {  	v15 =	vor.u32 $0x400, v16;
	vm3 =	vle.f32 v19, v8;
	v19 =	vsel vm13, v5, v4  }
0x351: {  	v14 =	vsel vm13, v20, v14;
	v20 =	vsel vm13, v7, v6;
	v15 =	vsel vm3, v15, v16  }
0x352: {  	v16 =	vsel vm3, v5, v4;
	v21 =	vsel vm3, v7, v6;
	v19 =	vsel vm11, v20, v19  }
0x353: {  	v20 =	vor.u32 $0x200, v14;
	v16 =	vsel vm12, v21, v16;
	vm0 =	vle.f32 v19, v17  }
0x354: {  	v19 =	vor.u32 $0x200, v15;
	vm14 =	vle.f32 v16, v8;
	v14 =	vsel vm0, v20, v14;
	v12 =	vld.idx.msk [tilespmem:v12+s10+$0x0], $0xffff  }
0x355: {  	v15 =	vsel vm14, v19, v15;
	v13 =	vld.idx.msk [tilespmem:v13+s3+$0x0], $0xffff;
	v16 =	vshrl.u32 v14, $0x9  }
0x356: {  	v19 =	vshrl.u32 v15, $0x9;
	_ =	sdelay $0x2  }
0x357: {  	vm15 =	vle.f32 v12, v10;
	v12 =	vadd.s32 $0x20, v9  }
0x358: {  	v20 =	vor.u32 $0x100, v11;
	vm4 =	vle.f32 v13, v18;
	v16 =	vld.idx.msk [tilespmem:v16+s3+$0x0], $0xffff;
	v9 =	vsel vm15, v12, v9  }
0x359: {  	v19 =	vld.idx.msk [tilespmem:v19+s3+$0x0], $0xffff;
	v11 =	vsel vm4, v20, v11;
	v12 =	vshrl.u32 v9, $0x5  }
0x35a: {  	v13 =	vshrl.u32 v11, $0x8;
	_ =	sdelay $0x2  }
0x35b: {  	v20 =	vor.u32 $0x100, v14;
	vm5 =	vle.f32 v16, v17  }
0x35c: {  	v16 =	vor.u32 $0x100, v15;
	vm6 =	vle.f32 v19, v8;
	v14 =	vsel vm5, v20, v14;
	v12 =	vld.idx.msk [tilespmem:v12+s11+$0x0], $0xffff  }
0x35d: {  	v15 =	vsel vm6, v16, v15;
	v13 =	vld.idx.msk [tilespmem:v13+s8+$0x0], $0xffff;
	v16 =	vshrl.u32 v14, $0x8  }
0x35e: {  	v19 =	vshrl.u32 v15, $0x8;
	_ =	sdelay $0x2  }
0x35f: {  	vm7 =	vle.f32 v12, v10;
	v12 =	vadd.s32 $0x10, v9  }
0x360: {  	vm8 =	vle.f32 v13, v18;
	v13 =	vadd.s32 $0x80, v11;
	v16 =	vld.idx.msk [tilespmem:v16+s8+$0x0], $0xffff;
	v9 =	vsel vm7, v12, v9  }
0x361: {  	v19 =	vld.idx.msk [tilespmem:v19+s8+$0x0], $0xffff;
	v11 =	vsel vm8, v13, v11;
	v12 =	vshrl.u32 v9, $0x4  }
0x362: {  	v13 =	vshrl.u32 v11, $0x7;
	_ =	sdelay $0x2  }
0x363: {  	vm9 =	vle.f32 v16, v17;
	v16 =	vadd.s32 $0x80, v14  }
0x364: {  	vm10 =	vle.f32 v19, v8;
	v14 =	vsel vm9, v16, v14;
	v16 =	vadd.s32 $0x80, v15;
	v12 =	vld.idx.msk [tilespmem:v12+s12+$0x0], $0xffff  }
0x365: {  	v13 =	vld.idx.msk [tilespmem:v13+s9+$0x0], $0xffff;
	v15 =	vsel vm10, v16, v15;
	v16 =	vshrl.u32 v14, $0x7;
	_ =	sdelay $0x1  }
0x366: {  	v19 =	vshrl.u32 v15, $0x7;
	_ =	sdelay $0x1  }
0x367: {  	v20 =	vadd.s32 $0x8, v9;
	vm11 =	vle.f32 v12, v10  }
0x368: {  	vm12 =	vle.f32 v13, v18;
	v12 =	vadd.s32 $0x40, v11;
	v16 =	vld.idx.msk [tilespmem:v16+s9+$0x0], $0xffff;
	v9 =	vsel vm11, v20, v9  }
0x369: {  	v11 =	vsel vm12, v12, v11;
	v12 =	vshrl.u32 v9, $0x3  }
0x36a: {  	v19 =	vld.idx.msk [tilespmem:v19+s9+$0x0], $0xffff;
	v13 =	vshrl.u32 v11, $0x6;
	_ =	sdelay $0x1  }
0x36b: {  	s1 =	simm.s32 $0x40  }
0x36c: {  	vm13 =	vle.f32 v16, v17;
	v16 =	vld [tilespmem:s1+$0xF500]  }
0x36d: {  	v20 =	vadd.s32 $0x40, v14;
	v12 =	vld.idx.msk [tilespmem:v12+s13+$0x0], $0xffff  }
0x36e: {  	v14 =	vsel vm13, v20, v14;
	v20 =	vadd.s32 $0x40, v15;
	vm14 =	vle.f32 v19, v8;
	v13 =	vld.idx.msk [tilespmem:v13+s10+$0x0], $0xffff  }
0x36f: {  	v19 =	vshrl.u32 v14, $0x6;
	v15 =	vsel vm14, v20, v15  }
0x370: {  	v20 =	vshrl.u32 v15, $0x6;
	_ =	sdelay $0x1  }
0x371: {  	v21 =	vadd.s32 $0x20, v11;
	vm15 =	vle.f32 v12, v10;
	v12 =	vadd.s32 $0x4, v9  }
0x372: {  	vm5 =	vle.f32 v1, v16;
	vm4 =	vle.f32 v13, v18;
	v13 =	vsel vm15, v12, v9  }
0x373: {  	v19 =	vld.idx.msk [tilespmem:v19+s10+$0x0], $0xffff;
	v11 =	vsel vm4, v21, v11;
	v21 =	vsel vm5, v3, v2;
	v9 =	vshrl.u32 v13, $0x2  }
0x374: {  	v22 =	vsel vm5, $0x800, v0;
	v20 =	vld.idx.msk [tilespmem:v20+s10+$0x0], $0xffff;
	v12 =	vshrl.u32 v11, $0x5;
	vm6 =	vle.f32 v21, v16  }
0x375: {  	v21 =	vor.u32 $0x400, v22;
	v23 =	vsel vm6, v5, v4;
	v24 =	vsel vm6, v7, v6  }
0x376: {  	v21 =	vsel vm6, v21, v22;
	v22 =	vsel vm5, v24, v23  }
0x377: {  	v23 =	vor.u32 $0x200, v21;
	vm0 =	vle.f32 v22, v16  }
0x378: {  	vm7 =	vle.f32 v19, v17;
	v21 =	vsel vm0, v23, v21;
	v9 =	vld.idx.msk [tilespmem:v9+s14+$0x0], $0xffff  }
0x379: {  	v19 =	vadd.s32 $0x20, v15;
	vm8 =	vle.f32 v20, v8;
	v22 =	vld.idx.msk [tilespmem:v12+s11+$0x0], $0xffff;
	v20 =	vshrl.u32 v21, $0x9  }
0x37a: {  	v12 =	vadd.s32 $0x20, v14;
	v15 =	vsel vm8, v19, v15  }
0x37b: {  	v23 =	vsel vm7, v12, v14;
	v24 =	vshrl.u32 v15, $0x5  }
0x37c: {  	v12 =	vld [tilespmem:s1+$0xF520];
	v19 =	vshrl.u32 v23, $0x5  }
0x37d: {  	v14 =	vadd.s32 $0x2, v13;
	vm9 =	vle.f32 v9, v10;
	v9 =	vld [tilespmem:s1+$0xF530]  }
0x37e: {  	vm10 =	vle.f32 v22, v18;
	v22 =	vadd.s32 $0x10, v11;
	v20 =	vld.idx.msk [tilespmem:v20+s3+$0x0], $0xffff;
	v13 =	vsel vm9, v14, v13  }
0x37f: {  	v14 =	vld [tilespmem:s1+$0xF510];
	v11 =	vsel vm10, v22, v11;
	v22 =	vshrl.u32 v13, $0x1  }
0x380: {  	v24 =	vld.idx.msk [tilespmem:v24+s11+$0x0], $0xffff;
	v25 =	vshrl.u32 v11, $0x4  }
0x381: {  	vm11 =	vle.f32 v1, v12;
	v19 =	vld.idx.msk [tilespmem:v19+s11+$0x0], $0xffff  }
0x382: {  	v30 =	vor.u32 $0x100, v21;
	v26 =	vsel vm11, $0x800, v0;
	v27 =	vsel vm11, v3, v2  }
0x383: {  	v31 =	vor.u32 $0x400, v26;
	vm8 =	vle.f32 v27, v12;
	vm12 =	vle.f32 v1, v9  }
0x384: {  	vm13 =	vle.f32 v20, v16;
	vm0 =	vle.f32 v1, v14;
	v28 =	vsel vm12, $0x800, v0;
	v22 =	vld.idx.msk [tilespmem:v22+s15+$0x0], $0xffff  }
0x385: {  	v20 =	vsel vm13, v30, v21;
	vm15 =	vle.f32 v24, v8;
	v25 =	vld.idx.msk [tilespmem:v25+s12+$0x0], $0xffff;
	v29 =	vsel vm0, $0x800, v0  }
0x386: {  	vm14 =	vle.f32 v19, v17;
	v19 =	vadd.s32 $0x10, v23;
	v21 =	vsel vm0, v3, v2  }
0x387: {  	v30 =	vshrl.u32 v20, $0x8;
	v27 =	vor.u32 $0x400, v28;
	v19 =	vsel vm14, v19, v23  }
0x388: {  	vm10 =	vle.f32 v21, v14;
	v21 =	vsel vm8, v31, v26;
	v26 =	vsel vm8, v5, v4  }
0x389: {  	v31 =	vsel vm8, v7, v6;
	v23 =	vshrl.u32 v19, $0x4;
	vm4 =	vle.f32 v22, v10  }
0x38a: {  	v22 =	vadd.s32 $0x8, v11;
	vm5 =	vle.f32 v25, v18;
	v24 =	vsel vm4, $0x1, v0  }
0x38b: {  	v25 =	vadd.s32 $0x10, v15;
	v11 =	vsel vm5, v22, v11;
	v13 =	vadd.s32 v24, v13  }
0x38c: {  	v15 =	vsel vm15, v25, v15;
	v22 =	vshrl.u32 v11, $0x3;
	v13 =	vmax.u32 v13, $0x4  }
0x38d: {  	v57 =	vor.u32 $0x200, v21;
	v25 =	vshrl.u32 v15, $0x4;
	v13 =	vmin.u32 v13, $0xFFC  }
0x38e: {  	v26 =	vsel vm11, v31, v26;
	v62 =	vsel vm10, v7, v6;
	v23 =	vld.idx.msk [tilespmem:v23+s12+$0x0], $0xffff;
	v13 =	vadd.s32 $0xFFFFFFFF, v13  }
0x38f: {  	vm2 =	vle.f32 v26, v12;
	v26 =	vadd.s32 $0x8, v19;
	v24 =	vsel vm12, v3, v2  }
0x390: {  	v21 =	vsel vm2, v57, v21;
	v30 =	vld.idx.msk [tilespmem:v30+s8+$0x0], $0xffff;
	v60 =	vadd.s32 $0x4, v11;
	vm9 =	vle.f32 v24, v9  }
0x391: {  	v46 =	vadd.s32 $0x8, v15;
	v24 =	vor.u32 $0x400, v29;
	v27 =	vsel vm9, v27, v28;
	v22 =	vld.idx.msk [tilespmem:v22+s13+$0x0], $0xffff  }
0x392: {  	v28 =	vsel vm9, v5, v4;
	v56 =	vsel vm9, v7, v6;
	v24 =	vsel vm10, v24, v29;
	v25 =	vld.idx.msk [tilespmem:v25+s12+$0x0], $0xffff  }
0x393: {  	v29 =	vsel vm10, v5, v4;
	v28 =	vsel vm12, v56, v28;
	vm11 =	vle.f32 v23, v17;
	v58 =	vld.idx.msk [tilespmem:v13+s16+$0x0], $0xffff  }
0x394: {  	vm13 =	vle.f32 v28, v9;
	v28 =	vshrl.u32 v21, $0x9;
	v19 =	vsel vm11, v26, v19;
	v23 =	vld.idx.msk [tilespmem:v13+s17+$0x0], $0xffff  }
0x395: {  	v31 =	vor.u32 $0x200, v27;
	v29 =	vsel vm0, v62, v29;
	v59 =	vshrl.u32 v19, $0x3;
	v26 =	vld.idx.msk [tilespmem:v13+s18+$0x0], $0xffff  }
0x396: {  	vm15 =	vle.f32 v30, v16;
	vm0 =	vle.f32 v29, v14;
	v27 =	vsel vm13, v31, v27;
	v61 =	vld.idx.msk [tilespmem:v13+s20+$0x0], $0xffff  }
0x397: {  	v45 =	vshrl.u32 v27, $0x9;
	vm12 =	vle.f32 v22, v18;
	v22 =	vld.idx.msk [tilespmem:v13+s21+$0x0], $0xffff;
	vm14 =	vle.f32 v25, v8  }
0x398: {  	v63 =	vld.idx.msk [tilespmem:v13+s19+$0x0], $0xffff;
	v25 =	vor.u32 $0x200, v24;
	v11 =	vsel vm12, v60, v11;
	v15 =	vsel vm14, v46, v15  }
0x399: {  	v28 =	vld.idx.msk [tilespmem:v28+s3+$0x0], $0xffff;
	v24 =	vsel vm0, v25, v24;
	v25 =	vadd.s32 $0x80, v20;
	v31 =	vshrl.u32 v11, $0x2  }
0x39a: {  	v29 =	vshrl.u32 v15, $0x3;
	v32 =	vld.idx.msk [tilespmem:v59+s13+$0x0], $0xffff;
	v20 =	vsel vm15, v25, v20  }
0x39b: {  	v48 =	vshrl.u32 v20, $0x7  }
0x39c: {  	v25 =	vld.idx.msk [tilespmem:v45+s3+$0x0], $0xffff;
	v22 =	vsub.f32 v22, v26  }
0x39d: {  	v50 =	vadd.s32 $0x4, v19;
	v47 =	vsub.f32 v61, v23;
	v33 =	vsub.f32 v61, v26  }
0x39e: {  	v54 =	vsub.f32 v63, v23;
	v30 =	vld.idx.msk [tilespmem:v31+s14+$0x0], $0xffff;
	v31 =	vsub.f32 v63, v58;
	(erf) = vrcp.f32 v22  }
0x39f: {  	vm5 =	vle.f32 v28, v12;
	v29 =	vld.idx.msk [tilespmem:v29+s13+$0x0], $0xffff;
	vm4 =	vle.f32 v32, v17;
	(erf) = vrcp.f32 v47  }
0x3a0: {  	v22 =	vshrl.u32 v24, $0x9;
	v19 =	vsel vm4, v50, v19;
	v35 =	vld.idx.msk [tilespmem:v48+s9+$0x0], $0xffff;
	(erf) = vrcp.f32 v31  }
0x3a1: {  	v52 =	vld.idx.msk [tilespmem:v13+s24+$0x0], $0xffff;
	vm7 =	vle.f32 v25, v9;
	v31 =	vor.u32 $0x100, v21;
	v25 =	vshrl.u32 v19, $0x2  }
0x3a2: {  	v51 =	vor.u32 $0x100, v27;
	v53 =	vld.idx.msk [tilespmem:v13+s25+$0x0], $0xffff;
	(erf) = vrcp.f32 v33;
	v31 =	vsel vm5, v31, v21  }
0x3a3: {  	v28 =	vld.idx.msk [tilespmem:v13+s23+$0x0], $0xffff;
	(erf) = vrcp.f32 v54;
	vm6 =	vle.f32 v30, v18;
	v30 =	vadd.s32 $0x2, v11  }
0x3a4: {  	v13 =	vld.idx.msk [tilespmem:v13+s22+$0x0], $0xffff;
	vm8 =	vle.f32 v29, v8;
	v29 =	vsub.f32 v10, v26;
	v26 =	vsub.f32 v63, v26  }
0x3a5: {  	v22 =	vld.idx.msk [tilespmem:v22+s3+$0x0], $0xffff;
	v30 =	vsel vm6, v30, v11;
	v11 =	vadd.s32 $0x4, v15;
	vm10 =	vle.f32 v35, v16  }
0x3a6: {  	v55 =	vshrl.u32 v30, $0x1;
	v15 =	vsel vm8, v11, v15;
	v21 =	vld.idx.msk [tilespmem:v25+s14+$0x0], $0xffff;
	v25 =	vadd.s32 $0x40, v20  }
0x3a7: {  	v11 =	vsub.f32 v10, v23;
	v56 =	vshrl.u32 v15, $0x2;
	v63 =	vsel vm10, v25, v20;
	v23 =	vpop (erf)  }
0x3a8: {  	v39 =	vsub.f32 v53, v52;
	v10 =	vsub.f32 v10, v58;
	v44 =	vshrl.u32 v63, $0x6;
	v57 =	vpop (erf)  }
0x3a9: {  	v49 =	vor.u32 $0x100, v24;
	v59 =	vsub.f32 v52, v28;
	v60 =	vsub.f32 v28, v13;
	v58 =	vpop (erf)  }
0x3aa: {  	v23 =	vmul.f32 v23, v29;
	vm9 =	vle.f32 v22, v14;
	v10 =	vmul.f32 v58, v10  }
0x3ab: {  	v34 =	vmul.f32 v57, v11;
	(erf) = vrcp.f32 v26;
	v26 =	vsel vm9, v49, v24;
	v24 =	vld.idx.msk [tilespmem:v55+s15+$0x0], $0xffff  }
0x3ac: {  	v27 =	vsel vm7, v51, v27;
	v22 =	vmul.f32 v23, v39;
	v62 =	vld.idx.msk [tilespmem:v56+s14+$0x0], $0xffff;
	v10 =	vmul.f32 v10, v60  }
0x3ad: {  	v45 =	vadd.s32 $0x2, v19;
	v46 =	vadd.s32 $0x2, v15;
	v23 =	vmul.f32 v34, v59;
	v32 =	vld.idx.msk [tilespmem:v44+s10+$0x0], $0xffff  }
0x3ae: {  	v51 =	vadd.s32 $0x20, v63;
	v25 =	vshrl.u32 v26, $0x8;
	v22 =	vadd.f32 v22, v52  }
0x3af: {  	v61 =	vpop (erf);
	vm11 =	vle.f32 v21, v17;
	v23 =	vadd.f32 v23, v28;
	v13 =	vadd.f32 v10, v13  }
0x3b0: {  	v20 =	vmul.f32 v61, v29;
	v28 =	vshrl.u32 v31, $0x8;
	vm12 =	vle.f32 v24, v18;
	v10 =	vpop (erf)  }
0x3b1: {  	v10 =	vmul.f32 v10, v11;
	v11 =	vsub.f32 v22, v23;
	v22 =	vsub.f32 v23, v13  }
0x3b2: {  	vm13 =	vle.f32 v62, v8;
	v24 =	vsel vm12, $0x1, v0;
	vm15 =	vle.f32 v32, v16  }
0x3b3: {  	v32 =	vsel vm15, v51, v63;
	v20 =	vmul.f32 v11, v20;
	v22 =	vmul.f32 v22, v10  }
0x3b4: {  	s2 =	simm.s32 $0x80;
	v21 =	vsel vm11, v45, v19;
	v48 =	vld.idx.msk [tilespmem:v25+s8+$0x0], $0xffff;
	v19 =	vsel vm13, v46, v15;
	v54 =	vshrl.u32 v32, $0x5  }
0x3b5: {  	v15 =	vld [tilespmem:s2+$0xF500];
	v20 =	vadd.f32 v20, v23;
	v22 =	vadd.f32 v22, v13;
	v23 =	vadd.s32 v24, v30;
	v24 =	vpop (erf)  }
0x3b6: {  	v28 =	vld.idx.msk [tilespmem:v28+s8+$0x0], $0xffff;
	v30 =	vshrl.u32 v21, $0x1;
	v24 =	vmul.f32 v24, v29  }
0x3b7: {  	v11 =	vld [tilespmem:s2+$0xF520];
	v23 =	vmax.u32 v23, $0x4;
	v29 =	vshrl.u32 v19, $0x1;
	v20 =	vsub.f32 v20, v22  }
0x3b8: {  	v47 =	vshrl.u32 v27, $0x8;
	v10 =	vld [tilespmem:s2+$0xF530];
	v23 =	vmin.u32 v23, $0xFFC  }
0x3b9: {  	v13 =	vld [tilespmem:s2+$0xF510];
	v35 =	vadd.s32 $0xFFFFFFFF, v23;
	v20 =	vmul.f32 v20, v24  }
0x3ba: {  	v36 =	vld.idx.msk [tilespmem:v54+s11+$0x0], $0xffff  }
0x3bb: {  	v52 =	vadd.s32 $0x80, v26;
	vm8 =	vle.f32 v48, v14;
	v30 =	vld.idx.msk [tilespmem:v30+s15+$0x0], $0xffff;
	v23 =	vadd.f32 v20, v22  }
0x3bc: {  	v26 =	vsel vm8, v52, v26;
	vm14 =	vle.f32 v1, v15;
	v20 =	vld.idx.msk [tilespmem:v29+s15+$0x0], $0xffff  }
0x3bd: {  	v56 =	vshrl.u32 v26, $0x7;
	v50 =	vsel vm14, $0x800, v0;
	v29 =	vld.idx.msk [tilespmem:v47+s8+$0x0], $0xffff;
	[tilespmem:s0+$0x17500] =	vst v23  }
0x3be: {  	v53 =	vsel vm14, v3, v2;
	vm9 =	vle.f32 v28, v12;
	v28 =	vadd.s32 $0x80, v31;
	v38 =	vld.idx.msk [tilespmem:v35+s16+$0x0], $0xffff  }
0x3bf: {  	vm1 =	vle.f32 v1, v11;
	vm2 =	vle.f32 v1, v10;
	v28 =	vsel vm9, v28, v31;
	v40 =	vld.idx.msk [tilespmem:v35+s17+$0x0], $0xffff  }
0x3c0: {  	vm11 =	vle.f32 v53, v15;
	v58 =	vor.u32 $0x400, v50;
	v54 =	vadd.s32 $0x10, v32;
	v34 =	vld.idx.msk [tilespmem:v35+s18+$0x0], $0xffff  }
0x3c1: {  	v24 =	vsel vm1, $0x800, v0;
	v49 =	vsel vm1, v3, v2;
	v33 =	vsel vm2, v3, v2;
	v55 =	vld.idx.msk [tilespmem:v35+s21+$0x0], $0xffff  }
0x3c2: {  	v39 =	vsel vm11, v58, v50;
	v60 =	vsel vm11, v5, v4;
	v61 =	vsel vm11, v7, v6;
	v57 =	vld.idx.msk [tilespmem:v35+s20+$0x0], $0xffff  }
0x3c3: {  	v53 =	vadd.s32 $0x40, v28;
	vm0 =	vle.f32 v1, v13;
	v45 =	vor.u32 $0x400, v24;
	v31 =	vld.idx.msk [tilespmem:v35+s19+$0x0], $0xffff  }
0x3c4: {  	vm3 =	vle.f32 v49, v11;
	vm10 =	vle.f32 v29, v9;
	v29 =	vadd.s32 $0x80, v27  }
0x3c5: {  	v41 =	vsel vm14, v61, v60;
	v27 =	vsel vm10, v29, v27;
	v29 =	vshrl.u32 v28, $0x7  }
0x3c6: {  	v62 =	vor.u32 $0x200, v39;
	v22 =	vsel vm2, $0x800, v0;
	v42 =	vsub.f32 v55, v34  }
0x3c7: {  	v25 =	vsel vm0, v3, v2;
	vm4 =	vle.f32 v41, v15;
	v63 =	vsub.f32 v57, v40  }
0x3c8: {  	v43 =	vld.idx.msk [tilespmem:v56+s9+$0x0], $0xffff;
	v59 =	vshrl.u32 v27, $0x7;
	v51 =	vsub.f32 v31, v38;
	(erf) = vrcp.f32 v42  }
0x3c9: {  	v56 =	vadd.s32 $0x40, v26;
	v24 =	vsel vm3, v45, v24;
	v41 =	vld.idx.msk [tilespmem:v35+s24+$0x0], $0xffff;
	(erf) = vrcp.f32 v63  }
0x3ca: {  	v37 =	vor.u32 $0x400, v22;
	vm12 =	vle.f32 v36, v16;
	v29 =	vld.idx.msk [tilespmem:v29+s9+$0x0], $0xffff;
	(erf) = vrcp.f32 v51  }
0x3cb: {  	v39 =	vsel vm4, v62, v39;
	vm4 =	vle.f32 v33, v10;
	v32 =	vsel vm12, v54, v32;
	v44 =	vld.idx.msk [tilespmem:v35+s23+$0x0], $0xffff  }
0x3cc: {  	v23 =	vsel vm0, $0x800, v0;
	v46 =	vshrl.u32 v39, $0x9;
	v36 =	vshrl.u32 v32, $0x4;
	v55 =	vld.idx.msk [tilespmem:v35+s25+$0x0], $0xffff  }
0x3cd: {  	vm6 =	vle.f32 v43, v14;
	v57 =	vsub.f32 v57, v34;
	v58 =	vsub.f32 v31, v40;
	v52 =	vld.idx.msk [tilespmem:v59+s9+$0x0], $0xffff  }
0x3ce: {  	v26 =	vsel vm6, v56, v26;
	v35 =	vld.idx.msk [tilespmem:v35+s22+$0x0], $0xffff;
	v43 =	vsub.f32 v18, v34;
	v40 =	vsub.f32 v18, v40  }
0x3cf: {  	(erf) = vrcp.f32 v57;
	vm13 =	vle.f32 v29, v12;
	v29 =	vshrl.u32 v26, $0x6  }
0x3d0: {  	v18 =	vsub.f32 v18, v38;
	(erf) = vrcp.f32 v58;
	v28 =	vsel vm13, v53, v28  }
0x3d1: {  	v50 =	vsub.f32 v41, v44;
	v31 =	vsub.f32 v31, v34;
	v60 =	vshrl.u32 v28, $0x6;
	v62 =	vpop (erf)  }
0x3d2: {  	v59 =	vadd.s32 $0x40, v27;
	v61 =	vsub.f32 v55, v41;
	vm14 =	vle.f32 v52, v9;
	v52 =	vpop (erf)  }
0x3d3: {  	v36 =	vld.idx.msk [tilespmem:v36+s12+$0x0], $0xffff;
	v54 =	vsub.f32 v44, v35;
	v27 =	vsel vm14, v59, v27;
	v48 =	vmul.f32 v62, v43;
	v53 =	vpop (erf)  }
0x3d4: {  	v63 =	vshrl.u32 v27, $0x6;
	v29 =	vld.idx.msk [tilespmem:v29+s10+$0x0], $0xffff;
	v38 =	vmul.f32 v52, v40;
	v18 =	vmul.f32 v53, v18  }
0x3d5: {  	vm12 =	vle.f32 v30, v17;
	(erf) = vrcp.f32 v31;
	v47 =	vmul.f32 v48, v61  }
0x3d6: {  	v30 =	vsel vm12, $0x1, v0;
	v31 =	vld.idx.msk [tilespmem:v60+s10+$0x0], $0xffff;
	v38 =	vmul.f32 v38, v50;
	v18 =	vmul.f32 v18, v54  }
0x3d7: {  	v21 =	vadd.s32 v30, v21;
	v56 =	vadd.s32 $0x20, v26;
	v41 =	vadd.f32 v47, v41  }
0x3d8: {  	v57 =	vadd.s32 $0x8, v32;
	v60 =	vpop (erf);
	v59 =	vadd.f32 v38, v44;
	v18 =	vadd.f32 v18, v35  }
0x3d9: {  	vm15 =	vle.f32 v36, v16;
	v58 =	vld.idx.msk [tilespmem:v63+s10+$0x0], $0xffff;
	v61 =	vmul.f32 v60, v43;
	v62 =	vpop (erf);
	vm9 =	vle.f32 v29, v14  }
0x3da: {  	v35 =	vmul.f32 v62, v40;
	v38 =	vsub.f32 v41, v59;
	v63 =	vsub.f32 v59, v18  }
0x3db: {  	v29 =	vsel vm15, v57, v32;
	v26 =	vsel vm9, v56, v26;
	vm10 =	vle.f32 v31, v12  }
0x3dc: {  	v31 =	vshrl.u32 v29, $0x3;
	v32 =	vmul.f32 v38, v61;
	v35 =	vmul.f32 v63, v35  }
0x3dd: {  	v51 =	vadd.s32 $0x20, v28;
	v55 =	vadd.s32 $0x20, v27;
	v34 =	vshrl.u32 v26, $0x5  }
0x3de: {  	vm11 =	vle.f32 v58, v9;
	v32 =	vadd.f32 v32, v59;
	v18 =	vadd.f32 v35, v18  }
0x3df: {  	v21 =	vmax.u32 v21, $0x4;
	v28 =	vsel vm10, v51, v28;
	v41 =	vpop (erf);
	v27 =	vsel vm11, v55, v27  }
0x3e0: {  	v44 =	vshrl.u32 v28, $0x5;
	v30 =	vmul.f32 v41, v43;
	v32 =	vsub.f32 v32, v18  }
0x3e1: {  	v21 =	vmin.u32 v21, $0xFFC;
	vm13 =	vle.f32 v25, v13;
	v25 =	vshrl.u32 v27, $0x5;
	v31 =	vld.idx.msk [tilespmem:v31+s13+$0x0], $0xffff  }
0x3e2: {  	v21 =	vadd.s32 $0xFFFFFFFF, v21;
	v42 =	vor.u32 $0x400, v23;
	v34 =	vld.idx.msk [tilespmem:v34+s11+$0x0], $0xffff;
	v30 =	vmul.f32 v32, v30  }
0x3e3: {  	v49 =	vsel vm3, v7, v6;
	v22 =	vsel vm4, v37, v22;
	v23 =	vsel vm13, v42, v23;
	v47 =	vld.idx.msk [tilespmem:v46+s3+$0x0], $0xffff  }
0x3e4: {  	v52 =	vsel vm13, v7, v6;
	v48 =	vsel vm3, v5, v4;
	v18 =	vadd.f32 v30, v18  }
0x3e5: {  	v53 =	vor.u32 $0x100, v39;
	v50 =	vsel vm4, v5, v4;
	v54 =	vor.u32 $0x200, v24;
	v33 =	vld.idx.msk [tilespmem:v44+s11+$0x0], $0xffff  }
0x3e6: {  	v56 =	vor.u32 $0x200, v22;
	v25 =	vld.idx.msk [tilespmem:v25+s11+$0x0], $0xffff;
	vm14 =	vle.f32 v31, v16;
	v31 =	vadd.s32 $0x4, v29;
	[tilespmem:s0+$0x17510] =	vst v18  }
0x3e7: {  	vm15 =	vle.f32 v34, v14;
	v29 =	vsel vm14, v31, v29;
	v18 =	vadd.s32 $0x10, v26;
	v31 =	vld.idx.msk [tilespmem:v21+s16+$0x0], $0xffff  }
0x3e8: {  	vm7 =	vle.f32 v47, v15;
	v18 =	vsel vm15, v18, v26;
	v26 =	vshrl.u32 v29, $0x2;
	v32 =	vld.idx.msk [tilespmem:v21+s17+$0x0], $0xffff  }
0x3e9: {  	v51 =	vsel vm4, v7, v6;
	v61 =	vor.u32 $0x200, v23;
	v39 =	vsel vm7, v53, v39;
	v42 =	vld.idx.msk [tilespmem:v21+s18+$0x0], $0xffff  }
0x3ea: {  	v37 =	vsel vm2, v51, v50;
	v57 =	vshrl.u32 v39, $0x8;
	v59 =	vadd.s32 $0x10, v28;
	v58 =	vld.idx.msk [tilespmem:v21+s21+$0x0], $0xffff  }
0x3eb: {  	vm12 =	vle.f32 v37, v10;
	v35 =	vsel vm1, v49, v48;
	v30 =	vsel vm13, v5, v4;
	v60 =	vld.idx.msk [tilespmem:v21+s20+$0x0], $0xffff  }
0x3ec: {  	v30 =	vsel vm0, v52, v30;
	vm8 =	vle.f32 v33, v12;
	v33 =	vld.idx.msk [tilespmem:v21+s19+$0x0], $0xffff;
	v55 =	vshrl.u32 v18, $0x4  }
0x3ed: {  	v36 =	vsel vm12, v56, v22;
	vm10 =	vle.f32 v35, v11;
	vm11 =	vle.f32 v30, v13;
	v26 =	vld.idx.msk [tilespmem:v26+s14+$0x0], $0xffff  }
0x3ee: {  	v28 =	vsel vm8, v59, v28;
	vm9 =	vle.f32 v25, v9;
	v25 =	vadd.s32 $0x10, v27  }
0x3ef: {  	v30 =	vsel vm10, v54, v24;
	v24 =	vld.idx.msk [tilespmem:v57+s8+$0x0], $0xffff;
	v25 =	vsel vm9, v25, v27;
	v27 =	vshrl.u32 v28, $0x4  }
0x3f0: {  	v48 =	vadd.s32 $0x80, v39;
	v62 =	vshrl.u32 v25, $0x4;
	v22 =	vsub.f32 v58, v42  }
0x3f1: {  	v53 =	vshrl.u32 v36, $0x9;
	v49 =	vsub.f32 v60, v32;
	v51 =	vsub.f32 v33, v31;
	v63 =	vld.idx.msk [tilespmem:v55+s12+$0x0], $0xffff  }
0x3f2: {  	(erf) = vrcp.f32 v22;
	vm13 =	vle.f32 v26, v16;
	v26 =	vadd.s32 $0x2, v29  }
0x3f3: {  	v37 =	vsel vm11, v61, v23;
	v52 =	vld.idx.msk [tilespmem:v21+s25+$0x0], $0xffff;
	(erf) = vrcp.f32 v49;
	v26 =	vsel vm13, v26, v29  }
0x3f4: {  	vm15 =	vle.f32 v24, v15;
	v22 =	vld.idx.msk [tilespmem:v27+s12+$0x0], $0xffff;
	(erf) = vrcp.f32 v51;
	v24 =	vshrl.u32 v26, $0x1  }
0x3f5: {  	v23 =	vshrl.u32 v30, $0x9;
	v50 =	vadd.s32 $0x8, v18;
	v59 =	vadd.s32 $0x8, v25;
	v27 =	vld.idx.msk [tilespmem:v62+s12+$0x0], $0xffff  }
0x3f6: {  	v57 =	vld.idx.msk [tilespmem:v21+s23+$0x0], $0xffff;
	v41 =	vsel vm15, v48, v39;
	v38 =	vsub.f32 v60, v42;
	vm14 =	vle.f32 v63, v14  }
0x3f7: {  	v58 =	vadd.s32 $0x8, v28;
	v60 =	vsub.f32 v33, v32;
	v29 =	vld.idx.msk [tilespmem:v21+s24+$0x0], $0xffff;
	v18 =	vsel vm14, v50, v18  }
0x3f8: {  	v32 =	vsub.f32 v17, v32;
	v33 =	vsub.f32 v33, v42;
	v21 =	vld.idx.msk [tilespmem:v21+s22+$0x0], $0xffff;
	v54 =	vshrl.u32 v18, $0x3  }
0x3f9: {  	v55 =	vshrl.u32 v37, $0x9;
	(erf) = vrcp.f32 v38;
	vm4 =	vle.f32 v22, v12;
	v22 =	vld.idx.msk [tilespmem:v24+s15+$0x0], $0xffff  }
0x3fa: {  	v56 =	vshrl.u32 v41, $0x7;
	(erf) = vrcp.f32 v60;
	vm5 =	vle.f32 v27, v9  }
0x3fb: {  	v27 =	vsel vm4, v58, v28;
	v45 =	vsel vm5, v59, v25;
	v25 =	vsub.f32 v17, v42;
	v61 =	vpop (erf)  }
0x3fc: {  	v17 =	vsub.f32 v17, v31;
	v49 =	vadd.s32 $0x4, v18;
	v28 =	vsub.f32 v52, v29;
	v31 =	vpop (erf)  }
0x3fd: {  	v63 =	vsub.f32 v29, v57;
	v35 =	vmul.f32 v61, v25;
	v34 =	vld.idx.msk [tilespmem:v54+s13+$0x0], $0xffff;
	v47 =	vpop (erf);
	v31 =	vmul.f32 v31, v32  }
0x3fe: {  	v48 =	vsub.f32 v57, v21;
	v17 =	vmul.f32 v47, v17;
	vm6 =	vle.f32 v22, v16  }
0x3ff: {  	v28 =	vmul.f32 v35, v28;
	v22 =	vmul.f32 v31, v63;
	v31 =	vsel vm6, $0x1, v0  }
0x400: {  	(erf) = vrcp.f32 v33;
	v17 =	vmul.f32 v17, v48;
	v26 =	vadd.s32 v31, v26  }
0x401: {  	v62 =	vshrl.u32 v45, $0x3;
	v24 =	vshrl.u32 v27, $0x3;
	v28 =	vadd.f32 v28, v29  }
0x402: {  	vm7 =	vle.f32 v34, v14;
	v17 =	vadd.f32 v17, v21;
	v21 =	vpop (erf);
	v22 =	vadd.f32 v22, v57  }
0x403: {  	v29 =	vsel vm7, v49, v18;
	v21 =	vmul.f32 v21, v25;
	v18 =	vmax.u32 v26, $0x4;
	v26 =	vpop (erf)  }
0x404: {  	v51 =	vld.idx.msk [tilespmem:v53+s3+$0x0], $0xffff;
	v28 =	vsub.f32 v28, v22;
	v50 =	vsub.f32 v22, v17;
	v26 =	vmul.f32 v26, v32  }
0x405: {  	v53 =	vld.idx.msk [tilespmem:v55+s3+$0x0], $0xffff;
	v52 =	vshrl.u32 v29, $0x2;
	v18 =	vmin.u32 v18, $0xFFC  }
0x406: {  	v31 =	vld.idx.msk [tilespmem:v23+s3+$0x0], $0xffff;
	v23 =	vadd.s32 $0xFFFFFFFF, v18;
	v18 =	vmul.f32 v28, v21;
	v21 =	vmul.f32 v50, v26  }
0x407: {  	vm8 =	vle.f32 v20, v8;
	v43 =	vld.idx.msk [tilespmem:v56+s9+$0x0], $0xffff  }
0x408: {  	v20 =	vld.idx.msk [tilespmem:v24+s13+$0x0], $0xffff;
	v24 =	vsel vm8, $0x1, v0;
	v18 =	vadd.f32 v18, v22;
	v26 =	vadd.f32 v21, v17  }
0x409: {  	v54 =	vld.idx.msk [tilespmem:v62+s13+$0x0], $0xffff;
	v19 =	vadd.s32 v24, v19;
	v17 =	vpop (erf)  }
0x40a: {  	v19 =	vmax.u32 v19, $0x4;
	v28 =	vld.idx.msk [tilespmem:v52+s14+$0x0], $0xffff;
	v21 =	vmul.f32 v17, v25;
	v18 =	vsub.f32 v18, v26  }
0x40b: {  	v24 =	vld.idx.msk [tilespmem:v23+s16+$0x0], $0xffff;
	v17 =	vmin.u32 v19, $0xFFC  }
0x40c: {  	v38 =	vld.idx.msk [tilespmem:v23+s17+$0x0], $0xffff;
	v17 =	vadd.s32 $0xFFFFFFFF, v17;
	v18 =	vmul.f32 v18, v21  }
0x40d: {  	v22 =	vld.idx.msk [tilespmem:v23+s19+$0x0], $0xffff  }
0x40e: {  	v40 =	vld.idx.msk [tilespmem:v23+s20+$0x0], $0xffff;
	v18 =	vadd.f32 v18, v26  }
0x40f: {  	v25 =	vld.idx.msk [tilespmem:v23+s21+$0x0], $0xffff  }
0x410: {  	v55 =	vor.u32 $0x100, v30;
	v56 =	vor.u32 $0x100, v36;
	vm12 =	vle.f32 v51, v10;
	v21 =	vld.idx.msk [tilespmem:v23+s18+$0x0], $0xffff;
	[tilespmem:s0+$0x17520] =	vst v18  }
0x411: {  	vm13 =	vle.f32 v53, v13;
	vm10 =	vle.f32 v20, v12;
	v20 =	vadd.s32 $0x4, v27;
	v18 =	vld.idx.msk [tilespmem:v17+s16+$0x0], $0xffff  }
0x412: {  	vm14 =	vle.f32 v43, v15;
	v62 =	vadd.s32 $0x4, v45;
	v32 =	vsel vm10, v20, v27;
	v19 =	vld.idx.msk [tilespmem:v17+s17+$0x0], $0xffff  }
0x413: {  	v27 =	vadd.s32 $0x2, v29;
	v57 =	vshrl.u32 v32, $0x2;
	vm11 =	vle.f32 v28, v14;
	v20 =	vld.idx.msk [tilespmem:v17+s18+$0x0], $0xffff  }
0x414: {  	vm15 =	vle.f32 v54, v9;
	vm9 =	vle.f32 v31, v11;
	v34 =	vsel vm11, v27, v29;
	v58 =	vld.idx.msk [tilespmem:v17+s21+$0x0], $0xffff  }
0x415: {  	v27 =	vsel vm9, v55, v30;
	v59 =	vshrl.u32 v34, $0x1;
	v42 =	vld.idx.msk [tilespmem:v17+s20+$0x0], $0xffff;
	v25 =	vsub.f32 v25, v21  }
0x416: {  	v33 =	vshrl.u32 v27, $0x8;
	v29 =	vsub.f32 v40, v38;
	v26 =	vor.u32 $0x100, v37;
	v39 =	vld.idx.msk [tilespmem:v17+s19+$0x0], $0xffff  }
0x417: {  	v60 =	vsub.f32 v22, v24;
	v28 =	vsel vm13, v26, v37;
	(erf) = vrcp.f32 v25  }
0x418: {  	v43 =	vld.idx.msk [tilespmem:v57+s14+$0x0], $0xffff;
	v26 =	vsel vm12, v56, v36;
	v36 =	vsel vm15, v62, v45;
	(erf) = vrcp.f32 v29  }
0x419: {  	v37 =	vadd.s32 $0x2, v32;
	v45 =	vld.idx.msk [tilespmem:v23+s25+$0x0], $0xffff;
	(erf) = vrcp.f32 v60;
	v61 =	vsub.f32 v58, v20  }
0x41a: {  	v30 =	vshrl.u32 v26, $0x8;
	v44 =	vld.idx.msk [tilespmem:v59+s15+$0x0], $0xffff;
	v25 =	vadd.s32 $0x40, v41;
	v63 =	vsub.f32 v42, v19  }
0x41b: {  	v29 =	vsel vm14, v25, v41;
	v25 =	vld.idx.msk [tilespmem:v23+s23+$0x0], $0xffff;
	v46 =	vsub.f32 v39, v18;
	(erf) = vrcp.f32 v61  }
0x41c: {  	s5 =	simm.s32 $0x300;
	s7 =	smov.u32 s26;
	v31 =	vshrl.u32 v28, $0x8;
	v41 =	vld.idx.msk [tilespmem:v23+s24+$0x0], $0xffff;
	v35 =	vshrl.u32 v29, $0x6;
	(erf) = vrcp.f32 v63  }
.LBB2_5:
0x41d: {  	p0 =	sne.s32 s5, $0xFF00;
	v47 =	vshrl.u32 v36, $0x2;
	v48 =	vadd.s32 $0x2, v36;
	v49 =	vld.idx.msk [tilespmem:v17+s24+$0x0], $0xffff;
	(erf) = vrcp.f32 v46  }
0x41e: {  	vm0 =	vle.f32 v43, v12;
	v43 =	vsub.f32 v16, v21;
	v40 =	vsub.f32 v40, v21;
	v46 =	vld.idx.msk [tilespmem:v17+s25+$0x0], $0xffff  }
0x41f: {  	vm1 =	vle.f32 v44, v14;
	v44 =	vsub.f32 v16, v38;
	v38 =	vsub.f32 v22, v38  }
0x420: {  	v52 =	vsub.f32 v16, v24;
	v42 =	vsub.f32 v42, v20;
	v24 =	vpop (erf);
	(erf) = vrcp.f32 v40;
	v40 =	vld.idx.msk [tilespmem:v17+s23+$0x0], $0xffff  }
0x421: {  	v24 =	vmul.f32 v24, v43;
	v50 =	vpop (erf);
	(erf) = vrcp.f32 v38;
	v17 =	vld.idx.msk [tilespmem:v17+s22+$0x0], $0xffff;
	v38 =	vsub.f32 v39, v19  }
0x422: {  	v53 =	vsub.f32 v45, v41;
	v23 =	vld.idx.msk [tilespmem:v23+s22+$0x0], $0xffff;
	v50 =	vmul.f32 v50, v44;
	v51 =	vpop (erf);
	(erf) = vrcp.f32 v42  }
0x423: {  	v16 =	vmovc v15;
	v42 =	vmul.f32 v51, v52;
	v51 =	vsub.f32 v41, v25;
	(erf) = vrcp.f32 v38  }
0x424: {  	v15 =	vmul.f32 v24, v53;
	v24 =	vsub.f32 v8, v20;
	v38 =	vsub.f32 v46, v49;
	v45 =	vpop (erf)  }
0x425: {  	v19 =	vsub.f32 v8, v19;
	v52 =	vsub.f32 v8, v18;
	v46 =	vmul.f32 v50, v51;
	v18 =	vpop (erf)  }
0x426: {  	v53 =	vsub.f32 v39, v20;
	v45 =	vmul.f32 v45, v24;
	v50 =	vsub.f32 v49, v40;
	v39 =	vpop (erf)  }
0x427: {  	v8 =	vmovc v9;
	v18 =	vmul.f32 v18, v19;
	v51 =	vsub.f32 v40, v17;
	v39 =	vmul.f32 v39, v52  }
0x428: {  	v9 =	vmovc v10;
	v52 =	vsub.f32 v25, v23;
	v38 =	vmul.f32 v45, v38;
	(erf) = vrcp.f32 v53  }
0x429: {  	v10 =	vsub.f32 v22, v21;
	v45 =	vmul.f32 v18, v50;
	v20 =	vpop (erf);
	v21 =	vmul.f32 v39, v51  }
0x42a: {  	v15 =	vadd.f32 v15, v41;
	v39 =	vmul.f32 v42, v52;
	v38 =	vadd.f32 v38, v49;
	v22 =	vld.idx.msk [tilespmem:v47+s14+$0x0], $0xffff;
	v41 =	vpop (erf)  }
0x42b: {  	(erf) = vrcp.f32 v10;
	v10 =	vadd.f32 v45, v40;
	v17 =	vadd.f32 v21, v17;
	v18 =	vpop (erf)  }
0x42c: {  	v21 =	vadd.f32 v46, v25;
	v23 =	vadd.f32 v39, v23;
	v18 =	vmul.f32 v18, v24;
	v25 =	vpop (erf)  }
0x42d: {  	v19 =	vmul.f32 v25, v19;
	v25 =	vsub.f32 v38, v10;
	v38 =	vsub.f32 v10, v17  }
0x42e: {  	v20 =	vmul.f32 v20, v43;
	v39 =	vmul.f32 v41, v44;
	v15 =	vsub.f32 v15, v21  }
0x42f: {  	v40 =	vsub.f32 v21, v23;
	v18 =	vmul.f32 v25, v18;
	v19 =	vmul.f32 v38, v19  }
0x430: {  	vm2 =	vle.f32 v22, v8;
	v22 =	vsel vm1, $0x1, v0;
	v15 =	vmul.f32 v15, v20  }
0x431: {  	s6 =	sshra.s32 s5, $0x2;
	v25 =	vmul.f32 v40, v39;
	v38 =	vadd.f32 v18, v10;
	v19 =	vadd.f32 v19, v17;
	v17 =	vpop (erf)  }
0x432: {  	v20 =	vsel vm0, v37, v32;
	v22 =	vadd.s32 v22, v34;
	v21 =	vadd.f32 v15, v21;
	v18 =	vld [tilespmem:s6+$0xF520]  }
0x433: {  	v23 =	vadd.f32 v25, v23;
	v24 =	vmul.f32 v17, v24;
	v10 =	vld [tilespmem:s6+$0xF530];
	v25 =	vsub.f32 v38, v19  }
0x434: {  	v34 =	vshrl.u32 v20, $0x1;
	v22 =	vmax.u32 v22, $0x4;
	v17 =	vsel vm2, v48, v36;
	v32 =	vld [tilespmem:s6+$0xF510];
	v36 =	vpop (erf)  }
0x435: {  	v21 =	vsub.f32 v21, v23;
	v15 =	vld [tilespmem:s6+$0xF500];
	v36 =	vmul.f32 v36, v43;
	v24 =	vmul.f32 v25, v24  }
0x436: {  	v22 =	vmin.u32 v22, $0xFFC;
	v37 =	vshrl.u32 v17, $0x1;
	v33 =	vld.idx.msk [tilespmem:v33+s8+$0x0], $0xffff  }
0x437: {  	v38 =	vadd.s32 $0xFFFFFFFF, v22;
	v35 =	vld.idx.msk [tilespmem:v35+s10+$0x0], $0xffff;
	v21 =	vmul.f32 v21, v36;
	v19 =	vadd.f32 v24, v19  }
0x438: {  	v31 =	vld.idx.msk [tilespmem:v31+s8+$0x0], $0xffff  }
0x439: {  	vm1 =	vle.f32 v1, v18;
	v30 =	vld.idx.msk [tilespmem:v30+s8+$0x0], $0xffff;
	v21 =	vadd.f32 v21, v23;
	[tilespmem:s0+$0x17530] =	vst v19;
	s0 =	smov.u32 s1;
	s1 =	smov.u32 s2;
	s2 =	smov.u32 s6  }
0x43a: {  	vm2 =	vle.f32 v1, v10;
	vm0 =	vle.f32 v1, v32;
	vm4 =	vle.f32 v1, v15;
	v25 =	vld.idx.msk [tilespmem:v34+s15+$0x0], $0xffff  }
0x43b: {  	v23 =	vsel vm1, $0x800, v0;
	v22 =	vsel vm2, $0x800, v0;
	v34 =	vsel vm1, v3, v2;
	v19 =	vld.idx.msk [tilespmem:v37+s15+$0x0], $0xffff;
	[tilespmem:s0+$0x17500] =	vst v21  }
0x43c: {  	v36 =	vsel vm2, v3, v2;
	v24 =	vsel vm0, v3, v2;
	v21 =	vsel vm0, $0x800, v0;
	v37 =	vld.idx.msk [tilespmem:v38+s16+$0x0], $0xffff  }
0x43d: {  	v39 =	vsel vm4, $0x800, v0;
	vm3 =	vle.f32 v35, v16;
	v35 =	vadd.s32 $0x20, v29;
	v40 =	vld.idx.msk [tilespmem:v38+s17+$0x0], $0xffff  }
0x43e: {  	vm5 =	vle.f32 v31, v13;
	v31 =	vadd.s32 $0x80, v28;
	v29 =	vsel vm3, v35, v29;
	v35 =	vld.idx.msk [tilespmem:v38+s18+$0x0], $0xffff  }
0x43f: {  	v41 =	vsel vm4, v3, v2;
	v31 =	vsel vm5, v31, v28;
	v42 =	vshrl.u32 v29, $0x5;
	v43 =	vld.idx.msk [tilespmem:v38+s21+$0x0], $0xffff  }
0x440: {  	vm3 =	vle.f32 v33, v11;
	v28 =	vadd.s32 $0x80, v27;
	v33 =	vshrl.u32 v31, $0x7;
	v44 =	vld.idx.msk [tilespmem:v38+s20+$0x0], $0xffff  }
0x441: {  	v45 =	vsel vm3, v28, v27;
	vm3 =	vle.f32 v30, v9;
	v28 =	vadd.s32 $0x80, v26;
	v30 =	vld.idx.msk [tilespmem:v38+s19+$0x0], $0xffff  }
0x442: {  	v27 =	vor.u32 $0x400, v23;
	v46 =	vsel vm3, v28, v26;
	v26 =	vshrl.u32 v45, $0x7  }
0x443: {  	vm5 =	vle.f32 v41, v15;
	v28 =	vor.u32 $0x400, v39;
	v41 =	vshrl.u32 v46, $0x7  }
0x444: {  	vm3 =	vle.f32 v34, v18;
	v39 =	vsel vm5, v28, v39;
	v28 =	vor.u32 $0x400, v22;
	v34 =	vld.idx.msk [tilespmem:v42+s11+$0x0], $0xffff  }
0x445: {  	v47 =	vsel vm5, v7, v6;
	v42 =	vsel vm5, v5, v4;
	v43 =	vsub.f32 v43, v35;
	v33 =	vld.idx.msk [tilespmem:v33+s9+$0x0], $0xffff  }
0x446: {  	v42 =	vsel vm4, v47, v42;
	v47 =	vor.u32 $0x200, v39;
	v48 =	vsub.f32 v44, v40  }
0x447: {  	vm4 =	vle.f32 v42, v15;
	v49 =	vsub.f32 v30, v37;
	v42 =	vld.idx.msk [tilespmem:v26+s9+$0x0], $0xffff;
	(erf) = vrcp.f32 v43  }
0x448: {  	v26 =	vsel vm4, v47, v39;
	vm4 =	vle.f32 v36, v10;
	v36 =	vld.idx.msk [tilespmem:v41+s9+$0x0], $0xffff;
	(erf) = vrcp.f32 v48  }
0x449: {  	v39 =	vor.u32 $0x400, v21;
	v41 =	vshrl.u32 v26, $0x9;
	v43 =	vld.idx.msk [tilespmem:v38+s24+$0x0], $0xffff;
	(erf) = vrcp.f32 v49  }
0x44a: {  	v47 =	vadd.s32 $0x40, v45;
	vm5 =	vle.f32 v34, v16;
	v34 =	vadd.s32 $0x10, v29;
	v48 =	vld.idx.msk [tilespmem:v38+s25+$0x0], $0xffff  }
0x44b: {  	vm6 =	vle.f32 v33, v13;
	v33 =	vadd.s32 $0x40, v31;
	v29 =	vsel vm5, v34, v29  }
0x44c: {  	v44 =	vsub.f32 v44, v35;
	v31 =	vsel vm6, v33, v31;
	v33 =	vshrl.u32 v29, $0x4;
	v34 =	vld.idx.msk [tilespmem:v38+s23+$0x0], $0xffff  }
0x44d: {  	v49 =	vsub.f32 v30, v40;
	vm5 =	vle.f32 v42, v11;
	v42 =	vshrl.u32 v31, $0x6;
	v38 =	vld.idx.msk [tilespmem:v38+s22+$0x0], $0xffff  }
0x44e: {  	v45 =	vsel vm5, v47, v45;
	v47 =	vadd.s32 $0x40, v46;
	(erf) = vrcp.f32 v44  }
0x44f: {  	vm5 =	vle.f32 v36, v9;
	v36 =	vshrl.u32 v45, $0x6;
	(erf) = vrcp.f32 v49  }
0x450: {  	v44 =	vsel vm5, v47, v46;
	v46 =	vsub.f32 v14, v35;
	v47 =	vsub.f32 v48, v43;
	v48 =	vpop (erf)  }
0x451: {  	v52 =	vsub.f32 v14, v37;
	v40 =	vsub.f32 v14, v40;
	v49 =	vshrl.u32 v44, $0x6;
	v33 =	vld.idx.msk [tilespmem:v33+s12+$0x0], $0xffff;
	v37 =	vpop (erf)  }
0x452: {  	v30 =	vsub.f32 v30, v35;
	v48 =	vmul.f32 v48, v46;
	v50 =	vsub.f32 v43, v34;
	v42 =	vld.idx.msk [tilespmem:v42+s10+$0x0], $0xffff;
	v35 =	vpop (erf)  }
0x453: {  	v14 =	vmovc v13;
	v37 =	vmul.f32 v37, v40;
	v51 =	vsub.f32 v34, v38;
	v35 =	vmul.f32 v35, v52  }
0x454: {  	v13 =	vmovc v32;
	v52 =	vadd.s32 $0x20, v45;
	v47 =	vmul.f32 v48, v47;
	v36 =	vld.idx.msk [tilespmem:v36+s10+$0x0], $0xffff;
	(erf) = vrcp.f32 v30  }
0x455: {  	v30 =	vadd.s32 $0x20, v44;
	v32 =	vmul.f32 v37, v50;
	v50 =	vmul.f32 v35, v51  }
0x456: {  	v48 =	vadd.s32 $0x20, v31;
	v43 =	vadd.f32 v47, v43;
	v37 =	vld.idx.msk [tilespmem:v49+s10+$0x0], $0xffff;
	v49 =	vadd.s32 $0x8, v29  }
0x457: {  	vm5 =	vle.f32 v33, v16;
	v32 =	vadd.f32 v32, v34;
	v33 =	vadd.f32 v50, v38;
	v34 =	vpop (erf)  }
0x458: {  	vm6 =	vle.f32 v42, v14;
	v29 =	vsel vm5, v49, v29;
	v34 =	vmul.f32 v34, v46;
	v35 =	vpop (erf)  }
0x459: {  	v38 =	vsub.f32 v43, v32;
	v35 =	vmul.f32 v35, v40;
	v40 =	vsub.f32 v32, v33  }
0x45a: {  	v31 =	vsel vm6, v48, v31;
	vm5 =	vle.f32 v36, v11;
	v36 =	vshrl.u32 v29, $0x3  }
0x45b: {  	v42 =	vshrl.u32 v31, $0x5;
	v43 =	vmul.f32 v38, v34;
	v35 =	vmul.f32 v40, v35  }
0x45c: {  	vm6 =	vle.f32 v25, v12;
	v38 =	vsel vm5, v52, v45;
	vm5 =	vle.f32 v37, v9  }
0x45d: {  	v25 =	vsel vm6, $0x1, v0;
	v32 =	vadd.f32 v43, v32;
	v33 =	vadd.f32 v35, v33;
	v34 =	vpop (erf)  }
0x45e: {  	v20 =	vadd.s32 v25, v20;
	v30 =	vsel vm5, v30, v44;
	v35 =	vshrl.u32 v38, $0x5  }
0x45f: {  	v20 =	vmax.u32 v20, $0x4;
	v34 =	vmul.f32 v34, v46;
	v25 =	vld.idx.msk [tilespmem:v36+s13+$0x0], $0xffff;
	v32 =	vsub.f32 v32, v33  }
0x460: {  	vm5 =	vle.f32 v24, v13;
	v20 =	vmin.u32 v20, $0xFFC;
	v24 =	vshrl.u32 v30, $0x5;
	v36 =	vld.idx.msk [tilespmem:v42+s11+$0x0], $0xffff  }
0x461: {  	v23 =	vsel vm3, v27, v23;
	v20 =	vadd.s32 $0xFFFFFFFF, v20;
	v27 =	vld.idx.msk [tilespmem:v41+s3+$0x0], $0xffff;
	v32 =	vmul.f32 v32, v34  }
0x462: {  	v22 =	vsel vm4, v28, v22;
	v37 =	vsel vm3, v7, v6;
	v34 =	vsel vm3, v5, v4  }
0x463: {  	v28 =	vsel vm4, v5, v4;
	v40 =	vsel vm4, v7, v6;
	v32 =	vadd.f32 v32, v33  }
0x464: {  	v21 =	vsel vm5, v39, v21;
	v39 =	vsel vm5, v7, v6;
	v33 =	vsel vm5, v5, v4;
	v35 =	vld.idx.msk [tilespmem:v35+s11+$0x0], $0xffff  }
0x465: {  	v41 =	vor.u32 $0x100, v26;
	vm3 =	vle.f32 v25, v16;
	v25 =	vadd.s32 $0x4, v29;
	v24 =	vld.idx.msk [tilespmem:v24+s11+$0x0], $0xffff;
	[tilespmem:s0+$0x17510] =	vst v32  }
0x466: {  	vm4 =	vle.f32 v36, v14;
	v32 =	vadd.s32 $0x10, v31;
	v36 =	vsel vm3, v25, v29;
	v42 =	vld.idx.msk [tilespmem:v20+s16+$0x0], $0xffff  }
0x467: {  	vm3 =	vle.f32 v27, v15;
	v27 =	vsel vm4, v32, v31;
	v25 =	vshrl.u32 v36, $0x2;
	v31 =	vld.idx.msk [tilespmem:v20+s17+$0x0], $0xffff  }
0x468: {  	v29 =	vor.u32 $0x200, v23;
	v32 =	vsel vm3, v41, v26;
	v26 =	vshrl.u32 v27, $0x4;
	v41 =	vld.idx.msk [tilespmem:v20+s18+$0x0], $0xffff  }
0x469: {  	v34 =	vsel vm1, v37, v34;
	v37 =	vor.u32 $0x200, v22;
	v43 =	vshrl.u32 v32, $0x8;
	v44 =	vld.idx.msk [tilespmem:v20+s21+$0x0], $0xffff  }
0x46a: {  	v28 =	vsel vm2, v40, v28;
	vm1 =	vle.f32 v35, v11;
	v35 =	vadd.s32 $0x10, v38;
	v40 =	vld.idx.msk [tilespmem:v20+s20+$0x0], $0xffff  }
0x46b: {  	v38 =	vsel vm1, v35, v38;
	vm1 =	vle.f32 v24, v9;
	v24 =	vadd.s32 $0x10, v30;
	v45 =	vld.idx.msk [tilespmem:v20+s19+$0x0], $0xffff  }
0x46c: {  	v35 =	vor.u32 $0x200, v21;
	v24 =	vsel vm1, v24, v30;
	v30 =	vshrl.u32 v38, $0x4;
	v46 =	vld.idx.msk [tilespmem:v25+s14+$0x0], $0xffff  }
0x46d: {  	v25 =	vsel vm0, v39, v33;
	vm0 =	vle.f32 v34, v18;
	v33 =	vshrl.u32 v24, $0x4;
	v34 =	vld.idx.msk [tilespmem:v26+s12+$0x0], $0xffff  }
0x46e: {  	vm1 =	vle.f32 v25, v13;
	v26 =	vsel vm0, v29, v23;
	vm0 =	vle.f32 v28, v10;
	v23 =	vld.idx.msk [tilespmem:v43+s8+$0x0], $0xffff  }
0x46f: {  	v25 =	vsel vm1, v35, v21;
	v29 =	vsel vm0, v37, v22;
	v21 =	vsub.f32 v44, v41  }
0x470: {  	v28 =	vadd.s32 $0x80, v32;
	v22 =	vshrl.u32 v26, $0x9;
	v35 =	vsub.f32 v40, v31  }
0x471: {  	v37 =	vadd.s32 $0x8, v27;
	v39 =	vsub.f32 v45, v42;
	v30 =	vld.idx.msk [tilespmem:v30+s12+$0x0], $0xffff;
	(erf) = vrcp.f32 v21  }
0x472: {  	vm0 =	vle.f32 v46, v16;
	v21 =	vld.idx.msk [tilespmem:v33+s12+$0x0], $0xffff;
	v33 =	vadd.s32 $0x2, v36;
	(erf) = vrcp.f32 v35  }
0x473: {  	vm1 =	vle.f32 v34, v14;
	v33 =	vsel vm0, v33, v36;
	v34 =	vld.idx.msk [tilespmem:v20+s24+$0x0], $0xffff;
	(erf) = vrcp.f32 v39  }
0x474: {  	vm0 =	vle.f32 v23, v15;
	v23 =	vsel vm1, v37, v27;
	v27 =	vshrl.u32 v33, $0x1;
	v37 =	vld.idx.msk [tilespmem:v20+s25+$0x0], $0xffff  }
0x475: {  	v39 =	vshrl.u32 v29, $0x9;
	v35 =	vsel vm0, v28, v32;
	v28 =	vshrl.u32 v23, $0x3  }
0x476: {  	v36 =	vsub.f32 v40, v41;
	v32 =	vshrl.u32 v25, $0x9;
	v43 =	vshrl.u32 v35, $0x7;
	v44 =	vld.idx.msk [tilespmem:v20+s23+$0x0], $0xffff  }
0x477: {  	v47 =	vsub.f32 v45, v31;
	v46 =	vadd.s32 $0x8, v24;
	v40 =	vadd.s32 $0x8, v38;
	v20 =	vld.idx.msk [tilespmem:v20+s22+$0x0], $0xffff  }
0x478: {  	vm0 =	vle.f32 v30, v11;
	vm1 =	vle.f32 v21, v9;
	(erf) = vrcp.f32 v36  }
0x479: {  	v30 =	vsel vm0, v40, v38;
	v36 =	vsel vm1, v46, v24;
	v21 =	vld.idx.msk [tilespmem:v27+s15+$0x0], $0xffff;
	(erf) = vrcp.f32 v47  }
0x47a: {  	v24 =	vshrl.u32 v30, $0x3;
	v37 =	vsub.f32 v37, v34;
	v27 =	vld.idx.msk [tilespmem:v28+s13+$0x0], $0xffff;
	v28 =	vsub.f32 v12, v41;
	v38 =	vpop (erf)  }
0x47b: {  	v48 =	vsub.f32 v12, v42;
	v31 =	vsub.f32 v12, v31;
	v40 =	vshrl.u32 v36, $0x3;
	v42 =	vpop (erf)  }
0x47c: {  	v41 =	vsub.f32 v45, v41;
	v46 =	vsub.f32 v34, v44;
	v38 =	vmul.f32 v38, v28;
	v45 =	vpop (erf)  }
0x47d: {  	v12 =	vmovc v11;
	v42 =	vmul.f32 v42, v31;
	v47 =	vsub.f32 v44, v20;
	v45 =	vmul.f32 v45, v48  }
0x47e: {  	v11 =	vmovc v18;
	v48 =	vadd.s32 $0x4, v23;
	v37 =	vmul.f32 v38, v37;
	(erf) = vrcp.f32 v41  }
0x47f: {  	vm0 =	vle.f32 v21, v16;
	v18 =	vmul.f32 v42, v46;
	v38 =	vmul.f32 v45, v47  }
0x480: {  	vm1 =	vle.f32 v27, v14;
	v41 =	vsel vm0, $0x1, v0;
	v34 =	vadd.f32 v37, v34  }
0x481: {  	v37 =	vadd.s32 v41, v33;
	v18 =	vadd.f32 v18, v44;
	v20 =	vadd.f32 v38, v20;
	v21 =	vpop (erf)  }
0x482: {  	v33 =	vsel vm1, v48, v23;
	v23 =	vmax.u32 v37, $0x4;
	v21 =	vmul.f32 v21, v28;
	v27 =	vpop (erf)  }
0x483: {  	v37 =	vld.idx.msk [tilespmem:v22+s3+$0x0], $0xffff;
	v22 =	vmul.f32 v27, v31;
	v27 =	vsub.f32 v34, v18;
	v31 =	vsub.f32 v18, v20  }
0x484: {  	v38 =	vshrl.u32 v33, $0x2;
	v23 =	vmin.u32 v23, $0xFFC;
	v34 =	vld.idx.msk [tilespmem:v39+s3+$0x0], $0xffff  }
0x485: {  	v23 =	vadd.s32 $0xFFFFFFFF, v23;
	v39 =	vld.idx.msk [tilespmem:v32+s3+$0x0], $0xffff;
	v27 =	vmul.f32 v27, v21;
	v22 =	vmul.f32 v31, v22  }
0x486: {  	vm0 =	vle.f32 v19, v8;
	v41 =	vld.idx.msk [tilespmem:v43+s9+$0x0], $0xffff  }
0x487: {  	v19 =	vld.idx.msk [tilespmem:v24+s13+$0x0], $0xffff;
	v24 =	vsel vm0, $0x1, v0;
	v18 =	vadd.f32 v27, v18;
	v20 =	vadd.f32 v22, v20;
	v21 =	vpop (erf)  }
0x488: {  	v45 =	vld.idx.msk [tilespmem:v40+s13+$0x0], $0xffff;
	v17 =	vadd.s32 v24, v17  }
0x489: {  	v21 =	vmul.f32 v21, v28;
	v27 =	vld.idx.msk [tilespmem:v38+s14+$0x0], $0xffff;
	v17 =	vmax.u32 v17, $0x4;
	v18 =	vsub.f32 v18, v20  }
0x48a: {  	v24 =	vld.idx.msk [tilespmem:v23+s16+$0x0], $0xffff;
	v17 =	vmin.u32 v17, $0xFFC  }
0x48b: {  	v38 =	vld.idx.msk [tilespmem:v23+s17+$0x0], $0xffff;
	v17 =	vadd.s32 $0xFFFFFFFF, v17;
	v18 =	vmul.f32 v18, v21  }
0x48c: {  	v21 =	vld.idx.msk [tilespmem:v23+s18+$0x0], $0xffff  }
0x48d: {  	v22 =	vld.idx.msk [tilespmem:v23+s19+$0x0], $0xffff;
	v18 =	vadd.f32 v18, v20  }
0x48e: {  	v40 =	vld.idx.msk [tilespmem:v23+s20+$0x0], $0xffff  }
0x48f: {  	v31 =	vld.idx.msk [tilespmem:v23+s21+$0x0], $0xffff;
	[tilespmem:s0+$0x17520] =	vst v18  }
0x490: {  	v42 =	vor.u32 $0x100, v26;
	v43 =	vor.u32 $0x100, v29;
	v28 =	vor.u32 $0x100, v25;
	v18 =	vld.idx.msk [tilespmem:v17+s16+$0x0], $0xffff  }
0x491: {  	vm0 =	vle.f32 v37, v11;
	vm1 =	vle.f32 v19, v12;
	v20 =	vadd.s32 $0x4, v30;
	v19 =	vld.idx.msk [tilespmem:v17+s17+$0x0], $0xffff  }
0x492: {  	v32 =	vsel vm1, v20, v30;
	vm1 =	vle.f32 v27, v14;
	v27 =	vadd.s32 $0x2, v33;
	v20 =	vld.idx.msk [tilespmem:v17+s18+$0x0], $0xffff  }
0x493: {  	vm2 =	vle.f32 v34, v10;
	v37 =	vshrl.u32 v32, $0x2;
	v34 =	vsel vm1, v27, v33;
	v46 =	vld.idx.msk [tilespmem:v17+s21+$0x0], $0xffff  }
0x494: {  	vm1 =	vle.f32 v39, v13;
	v27 =	vsel vm0, v42, v26;
	v44 =	vshrl.u32 v34, $0x1;
	v42 =	vld.idx.msk [tilespmem:v17+s20+$0x0], $0xffff  }
0x495: {  	v26 =	vsel vm2, v43, v29;
	v28 =	vsel vm1, v28, v25;
	v25 =	vsub.f32 v31, v21;
	v39 =	vld.idx.msk [tilespmem:v17+s19+$0x0], $0xffff  }
0x496: {  	v33 =	vshrl.u32 v27, $0x8;
	v30 =	vshrl.u32 v26, $0x8;
	v29 =	vsub.f32 v40, v38  }
0x497: {  	v47 =	vsub.f32 v22, v24;
	v31 =	vshrl.u32 v28, $0x8;
	(erf) = vrcp.f32 v25  }
.Ltmp1:
0x498: {  	vm0 =	vle.f32 v41, v15;
	v25 =	vadd.s32 $0x40, v35;
	v43 =	vld.idx.msk [tilespmem:v37+s14+$0x0], $0xffff;
	(erf) = vrcp.f32 v29;
	(pc) =	sbr.rel @p0 .LBB2_5-.Ltmp1, $4  }
0x499: {  	v29 =	vsel vm0, v25, v35;
	v37 =	vsub.f32 v46, v20;
	v44 =	vld.idx.msk [tilespmem:v44+s15+$0x0], $0xffff;
	(erf) = vrcp.f32 v47  }
0x49a: {  	v35 =	vshrl.u32 v29, $0x6;
	v47 =	vadd.s32 $0x4, v36;
	v48 =	vsub.f32 v42, v19;
	v25 =	vld.idx.msk [tilespmem:v23+s23+$0x0], $0xffff  }
0x49b: {  	vm0 =	vle.f32 v45, v9;
	v46 =	vsub.f32 v39, v18;
	v41 =	vld.idx.msk [tilespmem:v23+s24+$0x0], $0xffff;
	(erf) = vrcp.f32 v37  }
0x49c: {  	s5 =	sadd.s32 $0x100, s5;
	v36 =	vsel vm0, v47, v36;
	v37 =	vadd.s32 $0x2, v32;
	v45 =	vld.idx.msk [tilespmem:v23+s25+$0x0], $0xffff;
	(erf) = vrcp.f32 v48  }
0x49d: {  	_ =	sdelay $0x1  }
0x49e: {  	v40 =	vsub.f32 v40, v21  }
0x49f: {  	(erf) = vrcp.f32 v46;
	v57 =	vsub.f32 v22, v38;
	v48 =	vsub.f32 v16, v21  }
0x4a0: {  	v38 =	vsub.f32 v16, v38;
	v58 =	vsub.f32 v16, v24;
	v49 =	vpop (erf);
	(erf) = vrcp.f32 v40;
	v40 =	vld.idx.msk [tilespmem:v23+s22+$0x0], $0xffff  }
0x4a1: {  	v59 =	vsub.f32 v42, v20;
	v62 =	vsub.f32 v39, v19;
	v60 =	vpop (erf);
	(erf) = vrcp.f32 v57  }
0x4a2: {  	v47 =	vshrl.u32 v36, $0x2;
	v53 =	vsub.f32 v39, v20;
	v55 =	vsub.f32 v22, v21  }
0x4a3: {  	v61 =	vmul.f32 v49, v48;
	v45 =	vsub.f32 v45, v41;
	v24 =	vmul.f32 v60, v38;
	v63 =	vpop (erf)  }
0x4a4: {  	v52 =	vsub.f32 v41, v25;
	(erf) = vrcp.f32 v59;
	v16 =	vmul.f32 v63, v58  }
0x4a5: {  	(erf) = vrcp.f32 v62;
	v42 =	vmul.f32 v61, v45;
	v54 =	vsub.f32 v25, v40  }
0x4a6: {  	v21 =	vpop (erf);
	v24 =	vmul.f32 v24, v52;
	(erf) = vrcp.f32 v53  }
0x4a7: {  	v22 =	vpop (erf);
	(erf) = vrcp.f32 v55;
	v16 =	vmul.f32 v16, v54  }
0x4a8: {  	v56 =	vadd.f32 v42, v41;
	v23 =	vpop (erf);
	v59 =	vadd.f32 v24, v25  }
0x4a9: {  	vm0 =	vle.f32 v43, v12;
	v51 =	vld.idx.msk [tilespmem:v31+s8+$0x0], $0xffff;
	v57 =	vpop (erf);
	v40 =	vadd.f32 v16, v40  }
0x4aa: {  	v37 =	vsel vm0, v37, v32;
	v58 =	vld.idx.msk [tilespmem:v47+s14+$0x0], $0xffff;
	v62 =	vsub.f32 v56, v59;
	v60 =	vpop (erf)  }
0x4ab: {  	v61 =	vmul.f32 v57, v48;
	v16 =	vmul.f32 v60, v38;
	v63 =	vsub.f32 v59, v40  }
0x4ac: {  	v46 =	vadd.s32 $0x2, v36;
	vm1 =	vle.f32 v44, v14;
	v49 =	vshrl.u32 v37, $0x1  }
0x4ad: {  	v47 =	vsel vm1, $0x1, v0;
	v25 =	vpop (erf);
	v38 =	vmul.f32 v62, v61;
	v39 =	vmul.f32 v63, v16  }
0x4ae: {  	vm9 =	vle.f32 v51, v13;
	v34 =	vadd.s32 v47, v34;
	v53 =	vadd.s32 $0x80, v28;
	v24 =	vpop (erf)  }
0x4af: {  	vm2 =	vle.f32 v58, v9;
	v38 =	vadd.f32 v38, v59;
	v16 =	vpop (erf);
	v39 =	vadd.f32 v39, v40  }
0x4b0: {  	v34 =	vmax.u32 v34, $0x4;
	v28 =	vsel vm9, v53, v28;
	v32 =	vsel vm2, v46, v36;
	v50 =	vpop (erf)  }
0x4b1: {  	v41 =	vshrl.u32 v32, $0x1;
	v40 =	vmul.f32 v50, v48;
	v38 =	vsub.f32 v38, v39  }
0x4b2: {  	v33 =	vld.idx.msk [tilespmem:v33+s8+$0x0], $0xffff;
	v34 =	vmin.u32 v34, $0xFFC;
	v57 =	vshrl.u32 v28, $0x7  }
0x4b3: {  	v35 =	vld.idx.msk [tilespmem:v35+s10+$0x0], $0xffff;
	v34 =	vadd.s32 $0xFFFFFFFF, v34;
	v38 =	vmul.f32 v38, v40  }
0x4b4: {  	v30 =	vld.idx.msk [tilespmem:v30+s8+$0x0], $0xffff  }
0x4b5: {  	v36 =	vld.idx.msk [tilespmem:v49+s15+$0x0], $0xffff;
	v38 =	vadd.f32 v38, v39  }
0x4b6: {  	v31 =	vld.idx.msk [tilespmem:v41+s15+$0x0], $0xffff  }
0x4b7: {  	v42 =	vld.idx.msk [tilespmem:v57+s9+$0x0], $0xffff;
	[tilespmem:s1+$0x17500] =	vst v38  }
0x4b8: {  	v38 =	vld.idx.msk [tilespmem:v34+s16+$0x0], $0xffff  }
0x4b9: {  	vm10 =	vle.f32 v33, v11;
	v56 =	vadd.s32 $0x80, v27;
	v39 =	vld.idx.msk [tilespmem:v34+s17+$0x0], $0xffff  }
0x4ba: {  	vm8 =	vle.f32 v35, v15;
	v52 =	vadd.s32 $0x20, v29;
	v27 =	vsel vm10, v56, v27;
	v35 =	vld.idx.msk [tilespmem:v34+s18+$0x0], $0xffff  }
0x4bb: {  	v29 =	vsel vm8, v52, v29;
	v60 =	vshrl.u32 v27, $0x7;
	v55 =	vld.idx.msk [tilespmem:v34+s21+$0x0], $0xffff  }
0x4bc: {  	vm11 =	vle.f32 v30, v10;
	v54 =	vshrl.u32 v29, $0x5;
	v59 =	vadd.s32 $0x80, v26;
	v58 =	vld.idx.msk [tilespmem:v34+s20+$0x0], $0xffff  }
0x4bd: {  	v26 =	vsel vm11, v59, v26;
	v33 =	vld.idx.msk [tilespmem:v34+s19+$0x0], $0xffff  }
0x4be: {  	v61 =	vshrl.u32 v26, $0x7  }
0x4bf: {  	v52 =	vadd.s32 $0x40, v28;
	vm13 =	vle.f32 v42, v13  }
0x4c0: {  	v30 =	vld.idx.msk [tilespmem:v60+s9+$0x0], $0xffff;
	v28 =	vsel vm13, v52, v28;
	v41 =	vsub.f32 v55, v35  }
0x4c1: {  	v40 =	vld.idx.msk [tilespmem:v54+s11+$0x0], $0xffff;
	v54 =	vshrl.u32 v28, $0x6;
	v62 =	vsub.f32 v58, v39  }
0x4c2: {  	v63 =	vsub.f32 v33, v38;
	(erf) = vrcp.f32 v41  }
0x4c3: {  	v48 =	vld.idx.msk [tilespmem:v61+s9+$0x0], $0xffff;
	(erf) = vrcp.f32 v62  }
0x4c4: {  	v49 =	vadd.s32 $0x40, v27;
	v44 =	vld.idx.msk [tilespmem:v34+s24+$0x0], $0xffff;
	(erf) = vrcp.f32 v63  }
0x4c5: {  	vm8 =	vle.f32 v36, v12;
	v56 =	vadd.s32 $0x40, v26;
	vm14 =	vle.f32 v30, v11;
	v51 =	vld.idx.msk [tilespmem:v34+s25+$0x0], $0xffff  }
0x4c6: {  	v50 =	vadd.s32 $0x10, v29;
	v27 =	vsel vm14, v49, v27;
	vm12 =	vle.f32 v40, v15;
	v30 =	vld.idx.msk [tilespmem:v54+s10+$0x0], $0xffff  }
0x4c7: {  	v57 =	vshrl.u32 v27, $0x6;
	v43 =	vld.idx.msk [tilespmem:v34+s23+$0x0], $0xffff;
	v29 =	vsel vm12, v50, v29;
	v53 =	vsub.f32 v58, v35  }
0x4c8: {  	v34 =	vld.idx.msk [tilespmem:v34+s22+$0x0], $0xffff;
	v40 =	vshrl.u32 v29, $0x4;
	vm15 =	vle.f32 v48, v10;
	v55 =	vsub.f32 v33, v39  }
0x4c9: {  	v26 =	vsel vm15, v56, v26;
	v56 =	vadd.s32 $0x20, v28;
	(erf) = vrcp.f32 v53  }
0x4ca: {  	v60 =	vshrl.u32 v26, $0x6;
	v42 =	vsub.f32 v14, v35;
	(erf) = vrcp.f32 v55  }
0x4cb: {  	v58 =	vsub.f32 v51, v44;
	v39 =	vsub.f32 v14, v39;
	vm5 =	vle.f32 v30, v13;
	v59 =	vpop (erf)  }
0x4cc: {  	v61 =	vsub.f32 v14, v38;
	v33 =	vsub.f32 v33, v35;
	v28 =	vsel vm5, v56, v28;
	v62 =	vpop (erf)  }
0x4cd: {  	v52 =	vsub.f32 v43, v34;
	v35 =	vshrl.u32 v28, $0x5;
	v46 =	vmul.f32 v59, v42;
	v51 =	vpop (erf)  }
0x4ce: {  	v54 =	vld.idx.msk [tilespmem:v57+s10+$0x0], $0xffff;
	v63 =	vsub.f32 v44, v43;
	v38 =	vmul.f32 v62, v39;
	v14 =	vmul.f32 v51, v61  }
0x4cf: {  	v36 =	vsel vm8, $0x1, v0;
	(erf) = vrcp.f32 v33;
	v45 =	vmul.f32 v46, v58  }
0x4d0: {  	v36 =	vadd.s32 v36, v37;
	v40 =	vld.idx.msk [tilespmem:v40+s12+$0x0], $0xffff;
	v38 =	vmul.f32 v38, v63;
	v14 =	vmul.f32 v14, v52  }
0x4d1: {  	v36 =	vmax.u32 v36, $0x4;
	v44 =	vadd.f32 v45, v44  }
0x4d2: {  	v57 =	vadd.s32 $0x8, v29;
	v48 =	vld.idx.msk [tilespmem:v35+s11+$0x0], $0xffff;
	v59 =	vpop (erf);
	v38 =	vadd.f32 v38, v43;
	v14 =	vadd.f32 v14, v34  }
0x4d3: {  	vm6 =	vle.f32 v54, v11;
	v53 =	vadd.s32 $0x20, v27;
	v58 =	vld.idx.msk [tilespmem:v60+s10+$0x0], $0xffff;
	v60 =	vmul.f32 v59, v42;
	v61 =	vpop (erf)  }
0x4d4: {  	v34 =	vmul.f32 v61, v39;
	v62 =	vsub.f32 v44, v38;
	v63 =	vsub.f32 v38, v14  }
0x4d5: {  	v55 =	vadd.s32 $0x20, v26;
	v27 =	vsel vm6, v53, v27;
	vm4 =	vle.f32 v40, v15  }
0x4d6: {  	v29 =	vsel vm4, v57, v29;
	v30 =	vmul.f32 v62, v60;
	v34 =	vmul.f32 v63, v34  }
0x4d7: {  	vm10 =	vle.f32 v48, v13;
	v52 =	vadd.s32 $0x10, v28;
	v44 =	vshrl.u32 v29, $0x3  }
0x4d8: {  	v28 =	vsel vm10, v52, v28;
	v30 =	vadd.f32 v30, v38;
	v14 =	vadd.f32 v34, v14  }
0x4d9: {  	v46 =	vshrl.u32 v27, $0x5;
	v45 =	vpop (erf);
	v54 =	vshrl.u32 v28, $0x4;
	vm7 =	vle.f32 v58, v10  }
0x4da: {  	v26 =	vsel vm7, v55, v26;
	v34 =	vmul.f32 v45, v42;
	v30 =	vsub.f32 v30, v14  }
0x4db: {  	v36 =	vmin.u32 v36, $0xFFC;
	v47 =	vshrl.u32 v26, $0x5  }
0x4dc: {  	v36 =	vadd.s32 $0xFFFFFFFF, v36;
	v33 =	vld.idx.msk [tilespmem:v44+s13+$0x0], $0xffff;
	v30 =	vmul.f32 v30, v34;
	_ =	sdelay $0x1  }
0x4dd: {  	v49 =	vld.idx.msk [tilespmem:v46+s11+$0x0], $0xffff;
	v14 =	vadd.f32 v30, v14  }
0x4de: {  	v38 =	vld.idx.msk [tilespmem:v54+s12+$0x0], $0xffff  }
0x4df: {  	v50 =	vld.idx.msk [tilespmem:v47+s11+$0x0], $0xffff;
	[tilespmem:s1+$0x17510] =	vst v14  }
0x4e0: {  	v51 =	vadd.s32 $0x4, v29;
	vm9 =	vle.f32 v33, v15;
	v33 =	vld.idx.msk [tilespmem:v36+s16+$0x0], $0xffff  }
0x4e1: {  	v14 =	vsel vm9, v51, v29;
	v29 =	vld.idx.msk [tilespmem:v36+s17+$0x0], $0xffff  }
0x4e2: {  	v37 =	vld.idx.msk [tilespmem:v36+s18+$0x0], $0xffff  }
0x4e3: {  	v53 =	vshrl.u32 v14, $0x2;
	v55 =	vld.idx.msk [tilespmem:v36+s21+$0x0], $0xffff  }
0x4e4: {  	v56 =	vadd.s32 $0x10, v27;
	vm11 =	vle.f32 v49, v11;
	v57 =	vld.idx.msk [tilespmem:v36+s20+$0x0], $0xffff  }
0x4e5: {  	v27 =	vsel vm11, v56, v27;
	v35 =	vld.idx.msk [tilespmem:v36+s19+$0x0], $0xffff  }
0x4e6: {  	v59 =	vshrl.u32 v27, $0x4  }
0x4e7: {  	v58 =	vadd.s32 $0x10, v26;
	v47 =	vadd.s32 $0x8, v28;
	vm14 =	vle.f32 v38, v13  }
0x4e8: {  	v28 =	vsel vm14, v47, v28;
	vm12 =	vle.f32 v50, v10;
	v34 =	vld.idx.msk [tilespmem:v53+s14+$0x0], $0xffff;
	v39 =	vsub.f32 v55, v37  }
0x4e9: {  	v50 =	vshrl.u32 v28, $0x3;
	v26 =	vsel vm12, v58, v26;
	v61 =	vsub.f32 v57, v29  }
0x4ea: {  	v60 =	vshrl.u32 v26, $0x4;
	v62 =	vsub.f32 v35, v33;
	(erf) = vrcp.f32 v39  }
0x4eb: {  	v30 =	vld.idx.msk [tilespmem:v59+s12+$0x0], $0xffff;
	(erf) = vrcp.f32 v61  }
0x4ec: {  	v49 =	vld.idx.msk [tilespmem:v36+s25+$0x0], $0xffff;
	(erf) = vrcp.f32 v62  }
0x4ed: {  	v46 =	vadd.s32 $0x2, v14;
	v51 =	vld.idx.msk [tilespmem:v36+s23+$0x0], $0xffff;
	vm13 =	vle.f32 v34, v15  }
0x4ee: {  	v42 =	vld.idx.msk [tilespmem:v50+s13+$0x0], $0xffff;
	v40 =	vsub.f32 v57, v37;
	v14 =	vsel vm13, v46, v14  }
0x4ef: {  	v63 =	vld.idx.msk [tilespmem:v60+s12+$0x0], $0xffff;
	v54 =	vsub.f32 v35, v29;
	v48 =	vshrl.u32 v14, $0x1  }
0x4f0: {  	v52 =	vadd.s32 $0x8, v27;
	vm15 =	vle.f32 v30, v11;
	v34 =	vld.idx.msk [tilespmem:v36+s24+$0x0], $0xffff;
	(erf) = vrcp.f32 v40  }
0x4f1: {  	v30 =	vsel vm15, v52, v27;
	v36 =	vld.idx.msk [tilespmem:v36+s22+$0x0], $0xffff;
	(erf) = vrcp.f32 v54  }
0x4f2: {  	v53 =	vadd.s32 $0x8, v26;
	v38 =	vsub.f32 v12, v37;
	v29 =	vsub.f32 v12, v29  }
0x4f3: {  	v27 =	vshrl.u32 v30, $0x3;
	v58 =	vsub.f32 v12, v33;
	v35 =	vsub.f32 v35, v37;
	v57 =	vpop (erf)  }
0x4f4: {  	vm6 =	vle.f32 v42, v13;
	vm4 =	vle.f32 v63, v10;
	v63 =	vadd.s32 $0x4, v28;
	v55 =	vld.idx.msk [tilespmem:v48+s15+$0x0], $0xffff;
	v59 =	vpop (erf)  }
0x4f5: {  	v56 =	vsub.f32 v49, v34;
	v60 =	vsub.f32 v34, v51;
	v41 =	vmul.f32 v57, v38;
	v61 =	vpop (erf)  }
0x4f6: {  	v62 =	vsub.f32 v51, v36;
	v33 =	vmul.f32 v59, v29;
	v12 =	vmul.f32 v61, v58  }
0x4f7: {  	v39 =	vsel vm4, v53, v26;
	(erf) = vrcp.f32 v35;
	v40 =	vmul.f32 v41, v56  }
0x4f8: {  	v28 =	vsel vm6, v63, v28;
	v47 =	vmul.f32 v33, v60;
	v12 =	vmul.f32 v12, v62  }
0x4f9: {  	v52 =	vshrl.u32 v28, $0x2;
	v49 =	vpop (erf);
	v34 =	vadd.f32 v40, v34;
	vm5 =	vle.f32 v55, v15  }
0x4fa: {  	v50 =	vpop (erf);
	v26 =	vadd.f32 v47, v51;
	v48 =	vsel vm5, $0x1, v0;
	v12 =	vadd.f32 v12, v36  }
0x4fb: {  	v33 =	vmul.f32 v49, v38;
	v29 =	vmul.f32 v50, v29;
	v14 =	vadd.s32 v48, v14  }
0x4fc: {  	v34 =	vsub.f32 v34, v26;
	v14 =	vmax.u32 v14, $0x4;
	v51 =	vsub.f32 v26, v12  }
0x4fd: {  	v44 =	vshrl.u32 v39, $0x3;
	v14 =	vmin.u32 v14, $0xFFC  }
0x4fe: {  	v53 =	vmul.f32 v34, v33;
	v37 =	vadd.s32 $0xFFFFFFFF, v14;
	v29 =	vmul.f32 v51, v29  }
0x4ff: {  	vm7 =	vle.f32 v31, v9  }
0x500: {  	v54 =	vld.idx.msk [tilespmem:v27+s13+$0x0], $0xffff;
	v55 =	vsel vm7, $0x1, v0;
	v14 =	vadd.f32 v53, v26;
	v56 =	vadd.f32 v29, v12  }
0x501: {  	v59 =	vld.idx.msk [tilespmem:v52+s14+$0x0], $0xffff;
	v57 =	vpop (erf);
	v27 =	vadd.s32 v55, v32  }
0x502: {  	v58 =	vld.idx.msk [tilespmem:v44+s13+$0x0], $0xffff;
	v60 =	vmul.f32 v57, v38;
	v27 =	vmax.u32 v27, $0x4;
	v14 =	vsub.f32 v14, v56  }
0x503: {  	v61 =	vmin.u32 v27, $0xFFC;
	v34 =	vld.idx.msk [tilespmem:v37+s16+$0x0], $0xffff  }
0x504: {  	v12 =	vadd.s32 $0xFFFFFFFF, v61;
	v35 =	vld.idx.msk [tilespmem:v37+s17+$0x0], $0xffff;
	v14 =	vmul.f32 v14, v60  }
0x505: {  	v33 =	vld.idx.msk [tilespmem:v37+s18+$0x0], $0xffff  }
0x506: {  	v62 =	vld.idx.msk [tilespmem:v37+s21+$0x0], $0xffff;
	v14 =	vadd.f32 v14, v56  }
0x507: {  	v63 =	vld.idx.msk [tilespmem:v37+s20+$0x0], $0xffff  }
0x508: {  	v40 =	vld.idx.msk [tilespmem:v37+s19+$0x0], $0xffff;
	[tilespmem:s1+$0x17520] =	vst v14  }
0x509: {  	v14 =	vld.idx.msk [tilespmem:v12+s16+$0x0], $0xffff  }
0x50a: {  	v26 =	vld.idx.msk [tilespmem:v12+s17+$0x0], $0xffff  }
0x50b: {  	v27 =	vld.idx.msk [tilespmem:v12+s18+$0x0], $0xffff  }
0x50c: {  	v36 =	vsub.f32 v62, v33;
	v48 =	vld.idx.msk [tilespmem:v12+s21+$0x0], $0xffff  }
0x50d: {  	vm8 =	vle.f32 v54, v11;
	v49 =	vsub.f32 v63, v35;
	v50 =	vld.idx.msk [tilespmem:v12+s20+$0x0], $0xffff  }
0x50e: {  	v52 =	vadd.s32 $0x4, v30;
	v51 =	vsub.f32 v40, v34;
	(erf) = vrcp.f32 v36;
	v36 =	vld.idx.msk [tilespmem:v12+s19+$0x0], $0xffff  }
0x50f: {  	v42 =	vsel vm8, v52, v30;
	(erf) = vrcp.f32 v49  }
0x510: {  	v31 =	vshrl.u32 v42, $0x2;
	vm9 =	vle.f32 v59, v13;
	v29 =	vld.idx.msk [tilespmem:v37+s24+$0x0], $0xffff;
	(erf) = vrcp.f32 v51  }
0x511: {  	v55 =	vadd.s32 $0x4, v39;
	vm10 =	vle.f32 v58, v10;
	v58 =	vld.idx.msk [tilespmem:v37+s25+$0x0], $0xffff;
	v54 =	vsub.f32 v48, v27  }
0x512: {  	v39 =	vsel vm10, v55, v39;
	v53 =	vadd.s32 $0x2, v28;
	v56 =	vsub.f32 v50, v26  }
0x513: {  	v44 =	vsel vm9, v53, v28;
	v57 =	vsub.f32 v36, v14;
	(erf) = vrcp.f32 v54  }
0x514: {  	v61 =	vshrl.u32 v39, $0x2;
	v59 =	vsub.f32 v63, v33;
	(erf) = vrcp.f32 v56  }
0x515: {  	v60 =	vld.idx.msk [tilespmem:v37+s23+$0x0], $0xffff;
	v62 =	vsub.f32 v40, v35;
	v46 =	vsub.f32 v15, v33;
	(erf) = vrcp.f32 v57  }
0x516: {  	v37 =	vld.idx.msk [tilespmem:v37+s22+$0x0], $0xffff;
	v35 =	vsub.f32 v15, v35;
	v28 =	vsub.f32 v58, v29;
	(erf) = vrcp.f32 v59  }
0x517: {  	v33 =	vsub.f32 v40, v33;
	v48 =	vsub.f32 v15, v34;
	v63 =	vpop (erf);
	(erf) = vrcp.f32 v62  }
0x518: {  	v32 =	vshrl.u32 v44, $0x1;
	v49 =	vsub.f32 v50, v27;
	v52 =	vsub.f32 v36, v26;
	v50 =	vpop (erf)  }
0x519: {  	v36 =	vsub.f32 v36, v27;
	v51 =	vmul.f32 v63, v46;
	v34 =	vmul.f32 v50, v35;
	v53 =	vpop (erf)  }
0x51a: {  	v54 =	vsub.f32 v29, v60;
	(erf) = vrcp.f32 v49;
	v15 =	vmul.f32 v53, v48  }
0x51b: {  	v55 =	vsub.f32 v60, v37;
	(erf) = vrcp.f32 v52;
	v28 =	vmul.f32 v51, v28  }
0x51c: {  	v56 =	vld.idx.msk [tilespmem:v31+s14+$0x0], $0xffff;
	v34 =	vmul.f32 v34, v54;
	v30 =	vpop (erf);
	(erf) = vrcp.f32 v36  }
0x51d: {  	v57 =	vld.idx.msk [tilespmem:v32+s15+$0x0], $0xffff;
	v15 =	vmul.f32 v15, v55;
	v31 =	vpop (erf);
	(erf) = vrcp.f32 v33  }
0x51e: {  	v28 =	vadd.f32 v28, v29;
	v32 =	vpop (erf)  }
0x51f: {  	v59 =	vld.idx.msk [tilespmem:v61+s14+$0x0], $0xffff;
	v34 =	vadd.f32 v34, v60;
	v37 =	vadd.f32 v15, v37;
	v58 =	vpop (erf)  }
0x520: {  	v60 =	vpop (erf);
	v29 =	vmul.f32 v58, v46  }
0x521: {  	v61 =	vsub.f32 v28, v34;
	v38 =	vsub.f32 v34, v37;
	v15 =	vmul.f32 v60, v35  }
0x522: {  	v62 =	vadd.s32 $0x2, v42;
	vm12 =	vle.f32 v57, v13  }
0x523: {  	v48 =	vsel vm12, $0x1, v0;
	v28 =	vpop (erf);
	v45 =	vmul.f32 v61, v29;
	v47 =	vmul.f32 v38, v15  }
0x524: {  	v63 =	vadd.s32 $0x2, v39;
	vm13 =	vle.f32 v59, v10;
	v36 =	vadd.s32 v48, v44;
	v29 =	vpop (erf)  }
0x525: {  	v33 =	vsel vm13, v63, v39;
	v34 =	vadd.f32 v45, v34;
	v15 =	vpop (erf);
	v35 =	vadd.f32 v47, v37  }
0x526: {  	vm11 =	vle.f32 v56, v11;
	v36 =	vmax.u32 v36, $0x4;
	v51 =	vshrl.u32 v33, $0x1;
	v50 =	vpop (erf)  }
0x527: {  	v38 =	vsel vm11, v62, v42;
	v39 =	vmul.f32 v50, v46;
	v34 =	vsub.f32 v34, v35  }
0x528: {  	v36 =	vmin.u32 v36, $0xFFC;
	v49 =	vshrl.u32 v38, $0x1  }
0x529: {  	v36 =	vadd.s32 $0xFFFFFFFF, v36;
	v34 =	vmul.f32 v34, v39;
	_ =	sdelay $0x1  }
0x52a: {  	v34 =	vadd.f32 v34, v35  }
0x52b: {  	v37 =	vld.idx.msk [tilespmem:v51+s15+$0x0], $0xffff  }
0x52c: {  	v35 =	vld.idx.msk [tilespmem:v49+s15+$0x0], $0xffff;
	[tilespmem:s2+$0x17500] =	vst v34  }
0x52d: {  	v34 =	vld.idx.msk [tilespmem:v36+s16+$0x0], $0xffff  }
0x52e: {  	v52 =	vld.idx.msk [tilespmem:v36+s17+$0x0], $0xffff  }
0x52f: {  	v53 =	vld.idx.msk [tilespmem:v36+s18+$0x0], $0xffff  }
0x530: {  	v54 =	vld.idx.msk [tilespmem:v36+s21+$0x0], $0xffff  }
0x531: {  	v55 =	vld.idx.msk [tilespmem:v36+s20+$0x0], $0xffff  }
0x532: {  	v56 =	vld.idx.msk [tilespmem:v36+s19+$0x0], $0xffff;
	_ =	sdelay $0x2  }
0x533: {  	v41 =	vsub.f32 v54, v53  }
0x534: {  	v57 =	vsub.f32 v55, v52  }
0x535: {  	v58 =	vsub.f32 v56, v34;
	(erf) = vrcp.f32 v41  }
0x536: {  	(erf) = vrcp.f32 v57  }
0x537: {  	(erf) = vrcp.f32 v58  }
0x538: {  	v59 =	vld.idx.msk [tilespmem:v36+s24+$0x0], $0xffff  }
0x539: {  	v60 =	vld.idx.msk [tilespmem:v36+s25+$0x0], $0xffff;
	v42 =	vsub.f32 v55, v53  }
0x53a: {  	v62 =	vsub.f32 v56, v52  }
0x53b: {  	v61 =	vld.idx.msk [tilespmem:v36+s23+$0x0], $0xffff;
	(erf) = vrcp.f32 v42  }
0x53c: {  	v36 =	vld.idx.msk [tilespmem:v36+s22+$0x0], $0xffff;
	(erf) = vrcp.f32 v62;
	_ =	sdelay $0x1  }
0x53d: {  	v63 =	vsub.f32 v13, v53;
	v44 =	vsub.f32 v60, v59;
	v48 =	vpop (erf)  }
0x53e: {  	v39 =	vsub.f32 v13, v52;
	v49 =	vsub.f32 v13, v34;
	v50 =	vpop (erf)  }
0x53f: {  	v51 =	vsub.f32 v59, v61;
	v40 =	vsub.f32 v56, v53;
	v46 =	vmul.f32 v48, v63;
	v52 =	vpop (erf)  }
0x540: {  	v53 =	vsub.f32 v61, v36;
	v34 =	vmul.f32 v50, v39;
	v13 =	vmul.f32 v52, v49  }
0x541: {  	(erf) = vrcp.f32 v40;
	v44 =	vmul.f32 v46, v44  }
0x542: {  	v34 =	vmul.f32 v34, v51;
	v13 =	vmul.f32 v13, v53  }
0x543: {  	v55 =	vpop (erf);
	v54 =	vadd.f32 v44, v59  }
0x544: {  	v56 =	vpop (erf);
	v34 =	vadd.f32 v34, v61;
	v13 =	vadd.f32 v13, v36  }
0x545: {  	v39 =	vmul.f32 v56, v39  }
0x546: {  	v36 =	vmul.f32 v55, v63;
	v40 =	vsub.f32 v54, v34;
	v57 =	vsub.f32 v34, v13;
	_ =	sdelay $0x1  }
0x547: {  	v36 =	vmul.f32 v40, v36;
	v39 =	vmul.f32 v57, v39  }
0x548: {  	vm14 =	vle.f32 v35, v11  }
0x549: {  	v35 =	vsel vm14, $0x1, v0;
	v34 =	vadd.f32 v36, v34;
	v13 =	vadd.f32 v39, v13  }
0x54a: {  	v35 =	vadd.s32 v35, v38;
	v58 =	vpop (erf)  }
0x54b: {  	v35 =	vmax.u32 v35, $0x4;
	v36 =	vmul.f32 v58, v63;
	v34 =	vsub.f32 v34, v13  }
0x54c: {  	v35 =	vmin.u32 v35, $0xFFC  }
0x54d: {  	v35 =	vadd.s32 $0xFFFFFFFF, v35;
	v34 =	vmul.f32 v34, v36;
	_ =	sdelay $0x1  }
0x54e: {  	v13 =	vadd.f32 v34, v13;
	_ =	sdelay $0x1  }
0x54f: {  	[tilespmem:s2+$0x17510] =	vst v13  }
0x550: {  	v13 =	vld.idx.msk [tilespmem:v35+s16+$0x0], $0xffff  }
0x551: {  	v59 =	vld.idx.msk [tilespmem:v35+s17+$0x0], $0xffff  }
0x552: {  	v60 =	vld.idx.msk [tilespmem:v35+s18+$0x0], $0xffff  }
0x553: {  	v61 =	vld.idx.msk [tilespmem:v35+s21+$0x0], $0xffff  }
0x554: {  	v62 =	vld.idx.msk [tilespmem:v35+s20+$0x0], $0xffff  }
0x555: {  	v63 =	vld.idx.msk [tilespmem:v35+s19+$0x0], $0xffff;
	_ =	sdelay $0x2  }
0x556: {  	v38 =	vsub.f32 v61, v60  }
0x557: {  	v46 =	vsub.f32 v62, v59  }
0x558: {  	v47 =	vsub.f32 v63, v13;
	(erf) = vrcp.f32 v38  }
0x559: {  	(erf) = vrcp.f32 v46  }
0x55a: {  	(erf) = vrcp.f32 v47  }
0x55b: {  	v48 =	vld.idx.msk [tilespmem:v35+s24+$0x0], $0xffff  }
0x55c: {  	v49 =	vld.idx.msk [tilespmem:v35+s25+$0x0], $0xffff;
	v39 =	vsub.f32 v62, v60  }
0x55d: {  	v51 =	vsub.f32 v63, v59  }
0x55e: {  	v50 =	vld.idx.msk [tilespmem:v35+s23+$0x0], $0xffff;
	(erf) = vrcp.f32 v39  }
0x55f: {  	v35 =	vld.idx.msk [tilespmem:v35+s22+$0x0], $0xffff;
	(erf) = vrcp.f32 v51;
	_ =	sdelay $0x1  }
0x560: {  	v52 =	vsub.f32 v11, v60;
	v41 =	vsub.f32 v49, v48;
	v53 =	vpop (erf)  }
0x561: {  	v34 =	vsub.f32 v11, v59;
	v54 =	vsub.f32 v11, v13;
	v55 =	vpop (erf)  }
0x562: {  	v56 =	vsub.f32 v48, v50;
	v36 =	vsub.f32 v63, v60;
	v43 =	vmul.f32 v53, v52;
	v57 =	vpop (erf)  }
0x563: {  	v58 =	vsub.f32 v50, v35;
	v13 =	vmul.f32 v55, v34;
	v11 =	vmul.f32 v57, v54  }
0x564: {  	(erf) = vrcp.f32 v36;
	v41 =	vmul.f32 v43, v41  }
0x565: {  	v13 =	vmul.f32 v13, v56;
	v11 =	vmul.f32 v11, v58  }
0x566: {  	v60 =	vpop (erf);
	v59 =	vadd.f32 v41, v48  }
0x567: {  	v61 =	vpop (erf);
	v13 =	vadd.f32 v13, v50;
	v11 =	vadd.f32 v11, v35  }
0x568: {  	v34 =	vmul.f32 v61, v34  }
0x569: {  	v35 =	vmul.f32 v60, v52;
	v36 =	vsub.f32 v59, v13;
	v62 =	vsub.f32 v13, v11;
	_ =	sdelay $0x1  }
0x56a: {  	v35 =	vmul.f32 v36, v35;
	v34 =	vmul.f32 v62, v34  }
0x56b: {  	vm15 =	vle.f32 v37, v10  }
0x56c: {  	v63 =	vsel vm15, $0x1, v0;
	v13 =	vadd.f32 v35, v13;
	v11 =	vadd.f32 v34, v11  }
0x56d: {  	v33 =	vadd.s32 v63, v33;
	v38 =	vpop (erf)  }
0x56e: {  	v33 =	vmax.u32 v33, $0x4;
	v34 =	vmul.f32 v38, v52;
	v13 =	vsub.f32 v13, v11  }
0x56f: {  	v33 =	vmin.u32 v33, $0xFFC  }
0x570: {  	v33 =	vadd.s32 $0xFFFFFFFF, v33;
	v13 =	vmul.f32 v13, v34  }
0x571: {  	v42 =	vld.idx.msk [tilespmem:v17+s23+$0x0], $0xffff  }
0x572: {  	v40 =	vld.idx.msk [tilespmem:v17+s24+$0x0], $0xffff;
	v11 =	vadd.f32 v13, v11  }
0x573: {  	v43 =	vld.idx.msk [tilespmem:v17+s22+$0x0], $0xffff  }
0x574: {  	v41 =	vld.idx.msk [tilespmem:v17+s25+$0x0], $0xffff;
	[tilespmem:s2+$0x17520] =	vst v11  }
0x575: {  	v44 =	vsub.f32 v8, v19;
	v19 =	vld.idx.msk [tilespmem:v33+s16+$0x0], $0xffff  }
0x576: {  	v11 =	vsub.f32 v8, v20;
	v8 =	vsub.f32 v8, v18;
	v18 =	vld.idx.msk [tilespmem:v33+s17+$0x0], $0xffff  }
0x577: {  	v37 =	vld.idx.msk [tilespmem:v33+s18+$0x0], $0xffff  }
0x578: {  	v48 =	vld.idx.msk [tilespmem:v33+s21+$0x0], $0xffff  }
0x579: {  	v50 =	vld.idx.msk [tilespmem:v33+s20+$0x0], $0xffff  }
0x57a: {  	v22 =	vmul.f32 v22, v44;
	v46 =	vsub.f32 v40, v42;
	v8 =	vmul.f32 v23, v8;
	v23 =	vld.idx.msk [tilespmem:v33+s19+$0x0], $0xffff  }
0x57b: {  	v26 =	vsub.f32 v9, v26  }
0x57c: {  	v49 =	vmul.f32 v22, v46;
	v61 =	vsub.f32 v9, v14;
	v47 =	vsub.f32 v42, v43  }
0x57d: {  	v57 =	vld.idx.msk [tilespmem:v12+s23+$0x0], $0xffff;
	v45 =	vsub.f32 v41, v40;
	v21 =	vmul.f32 v21, v11;
	v52 =	vsub.f32 v48, v37  }
0x57e: {  	v58 =	vld.idx.msk [tilespmem:v33+s24+$0x0], $0xffff;
	v51 =	vmul.f32 v25, v11;
	v8 =	vmul.f32 v8, v47;
	v55 =	vsub.f32 v50, v18  }
0x57f: {  	v38 =	vld.idx.msk [tilespmem:v33+s23+$0x0], $0xffff;
	v20 =	vmul.f32 v21, v45;
	v56 =	vsub.f32 v23, v19;
	(erf) = vrcp.f32 v52  }
0x580: {  	v25 =	vld.idx.msk [tilespmem:v12+s24+$0x0], $0xffff;
	v21 =	vadd.f32 v49, v42;
	v8 =	vadd.f32 v8, v43;
	(erf) = vrcp.f32 v55  }
0x581: {  	v54 =	vld.idx.msk [tilespmem:v12+s25+$0x0], $0xffff;
	v20 =	vadd.f32 v20, v40;
	v62 =	vsub.f32 v50, v37;
	(erf) = vrcp.f32 v56  }
0x582: {  	v17 =	vmul.f32 v24, v44;
	v12 =	vld.idx.msk [tilespmem:v12+s22+$0x0], $0xffff;
	v44 =	vsub.f32 v10, v37;
	v53 =	vsub.f32 v21, v8  }
0x583: {  	v36 =	vmul.f32 v31, v26;
	v46 =	vsub.f32 v10, v18;
	v20 =	vsub.f32 v20, v21  }
0x584: {  	v47 =	vsub.f32 v10, v19;
	v50 =	vsub.f32 v58, v38;
	v17 =	vmul.f32 v53, v17  }
0x585: {  	v60 =	vld.idx.msk [tilespmem:v33+s25+$0x0], $0xffff;
	v39 =	vsub.f32 v23, v18;
	v40 =	vsub.f32 v25, v57;
	v13 =	vmul.f32 v20, v51  }
0x586: {  	v41 =	vld.idx.msk [tilespmem:v33+s22+$0x0], $0xffff;
	(erf) = vrcp.f32 v62;
	v8 =	vadd.f32 v17, v8;
	v17 =	vsub.f32 v9, v27  }
0x587: {  	v42 =	vsub.f32 v57, v12;
	v9 =	vmul.f32 v32, v61;
	(erf) = vrcp.f32 v39  }
0x588: {  	v59 =	vsub.f32 v54, v25;
	v23 =	vsub.f32 v23, v37;
	v63 =	vmul.f32 v30, v17;
	v45 =	vpop (erf)  }
0x589: {  	v43 =	vmul.f32 v36, v40;
	v13 =	vadd.f32 v13, v21;
	v9 =	vmul.f32 v9, v42;
	v48 =	vpop (erf)  }
0x58a: {  	v27 =	vsub.f32 v60, v58;
	v21 =	vmul.f32 v63, v59;
	v49 =	vmul.f32 v45, v44;
	v51 =	vpop (erf)  }
0x58b: {  	v52 =	vsub.f32 v38, v41;
	v18 =	vmul.f32 v48, v46;
	v10 =	vmul.f32 v51, v47  }
0x58c: {  	v22 =	vadd.f32 v43, v57;
	(erf) = vrcp.f32 v23;
	v19 =	vmul.f32 v49, v27  }
0x58d: {  	v9 =	vadd.f32 v9, v12;
	v18 =	vmul.f32 v18, v50;
	v10 =	vmul.f32 v10, v52  }
0x58e: {  	v54 =	vmul.f32 v29, v26;
	v21 =	vadd.f32 v21, v25;
	v19 =	vadd.f32 v19, v58  }
0x58f: {  	v53 =	vmul.f32 v28, v17;
	v55 =	vpop (erf);
	v18 =	vadd.f32 v18, v38;
	v10 =	vadd.f32 v10, v41  }
0x590: {  	v24 =	vsub.f32 v22, v9;
	v21 =	vsub.f32 v21, v22;
	v23 =	vmul.f32 v55, v44;
	v56 =	vpop (erf)  }
0x591: {  	v14 =	vmul.f32 v56, v46;
	v19 =	vsub.f32 v19, v18;
	v57 =	vsub.f32 v18, v10  }
0x592: {  	v20 =	vmul.f32 v24, v54;
	v12 =	vmul.f32 v21, v53  }
0x593: {  	v13 =	vsub.f32 v13, v8;
	v19 =	vmul.f32 v19, v23;
	v14 =	vmul.f32 v57, v14  }
0x594: {  	v9 =	vadd.f32 v20, v9;
	v12 =	vadd.f32 v12, v22  }
0x595: {  	v11 =	vmul.f32 v16, v11;
	v58 =	vadd.f32 v19, v18;
	v10 =	vadd.f32 v14, v10  }
0x596: {  	v59 =	vmul.f32 v15, v17;
	v12 =	vsub.f32 v12, v9;
	v60 =	vpop (erf)  }
0x597: {  	v11 =	vmul.f32 v13, v11;
	v61 =	vmul.f32 v60, v44;
	v62 =	vsub.f32 v58, v10  }
0x598: {  	s4 =	sadd.s32 $0x1, s4;
	v12 =	vmul.f32 v12, v59  }
0x599: {  	p0 =	sne.s32 s4, $0x4;
	v8 =	vadd.f32 v11, v8;
	v63 =	vmul.f32 v62, v61  }
.Ltmp2:
0x59a: {  	v9 =	vadd.f32 v12, v9;
	(pc) =	sbr.rel @p0 .LBB2_2-.Ltmp2, $4  }
0x59b: {  	[tilespmem:s0+$0x17530] =	vst v8;
	v8 =	vadd.f32 v63, v10  }
0x59c: {  	s26 =	rddreg [dreg:$0x2];
	[tilespmem:s1+$0x17530] =	vst v9  }
0x59d: {  	s30 =	simm.s32 $0x17500;
	s0 =	sadd.s32 s26, s29;
	[tilespmem:s2+$0x17530] =	vst v8  }
0x59e: {  	[hbm4b:s0+s3] =	stream.linear.scatter [tilespmem:s30], [sflag:$0x5], $0x4000, $0x38;
	[tilespmem:$0x1B500] =	vst v63  }
0x59f: {  	s0 =	simm.s32 $0x4  }
0x5a0: {  	_ =	swait.ge [sflag:s0], $0x4000  }
0x5a1: {  	[sflag:s0] =	ssyncset.done $0x0  }
0x5a2: {  	s1 =	simm.s32 $0x5;
	[sflag:s0] =	ssyncadd.s32 $0xFFFFC000  }
0x5a3: {  	_ =	swait.ge [sflag:s1], $0x4000  }
0x5a4: {  	s2 =	sld [smem:$0x7FB]  }
0x5a5: {  	s30 =	sld [smem:$0x7FC];
	_ =	sdelay $0x1  }
0x5a6: {  	s2 =	sadd.s32 $0x1, s2  }
0x5a7: {  	p0 =	sne.s32 s2, s30  }
.Ltmp3:
0x5a8: {  	_ = 	snop;
	(pc) =	sbr.rel @p0 .LBB2_1-.Ltmp3, $3  }
0x5a9: {  	_ =	sdelay $0x1  }
0x5aa: {  	[sflag:s1] =	ssyncset.done $0x0  }
0x5ab: {  	[sflag:s1] =	ssyncadd.s32 $0xFFFFC000  }
0x5ac: {  	_ =	sfence.sel $0x180000  }
0x5ad: {  	[bflag:$0x0] =	sbarrier.arrive $0xFFFF  }
0x5ae: {  	_ =	strace $0x90000047  }
0x5af: {  	s0 =	stileid.u32;
	[bflag:$0x2] =	sbarrier.arrive $0xFFFF  }
0x5b0: {  	p0 =	sne.s32 s0, $0x0;
	s0 =	rddreg [dreg:$0x3]  }
0x5b1: {  	s0 =	sadd.s32 @!p0 $0x100000, s0  }
0x5b2: {  	[sflag:s0] =	ssyncadd.tile.s32 @!p0 $0x1;
	_ =	shalt  }
.Lfunc_end2:
_tile_overlayer_lowered:
.L_overlay_start_2:
0x5b3: {  	(tag) =	ssettag $0x2  }
0x5b4: {  	s0 =	rddreg [dreg:$0x0];
	s2 =	stileid.u32  }
0x5b5: {  	s1 =	rddreg [dreg:$0x1];
	p0 =	sne.s32 s2, $0x0  }
0x5b6: {  	s3 =	rddreg [dreg:$0x2];
	[bflag:$0x3] =	sbarrier.arrive $0xFFFF;
	s2 =	simm.s32 @!p0 $0x1C06  }
0x5b7: {  	[timem:s3], [sflag:s2] =	dma.local @!p0 [hbm:s0], s1  }
0x5b8: {  	s0 =	simm.s32 @!p0 $0x6  }
0x5b9: {  	_ =	swait.ge @!p0 [sflag:s0], s1  }
0x5ba: {  	s1 =	ssub.s32 @!p0 $0x0, s1;
	[sflag:s0] =	ssyncset.done @!p0 $0x0  }
0x5bb: {  	[sflag:s0] =	ssyncadd.s32 @!p0 s1  }
0x5bc: {  	[bflag:$0x3] =	sbarrier.arrive $0xFFFF  }
0x5bd: {  	_ =	shalt  }

</sc_bundles>
